<compile_context>
chip_gen: v7x
topology: tpu7x:2x2x1
jax: 0.10.2.dev20260603
libtpu: 0.0.44.dev20260713+nightly
codegen_flags: <defaults>
</compile_context>

<pallas_src>
import functools

import jax
import jax.numpy as jnp
from jax import lax
from jax.experimental import pallas as pl
from jax.experimental.pallas import tpu as pltpu
from jax.experimental.pallas import tpu_sc as plsc

N = 10000
E = 320000
D = 128
H = 128

NC = 2
NS = 16
NW = NC * NS
C = 128
CHUNKS = E // C
K_STEPS = (CHUNKS + NW - 1) // NW
RPS = 624
ZROWS = 208

_SLOPE = (0.125 + 1.0 / 3.0) / 2.0


def _sc_body(x_hbm, src_hbm, dst_hbm, eh_hbm, norm_hbm, out_hbm,
             table, ebuf, nbuf, ibuf, dbuf, zbuf, sem):
    cid = lax.axis_index("c")
    sid = lax.axis_index("s")
    wid = sid * NC + cid

    def zrow(r, carry):
        for j in range(D // 16):
            zbuf[r, pl.ds(j * 16, 16)] = jnp.zeros((16,), jnp.float32)
        return carry
    lax.fori_loop(0, ZROWS, zrow, 0)

    for term in range(2):
        for k in range(RPS // ZROWS):
            pltpu.sync_copy(zbuf, table.at[pl.ds(sid * RPS + k * ZROWS, ZROWS)])

        @pl.when(sid == NS - 1)
        def _():
            pltpu.sync_copy(zbuf.at[pl.ds(0, 16)], table.at[pl.ds(NS * RPS, N - NS * RPS)])
        plsc.subcore_barrier()

        def chunk_body(k, carry):
            g = wid + NW * k

            @pl.when(g < CHUNKS)
            def _():
                base = g * C
                pltpu.sync_copy(dst_hbm.at[pl.ds(base, C)], dbuf)
                pltpu.sync_copy(norm_hbm.at[pl.ds(base, C)], nbuf)
                if term == 0:
                    pltpu.sync_copy(src_hbm.at[pl.ds(base, C)], ibuf)
                    pltpu.async_copy(x_hbm.at[ibuf], ebuf, sem).wait()
                else:
                    pltpu.sync_copy(eh_hbm.at[pl.ds(base, C)], ebuf)

                def grp_body(gi, carry2):
                    nv = nbuf[pl.ds(gi * 16, 16)]
                    for l in range(16):
                        sv = jnp.full((16,), nv[l], jnp.float32)
                        e = gi * 16 + l
                        for j in range(D // 16):
                            ebuf[e, pl.ds(j * 16, 16)] = ebuf[e, pl.ds(j * 16, 16)] * sv
                    return carry2
                lax.fori_loop(0, C // 16, grp_body, 0)

                pltpu.sync_copy(ebuf, table.at[dbuf], add=True)
            return carry
        lax.fori_loop(0, K_STEPS, chunk_body, 0)
        plsc.subcore_barrier()

        pltpu.sync_copy(table.at[pl.ds(sid * RPS, RPS)],
                        out_hbm.at[term, cid, pl.ds(sid * RPS, RPS)])

        @pl.when(sid == NS - 1)
        def _():
            pltpu.sync_copy(table.at[pl.ds(NS * RPS, N - NS * RPS)],
                            out_hbm.at[term, cid, pl.ds(NS * RPS, N - NS * RPS)])
        plsc.subcore_barrier()


_sc_scatter = functools.partial(
    pl.kernel,
    out_type=jax.ShapeDtypeStruct((2, NC, N, D), jnp.float32),
    mesh=plsc.VectorSubcoreMesh(core_axis_name="c", subcore_axis_name="s"),
    scratch_types=[
        pltpu.VMEM_SHARED((N, D), jnp.float32),
        pltpu.VMEM((C, D), jnp.float32),
        pltpu.VMEM((C,), jnp.float32),
        pltpu.VMEM((C,), jnp.int32),
        pltpu.VMEM((C,), jnp.int32),
        pltpu.VMEM((ZROWS, D), jnp.float32),
        pltpu.SemaphoreType.DMA,
    ],
)(_sc_body)


BLK = 1000


def _tc_body(p_ref, w_ref, o_ref):
    a = p_ref[0, 0] + p_ref[0, 1]
    b = p_ref[1, 0] + p_ref[1, 1]
    w = w_ref[...]
    acc = lax.dot_general(a, w[:, :D], (((1,), (1,)), ((), ())),
                          preferred_element_type=jnp.float32)
    acc = acc + lax.dot_general(b, w[:, D:], (((1,), (1,)), ((), ())),
                                preferred_element_type=jnp.float32)
    o_ref[...] = jnp.where(acc >= 0, acc, acc * _SLOPE)


def _tc_finish(parts, W):
    return pl.pallas_call(
        _tc_body,
        out_shape=jax.ShapeDtypeStruct((N, H), jnp.float32),
        grid=(N // BLK,),
        in_specs=[
            pl.BlockSpec((2, NC, BLK, D), lambda i: (0, 0, i, 0)),
            pl.BlockSpec((H, 2 * D), lambda i: (0, 0)),
        ],
        out_specs=pl.BlockSpec((BLK, H), lambda i: (i, 0)),
    )(parts, W)


def kernel(x, edge_index, edge_h, norm, W):
    parts = _sc_scatter(x, edge_index[0], edge_index[1], edge_h, norm.reshape(E))
    return _tc_finish(parts, W)

# --- scband reference (transcript-rebuilt; emitter-appended) ---
"""Pipeline reference for scband-rgcnlayer-26628797235284 (READ-ONLY COPY).

The authoritative reference and input builder live on the scoring server;
editing this copy changes nothing except your own understanding.
"""

import jax, jax.numpy as jnp
import numpy as np

N = 10000
E = 320000
D = 128
H = 128

def setup_inputs(seed: int = 0) -> dict:
    key = jax.random.key(seed)
    k1, k2, k3, k4, k5 = jax.random.split(key, 5)
    x = jax.random.normal(k1, (N, D), dtype=jnp.float32)
    edge_index = jax.random.randint(k2, (2, E), 0, N, dtype=jnp.int32)
    edge_h = jax.random.normal(k3, (E, D), dtype=jnp.float32)
    norm = jax.random.uniform(k4, (E, 1), dtype=jnp.float32)
    W = jax.random.normal(k5, (H, 2 * D), dtype=jnp.float32) * (1.0 / np.sqrt(2 * D))
    return {"x": x, "edge_index": edge_index, "edge_h": edge_h, "norm": norm, "W": W}

def reference(x, edge_index, edge_h, norm, W):
    src = edge_index[0]
    dst = edge_index[1]
    # message: Linear(cat([h_src, h_edge])) * norm
    h = jnp.concatenate([jnp.take(x, src, axis=0), edge_h], axis=-1)
    msg = (h @ W.T) * norm
    # reduce: sum messages per destination node
    agg = jax.ops.segment_sum(msg, dst, num_segments=N)
    # apply: rrelu in eval mode == leaky relu with slope (lower+upper)/2
    slope = (0.125 + 1.0 / 3.0) / 2.0
    return jnp.where(agg >= 0, agg, agg * slope)

if __name__ == "__main__":
    import jax
    _d = setup_inputs()
    print(jax.jit(kernel)(*tuple(_d.values())))

</pallas_src>

<mosaic_0001>
#map = affine_map<(d0, d1) -> (0, 0)>
#map1 = affine_map<(d0, d1) -> (0)>
#map2 = affine_map<(d0, d1) -> (0, 0, 0, 0)>
module attributes {stable_mosaic.version = 14 : i64} {
  func.func @_sc_body(%arg0: i32, %arg1: i32, %arg2: memref<10000x128xf32, #tpu.memory_space<hbm>>, %arg3: memref<320000xi32, #tpu.memory_space<hbm>>, %arg4: memref<320000xi32, #tpu.memory_space<hbm>>, %arg5: memref<320000x128xf32, #tpu.memory_space<hbm>>, %arg6: memref<320000xf32, #tpu.memory_space<hbm>>, %arg7: memref<2x2x10000x128xf32, #tpu.memory_space<hbm>>, %arg8: memref<10000x128xf32, #tpu.memory_space<vmem_shared>>, %arg9: memref<128x128xf32, #tpu.memory_space<vmem>>, %arg10: memref<128xf32, #tpu.memory_space<vmem>>, %arg11: memref<128xi32, #tpu.memory_space<vmem>>, %arg12: memref<128xi32, #tpu.memory_space<vmem>>, %arg13: memref<208x128xf32, #tpu.memory_space<vmem>>, %arg14: memref<!tpu.dma_semaphore, #tpu.memory_space<semaphore_mem>>) attributes {dimension_semantics = [#tpu.dimension_semantics<core_parallel>, #tpu.dimension_semantics<subcore_parallel>], iteration_bounds = array<i64: 2, 16>, scalar_prefetch = 0 : i64, scratch_operands = 7 : i64, tpu.core_type = #tpu.core_type<sc_vector_subcore>, window_params = [{transform_indices = #map}, {transform_indices = #map1}, {transform_indices = #map1}, {transform_indices = #map}, {transform_indices = #map1}, {transform_indices = #map2}]} {
    %mul3A = arith.constant 2 : i32
    %mul3A_0 = arith.muli %arg1, %mul3A : i32
    %add3A = arith.addi %mul3A_0, %arg0 : i32
    %scan3A = arith.constant 0 : i32
    %scan3A_1 = arith.constant 0 : i32
    %scan3A_2 = arith.constant 208 : i32
    %scan3A_3 = arith.addi %scan3A_1, %scan3A_2 : i32
    %scan3A_4 = arith.constant 1 : i32
    scf.for %scan3A_73 = %scan3A_1 to %scan3A_3 step %scan3A_4  : i32 {
      %broadcast_in_dim3A = arith.constant 0.000000e+00 : f32
      %broadcast_in_dim3A_74 = vector.broadcast %broadcast_in_dim3A : f32 to vector<16xf32>
      %swap3A = arith.index_cast %scan3A_73 : i32 to index
      %swap3A_75 = arith.constant 0 : index
      %swap3A_76 = tpu.vector_load %arg13[%swap3A, %swap3A_75] {strides = array<i32>} : memref<208x128xf32, #tpu.memory_space<vmem>>, vector<1x16xf32>,
      %swap3A_77 = vector.shape_cast %swap3A_76 : vector<1x16xf32> to vector<16xf32>
      %swap3A_78 = vector.shape_cast %broadcast_in_dim3A_74 : vector<16xf32> to vector<1x16xf32>
      tpu.vector_store %arg13[%swap3A, %swap3A_75], %swap3A_78 {strides = array<i32>} : memref<208x128xf32, #tpu.memory_space<vmem>>, vector<1x16xf32>,
      %broadcast_in_dim3A_79 = arith.constant 0.000000e+00 : f32
      %broadcast_in_dim3A_80 = vector.broadcast %broadcast_in_dim3A_79 : f32 to vector<16xf32>
      %swap3A_81 = arith.index_cast %scan3A_73 : i32 to index
      %swap3A_82 = arith.constant 16 : index
      %swap3A_83 = tpu.vector_load %arg13[%swap3A_81, %swap3A_82] {strides = array<i32>} : memref<208x128xf32, #tpu.memory_space<vmem>>, vector<1x16xf32>,
      %swap3A_84 = vector.shape_cast %swap3A_83 : vector<1x16xf32> to vector<16xf32>
      %swap3A_85 = vector.shape_cast %broadcast_in_dim3A_80 : vector<16xf32> to vector<1x16xf32>
      tpu.vector_store %arg13[%swap3A_81, %swap3A_82], %swap3A_85 {strides = array<i32>} : memref<208x128xf32, #tpu.memory_space<vmem>>, vector<1x16xf32>,
      %broadcast_in_dim3A_86 = arith.constant 0.000000e+00 : f32
      %broadcast_in_dim3A_87 = vector.broadcast %broadcast_in_dim3A_86 : f32 to vector<16xf32>
      %swap3A_88 = arith.index_cast %scan3A_73 : i32 to index
      %swap3A_89 = arith.constant 32 : index
      %swap3A_90 = tpu.vector_load %arg13[%swap3A_88, %swap3A_89] {strides = array<i32>} : memref<208x128xf32, #tpu.memory_space<vmem>>, vector<1x16xf32>,
      %swap3A_91 = vector.shape_cast %swap3A_90 : vector<1x16xf32> to vector<16xf32>
      %swap3A_92 = vector.shape_cast %broadcast_in_dim3A_87 : vector<16xf32> to vector<1x16xf32>
      tpu.vector_store %arg13[%swap3A_88, %swap3A_89], %swap3A_92 {strides = array<i32>} : memref<208x128xf32, #tpu.memory_space<vmem>>, vector<1x16xf32>,
      %broadcast_in_dim3A_93 = arith.constant 0.000000e+00 : f32
      %broadcast_in_dim3A_94 = vector.broadcast %broadcast_in_dim3A_93 : f32 to vector<16xf32>
      %swap3A_95 = arith.index_cast %scan3A_73 : i32 to index
      %swap3A_96 = arith.constant 48 : index
      %swap3A_97 = tpu.vector_load %arg13[%swap3A_95, %swap3A_96] {strides = array<i32>} : memref<208x128xf32, #tpu.memory_space<vmem>>, vector<1x16xf32>,
      %swap3A_98 = vector.shape_cast %swap3A_97 : vector<1x16xf32> to vector<16xf32>
      %swap3A_99 = vector.shape_cast %broadcast_in_dim3A_94 : vector<16xf32> to vector<1x16xf32>
      tpu.vector_store %arg13[%swap3A_95, %swap3A_96], %swap3A_99 {strides = array<i32>} : memref<208x128xf32, #tpu.memory_space<vmem>>, vector<1x16xf32>,
      %broadcast_in_dim3A_100 = arith.constant 0.000000e+00 : f32
      %broadcast_in_dim3A_101 = vector.broadcast %broadcast_in_dim3A_100 : f32 to vector<16xf32>
      %swap3A_102 = arith.index_cast %scan3A_73 : i32 to index
      %swap3A_103 = arith.constant 64 : index
      %swap3A_104 = tpu.vector_load %arg13[%swap3A_102, %swap3A_103] {strides = array<i32>} : memref<208x128xf32, #tpu.memory_space<vmem>>, vector<1x16xf32>,
      %swap3A_105 = vector.shape_cast %swap3A_104 : vector<1x16xf32> to vector<16xf32>
      %swap3A_106 = vector.shape_cast %broadcast_in_dim3A_101 : vector<16xf32> to vector<1x16xf32>
      tpu.vector_store %arg13[%swap3A_102, %swap3A_103], %swap3A_106 {strides = array<i32>} : memref<208x128xf32, #tpu.memory_space<vmem>>, vector<1x16xf32>,
      %broadcast_in_dim3A_107 = arith.constant 0.000000e+00 : f32
      %broadcast_in_dim3A_108 = vector.broadcast %broadcast_in_dim3A_107 : f32 to vector<16xf32>
      %swap3A_109 = arith.index_cast %scan3A_73 : i32 to index
      %swap3A_110 = arith.constant 80 : index
      %swap3A_111 = tpu.vector_load %arg13[%swap3A_109, %swap3A_110] {strides = array<i32>} : memref<208x128xf32, #tpu.memory_space<vmem>>, vector<1x16xf32>,
      %swap3A_112 = vector.shape_cast %swap3A_111 : vector<1x16xf32> to vector<16xf32>
      %swap3A_113 = vector.shape_cast %broadcast_in_dim3A_108 : vector<16xf32> to vector<1x16xf32>
      tpu.vector_store %arg13[%swap3A_109, %swap3A_110], %swap3A_113 {strides = array<i32>} : memref<208x128xf32, #tpu.memory_space<vmem>>, vector<1x16xf32>,
      %broadcast_in_dim3A_114 = arith.constant 0.000000e+00 : f32
      %broadcast_in_dim3A_115 = vector.broadcast %broadcast_in_dim3A_114 : f32 to vector<16xf32>
      %swap3A_116 = arith.index_cast %scan3A_73 : i32 to index
      %swap3A_117 = arith.constant 96 : index
      %swap3A_118 = tpu.vector_load %arg13[%swap3A_116, %swap3A_117] {strides = array<i32>} : memref<208x128xf32, #tpu.memory_space<vmem>>, vector<1x16xf32>,
      %swap3A_119 = vector.shape_cast %swap3A_118 : vector<1x16xf32> to vector<16xf32>
      %swap3A_120 = vector.shape_cast %broadcast_in_dim3A_115 : vector<16xf32> to vector<1x16xf32>
      tpu.vector_store %arg13[%swap3A_116, %swap3A_117], %swap3A_120 {strides = array<i32>} : memref<208x128xf32, #tpu.memory_space<vmem>>, vector<1x16xf32>,
      %broadcast_in_dim3A_121 = arith.constant 0.000000e+00 : f32
      %broadcast_in_dim3A_122 = vector.broadcast %broadcast_in_dim3A_121 : f32 to vector<16xf32>
      %swap3A_123 = arith.index_cast %scan3A_73 : i32 to index
      %swap3A_124 = arith.constant 112 : index
      %swap3A_125 = tpu.vector_load %arg13[%swap3A_123, %swap3A_124] {strides = array<i32>} : memref<208x128xf32, #tpu.memory_space<vmem>>, vector<1x16xf32>,
      %swap3A_126 = vector.shape_cast %swap3A_125 : vector<1x16xf32> to vector<16xf32>
      %swap3A_127 = vector.shape_cast %broadcast_in_dim3A_122 : vector<16xf32> to vector<1x16xf32>
      tpu.vector_store %arg13[%swap3A_123, %swap3A_124], %swap3A_127 {strides = array<i32>} : memref<208x128xf32, #tpu.memory_space<vmem>>, vector<1x16xf32>,
    }
    %scan3A_5 = arith.constant 208 : i32
    %mul3A_6 = arith.constant 624 : i32
    %mul3A_7 = arith.muli %arg1, %mul3A_6 : i32
    %add3A_8 = arith.constant 0 : i32
    %add3A_9 = arith.addi %mul3A_7, %add3A_8 : i32
    "tpu.region"() ({
      %run_scoped3A_73 = tpu.sem_alloc : memref<!tpu.dma_semaphore, #tpu.memory_space<semaphore_mem>>
      %dma_start3A = arith.constant 0 : i32
      %dma_start3A_74 = tpu.memref_slice %arg8[%add3A_9, %dma_start3A] : memref<10000x128xf32, #tpu.memory_space<vmem_shared>> -> memref<208x128xf32, #tpu.memory_space<vmem_shared>>
      %dma_start3A_75 = arith.constant 0 : i32
      %dma_start3A_76 = tpu.memref_slice %arg8[%add3A_9, %dma_start3A_75] : memref<10000x128xf32, #tpu.memory_space<vmem_shared>> -> memref<208x128xf32, #tpu.memory_space<vmem_shared>>
      tpu.enqueue_dma source(%arg13 : memref<208x128xf32, #tpu.memory_space<vmem>>) target(%dma_start3A_76 : memref<208x128xf32, #tpu.memory_space<vmem_shared>>) target_semaphore(%run_scoped3A_73 : memref<!tpu.dma_semaphore, #tpu.memory_space<semaphore_mem>>)
      %dma_wait3A = arith.constant 0 : i32
      %dma_wait3A_77 = tpu.memref_slice %arg8[%add3A_9, %dma_wait3A] : memref<10000x128xf32, #tpu.memory_space<vmem_shared>> -> memref<208x128xf32, #tpu.memory_space<vmem_shared>>
      %dma_wait3A_78 = arith.constant 0 : i32
      %dma_wait3A_79 = tpu.memref_slice %arg8[%add3A_9, %dma_wait3A_78] : memref<10000x128xf32, #tpu.memory_space<vmem_shared>> -> memref<208x128xf32, #tpu.memory_space<vmem_shared>>
      tpu.wait_dma2 semaphore(%run_scoped3A_73 : memref<!tpu.dma_semaphore, #tpu.memory_space<semaphore_mem>>) src(%arg13 : memref<208x128xf32, #tpu.memory_space<vmem>>) dst(%dma_wait3A_79 : memref<208x128xf32, #tpu.memory_space<vmem_shared>>)
      tpu.yield
    }) : () -> ()
    %mul3A_10 = arith.constant 624 : i32
    %mul3A_11 = arith.muli %arg1, %mul3A_10 : i32
    %add3A_12 = arith.constant 208 : i32
    %add3A_13 = arith.addi %mul3A_11, %add3A_12 : i32
    "tpu.region"() ({
      %run_scoped3A_73 = tpu.sem_alloc : memref<!tpu.dma_semaphore, #tpu.memory_space<semaphore_mem>>
      %dma_start3A = arith.constant 0 : i32
      %dma_start3A_74 = tpu.memref_slice %arg8[%add3A_13, %dma_start3A] : memref<10000x128xf32, #tpu.memory_space<vmem_shared>> -> memref<208x128xf32, #tpu.memory_space<vmem_shared>>
      %dma_start3A_75 = arith.constant 0 : i32
      %dma_start3A_76 = tpu.memref_slice %arg8[%add3A_13, %dma_start3A_75] : memref<10000x128xf32, #tpu.memory_space<vmem_shared>> -> memref<208x128xf32, #tpu.memory_space<vmem_shared>>
      tpu.enqueue_dma source(%arg13 : memref<208x128xf32, #tpu.memory_space<vmem>>) target(%dma_start3A_76 : memref<208x128xf32, #tpu.memory_space<vmem_shared>>) target_semaphore(%run_scoped3A_73 : memref<!tpu.dma_semaphore, #tpu.memory_space<semaphore_mem>>)
      %dma_wait3A = arith.constant 0 : i32
      %dma_wait3A_77 = tpu.memref_slice %arg8[%add3A_13, %dma_wait3A] : memref<10000x128xf32, #tpu.memory_space<vmem_shared>> -> memref<208x128xf32, #tpu.memory_space<vmem_shared>>
      %dma_wait3A_78 = arith.constant 0 : i32
      %dma_wait3A_79 = tpu.memref_slice %arg8[%add3A_13, %dma_wait3A_78] : memref<10000x128xf32, #tpu.memory_space<vmem_shared>> -> memref<208x128xf32, #tpu.memory_space<vmem_shared>>
      tpu.wait_dma2 semaphore(%run_scoped3A_73 : memref<!tpu.dma_semaphore, #tpu.memory_space<semaphore_mem>>) src(%arg13 : memref<208x128xf32, #tpu.memory_space<vmem>>) dst(%dma_wait3A_79 : memref<208x128xf32, #tpu.memory_space<vmem_shared>>)
      tpu.yield
    }) : () -> ()
    %mul3A_14 = arith.constant 624 : i32
    %mul3A_15 = arith.muli %arg1, %mul3A_14 : i32
    %add3A_16 = arith.constant 416 : i32
    %add3A_17 = arith.addi %mul3A_15, %add3A_16 : i32
    "tpu.region"() ({
      %run_scoped3A_73 = tpu.sem_alloc : memref<!tpu.dma_semaphore, #tpu.memory_space<semaphore_mem>>
      %dma_start3A = arith.constant 0 : i32
      %dma_start3A_74 = tpu.memref_slice %arg8[%add3A_17, %dma_start3A] : memref<10000x128xf32, #tpu.memory_space<vmem_shared>> -> memref<208x128xf32, #tpu.memory_space<vmem_shared>>
      %dma_start3A_75 = arith.constant 0 : i32
      %dma_start3A_76 = tpu.memref_slice %arg8[%add3A_17, %dma_start3A_75] : memref<10000x128xf32, #tpu.memory_space<vmem_shared>> -> memref<208x128xf32, #tpu.memory_space<vmem_shared>>
      tpu.enqueue_dma source(%arg13 : memref<208x128xf32, #tpu.memory_space<vmem>>) target(%dma_start3A_76 : memref<208x128xf32, #tpu.memory_space<vmem_shared>>) target_semaphore(%run_scoped3A_73 : memref<!tpu.dma_semaphore, #tpu.memory_space<semaphore_mem>>)
      %dma_wait3A = arith.constant 0 : i32
      %dma_wait3A_77 = tpu.memref_slice %arg8[%add3A_17, %dma_wait3A] : memref<10000x128xf32, #tpu.memory_space<vmem_shared>> -> memref<208x128xf32, #tpu.memory_space<vmem_shared>>
      %dma_wait3A_78 = arith.constant 0 : i32
      %dma_wait3A_79 = tpu.memref_slice %arg8[%add3A_17, %dma_wait3A_78] : memref<10000x128xf32, #tpu.memory_space<vmem_shared>> -> memref<208x128xf32, #tpu.memory_space<vmem_shared>>
      tpu.wait_dma2 semaphore(%run_scoped3A_73 : memref<!tpu.dma_semaphore, #tpu.memory_space<semaphore_mem>>) src(%arg13 : memref<208x128xf32, #tpu.memory_space<vmem>>) dst(%dma_wait3A_79 : memref<208x128xf32, #tpu.memory_space<vmem_shared>>)
      tpu.yield
    }) : () -> ()
    %eq3A = arith.constant 15 : i32
    %eq3A_18 = arith.cmpi eq, %arg1, %eq3A : i32
    %convert_element_type3A = arith.extui %eq3A_18 : i1 to i32
    %cond3A = arith.constant 0 : i32
    %cond3A_19 = arith.cmpi ne, %convert_element_type3A, %cond3A : i32
    scf.if %cond3A_19 {
      "tpu.region"() ({
        %run_scoped3A_73 = tpu.sem_alloc : memref<!tpu.dma_semaphore, #tpu.memory_space<semaphore_mem>>
        %dma_start3A = arith.constant 0 : i32
        %dma_start3A_74 = arith.constant 0 : i32
        %dma_start3A_75 = tpu.memref_slice %arg13[%dma_start3A, %dma_start3A_74] : memref<208x128xf32, #tpu.memory_space<vmem>> -> memref<16x128xf32, #tpu.memory_space<vmem>>
        %dma_start3A_76 = arith.constant 9984 : i32
        %dma_start3A_77 = arith.constant 0 : i32
        %dma_start3A_78 = tpu.memref_slice %arg8[%dma_start3A_76, %dma_start3A_77] : memref<10000x128xf32, #tpu.memory_space<vmem_shared>> -> memref<16x128xf32, #tpu.memory_space<vmem_shared>>
        %dma_start3A_79 = arith.constant 9984 : i32
        %dma_start3A_80 = arith.constant 0 : i32
        %dma_start3A_81 = tpu.memref_slice %arg8[%dma_start3A_79, %dma_start3A_80] : memref<10000x128xf32, #tpu.memory_space<vmem_shared>> -> memref<16x128xf32, #tpu.memory_space<vmem_shared>>
        %dma_start3A_82 = arith.constant 0 : i32
        %dma_start3A_83 = arith.constant 0 : i32
        %dma_start3A_84 = tpu.memref_slice %arg13[%dma_start3A_82, %dma_start3A_83] : memref<208x128xf32, #tpu.memory_space<vmem>> -> memref<16x128xf32, #tpu.memory_space<vmem>>
        tpu.enqueue_dma source(%dma_start3A_84 : memref<16x128xf32, #tpu.memory_space<vmem>>) target(%dma_start3A_81 : memref<16x128xf32, #tpu.memory_space<vmem_shared>>) target_semaphore(%run_scoped3A_73 : memref<!tpu.dma_semaphore, #tpu.memory_space<semaphore_mem>>)
        %dma_wait3A = arith.constant 0 : i32
        %dma_wait3A_85 = arith.constant 0 : i32
        %dma_wait3A_86 = tpu.memref_slice %arg13[%dma_wait3A, %dma_wait3A_85] : memref<208x128xf32, #tpu.memory_space<vmem>> -> memref<16x128xf32, #tpu.memory_space<vmem>>
        %dma_wait3A_87 = arith.constant 9984 : i32
        %dma_wait3A_88 = arith.constant 0 : i32
        %dma_wait3A_89 = tpu.memref_slice %arg8[%dma_wait3A_87, %dma_wait3A_88] : memref<10000x128xf32, #tpu.memory_space<vmem_shared>> -> memref<16x128xf32, #tpu.memory_space<vmem_shared>>
        %dma_wait3A_90 = arith.constant 9984 : i32
        %dma_wait3A_91 = arith.constant 0 : i32
        %dma_wait3A_92 = tpu.memref_slice %arg8[%dma_wait3A_90, %dma_wait3A_91] : memref<10000x128xf32, #tpu.memory_space<vmem_shared>> -> memref<16x128xf32, #tpu.memory_space<vmem_shared>>
        %dma_wait3A_93 = arith.constant 0 : i32
        %dma_wait3A_94 = arith.constant 0 : i32
        %dma_wait3A_95 = tpu.memref_slice %arg13[%dma_wait3A_93, %dma_wait3A_94] : memref<208x128xf32, #tpu.memory_space<vmem>> -> memref<16x128xf32, #tpu.memory_space<vmem>>
        tpu.wait_dma2 semaphore(%run_scoped3A_73 : memref<!tpu.dma_semaphore, #tpu.memory_space<semaphore_mem>>) src(%dma_wait3A_95 : memref<16x128xf32, #tpu.memory_space<vmem>>) dst(%dma_wait3A_92 : memref<16x128xf32, #tpu.memory_space<vmem_shared>>)
        tpu.yield
      }) : () -> ()
    } else {
    }
    %barrier3A = arith.constant 0 : index
    tpu.barrier barrier_id(%barrier3A)
    %scan3A_20 = arith.constant 0 : i32
    %scan3A_21 = arith.constant 0 : i32
    %scan3A_22 = arith.constant 79 : i32
    %scan3A_23 = arith.addi %scan3A_21, %scan3A_22 : i32
    %scan3A_24 = arith.constant 1 : i32
    scf.for %scan3A_73 = %scan3A_21 to %scan3A_23 step %scan3A_24  : i32 {
      %mul3A_74 = arith.constant 32 : i32
      %mul3A_75 = arith.muli %mul3A_74, %scan3A_73 : i32
      %add3A_76 = arith.addi %add3A, %mul3A_75 : i32
      %lt3A = arith.constant 2500 : i32
      %lt3A_77 = arith.cmpi slt, %add3A_76, %lt3A : i32
      %convert_element_type3A_78 = arith.extui %lt3A_77 : i1 to i32
      %cond3A_79 = arith.constant 0 : i32
      %cond3A_80 = arith.cmpi ne, %convert_element_type3A_78, %cond3A_79 : i32
      scf.if %cond3A_80 {
        %mul3A_81 = arith.constant 128 : i32
        %mul3A_82 = arith.muli %add3A_76, %mul3A_81 : i32
        "tpu.region"() ({
          %run_scoped3A_93 = tpu.sem_alloc : memref<!tpu.dma_semaphore, #tpu.memory_space<semaphore_mem>>
          %dma_start3A_94 = tpu.memref_slice %arg4[%mul3A_82] : memref<320000xi32, #tpu.memory_space<hbm>> -> memref<128xi32, #tpu.memory_space<hbm>>
          %dma_start3A_95 = tpu.memref_slice %arg4[%mul3A_82] : memref<320000xi32, #tpu.memory_space<hbm>> -> memref<128xi32, #tpu.memory_space<hbm>>
          tpu.enqueue_dma source(%dma_start3A_95 : memref<128xi32, #tpu.memory_space<hbm>>) target(%arg12 : memref<128xi32, #tpu.memory_space<vmem>>) target_semaphore(%run_scoped3A_93 : memref<!tpu.dma_semaphore, #tpu.memory_space<semaphore_mem>>)
          %dma_wait3A_96 = tpu.memref_slice %arg4[%mul3A_82] : memref<320000xi32, #tpu.memory_space<hbm>> -> memref<128xi32, #tpu.memory_space<hbm>>
          %dma_wait3A_97 = tpu.memref_slice %arg4[%mul3A_82] : memref<320000xi32, #tpu.memory_space<hbm>> -> memref<128xi32, #tpu.memory_space<hbm>>
          tpu.wait_dma2 semaphore(%run_scoped3A_93 : memref<!tpu.dma_semaphore, #tpu.memory_space<semaphore_mem>>) src(%dma_wait3A_97 : memref<128xi32, #tpu.memory_space<hbm>>) dst(%arg12 : memref<128xi32, #tpu.memory_space<vmem>>)
          tpu.yield
        }) : () -> ()
        "tpu.region"() ({
          %run_scoped3A_93 = tpu.sem_alloc : memref<!tpu.dma_semaphore, #tpu.memory_space<semaphore_mem>>
          %dma_start3A_94 = tpu.memref_slice %arg6[%mul3A_82] : memref<320000xf32, #tpu.memory_space<hbm>> -> memref<128xf32, #tpu.memory_space<hbm>>
          %dma_start3A_95 = tpu.memref_slice %arg6[%mul3A_82] : memref<320000xf32, #tpu.memory_space<hbm>> -> memref<128xf32, #tpu.memory_space<hbm>>
          tpu.enqueue_dma source(%dma_start3A_95 : memref<128xf32, #tpu.memory_space<hbm>>) target(%arg10 : memref<128xf32, #tpu.memory_space<vmem>>) target_semaphore(%run_scoped3A_93 : memref<!tpu.dma_semaphore, #tpu.memory_space<semaphore_mem>>)
          %dma_wait3A_96 = tpu.memref_slice %arg6[%mul3A_82] : memref<320000xf32, #tpu.memory_space<hbm>> -> memref<128xf32, #tpu.memory_space<hbm>>
          %dma_wait3A_97 = tpu.memref_slice %arg6[%mul3A_82] : memref<320000xf32, #tpu.memory_space<hbm>> -> memref<128xf32, #tpu.memory_space<hbm>>
          tpu.wait_dma2 semaphore(%run_scoped3A_93 : memref<!tpu.dma_semaphore, #tpu.memory_space<semaphore_mem>>) src(%dma_wait3A_97 : memref<128xf32, #tpu.memory_space<hbm>>) dst(%arg10 : memref<128xf32, #tpu.memory_space<vmem>>)
          tpu.yield
        }) : () -> ()
        "tpu.region"() ({
          %run_scoped3A_93 = tpu.sem_alloc : memref<!tpu.dma_semaphore, #tpu.memory_space<semaphore_mem>>
          %dma_start3A_94 = tpu.memref_slice %arg3[%mul3A_82] : memref<320000xi32, #tpu.memory_space<hbm>> -> memref<128xi32, #tpu.memory_space<hbm>>
          %dma_start3A_95 = tpu.memref_slice %arg3[%mul3A_82] : memref<320000xi32, #tpu.memory_space<hbm>> -> memref<128xi32, #tpu.memory_space<hbm>>
          tpu.enqueue_dma source(%dma_start3A_95 : memref<128xi32, #tpu.memory_space<hbm>>) target(%arg11 : memref<128xi32, #tpu.memory_space<vmem>>) target_semaphore(%run_scoped3A_93 : memref<!tpu.dma_semaphore, #tpu.memory_space<semaphore_mem>>)
          %dma_wait3A_96 = tpu.memref_slice %arg3[%mul3A_82] : memref<320000xi32, #tpu.memory_space<hbm>> -> memref<128xi32, #tpu.memory_space<hbm>>
          %dma_wait3A_97 = tpu.memref_slice %arg3[%mul3A_82] : memref<320000xi32, #tpu.memory_space<hbm>> -> memref<128xi32, #tpu.memory_space<hbm>>
          tpu.wait_dma2 semaphore(%run_scoped3A_93 : memref<!tpu.dma_semaphore, #tpu.memory_space<semaphore_mem>>) src(%dma_wait3A_97 : memref<128xi32, #tpu.memory_space<hbm>>) dst(%arg11 : memref<128xi32, #tpu.memory_space<vmem>>)
          tpu.yield
        }) : () -> ()
        %dma_start3A = arith.constant 0 : i32
        %dma_start3A_83 = arith.constant 0 : i32
        %dma_start3A_84 = tpu.memref_slice %arg2[%dma_start3A, %dma_start3A_83] : memref<10000x128xf32, #tpu.memory_space<hbm>> -> memref<10000x128xf32, #tpu.memory_space<hbm>>
        tpu.enqueue_indirect_dma source(%dma_start3A_84 : memref<10000x128xf32, #tpu.memory_space<hbm>>) target(%arg9 : memref<128x128xf32, #tpu.memory_space<vmem>>) offsets(%arg11 : memref<128xi32, #tpu.memory_space<vmem>>) semaphore(%arg14 : memref<!tpu.dma_semaphore, #tpu.memory_space<semaphore_mem>>)
        %dma_wait3A = arith.constant 0 : i32
        %dma_wait3A_85 = arith.constant 0 : i32
        %dma_wait3A_86 = tpu.memref_slice %arg2[%dma_wait3A, %dma_wait3A_85] : memref<10000x128xf32, #tpu.memory_space<hbm>> -> memref<10000x128xf32, #tpu.memory_space<hbm>>
        tpu.wait_indirect_dma semaphore(%arg14 : memref<!tpu.dma_semaphore, #tpu.memory_space<semaphore_mem>>) src(%dma_wait3A_86 : memref<10000x128xf32, #tpu.memory_space<hbm>>) dst(%arg9 : memref<128x128xf32, #tpu.memory_space<vmem>>)
        %scan3A_87 = arith.constant 0 : i32
        %scan3A_88 = arith.constant 0 : i32
        %scan3A_89 = arith.constant 8 : i32
        %scan3A_90 = arith.addi %scan3A_88, %scan3A_89 : i32
        %scan3A_91 = arith.constant 1 : i32
        scf.for %scan3A_93 = %scan3A_88 to %scan3A_90 step %scan3A_91  : i32 {
          %mul3A_94 = arith.constant 16 : i32
          %mul3A_95 = arith.muli %scan3A_93, %mul3A_94 : i32
          %get3A = arith.index_cast %mul3A_95 : i32 to index
          %get3A_96 = tpu.vector_load %arg10[%get3A] {strides = array<i32>} : memref<128xf32, #tpu.memory_space<vmem>>, vector<16xf32>,
          %get3A_97 = vector.shape_cast %get3A_96 : vector<16xf32> to vector<16xf32>
          %slice3A = vector.extract_strided_slice %get3A_97 {offsets = [0], sizes = [1], strides = [1]} : vector<16xf32> to vector<1xf32>
          %squeeze3A = vector.extract %slice3A[0] : f32 from vector<1xf32>
          %broadcast_in_dim3A = vector.broadcast %squeeze3A : f32 to vector<16xf32>
          %mul3A_98 = arith.constant 16 : i32
          %mul3A_99 = arith.muli %scan3A_93, %mul3A_98 : i32
          %add3A_100 = arith.constant 0 : i32
          %add3A_101 = arith.addi %mul3A_99, %add3A_100 : i32
          %get3A_102 = arith.index_cast %add3A_101 : i32 to index
          %get3A_103 = arith.constant 0 : index
          %get3A_104 = tpu.vector_load %arg9[%get3A_102, %get3A_103] {strides = array<i32>} : memref<128x128xf32, #tpu.memory_space<vmem>>, vector<1x16xf32>,
          %get3A_105 = vector.shape_cast %get3A_104 : vector<1x16xf32> to vector<16xf32>
          %mul3A_106 = arith.mulf %get3A_105, %broadcast_in_dim3A : vector<16xf32>
          %swap3A = arith.index_cast %add3A_101 : i32 to index
          %swap3A_107 = arith.constant 0 : index
          %swap3A_108 = tpu.vector_load %arg9[%swap3A, %swap3A_107] {strides = array<i32>} : memref<128x128xf32, #tpu.memory_space<vmem>>, vector<1x16xf32>,
          %swap3A_109 = vector.shape_cast %swap3A_108 : vector<1x16xf32> to vector<16xf32>
          %swap3A_110 = vector.shape_cast %mul3A_106 : vector<16xf32> to vector<1x16xf32>
          tpu.vector_store %arg9[%swap3A, %swap3A_107], %swap3A_110 {strides = array<i32>} : memref<128x128xf32, #tpu.memory_space<vmem>>, vector<1x16xf32>,
          %get3A_111 = arith.index_cast %add3A_101 : i32 to index
          %get3A_112 = arith.constant 16 : index
          %get3A_113 = tpu.vector_load %arg9[%get3A_111, %get3A_112] {strides = array<i32>} : memref<128x128xf32, #tpu.memory_space<vmem>>, vector<1x16xf32>,
          %get3A_114 = vector.shape_cast %get3A_113 : vector<1x16xf32> to vector<16xf32>
          %mul3A_115 = arith.mulf %get3A_114, %broadcast_in_dim3A : vector<16xf32>
          %swap3A_116 = arith.index_cast %add3A_101 : i32 to index
          %swap3A_117 = arith.constant 16 : index
          %swap3A_118 = tpu.vector_load %arg9[%swap3A_116, %swap3A_117] {strides = array<i32>} : memref<128x128xf32, #tpu.memory_space<vmem>>, vector<1x16xf32>,
          %swap3A_119 = vector.shape_cast %swap3A_118 : vector<1x16xf32> to vector<16xf32>
          %swap3A_120 = vector.shape_cast %mul3A_115 : vector<16xf32> to vector<1x16xf32>
          tpu.vector_store %arg9[%swap3A_116, %swap3A_117], %swap3A_120 {strides = array<i32>} : memref<128x128xf32, #tpu.memory_space<vmem>>, vector<1x16xf32>,
          %get3A_121 = arith.index_cast %add3A_101 : i32 to index
          %get3A_122 = arith.constant 32 : index
          %get3A_123 = tpu.vector_load %arg9[%get3A_121, %get3A_122] {strides = array<i32>} : memref<128x128xf32, #tpu.memory_space<vmem>>, vector<1x16xf32>,
          %get3A_124 = vector.shape_cast %get3A_123 : vector<1x16xf32> to vector<16xf32>
          %mul3A_125 = arith.mulf %get3A_124, %broadcast_in_dim3A : vector<16xf32>
          %swap3A_126 = arith.index_cast %add3A_101 : i32 to index
          %swap3A_127 = arith.constant 32 : index
          %swap3A_128 = tpu.vector_load %arg9[%swap3A_126, %swap3A_127] {strides = array<i32>} : memref<128x128xf32, #tpu.memory_space<vmem>>, vector<1x16xf32>,
          %swap3A_129 = vector.shape_cast %swap3A_128 : vector<1x16xf32> to vector<16xf32>
          %swap3A_130 = vector.shape_cast %mul3A_125 : vector<16xf32> to vector<1x16xf32>
          tpu.vector_store %arg9[%swap3A_126, %swap3A_127], %swap3A_130 {strides = array<i32>} : memref<128x128xf32, #tpu.memory_space<vmem>>, vector<1x16xf32>,
          %get3A_131 = arith.index_cast %add3A_101 : i32 to index
          %get3A_132 = arith.constant 48 : index
          %get3A_133 = tpu.vector_load %arg9[%get3A_131, %get3A_132] {strides = array<i32>} : memref<128x128xf32, #tpu.memory_space<vmem>>, vector<1x16xf32>,
          %get3A_134 = vector.shape_cast %get3A_133 : vector<1x16xf32> to vector<16xf32>
          %mul3A_135 = arith.mulf %get3A_134, %broadcast_in_dim3A : vector<16xf32>
          %swap3A_136 = arith.index_cast %add3A_101 : i32 to index
          %swap3A_137 = arith.constant 48 : index
          %swap3A_138 = tpu.vector_load %arg9[%swap3A_136, %swap3A_137] {strides = array<i32>} : memref<128x128xf32, #tpu.memory_space<vmem>>, vector<1x16xf32>,
          %swap3A_139 = vector.shape_cast %swap3A_138 : vector<1x16xf32> to vector<16xf32>
          %swap3A_140 = vector.shape_cast %mul3A_135 : vector<16xf32> to vector<1x16xf32>
          tpu.vector_store %arg9[%swap3A_136, %swap3A_137], %swap3A_140 {strides = array<i32>} : memref<128x128xf32, #tpu.memory_space<vmem>>, vector<1x16xf32>,
          %get3A_141 = arith.index_cast %add3A_101 : i32 to index
          %get3A_142 = arith.constant 64 : index
          %get3A_143 = tpu.vector_load %arg9[%get3A_141, %get3A_142] {strides = array<i32>} : memref<128x128xf32, #tpu.memory_space<vmem>>, vector<1x16xf32>,
          %get3A_144 = vector.shape_cast %get3A_143 : vector<1x16xf32> to vector<16xf32>
          %mul3A_145 = arith.mulf %get3A_144, %broadcast_in_dim3A : vector<16xf32>
          %swap3A_146 = arith.index_cast %add3A_101 : i32 to index
          %swap3A_147 = arith.constant 64 : index
          %swap3A_148 = tpu.vector_load %arg9[%swap3A_146, %swap3A_147] {strides = array<i32>} : memref<128x128xf32, #tpu.memory_space<vmem>>, vector<1x16xf32>,
          %swap3A_149 = vector.shape_cast %swap3A_148 : vector<1x16xf32> to vector<16xf32>
          %swap3A_150 = vector.shape_cast %mul3A_145 : vector<16xf32> to vector<1x16xf32>
          tpu.vector_store %arg9[%swap3A_146, %swap3A_147], %swap3A_150 {strides = array<i32>} : memref<128x128xf32, #tpu.memory_space<vmem>>, vector<1x16xf32>,
          %get3A_151 = arith.index_cast %add3A_101 : i32 to index
          %get3A_152 = arith.constant 80 : index
          %get3A_153 = tpu.vector_load %arg9[%get3A_151, %get3A_152] {strides = array<i32>} : memref<128x128xf32, #tpu.memory_space<vmem>>, vector<1x16xf32>,
          %get3A_154 = vector.shape_cast %get3A_153 : vector<1x16xf32> to vector<16xf32>
          %mul3A_155 = arith.mulf %get3A_154, %broadcast_in_dim3A : vector<16xf32>
          %swap3A_156 = arith.index_cast %add3A_101 : i32 to index
          %swap3A_157 = arith.constant 80 : index
          %swap3A_158 = tpu.vector_load %arg9[%swap3A_156, %swap3A_157] {strides = array<i32>} : memref<128x128xf32, #tpu.memory_space<vmem>>, vector<1x16xf32>,
          %swap3A_159 = vector.shape_cast %swap3A_158 : vector<1x16xf32> to vector<16xf32>
          %swap3A_160 = vector.shape_cast %mul3A_155 : vector<16xf32> to vector<1x16xf32>
          tpu.vector_store %arg9[%swap3A_156, %swap3A_157], %swap3A_160 {strides = array<i32>} : memref<128x128xf32, #tpu.memory_space<vmem>>, vector<1x16xf32>,
          %get3A_161 = arith.index_cast %add3A_101 : i32 to index
          %get3A_162 = arith.constant 96 : index
          %get3A_163 = tpu.vector_load %arg9[%get3A_161, %get3A_162] {strides = array<i32>} : memref<128x128xf32, #tpu.memory_space<vmem>>, vector<1x16xf32>,
          %get3A_164 = vector.shape_cast %get3A_163 : vector<1x16xf32> to vector<16xf32>
          %mul3A_165 = arith.mulf %get3A_164, %broadcast_in_dim3A : vector<16xf32>
          %swap3A_166 = arith.index_cast %add3A_101 : i32 to index
          %swap3A_167 = arith.constant 96 : index
          %swap3A_168 = tpu.vector_load %arg9[%swap3A_166, %swap3A_167] {strides = array<i32>} : memref<128x128xf32, #tpu.memory_space<vmem>>, vector<1x16xf32>,
          %swap3A_169 = vector.shape_cast %swap3A_168 : vector<1x16xf32> to vector<16xf32>
          %swap3A_170 = vector.shape_cast %mul3A_165 : vector<16xf32> to vector<1x16xf32>
          tpu.vector_store %arg9[%swap3A_166, %swap3A_167], %swap3A_170 {strides = array<i32>} : memref<128x128xf32, #tpu.memory_space<vmem>>, vector<1x16xf32>,
          %get3A_171 = arith.index_cast %add3A_101 : i32 to index
          %get3A_172 = arith.constant 112 : index
          %get3A_173 = tpu.vector_load %arg9[%get3A_171, %get3A_172] {strides = array<i32>} : memref<128x128xf32, #tpu.memory_space<vmem>>, vector<1x16xf32>,
          %get3A_174 = vector.shape_cast %get3A_173 : vector<1x16xf32> to vector<16xf32>
          %mul3A_175 = arith.mulf %get3A_174, %broadcast_in_dim3A : vector<16xf32>
          %swap3A_176 = arith.index_cast %add3A_101 : i32 to index
          %swap3A_177 = arith.constant 112 : index
          %swap3A_178 = tpu.vector_load %arg9[%swap3A_176, %swap3A_177] {strides = array<i32>} : memref<128x128xf32, #tpu.memory_space<vmem>>, vector<1x16xf32>,
          %swap3A_179 = vector.shape_cast %swap3A_178 : vector<1x16xf32> to vector<16xf32>
          %swap3A_180 = vector.shape_cast %mul3A_175 : vector<16xf32> to vector<1x16xf32>
          tpu.vector_store %arg9[%swap3A_176, %swap3A_177], %swap3A_180 {strides = array<i32>} : memref<128x128xf32, #tpu.memory_space<vmem>>, vector<1x16xf32>,
          %slice3A_181 = vector.extract_strided_slice %get3A_97 {offsets = [1], sizes = [1], strides = [1]} : vector<16xf32> to vector<1xf32>
          %squeeze3A_182 = vector.extract %slice3A_181[0] : f32 from vector<1xf32>
          %broadcast_in_dim3A_183 = vector.broadcast %squeeze3A_182 : f32 to vector<16xf32>
          %mul3A_184 = arith.constant 16 : i32
          %mul3A_185 = arith.muli %scan3A_93, %mul3A_184 : i32
          %add3A_186 = arith.constant 1 : i32
          %add3A_187 = arith.addi %mul3A_185, %add3A_186 : i32
          %get3A_188 = arith.index_cast %add3A_187 : i32 to index
          %get3A_189 = arith.constant 0 : index
          %get3A_190 = tpu.vector_load %arg9[%get3A_188, %get3A_189] {strides = array<i32>} : memref<128x128xf32, #tpu.memory_space<vmem>>, vector<1x16xf32>,
          %get3A_191 = vector.shape_cast %get3A_190 : vector<1x16xf32> to vector<16xf32>
          %mul3A_192 = arith.mulf %get3A_191, %broadcast_in_dim3A_183 : vector<16xf32>
          %swap3A_193 = arith.index_cast %add3A_187 : i32 to index
          %swap3A_194 = arith.constant 0 : index
          %swap3A_195 = tpu.vector_load %arg9[%swap3A_193, %swap3A_194] {strides = array<i32>} : memref<128x128xf32, #tpu.memory_space<vmem>>, vector<1x16xf32>,
          %swap3A_196 = vector.shape_cast %swap3A_195 : vector<1x16xf32> to vector<16xf32>
          %swap3A_197 = vector.shape_cast %mul3A_192 : vector<16xf32> to vector<1x16xf32>
          tpu.vector_store %arg9[%swap3A_193, %swap3A_194], %swap3A_197 {strides = array<i32>} : memref<128x128xf32, #tpu.memory_space<vmem>>, vector<1x16xf32>,
          %get3A_198 = arith.index_cast %add3A_187 : i32 to index
          %get3A_199 = arith.constant 16 : index
          %get3A_200 = tpu.vector_load %arg9[%get3A_198, %get3A_199] {strides = array<i32>} : memref<128x128xf32, #tpu.memory_space<vmem>>, vector<1x16xf32>,
          %get3A_201 = vector.shape_cast %get3A_200 : vector<1x16xf32> to vector<16xf32>
          %mul3A_202 = arith.mulf %get3A_201, %broadcast_in_dim3A_183 : vector<16xf32>
          %swap3A_203 = arith.index_cast %add3A_187 : i32 to index
          %swap3A_204 = arith.constant 16 : index
          %swap3A_205 = tpu.vector_load %arg9[%swap3A_203, %swap3A_204] {strides = array<i32>} : memref<128x128xf32, #tpu.memory_space<vmem>>, vector<1x16xf32>,
          %swap3A_206 = vector.shape_cast %swap3A_205 : vector<1x16xf32> to vector<16xf32>
          %swap3A_207 = vector.shape_cast %mul3A_202 : vector<16xf32> to vector<1x16xf32>
          tpu.vector_store %arg9[%swap3A_203, %swap3A_204], %swap3A_207 {strides = array<i32>} : memref<128x128xf32, #tpu.memory_space<vmem>>, vector<1x16xf32>,
          %get3A_208 = arith.index_cast %add3A_187 : i32 to index
          %get3A_209 = arith.constant 32 : index
          %get3A_210 = tpu.vector_load %arg9[%get3A_208, %get3A_209] {strides = array<i32>} : memref<128x128xf32, #tpu.memory_space<vmem>>, vector<1x16xf32>,
          %get3A_211 = vector.shape_cast %get3A_210 : vector<1x16xf32> to vector<16xf32>
          %mul3A_212 = arith.mulf %get3A_211, %broadcast_in_dim3A_183 : vector<16xf32>
          %swap3A_213 = arith.index_cast %add3A_187 : i32 to index
          %swap3A_214 = arith.constant 32 : index
          %swap3A_215 = tpu.vector_load %arg9[%swap3A_213, %swap3A_214] {strides = array<i32>} : memref<128x128xf32, #tpu.memory_space<vmem>>, vector<1x16xf32>,
          %swap3A_216 = vector.shape_cast %swap3A_215 : vector<1x16xf32> to vector<16xf32>
          %swap3A_217 = vector.shape_cast %mul3A_212 : vector<16xf32> to vector<1x16xf32>
          tpu.vector_store %arg9[%swap3A_213, %swap3A_214], %swap3A_217 {strides = array<i32>} : memref<128x128xf32, #tpu.memory_space<vmem>>, vector<1x16xf32>,
          %get3A_218 = arith.index_cast %add3A_187 : i32 to index
          %get3A_219 = arith.constant 48 : index
          %get3A_220 = tpu.vector_load %arg9[%get3A_218, %get3A_219] {strides = array<i32>} : memref<128x128xf32, #tpu.memory_space<vmem>>, vector<1x16xf32>,
          %get3A_221 = vector.shape_cast %get3A_220 : vector<1x16xf32> to vector<16xf32>
          %mul3A_222 = arith.mulf %get3A_221, %broadcast_in_dim3A_183 : vector<16xf32>
          %swap3A_223 = arith.index_cast %add3A_187 : i32 to index
          %swap3A_224 = arith.constant 48 : index
          %swap3A_225 = tpu.vector_load %arg9[%swap3A_223, %swap3A_224] {strides = array<i32>} : memref<128x128xf32, #tpu.memory_space<vmem>>, vector<1x16xf32>,
          %swap3A_226 = vector.shape_cast %swap3A_225 : vector<1x16xf32> to vector<16xf32>
          %swap3A_227 = vector.shape_cast %mul3A_222 : vector<16xf32> to vector<1x16xf32>
          tpu.vector_store %arg9[%swap3A_223, %swap3A_224], %swap3A_227 {strides = array<i32>} : memref<128x128xf32, #tpu.memory_space<vmem>>, vector<1x16xf32>,
          %get3A_228 = arith.index_cast %add3A_187 : i32 to index
          %get3A_229 = arith.constant 64 : index
          %get3A_230 = tpu.vector_load %arg9[%get3A_228, %get3A_229] {strides = array<i32>} : memref<128x128xf32, #tpu.memory_space<vmem>>, vector<1x16xf32>,
          %get3A_231 = vector.shape_cast %get3A_230 : vector<1x16xf32> to vector<16xf32>
          %mul3A_232 = arith.mulf %get3A_231, %broadcast_in_dim3A_183 : vector<16xf32>
          %swap3A_233 = arith.index_cast %add3A_187 : i32 to index
          %swap3A_234 = arith.constant 64 : index
          %swap3A_235 = tpu.vector_load %arg9[%swap3A_233, %swap3A_234] {strides = array<i32>} : memref<128x128xf32, #tpu.memory_space<vmem>>, vector<1x16xf32>,
          %swap3A_236 = vector.shape_cast %swap3A_235 : vector<1x16xf32> to vector<16xf32>
          %swap3A_237 = vector.shape_cast %mul3A_232 : vector<16xf32> to vector<1x16xf32>
          tpu.vector_store %arg9[%swap3A_233, %swap3A_234], %swap3A_237 {strides = array<i32>} : memref<128x128xf32, #tpu.memory_space<vmem>>, vector<1x16xf32>,
          %get3A_238 = arith.index_cast %add3A_187 : i32 to index
          %get3A_239 = arith.constant 80 : index
          %get3A_240 = tpu.vector_load %arg9[%get3A_238, %get3A_239] {strides = array<i32>} : memref<128x128xf32, #tpu.memory_space<vmem>>, vector<1x16xf32>,
          %get3A_241 = vector.shape_cast %get3A_240 : vector<1x16xf32> to vector<16xf32>
          %mul3A_242 = arith.mulf %get3A_241, %broadcast_in_dim3A_183 : vector<16xf32>
          %swap3A_243 = arith.index_cast %add3A_187 : i32 to index
          %swap3A_244 = arith.constant 80 : index
          %swap3A_245 = tpu.vector_load %arg9[%swap3A_243, %swap3A_244] {strides = array<i32>} : memref<128x128xf32, #tpu.memory_space<vmem>>, vector<1x16xf32>,
          %swap3A_246 = vector.shape_cast %swap3A_245 : vector<1x16xf32> to vector<16xf32>
          %swap3A_247 = vector.shape_cast %mul3A_242 : vector<16xf32> to vector<1x16xf32>
          tpu.vector_store %arg9[%swap3A_243, %swap3A_244], %swap3A_247 {strides = array<i32>} : memref<128x128xf32, #tpu.memory_space<vmem>>, vector<1x16xf32>,
          %get3A_248 = arith.index_cast %add3A_187 : i32 to index
          %get3A_249 = arith.constant 96 : index
          %get3A_250 = tpu.vector_load %arg9[%get3A_248, %get3A_249] {strides = array<i32>} : memref<128x128xf32, #tpu.memory_space<vmem>>, vector<1x16xf32>,
          %get3A_251 = vector.shape_cast %get3A_250 : vector<1x16xf32> to vector<16xf32>
          %mul3A_252 = arith.mulf %get3A_251, %broadcast_in_dim3A_183 : vector<16xf32>
          %swap3A_253 = arith.index_cast %add3A_187 : i32 to index
          %swap3A_254 = arith.constant 96 : index
          %swap3A_255 = tpu.vector_load %arg9[%swap3A_253, %swap3A_254] {strides = array<i32>} : memref<128x128xf32, #tpu.memory_space<vmem>>, vector<1x16xf32>,
          %swap3A_256 = vector.shape_cast %swap3A_255 : vector<1x16xf32> to vector<16xf32>
          %swap3A_257 = vector.shape_cast %mul3A_252 : vector<16xf32> to vector<1x16xf32>
          tpu.vector_store %arg9[%swap3A_253, %swap3A_254], %swap3A_257 {strides = array<i32>} : memref<128x128xf32, #tpu.memory_space<vmem>>, vector<1x16xf32>,
          %get3A_258 = arith.index_cast %add3A_187 : i32 to index
          %get3A_259 = arith.constant 112 : index
          %get3A_260 = tpu.vector_load %arg9[%get3A_258, %get3A_259] {strides = array<i32>} : memref<128x128xf32, #tpu.memory_space<vmem>>, vector<1x16xf32>,
          %get3A_261 = vector.shape_cast %get3A_260 : vector<1x16xf32> to vector<16xf32>
          %mul3A_262 = arith.mulf %get3A_261, %broadcast_in_dim3A_183 : vector<16xf32>
          %swap3A_263 = arith.index_cast %add3A_187 : i32 to index
          %swap3A_264 = arith.constant 112 : index
          %swap3A_265 = tpu.vector_load %arg9[%swap3A_263, %swap3A_264] {strides = array<i32>} : memref<128x128xf32, #tpu.memory_space<vmem>>, vector<1x16xf32>,
          %swap3A_266 = vector.shape_cast %swap3A_265 : vector<1x16xf32> to vector<16xf32>
          %swap3A_267 = vector.shape_cast %mul3A_262 : vector<16xf32> to vector<1x16xf32>
          tpu.vector_store %arg9[%swap3A_263, %swap3A_264], %swap3A_267 {strides = array<i32>} : memref<128x128xf32, #tpu.memory_space<vmem>>, vector<1x16xf32>,
          %slice3A_268 = vector.extract_strided_slice %get3A_97 {offsets = [2], sizes = [1], strides = [1]} : vector<16xf32> to vector<1xf32>
          %squeeze3A_269 = vector.extract %slice3A_268[0] : f32 from vector<1xf32>
          %broadcast_in_dim3A_270 = vector.broadcast %squeeze3A_269 : f32 to vector<16xf32>
          %mul3A_271 = arith.constant 16 : i32
          %mul3A_272 = arith.muli %scan3A_93, %mul3A_271 : i32
          %add3A_273 = arith.constant 2 : i32
          %add3A_274 = arith.addi %mul3A_272, %add3A_273 : i32
          %get3A_275 = arith.index_cast %add3A_274 : i32 to index
          %get3A_276 = arith.constant 0 : index
          %get3A_277 = tpu.vector_load %arg9[%get3A_275, %get3A_276] {strides = array<i32>} : memref<128x128xf32, #tpu.memory_space<vmem>>, vector<1x16xf32>,
          %get3A_278 = vector.shape_cast %get3A_277 : vector<1x16xf32> to vector<16xf32>
          %mul3A_279 = arith.mulf %get3A_278, %broadcast_in_dim3A_270 : vector<16xf32>
          %swap3A_280 = arith.index_cast %add3A_274 : i32 to index
          %swap3A_281 = arith.constant 0 : index
          %swap3A_282 = tpu.vector_load %arg9[%swap3A_280, %swap3A_281] {strides = array<i32>} : memref<128x128xf32, #tpu.memory_space<vmem>>, vector<1x16xf32>,
          %swap3A_283 = vector.shape_cast %swap3A_282 : vector<1x16xf32> to vector<16xf32>
          %swap3A_284 = vector.shape_cast %mul3A_279 : vector<16xf32> to vector<1x16xf32>
          tpu.vector_store %arg9[%swap3A_280, %swap3A_281], %swap3A_284 {strides = array<i32>} : memref<128x128xf32, #tpu.memory_space<vmem>>, vector<1x16xf32>,
          %get3A_285 = arith.index_cast %add3A_274 : i32 to index
          %get3A_286 = arith.constant 16 : index
          %get3A_287 = tpu.vector_load %arg9[%get3A_285, %get3A_286] {strides = array<i32>} : memref<128x128xf32, #tpu.memory_space<vmem>>, vector<1x16xf32>,
          %get3A_288 = vector.shape_cast %get3A_287 : vector<1x16xf32> to vector<16xf32>
          %mul3A_289 = arith.mulf %get3A_288, %broadcast_in_dim3A_270 : vector<16xf32>
          %swap3A_290 = arith.index_cast %add3A_274 : i32 to index
          %swap3A_291 = arith.constant 16 : index
          %swap3A_292 = tpu.vector_load %arg9[%swap3A_290, %swap3A_291] {strides = array<i32>} : memref<128x128xf32, #tpu.memory_space<vmem>>, vector<1x16xf32>,
          %swap3A_293 = vector.shape_cast %swap3A_292 : vector<1x16xf32> to vector<16xf32>
          %swap3A_294 = vector.shape_cast %mul3A_289 : vector<16xf32> to vector<1x16xf32>
          tpu.vector_store %arg9[%swap3A_290, %swap3A_291], %swap3A_294 {strides = array<i32>} : memref<128x128xf32, #tpu.memory_space<vmem>>, vector<1x16xf32>,
          %get3A_295 = arith.index_cast %add3A_274 : i32 to index
          %get3A_296 = arith.constant 32 : index
          %get3A_297 = tpu.vector_load %arg9[%get3A_295, %get3A_296] {strides = array<i32>} : memref<128x128xf32, #tpu.memory_space<vmem>>, vector<1x16xf32>,
          %get3A_298 = vector.shape_cast %get3A_297 : vector<1x16xf32> to vector<16xf32>
          %mul3A_299 = arith.mulf %get3A_298, %broadcast_in_dim3A_270 : vector<16xf32>
          %swap3A_300 = arith.index_cast %add3A_274 : i32 to index
          %swap3A_301 = arith.constant 32 : index
          %swap3A_302 = tpu.vector_load %arg9[%swap3A_300, %swap3A_301] {strides = array<i32>} : memref<128x128xf32, #tpu.memory_space<vmem>>, vector<1x16xf32>,
          %swap3A_303 = vector.shape_cast %swap3A_302 : vector<1x16xf32> to vector<16xf32>
          %swap3A_304 = vector.shape_cast %mul3A_299 : vector<16xf32> to vector<1x16xf32>
          tpu.vector_store %arg9[%swap3A_300, %swap3A_301], %swap3A_304 {strides = array<i32>} : memref<128x128xf32, #tpu.memory_space<vmem>>, vector<1x16xf32>,
          %get3A_305 = arith.index_cast %add3A_274 : i32 to index
          %get3A_306 = arith.constant 48 : index
          %get3A_307 = tpu.vector_load %arg9[%get3A_305, %get3A_306] {strides = array<i32>} : memref<128x128xf32, #tpu.memory_space<vmem>>, vector<1x16xf32>,
          %get3A_308 = vector.shape_cast %get3A_307 : vector<1x16xf32> to vector<16xf32>
          %mul3A_309 = arith.mulf %get3A_308, %broadcast_in_dim3A_270 : vector<16xf32>
          %swap3A_310 = arith.index_cast %add3A_274 : i32 to index
          %swap3A_311 = arith.constant 48 : index
          %swap3A_312 = tpu.vector_load %arg9[%swap3A_310, %swap3A_311] {strides = array<i32>} : memref<128x128xf32, #tpu.memory_space<vmem>>, vector<1x16xf32>,
          %swap3A_313 = vector.shape_cast %swap3A_312 : vector<1x16xf32> to vector<16xf32>
          %swap3A_314 = vector.shape_cast %mul3A_309 : vector<16xf32> to vector<1x16xf32>
          tpu.vector_store %arg9[%swap3A_310, %swap3A_311], %swap3A_314 {strides = array<i32>} : memref<128x128xf32, #tpu.memory_space<vmem>>, vector<1x16xf32>,
          %get3A_315 = arith.index_cast %add3A_274 : i32 to index
          %get3A_316 = arith.constant 64 : index
          %get3A_317 = tpu.vector_load %arg9[%get3A_315, %get3A_316] {strides = array<i32>} : memref<128x128xf32, #tpu.memory_space<vmem>>, vector<1x16xf32>,
          %get3A_318 = vector.shape_cast %get3A_317 : vector<1x16xf32> to vector<16xf32>
          %mul3A_319 = arith.mulf %get3A_318, %broadcast_in_dim3A_270 : vector<16xf32>
          %swap3A_320 = arith.index_cast %add3A_274 : i32 to index
          %swap3A_321 = arith.constant 64 : index
          %swap3A_322 = tpu.vector_load %arg9[%swap3A_320, %swap3A_321] {strides = array<i32>} : memref<128x128xf32, #tpu.memory_space<vmem>>, vector<1x16xf32>,
          %swap3A_323 = vector.shape_cast %swap3A_322 : vector<1x16xf32> to vector<16xf32>
          %swap3A_324 = vector.shape_cast %mul3A_319 : vector<16xf32> to vector<1x16xf32>
          tpu.vector_store %arg9[%swap3A_320, %swap3A_321], %swap3A_324 {strides = array<i32>} : memref<128x128xf32, #tpu.memory_space<vmem>>, vector<1x16xf32>,
          %get3A_325 = arith.index_cast %add3A_274 : i32 to index
          %get3A_326 = arith.constant 80 : index
          %get3A_327 = tpu.vector_load %arg9[%get3A_325, %get3A_326] {strides = array<i32>} : memref<128x128xf32, #tpu.memory_space<vmem>>, vector<1x16xf32>,
          %get3A_328 = vector.shape_cast %get3A_327 : vector<1x16xf32> to vector<16xf32>
          %mul3A_329 = arith.mulf %get3A_328, %broadcast_in_dim3A_270 : vector<16xf32>
          %swap3A_330 = arith.index_cast %add3A_274 : i32 to index
          %swap3A_331 = arith.constant 80 : index
          %swap3A_332 = tpu.vector_load %arg9[%swap3A_330, %swap3A_331] {strides = array<i32>} : memref<128x128xf32, #tpu.memory_space<vmem>>, vector<1x16xf32>,
          %swap3A_333 = vector.shape_cast %swap3A_332 : vector<1x16xf32> to vector<16xf32>
          %swap3A_334 = vector.shape_cast %mul3A_329 : vector<16xf32> to vector<1x16xf32>
          tpu.vector_store %arg9[%swap3A_330, %swap3A_331], %swap3A_334 {strides = array<i32>} : memref<128x128xf32, #tpu.memory_space<vmem>>, vector<1x16xf32>,
          %get3A_335 = arith.index_cast %add3A_274 : i32 to index
          %get3A_336 = arith.constant 96 : index
          %get3A_337 = tpu.vector_load %arg9[%get3A_335, %get3A_336] {strides = array<i32>} : memref<128x128xf32, #tpu.memory_space<vmem>>, vector<1x16xf32>,
          %get3A_338 = vector.shape_cast %get3A_337 : vector<1x16xf32> to vector<16xf32>
          %mul3A_339 = arith.mulf %get3A_338, %broadcast_in_dim3A_270 : vector<16xf32>
          %swap3A_340 = arith.index_cast %add3A_274 : i32 to index
          %swap3A_341 = arith.constant 96 : index
          %swap3A_342 = tpu.vector_load %arg9[%swap3A_340, %swap3A_341] {strides = array<i32>} : memref<128x128xf32, #tpu.memory_space<vmem>>, vector<1x16xf32>,
          %swap3A_343 = vector.shape_cast %swap3A_342 : vector<1x16xf32> to vector<16xf32>
          %swap3A_344 = vector.shape_cast %mul3A_339 : vector<16xf32> to vector<1x16xf32>
          tpu.vector_store %arg9[%swap3A_340, %swap3A_341], %swap3A_344 {strides = array<i32>} : memref<128x128xf32, #tpu.memory_space<vmem>>, vector<1x16xf32>,
          %get3A_345 = arith.index_cast %add3A_274 : i32 to index
          %get3A_346 = arith.constant 112 : index
          %get3A_347 = tpu.vector_load %arg9[%get3A_345, %get3A_346] {strides = array<i32>} : memref<128x128xf32, #tpu.memory_space<vmem>>, vector<1x16xf32>,
          %get3A_348 = vector.shape_cast %get3A_347 : vector<1x16xf32> to vector<16xf32>
          %mul3A_349 = arith.mulf %get3A_348, %broadcast_in_dim3A_270 : vector<16xf32>
          %swap3A_350 = arith.index_cast %add3A_274 : i32 to index
          %swap3A_351 = arith.constant 112 : index
          %swap3A_352 = tpu.vector_load %arg9[%swap3A_350, %swap3A_351] {strides = array<i32>} : memref<128x128xf32, #tpu.memory_space<vmem>>, vector<1x16xf32>,
          %swap3A_353 = vector.shape_cast %swap3A_352 : vector<1x16xf32> to vector<16xf32>
          %swap3A_354 = vector.shape_cast %mul3A_349 : vector<16xf32> to vector<1x16xf32>
          tpu.vector_store %arg9[%swap3A_350, %swap3A_351], %swap3A_354 {strides = array<i32>} : memref<128x128xf32, #tpu.memory_space<vmem>>, vector<1x16xf32>,
          %slice3A_355 = vector.extract_strided_slice %get3A_97 {offsets = [3], sizes = [1], strides = [1]} : vector<16xf32> to vector<1xf32>
          %squeeze3A_356 = vector.extract %slice3A_355[0] : f32 from vector<1xf32>
          %broadcast_in_dim3A_357 = vector.broadcast %squeeze3A_356 : f32 to vector<16xf32>
          %mul3A_358 = arith.constant 16 : i32
          %mul3A_359 = arith.muli %scan3A_93, %mul3A_358 : i32
          %add3A_360 = arith.constant 3 : i32
          %add3A_361 = arith.addi %mul3A_359, %add3A_360 : i32
          %get3A_362 = arith.index_cast %add3A_361 : i32 to index
          %get3A_363 = arith.constant 0 : index
          %get3A_364 = tpu.vector_load %arg9[%get3A_362, %get3A_363] {strides = array<i32>} : memref<128x128xf32, #tpu.memory_space<vmem>>, vector<1x16xf32>,
          %get3A_365 = vector.shape_cast %get3A_364 : vector<1x16xf32> to vector<16xf32>
          %mul3A_366 = arith.mulf %get3A_365, %broadcast_in_dim3A_357 : vector<16xf32>
          %swap3A_367 = arith.index_cast %add3A_361 : i32 to index
          %swap3A_368 = arith.constant 0 : index
          %swap3A_369 = tpu.vector_load %arg9[%swap3A_367, %swap3A_368] {strides = array<i32>} : memref<128x128xf32, #tpu.memory_space<vmem>>, vector<1x16xf32>,
          %swap3A_370 = vector.shape_cast %swap3A_369 : vector<1x16xf32> to vector<16xf32>
          %swap3A_371 = vector.shape_cast %mul3A_366 : vector<16xf32> to vector<1x16xf32>
          tpu.vector_store %arg9[%swap3A_367, %swap3A_368], %swap3A_371 {strides = array<i32>} : memref<128x128xf32, #tpu.memory_space<vmem>>, vector<1x16xf32>,
          %get3A_372 = arith.index_cast %add3A_361 : i32 to index
          %get3A_373 = arith.constant 16 : index
          %get3A_374 = tpu.vector_load %arg9[%get3A_372, %get3A_373] {strides = array<i32>} : memref<128x128xf32, #tpu.memory_space<vmem>>, vector<1x16xf32>,
          %get3A_375 = vector.shape_cast %get3A_374 : vector<1x16xf32> to vector<16xf32>
          %mul3A_376 = arith.mulf %get3A_375, %broadcast_in_dim3A_357 : vector<16xf32>
          %swap3A_377 = arith.index_cast %add3A_361 : i32 to index
          %swap3A_378 = arith.constant 16 : index
          %swap3A_379 = tpu.vector_load %arg9[%swap3A_377, %swap3A_378] {strides = array<i32>} : memref<128x128xf32, #tpu.memory_space<vmem>>, vector<1x16xf32>,
          %swap3A_380 = vector.shape_cast %swap3A_379 : vector<1x16xf32> to vector<16xf32>
          %swap3A_381 = vector.shape_cast %mul3A_376 : vector<16xf32> to vector<1x16xf32>
          tpu.vector_store %arg9[%swap3A_377, %swap3A_378], %swap3A_381 {strides = array<i32>} : memref<128x128xf32, #tpu.memory_space<vmem>>, vector<1x16xf32>,
          %get3A_382 = arith.index_cast %add3A_361 : i32 to index
          %get3A_383 = arith.constant 32 : index
          %get3A_384 = tpu.vector_load %arg9[%get3A_382, %get3A_383] {strides = array<i32>} : memref<128x128xf32, #tpu.memory_space<vmem>>, vector<1x16xf32>,
          %get3A_385 = vector.shape_cast %get3A_384 : vector<1x16xf32> to vector<16xf32>
          %mul3A_386 = arith.mulf %get3A_385, %broadcast_in_dim3A_357 : vector<16xf32>
          %swap3A_387 = arith.index_cast %add3A_361 : i32 to index
          %swap3A_388 = arith.constant 32 : index
          %swap3A_389 = tpu.vector_load %arg9[%swap3A_387, %swap3A_388] {strides = array<i32>} : memref<128x128xf32, #tpu.memory_space<vmem>>, vector<1x16xf32>,
          %swap3A_390 = vector.shape_cast %swap3A_389 : vector<1x16xf32> to vector<16xf32>
          %swap3A_391 = vector.shape_cast %mul3A_386 : vector<16xf32> to vector<1x16xf32>
          tpu.vector_store %arg9[%swap3A_387, %swap3A_388], %swap3A_391 {strides = array<i32>} : memref<128x128xf32, #tpu.memory_space<vmem>>, vector<1x16xf32>,
          %get3A_392 = arith.index_cast %add3A_361 : i32 to index
          %get3A_393 = arith.constant 48 : index
          %get3A_394 = tpu.vector_load %arg9[%get3A_392, %get3A_393] {strides = array<i32>} : memref<128x128xf32, #tpu.memory_space<vmem>>, vector<1x16xf32>,
          %get3A_395 = vector.shape_cast %get3A_394 : vector<1x16xf32> to vector<16xf32>
          %mul3A_396 = arith.mulf %get3A_395, %broadcast_in_dim3A_357 : vector<16xf32>
          %swap3A_397 = arith.index_cast %add3A_361 : i32 to index
          %swap3A_398 = arith.constant 48 : index
          %swap3A_399 = tpu.vector_load %arg9[%swap3A_397, %swap3A_398] {strides = array<i32>} : memref<128x128xf32, #tpu.memory_space<vmem>>, vector<1x16xf32>,
          %swap3A_400 = vector.shape_cast %swap3A_399 : vector<1x16xf32> to vector<16xf32>
          %swap3A_401 = vector.shape_cast %mul3A_396 : vector<16xf32> to vector<1x16xf32>
          tpu.vector_store %arg9[%swap3A_397, %swap3A_398], %swap3A_401 {strides = array<i32>} : memref<128x128xf32, #tpu.memory_space<vmem>>, vector<1x16xf32>,
          %get3A_402 = arith.index_cast %add3A_361 : i32 to index
          %get3A_403 = arith.constant 64 : index
          %get3A_404 = tpu.vector_load %arg9[%get3A_402, %get3A_403] {strides = array<i32>} : memref<128x128xf32, #tpu.memory_space<vmem>>, vector<1x16xf32>,
          %get3A_405 = vector.shape_cast %get3A_404 : vector<1x16xf32> to vector<16xf32>
          %mul3A_406 = arith.mulf %get3A_405, %broadcast_in_dim3A_357 : vector<16xf32>
          %swap3A_407 = arith.index_cast %add3A_361 : i32 to index
          %swap3A_408 = arith.constant 64 : index
          %swap3A_409 = tpu.vector_load %arg9[%swap3A_407, %swap3A_408] {strides = array<i32>} : memref<128x128xf32, #tpu.memory_space<vmem>>, vector<1x16xf32>,
          %swap3A_410 = vector.shape_cast %swap3A_409 : vector<1x16xf32> to vector<16xf32>
          %swap3A_411 = vector.shape_cast %mul3A_406 : vector<16xf32> to vector<1x16xf32>
          tpu.vector_store %arg9[%swap3A_407, %swap3A_408], %swap3A_411 {strides = array<i32>} : memref<128x128xf32, #tpu.memory_space<vmem>>, vector<1x16xf32>,
          %get3A_412 = arith.index_cast %add3A_361 : i32 to index
          %get3A_413 = arith.constant 80 : index
          %get3A_414 = tpu.vector_load %arg9[%get3A_412, %get3A_413] {strides = array<i32>} : memref<128x128xf32, #tpu.memory_space<vmem>>, vector<1x16xf32>,
          %get3A_415 = vector.shape_cast %get3A_414 : vector<1x16xf32> to vector<16xf32>
          %mul3A_416 = arith.mulf %get3A_415, %broadcast_in_dim3A_357 : vector<16xf32>
          %swap3A_417 = arith.index_cast %add3A_361 : i32 to index
          %swap3A_418 = arith.constant 80 : index
          %swap3A_419 = tpu.vector_load %arg9[%swap3A_417, %swap3A_418] {strides = array<i32>} : memref<128x128xf32, #tpu.memory_space<vmem>>, vector<1x16xf32>,
          %swap3A_420 = vector.shape_cast %swap3A_419 : vector<1x16xf32> to vector<16xf32>
          %swap3A_421 = vector.shape_cast %mul3A_416 : vector<16xf32> to vector<1x16xf32>
          tpu.vector_store %arg9[%swap3A_417, %swap3A_418], %swap3A_421 {strides = array<i32>} : memref<128x128xf32, #tpu.memory_space<vmem>>, vector<1x16xf32>,
          %get3A_422 = arith.index_cast %add3A_361 : i32 to index
          %get3A_423 = arith.constant 96 : index
          %get3A_424 = tpu.vector_load %arg9[%get3A_422, %get3A_423] {strides = array<i32>} : memref<128x128xf32, #tpu.memory_space<vmem>>, vector<1x16xf32>,
          %get3A_425 = vector.shape_cast %get3A_424 : vector<1x16xf32> to vector<16xf32>
          %mul3A_426 = arith.mulf %get3A_425, %broadcast_in_dim3A_357 : vector<16xf32>
          %swap3A_427 = arith.index_cast %add3A_361 : i32 to index
          %swap3A_428 = arith.constant 96 : index
          %swap3A_429 = tpu.vector_load %arg9[%swap3A_427, %swap3A_428] {strides = array<i32>} : memref<128x128xf32, #tpu.memory_space<vmem>>, vector<1x16xf32>,
          %swap3A_430 = vector.shape_cast %swap3A_429 : vector<1x16xf32> to vector<16xf32>
          %swap3A_431 = vector.shape_cast %mul3A_426 : vector<16xf32> to vector<1x16xf32>
          tpu.vector_store %arg9[%swap3A_427, %swap3A_428], %swap3A_431 {strides = array<i32>} : memref<128x128xf32, #tpu.memory_space<vmem>>, vector<1x16xf32>,
          %get3A_432 = arith.index_cast %add3A_361 : i32 to index
          %get3A_433 = arith.constant 112 : index
          %get3A_434 = tpu.vector_load %arg9[%get3A_432, %get3A_433] {strides = array<i32>} : memref<128x128xf32, #tpu.memory_space<vmem>>, vector<1x16xf32>,
          %get3A_435 = vector.shape_cast %get3A_434 : vector<1x16xf32> to vector<16xf32>
          %mul3A_436 = arith.mulf %get3A_435, %broadcast_in_dim3A_357 : vector<16xf32>
          %swap3A_437 = arith.index_cast %add3A_361 : i32 to index
          %swap3A_438 = arith.constant 112 : index
          %swap3A_439 = tpu.vector_load %arg9[%swap3A_437, %swap3A_438] {strides = array<i32>} : memref<128x128xf32, #tpu.memory_space<vmem>>, vector<1x16xf32>,
          %swap3A_440 = vector.shape_cast %swap3A_439 : vector<1x16xf32> to vector<16xf32>
          %swap3A_441 = vector.shape_cast %mul3A_436 : vector<16xf32> to vector<1x16xf32>
          tpu.vector_store %arg9[%swap3A_437, %swap3A_438], %swap3A_441 {strides = array<i32>} : memref<128x128xf32, #tpu.memory_space<vmem>>, vector<1x16xf32>,
          %slice3A_442 = vector.extract_strided_slice %get3A_97 {offsets = [4], sizes = [1], strides = [1]} : vector<16xf32> to vector<1xf32>
          %squeeze3A_443 = vector.extract %slice3A_442[0] : f32 from vector<1xf32>
          %broadcast_in_dim3A_444 = vector.broadcast %squeeze3A_443 : f32 to vector<16xf32>
          %mul3A_445 = arith.constant 16 : i32
          %mul3A_446 = arith.muli %scan3A_93, %mul3A_445 : i32
          %add3A_447 = arith.constant 4 : i32
          %add3A_448 = arith.addi %mul3A_446, %add3A_447 : i32
          %get3A_449 = arith.index_cast %add3A_448 : i32 to index
          %get3A_450 = arith.constant 0 : index
          %get3A_451 = tpu.vector_load %arg9[%get3A_449, %get3A_450] {strides = array<i32>} : memref<128x128xf32, #tpu.memory_space<vmem>>, vector<1x16xf32>,
          %get3A_452 = vector.shape_cast %get3A_451 : vector<1x16xf32> to vector<16xf32>
          %mul3A_453 = arith.mulf %get3A_452, %broadcast_in_dim3A_444 : vector<16xf32>
          %swap3A_454 = arith.index_cast %add3A_448 : i32 to index
          %swap3A_455 = arith.constant 0 : index
          %swap3A_456 = tpu.vector_load %arg9[%swap3A_454, %swap3A_455] {strides = array<i32>} : memref<128x128xf32, #tpu.memory_space<vmem>>, vector<1x16xf32>,
          %swap3A_457 = vector.shape_cast %swap3A_456 : vector<1x16xf32> to vector<16xf32>
          %swap3A_458 = vector.shape_cast %mul3A_453 : vector<16xf32> to vector<1x16xf32>
          tpu.vector_store %arg9[%swap3A_454, %swap3A_455], %swap3A_458 {strides = array<i32>} : memref<128x128xf32, #tpu.memory_space<vmem>>, vector<1x16xf32>,
          %get3A_459 = arith.index_cast %add3A_448 : i32 to index
          %get3A_460 = arith.constant 16 : index
          %get3A_461 = tpu.vector_load %arg9[%get3A_459, %get3A_460] {strides = array<i32>} : memref<128x128xf32, #tpu.memory_space<vmem>>, vector<1x16xf32>,
          %get3A_462 = vector.shape_cast %get3A_461 : vector<1x16xf32> to vector<16xf32>
          %mul3A_463 = arith.mulf %get3A_462, %broadcast_in_dim3A_444 : vector<16xf32>
          %swap3A_464 = arith.index_cast %add3A_448 : i32 to index
          %swap3A_465 = arith.constant 16 : index
          %swap3A_466 = tpu.vector_load %arg9[%swap3A_464, %swap3A_465] {strides = array<i32>} : memref<128x128xf32, #tpu.memory_space<vmem>>, vector<1x16xf32>,
          %swap3A_467 = vector.shape_cast %swap3A_466 : vector<1x16xf32> to vector<16xf32>
          %swap3A_468 = vector.shape_cast %mul3A_463 : vector<16xf32> to vector<1x16xf32>
          tpu.vector_store %arg9[%swap3A_464, %swap3A_465], %swap3A_468 {strides = array<i32>} : memref<128x128xf32, #tpu.memory_space<vmem>>, vector<1x16xf32>,
          %get3A_469 = arith.index_cast %add3A_448 : i32 to index
          %get3A_470 = arith.constant 32 : index
          %get3A_471 = tpu.vector_load %arg9[%get3A_469, %get3A_470] {strides = array<i32>} : memref<128x128xf32, #tpu.memory_space<vmem>>, vector<1x16xf32>,
          %get3A_472 = vector.shape_cast %get3A_471 : vector<1x16xf32> to vector<16xf32>
          %mul3A_473 = arith.mulf %get3A_472, %broadcast_in_dim3A_444 : vector<16xf32>
          %swap3A_474 = arith.index_cast %add3A_448 : i32 to index
          %swap3A_475 = arith.constant 32 : index
          %swap3A_476 = tpu.vector_load %arg9[%swap3A_474, %swap3A_475] {strides = array<i32>} : memref<128x128xf32, #tpu.memory_space<vmem>>, vector<1x16xf32>,
          %swap3A_477 = vector.shape_cast %swap3A_476 : vector<1x16xf32> to vector<16xf32>
          %swap3A_478 = vector.shape_cast %mul3A_473 : vector<16xf32> to vector<1x16xf32>
          tpu.vector_store %arg9[%swap3A_474, %swap3A_475], %swap3A_478 {strides = array<i32>} : memref<128x128xf32, #tpu.memory_space<vmem>>, vector<1x16xf32>,
          %get3A_479 = arith.index_cast %add3A_448 : i32 to index
          %get3A_480 = arith.constant 48 : index
          %get3A_481 = tpu.vector_load %arg9[%get3A_479, %get3A_480] {strides = array<i32>} : memref<128x128xf32, #tpu.memory_space<vmem>>, vector<1x16xf32>,
          %get3A_482 = vector.shape_cast %get3A_481 : vector<1x16xf32> to vector<16xf32>
          %mul3A_483 = arith.mulf %get3A_482, %broadcast_in_dim3A_444 : vector<16xf32>
          %swap3A_484 = arith.index_cast %add3A_448 : i32 to index
          %swap3A_485 = arith.constant 48 : index
          %swap3A_486 = tpu.vector_load %arg9[%swap3A_484, %swap3A_485] {strides = array<i32>} : memref<128x128xf32, #tpu.memory_space<vmem>>, vector<1x16xf32>,
          %swap3A_487 = vector.shape_cast %swap3A_486 : vector<1x16xf32> to vector<16xf32>
          %swap3A_488 = vector.shape_cast %mul3A_483 : vector<16xf32> to vector<1x16xf32>
          tpu.vector_store %arg9[%swap3A_484, %swap3A_485], %swap3A_488 {strides = array<i32>} : memref<128x128xf32, #tpu.memory_space<vmem>>, vector<1x16xf32>,
          %get3A_489 = arith.index_cast %add3A_448 : i32 to index
          %get3A_490 = arith.constant 64 : index
          %get3A_491 = tpu.vector_load %arg9[%get3A_489, %get3A_490] {strides = array<i32>} : memref<128x128xf32, #tpu.memory_space<vmem>>, vector<1x16xf32>,
          %get3A_492 = vector.shape_cast %get3A_491 : vector<1x16xf32> to vector<16xf32>
          %mul3A_493 = arith.mulf %get3A_492, %broadcast_in_dim3A_444 : vector<16xf32>
          %swap3A_494 = arith.index_cast %add3A_448 : i32 to index
          %swap3A_495 = arith.constant 64 : index
          %swap3A_496 = tpu.vector_load %arg9[%swap3A_494, %swap3A_495] {strides = array<i32>} : memref<128x128xf32, #tpu.memory_space<vmem>>, vector<1x16xf32>,
          %swap3A_497 = vector.shape_cast %swap3A_496 : vector<1x16xf32> to vector<16xf32>
          %swap3A_498 = vector.shape_cast %mul3A_493 : vector<16xf32> to vector<1x16xf32>
          tpu.vector_store %arg9[%swap3A_494, %swap3A_495], %swap3A_498 {strides = array<i32>} : memref<128x128xf32, #tpu.memory_space<vmem>>, vector<1x16xf32>,
          %get3A_499 = arith.index_cast %add3A_448 : i32 to index
          %get3A_500 = arith.constant 80 : index
          %get3A_501 = tpu.vector_load %arg9[%get3A_499, %get3A_500] {strides = array<i32>} : memref<128x128xf32, #tpu.memory_space<vmem>>, vector<1x16xf32>,
          %get3A_502 = vector.shape_cast %get3A_501 : vector<1x16xf32> to vector<16xf32>
          %mul3A_503 = arith.mulf %get3A_502, %broadcast_in_dim3A_444 : vector<16xf32>
          %swap3A_504 = arith.index_cast %add3A_448 : i32 to index
          %swap3A_505 = arith.constant 80 : index
          %swap3A_506 = tpu.vector_load %arg9[%swap3A_504, %swap3A_505] {strides = array<i32>} : memref<128x128xf32, #tpu.memory_space<vmem>>, vector<1x16xf32>,
          %swap3A_507 = vector.shape_cast %swap3A_506 : vector<1x16xf32> to vector<16xf32>
          %swap3A_508 = vector.shape_cast %mul3A_503 : vector<16xf32> to vector<1x16xf32>
          tpu.vector_store %arg9[%swap3A_504, %swap3A_505], %swap3A_508 {strides = array<i32>} : memref<128x128xf32, #tpu.memory_space<vmem>>, vector<1x16xf32>,
          %get3A_509 = arith.index_cast %add3A_448 : i32 to index
          %get3A_510 = arith.constant 96 : index
          %get3A_511 = tpu.vector_load %arg9[%get3A_509, %get3A_510] {strides = array<i32>} : memref<128x128xf32, #tpu.memory_space<vmem>>, vector<1x16xf32>,
          %get3A_512 = vector.shape_cast %get3A_511 : vector<1x16xf32> to vector<16xf32>
          %mul3A_513 = arith.mulf %get3A_512, %broadcast_in_dim3A_444 : vector<16xf32>
          %swap3A_514 = arith.index_cast %add3A_448 : i32 to index
          %swap3A_515 = arith.constant 96 : index
          %swap3A_516 = tpu.vector_load %arg9[%swap3A_514, %swap3A_515] {strides = array<i32>} : memref<128x128xf32, #tpu.memory_space<vmem>>, vector<1x16xf32>,
          %swap3A_517 = vector.shape_cast %swap3A_516 : vector<1x16xf32> to vector<16xf32>
          %swap3A_518 = vector.shape_cast %mul3A_513 : vector<16xf32> to vector<1x16xf32>
          tpu.vector_store %arg9[%swap3A_514, %swap3A_515], %swap3A_518 {strides = array<i32>} : memref<128x128xf32, #tpu.memory_space<vmem>>, vector<1x16xf32>,
          %get3A_519 = arith.index_cast %add3A_448 : i32 to index
          %get3A_520 = arith.constant 112 : index
          %get3A_521 = tpu.vector_load %arg9[%get3A_519, %get3A_520] {strides = array<i32>} : memref<128x128xf32, #tpu.memory_space<vmem>>, vector<1x16xf32>,
          %get3A_522 = vector.shape_cast %get3A_521 : vector<1x16xf32> to vector<16xf32>
          %mul3A_523 = arith.mulf %get3A_522, %broadcast_in_dim3A_444 : vector<16xf32>
          %swap3A_524 = arith.index_cast %add3A_448 : i32 to index
          %swap3A_525 = arith.constant 112 : index
          %swap3A_526 = tpu.vector_load %arg9[%swap3A_524, %swap3A_525] {strides = array<i32>} : memref<128x128xf32, #tpu.memory_space<vmem>>, vector<1x16xf32>,
          %swap3A_527 = vector.shape_cast %swap3A_526 : vector<1x16xf32> to vector<16xf32>
          %swap3A_528 = vector.shape_cast %mul3A_523 : vector<16xf32> to vector<1x16xf32>
          tpu.vector_store %arg9[%swap3A_524, %swap3A_525], %swap3A_528 {strides = array<i32>} : memref<128x128xf32, #tpu.memory_space<vmem>>, vector<1x16xf32>,
          %slice3A_529 = vector.extract_strided_slice %get3A_97 {offsets = [5], sizes = [1], strides = [1]} : vector<16xf32> to vector<1xf32>
          %squeeze3A_530 = vector.extract %slice3A_529[0] : f32 from vector<1xf32>
          %broadcast_in_dim3A_531 = vector.broadcast %squeeze3A_530 : f32 to vector<16xf32>
          %mul3A_532 = arith.constant 16 : i32
          %mul3A_533 = arith.muli %scan3A_93, %mul3A_532 : i32
          %add3A_534 = arith.constant 5 : i32
          %add3A_535 = arith.addi %mul3A_533, %add3A_534 : i32
          %get3A_536 = arith.index_cast %add3A_535 : i32 to index
          %get3A_537 = arith.constant 0 : index
          %get3A_538 = tpu.vector_load %arg9[%get3A_536, %get3A_537] {strides = array<i32>} : memref<128x128xf32, #tpu.memory_space<vmem>>, vector<1x16xf32>,
          %get3A_539 = vector.shape_cast %get3A_538 : vector<1x16xf32> to vector<16xf32>
          %mul3A_540 = arith.mulf %get3A_539, %broadcast_in_dim3A_531 : vector<16xf32>
          %swap3A_541 = arith.index_cast %add3A_535 : i32 to index
          %swap3A_542 = arith.constant 0 : index
          %swap3A_543 = tpu.vector_load %arg9[%swap3A_541, %swap3A_542] {strides = array<i32>} : memref<128x128xf32, #tpu.memory_space<vmem>>, vector<1x16xf32>,
          %swap3A_544 = vector.shape_cast %swap3A_543 : vector<1x16xf32> to vector<16xf32>
          %swap3A_545 = vector.shape_cast %mul3A_540 : vector<16xf32> to vector<1x16xf32>
          tpu.vector_store %arg9[%swap3A_541, %swap3A_542], %swap3A_545 {strides = array<i32>} : memref<128x128xf32, #tpu.memory_space<vmem>>, vector<1x16xf32>,
          %get3A_546 = arith.index_cast %add3A_535 : i32 to index
          %get3A_547 = arith.constant 16 : index
          %get3A_548 = tpu.vector_load %arg9[%get3A_546, %get3A_547] {strides = array<i32>} : memref<128x128xf32, #tpu.memory_space<vmem>>, vector<1x16xf32>,
          %get3A_549 = vector.shape_cast %get3A_548 : vector<1x16xf32> to vector<16xf32>
          %mul3A_550 = arith.mulf %get3A_549, %broadcast_in_dim3A_531 : vector<16xf32>
          %swap3A_551 = arith.index_cast %add3A_535 : i32 to index
          %swap3A_552 = arith.constant 16 : index
          %swap3A_553 = tpu.vector_load %arg9[%swap3A_551, %swap3A_552] {strides = array<i32>} : memref<128x128xf32, #tpu.memory_space<vmem>>, vector<1x16xf32>,
          %swap3A_554 = vector.shape_cast %swap3A_553 : vector<1x16xf32> to vector<16xf32>
          %swap3A_555 = vector.shape_cast %mul3A_550 : vector<16xf32> to vector<1x16xf32>
          tpu.vector_store %arg9[%swap3A_551, %swap3A_552], %swap3A_555 {strides = array<i32>} : memref<128x128xf32, #tpu.memory_space<vmem>>, vector<1x16xf32>,
          %get3A_556 = arith.index_cast %add3A_535 : i32 to index
          %get3A_557 = arith.constant 32 : index
          %get3A_558 = tpu.vector_load %arg9[%get3A_556, %get3A_557] {strides = array<i32>} : memref<128x128xf32, #tpu.memory_space<vmem>>, vector<1x16xf32>,
          %get3A_559 = vector.shape_cast %get3A_558 : vector<1x16xf32> to vector<16xf32>
          %mul3A_560 = arith.mulf %get3A_559, %broadcast_in_dim3A_531 : vector<16xf32>
          %swap3A_561 = arith.index_cast %add3A_535 : i32 to index
          %swap3A_562 = arith.constant 32 : index
          %swap3A_563 = tpu.vector_load %arg9[%swap3A_561, %swap3A_562] {strides = array<i32>} : memref<128x128xf32, #tpu.memory_space<vmem>>, vector<1x16xf32>,
          %swap3A_564 = vector.shape_cast %swap3A_563 : vector<1x16xf32> to vector<16xf32>
          %swap3A_565 = vector.shape_cast %mul3A_560 : vector<16xf32> to vector<1x16xf32>
          tpu.vector_store %arg9[%swap3A_561, %swap3A_562], %swap3A_565 {strides = array<i32>} : memref<128x128xf32, #tpu.memory_space<vmem>>, vector<1x16xf32>,
          %get3A_566 = arith.index_cast %add3A_535 : i32 to index
          %get3A_567 = arith.constant 48 : index
          %get3A_568 = tpu.vector_load %arg9[%get3A_566, %get3A_567] {strides = array<i32>} : memref<128x128xf32, #tpu.memory_space<vmem>>, vector<1x16xf32>,
          %get3A_569 = vector.shape_cast %get3A_568 : vector<1x16xf32> to vector<16xf32>
          %mul3A_570 = arith.mulf %get3A_569, %broadcast_in_dim3A_531 : vector<16xf32>
          %swap3A_571 = arith.index_cast %add3A_535 : i32 to index
          %swap3A_572 = arith.constant 48 : index
          %swap3A_573 = tpu.vector_load %arg9[%swap3A_571, %swap3A_572] {strides = array<i32>} : memref<128x128xf32, #tpu.memory_space<vmem>>, vector<1x16xf32>,
          %swap3A_574 = vector.shape_cast %swap3A_573 : vector<1x16xf32> to vector<16xf32>
          %swap3A_575 = vector.shape_cast %mul3A_570 : vector<16xf32> to vector<1x16xf32>
          tpu.vector_store %arg9[%swap3A_571, %swap3A_572], %swap3A_575 {strides = array<i32>} : memref<128x128xf32, #tpu.memory_space<vmem>>, vector<1x16xf32>,
          %get3A_576 = arith.index_cast %add3A_535 : i32 to index
          %get3A_577 = arith.constant 64 : index
          %get3A_578 = tpu.vector_load %arg9[%get3A_576, %get3A_577] {strides = array<i32>} : memref<128x128xf32, #tpu.memory_space<vmem>>, vector<1x16xf32>,
          %get3A_579 = vector.shape_cast %get3A_578 : vector<1x16xf32> to vector<16xf32>
          %mul3A_580 = arith.mulf %get3A_579, %broadcast_in_dim3A_531 : vector<16xf32>
          %swap3A_581 = arith.index_cast %add3A_535 : i32 to index
          %swap3A_582 = arith.constant 64 : index
          %swap3A_583 = tpu.vector_load %arg9[%swap3A_581, %swap3A_582] {strides = array<i32>} : memref<128x128xf32, #tpu.memory_space<vmem>>, vector<1x16xf32>,
          %swap3A_584 = vector.shape_cast %swap3A_583 : vector<1x16xf32> to vector<16xf32>
          %swap3A_585 = vector.shape_cast %mul3A_580 : vector<16xf32> to vector<1x16xf32>
          tpu.vector_store %arg9[%swap3A_581, %swap3A_582], %swap3A_585 {strides = array<i32>} : memref<128x128xf32, #tpu.memory_space<vmem>>, vector<1x16xf32>,
          %get3A_586 = arith.index_cast %add3A_535 : i32 to index
          %get3A_587 = arith.constant 80 : index
          %get3A_588 = tpu.vector_load %arg9[%get3A_586, %get3A_587] {strides = array<i32>} : memref<128x128xf32, #tpu.memory_space<vmem>>, vector<1x16xf32>,
          %get3A_589 = vector.shape_cast %get3A_588 : vector<1x16xf32> to vector<16xf32>
          %mul3A_590 = arith.mulf %get3A_589, %broadcast_in_dim3A_531 : vector<16xf32>
          %swap3A_591 = arith.index_cast %add3A_535 : i32 to index
          %swap3A_592 = arith.constant 80 : index
          %swap3A_593 = tpu.vector_load %arg9[%swap3A_591, %swap3A_592] {strides = array<i32>} : memref<128x128xf32, #tpu.memory_space<vmem>>, vector<1x16xf32>,
          %swap3A_594 = vector.shape_cast %swap3A_593 : vector<1x16xf32> to vector<16xf32>
          %swap3A_595 = vector.shape_cast %mul3A_590 : vector<16xf32> to vector<1x16xf32>
          tpu.vector_store %arg9[%swap3A_591, %swap3A_592], %swap3A_595 {strides = array<i32>} : memref<128x128xf32, #tpu.memory_space<vmem>>, vector<1x16xf32>,
          %get3A_596 = arith.index_cast %add3A_535 : i32 to index
          %get3A_597 = arith.constant 96 : index
          %get3A_598 = tpu.vector_load %arg9[%get3A_596, %get3A_597] {strides = array<i32>} : memref<128x128xf32, #tpu.memory_space<vmem>>, vector<1x16xf32>,
          %get3A_599 = vector.shape_cast %get3A_598 : vector<1x16xf32> to vector<16xf32>
          %mul3A_600 = arith.mulf %get3A_599, %broadcast_in_dim3A_531 : vector<16xf32>
          %swap3A_601 = arith.index_cast %add3A_535 : i32 to index
          %swap3A_602 = arith.constant 96 : index
          %swap3A_603 = tpu.vector_load %arg9[%swap3A_601, %swap3A_602] {strides = array<i32>} : memref<128x128xf32, #tpu.memory_space<vmem>>, vector<1x16xf32>,
          %swap3A_604 = vector.shape_cast %swap3A_603 : vector<1x16xf32> to vector<16xf32>
          %swap3A_605 = vector.shape_cast %mul3A_600 : vector<16xf32> to vector<1x16xf32>
          tpu.vector_store %arg9[%swap3A_601, %swap3A_602], %swap3A_605 {strides = array<i32>} : memref<128x128xf32, #tpu.memory_space<vmem>>, vector<1x16xf32>,
          %get3A_606 = arith.index_cast %add3A_535 : i32 to index
          %get3A_607 = arith.constant 112 : index
          %get3A_608 = tpu.vector_load %arg9[%get3A_606, %get3A_607] {strides = array<i32>} : memref<128x128xf32, #tpu.memory_space<vmem>>, vector<1x16xf32>,
          %get3A_609 = vector.shape_cast %get3A_608 : vector<1x16xf32> to vector<16xf32>
          %mul3A_610 = arith.mulf %get3A_609, %broadcast_in_dim3A_531 : vector<16xf32>
          %swap3A_611 = arith.index_cast %add3A_535 : i32 to index
          %swap3A_612 = arith.constant 112 : index
          %swap3A_613 = tpu.vector_load %arg9[%swap3A_611, %swap3A_612] {strides = array<i32>} : memref<128x128xf32, #tpu.memory_space<vmem>>, vector<1x16xf32>,
          %swap3A_614 = vector.shape_cast %swap3A_613 : vector<1x16xf32> to vector<16xf32>
          %swap3A_615 = vector.shape_cast %mul3A_610 : vector<16xf32> to vector<1x16xf32>
          tpu.vector_store %arg9[%swap3A_611, %swap3A_612], %swap3A_615 {strides = array<i32>} : memref<128x128xf32, #tpu.memory_space<vmem>>, vector<1x16xf32>,
          %slice3A_616 = vector.extract_strided_slice %get3A_97 {offsets = [6], sizes = [1], strides = [1]} : vector<16xf32> to vector<1xf32>
          %squeeze3A_617 = vector.extract %slice3A_616[0] : f32 from vector<1xf32>
          %broadcast_in_dim3A_618 = vector.broadcast %squeeze3A_617 : f32 to vector<16xf32>
          %mul3A_619 = arith.constant 16 : i32
          %mul3A_620 = arith.muli %scan3A_93, %mul3A_619 : i32
          %add3A_621 = arith.constant 6 : i32
          %add3A_622 = arith.addi %mul3A_620, %add3A_621 : i32
          %get3A_623 = arith.index_cast %add3A_622 : i32 to index
          %get3A_624 = arith.constant 0 : index
          %get3A_625 = tpu.vector_load %arg9[%get3A_623, %get3A_624] {strides = array<i32>} : memref<128x128xf32, #tpu.memory_space<vmem>>, vector<1x16xf32>,
          %get3A_626 = vector.shape_cast %get3A_625 : vector<1x16xf32> to vector<16xf32>
          %mul3A_627 = arith.mulf %get3A_626, %broadcast_in_dim3A_618 : vector<16xf32>
          %swap3A_628 = arith.index_cast %add3A_622 : i32 to index
          %swap3A_629 = arith.constant 0 : index
          %swap3A_630 = tpu.vector_load %arg9[%swap3A_628, %swap3A_629] {strides = array<i32>} : memref<128x128xf32, #tpu.memory_space<vmem>>, vector<1x16xf32>,
          %swap3A_631 = vector.shape_cast %swap3A_630 : vector<1x16xf32> to vector<16xf32>
          %swap3A_632 = vector.shape_cast %mul3A_627 : vector<16xf32> to vector<1x16xf32>
          tpu.vector_store %arg9[%swap3A_628, %swap3A_629], %swap3A_632 {strides = array<i32>} : memref<128x128xf32, #tpu.memory_space<vmem>>, vector<1x16xf32>,
          %get3A_633 = arith.index_cast %add3A_622 : i32 to index
          %get3A_634 = arith.constant 16 : index
          %get3A_635 = tpu.vector_load %arg9[%get3A_633, %get3A_634] {strides = array<i32>} : memref<128x128xf32, #tpu.memory_space<vmem>>, vector<1x16xf32>,
          %get3A_636 = vector.shape_cast %get3A_635 : vector<1x16xf32> to vector<16xf32>
          %mul3A_637 = arith.mulf %get3A_636, %broadcast_in_dim3A_618 : vector<16xf32>
          %swap3A_638 = arith.index_cast %add3A_622 : i32 to index
          %swap3A_639 = arith.constant 16 : index
          %swap3A_640 = tpu.vector_load %arg9[%swap3A_638, %swap3A_639] {strides = array<i32>} : memref<128x128xf32, #tpu.memory_space<vmem>>, vector<1x16xf32>,
          %swap3A_641 = vector.shape_cast %swap3A_640 : vector<1x16xf32> to vector<16xf32>
          %swap3A_642 = vector.shape_cast %mul3A_637 : vector<16xf32> to vector<1x16xf32>
          tpu.vector_store %arg9[%swap3A_638, %swap3A_639], %swap3A_642 {strides = array<i32>} : memref<128x128xf32, #tpu.memory_space<vmem>>, vector<1x16xf32>,
          %get3A_643 = arith.index_cast %add3A_622 : i32 to index
          %get3A_644 = arith.constant 32 : index
          %get3A_645 = tpu.vector_load %arg9[%get3A_643, %get3A_644] {strides = array<i32>} : memref<128x128xf32, #tpu.memory_space<vmem>>, vector<1x16xf32>,
          %get3A_646 = vector.shape_cast %get3A_645 : vector<1x16xf32> to vector<16xf32>
          %mul3A_647 = arith.mulf %get3A_646, %broadcast_in_dim3A_618 : vector<16xf32>
          %swap3A_648 = arith.index_cast %add3A_622 : i32 to index
          %swap3A_649 = arith.constant 32 : index
          %swap3A_650 = tpu.vector_load %arg9[%swap3A_648, %swap3A_649] {strides = array<i32>} : memref<128x128xf32, #tpu.memory_space<vmem>>, vector<1x16xf32>,
          %swap3A_651 = vector.shape_cast %swap3A_650 : vector<1x16xf32> to vector<16xf32>
          %swap3A_652 = vector.shape_cast %mul3A_647 : vector<16xf32> to vector<1x16xf32>
          tpu.vector_store %arg9[%swap3A_648, %swap3A_649], %swap3A_652 {strides = array<i32>} : memref<128x128xf32, #tpu.memory_space<vmem>>, vector<1x16xf32>,
          %get3A_653 = arith.index_cast %add3A_622 : i32 to index
          %get3A_654 = arith.constant 48 : index
          %get3A_655 = tpu.vector_load %arg9[%get3A_653, %get3A_654] {strides = array<i32>} : memref<128x128xf32, #tpu.memory_space<vmem>>, vector<1x16xf32>,
          %get3A_656 = vector.shape_cast %get3A_655 : vector<1x16xf32> to vector<16xf32>
          %mul3A_657 = arith.mulf %get3A_656, %broadcast_in_dim3A_618 : vector<16xf32>
          %swap3A_658 = arith.index_cast %add3A_622 : i32 to index
          %swap3A_659 = arith.constant 48 : index
          %swap3A_660 = tpu.vector_load %arg9[%swap3A_658, %swap3A_659] {strides = array<i32>} : memref<128x128xf32, #tpu.memory_space<vmem>>, vector<1x16xf32>,
          %swap3A_661 = vector.shape_cast %swap3A_660 : vector<1x16xf32> to vector<16xf32>
          %swap3A_662 = vector.shape_cast %mul3A_657 : vector<16xf32> to vector<1x16xf32>
          tpu.vector_store %arg9[%swap3A_658, %swap3A_659], %swap3A_662 {strides = array<i32>} : memref<128x128xf32, #tpu.memory_space<vmem>>, vector<1x16xf32>,
          %get3A_663 = arith.index_cast %add3A_622 : i32 to index
          %get3A_664 = arith.constant 64 : index
          %get3A_665 = tpu.vector_load %arg9[%get3A_663, %get3A_664] {strides = array<i32>} : memref<128x128xf32, #tpu.memory_space<vmem>>, vector<1x16xf32>,
          %get3A_666 = vector.shape_cast %get3A_665 : vector<1x16xf32> to vector<16xf32>
          %mul3A_667 = arith.mulf %get3A_666, %broadcast_in_dim3A_618 : vector<16xf32>
          %swap3A_668 = arith.index_cast %add3A_622 : i32 to index
          %swap3A_669 = arith.constant 64 : index
          %swap3A_670 = tpu.vector_load %arg9[%swap3A_668, %swap3A_669] {strides = array<i32>} : memref<128x128xf32, #tpu.memory_space<vmem>>, vector<1x16xf32>,
          %swap3A_671 = vector.shape_cast %swap3A_670 : vector<1x16xf32> to vector<16xf32>
          %swap3A_672 = vector.shape_cast %mul3A_667 : vector<16xf32> to vector<1x16xf32>
          tpu.vector_store %arg9[%swap3A_668, %swap3A_669], %swap3A_672 {strides = array<i32>} : memref<128x128xf32, #tpu.memory_space<vmem>>, vector<1x16xf32>,
          %get3A_673 = arith.index_cast %add3A_622 : i32 to index
          %get3A_674 = arith.constant 80 : index
          %get3A_675 = tpu.vector_load %arg9[%get3A_673, %get3A_674] {strides = array<i32>} : memref<128x128xf32, #tpu.memory_space<vmem>>, vector<1x16xf32>,
          %get3A_676 = vector.shape_cast %get3A_675 : vector<1x16xf32> to vector<16xf32>
          %mul3A_677 = arith.mulf %get3A_676, %broadcast_in_dim3A_618 : vector<16xf32>
          %swap3A_678 = arith.index_cast %add3A_622 : i32 to index
          %swap3A_679 = arith.constant 80 : index
          %swap3A_680 = tpu.vector_load %arg9[%swap3A_678, %swap3A_679] {strides = array<i32>} : memref<128x128xf32, #tpu.memory_space<vmem>>, vector<1x16xf32>,
          %swap3A_681 = vector.shape_cast %swap3A_680 : vector<1x16xf32> to vector<16xf32>
          %swap3A_682 = vector.shape_cast %mul3A_677 : vector<16xf32> to vector<1x16xf32>
          tpu.vector_store %arg9[%swap3A_678, %swap3A_679], %swap3A_682 {strides = array<i32>} : memref<128x128xf32, #tpu.memory_space<vmem>>, vector<1x16xf32>,
          %get3A_683 = arith.index_cast %add3A_622 : i32 to index
          %get3A_684 = arith.constant 96 : index
          %get3A_685 = tpu.vector_load %arg9[%get3A_683, %get3A_684] {strides = array<i32>} : memref<128x128xf32, #tpu.memory_space<vmem>>, vector<1x16xf32>,
          %get3A_686 = vector.shape_cast %get3A_685 : vector<1x16xf32> to vector<16xf32>
          %mul3A_687 = arith.mulf %get3A_686, %broadcast_in_dim3A_618 : vector<16xf32>
          %swap3A_688 = arith.index_cast %add3A_622 : i32 to index
          %swap3A_689 = arith.constant 96 : index
          %swap3A_690 = tpu.vector_load %arg9[%swap3A_688, %swap3A_689] {strides = array<i32>} : memref<128x128xf32, #tpu.memory_space<vmem>>, vector<1x16xf32>,
          %swap3A_691 = vector.shape_cast %swap3A_690 : vector<1x16xf32> to vector<16xf32>
          %swap3A_692 = vector.shape_cast %mul3A_687 : vector<16xf32> to vector<1x16xf32>
          tpu.vector_store %arg9[%swap3A_688, %swap3A_689], %swap3A_692 {strides = array<i32>} : memref<128x128xf32, #tpu.memory_space<vmem>>, vector<1x16xf32>,
          %get3A_693 = arith.index_cast %add3A_622 : i32 to index
          %get3A_694 = arith.constant 112 : index
          %get3A_695 = tpu.vector_load %arg9[%get3A_693, %get3A_694] {strides = array<i32>} : memref<128x128xf32, #tpu.memory_space<vmem>>, vector<1x16xf32>,
          %get3A_696 = vector.shape_cast %get3A_695 : vector<1x16xf32> to vector<16xf32>
          %mul3A_697 = arith.mulf %get3A_696, %broadcast_in_dim3A_618 : vector<16xf32>
          %swap3A_698 = arith.index_cast %add3A_622 : i32 to index
          %swap3A_699 = arith.constant 112 : index
          %swap3A_700 = tpu.vector_load %arg9[%swap3A_698, %swap3A_699] {strides = array<i32>} : memref<128x128xf32, #tpu.memory_space<vmem>>, vector<1x16xf32>,
          %swap3A_701 = vector.shape_cast %swap3A_700 : vector<1x16xf32> to vector<16xf32>
          %swap3A_702 = vector.shape_cast %mul3A_697 : vector<16xf32> to vector<1x16xf32>
          tpu.vector_store %arg9[%swap3A_698, %swap3A_699], %swap3A_702 {strides = array<i32>} : memref<128x128xf32, #tpu.memory_space<vmem>>, vector<1x16xf32>,
          %slice3A_703 = vector.extract_strided_slice %get3A_97 {offsets = [7], sizes = [1], strides = [1]} : vector<16xf32> to vector<1xf32>
          %squeeze3A_704 = vector.extract %slice3A_703[0] : f32 from vector<1xf32>
          %broadcast_in_dim3A_705 = vector.broadcast %squeeze3A_704 : f32 to vector<16xf32>
          %mul3A_706 = arith.constant 16 : i32
          %mul3A_707 = arith.muli %scan3A_93, %mul3A_706 : i32
          %add3A_708 = arith.constant 7 : i32
          %add3A_709 = arith.addi %mul3A_707, %add3A_708 : i32
          %get3A_710 = arith.index_cast %add3A_709 : i32 to index
          %get3A_711 = arith.constant 0 : index
          %get3A_712 = tpu.vector_load %arg9[%get3A_710, %get3A_711] {strides = array<i32>} : memref<128x128xf32, #tpu.memory_space<vmem>>, vector<1x16xf32>,
          %get3A_713 = vector.shape_cast %get3A_712 : vector<1x16xf32> to vector<16xf32>
          %mul3A_714 = arith.mulf %get3A_713, %broadcast_in_dim3A_705 : vector<16xf32>
          %swap3A_715 = arith.index_cast %add3A_709 : i32 to index
          %swap3A_716 = arith.constant 0 : index
          %swap3A_717 = tpu.vector_load %arg9[%swap3A_715, %swap3A_716] {strides = array<i32>} : memref<128x128xf32, #tpu.memory_space<vmem>>, vector<1x16xf32>,
          %swap3A_718 = vector.shape_cast %swap3A_717 : vector<1x16xf32> to vector<16xf32>
          %swap3A_719 = vector.shape_cast %mul3A_714 : vector<16xf32> to vector<1x16xf32>
          tpu.vector_store %arg9[%swap3A_715, %swap3A_716], %swap3A_719 {strides = array<i32>} : memref<128x128xf32, #tpu.memory_space<vmem>>, vector<1x16xf32>,
          %get3A_720 = arith.index_cast %add3A_709 : i32 to index
          %get3A_721 = arith.constant 16 : index
          %get3A_722 = tpu.vector_load %arg9[%get3A_720, %get3A_721] {strides = array<i32>} : memref<128x128xf32, #tpu.memory_space<vmem>>, vector<1x16xf32>,
          %get3A_723 = vector.shape_cast %get3A_722 : vector<1x16xf32> to vector<16xf32>
          %mul3A_724 = arith.mulf %get3A_723, %broadcast_in_dim3A_705 : vector<16xf32>
          %swap3A_725 = arith.index_cast %add3A_709 : i32 to index
          %swap3A_726 = arith.constant 16 : index
          %swap3A_727 = tpu.vector_load %arg9[%swap3A_725, %swap3A_726] {strides = array<i32>} : memref<128x128xf32, #tpu.memory_space<vmem>>, vector<1x16xf32>,
          %swap3A_728 = vector.shape_cast %swap3A_727 : vector<1x16xf32> to vector<16xf32>
          %swap3A_729 = vector.shape_cast %mul3A_724 : vector<16xf32> to vector<1x16xf32>
          tpu.vector_store %arg9[%swap3A_725, %swap3A_726], %swap3A_729 {strides = array<i32>} : memref<128x128xf32, #tpu.memory_space<vmem>>, vector<1x16xf32>,
          %get3A_730 = arith.index_cast %add3A_709 : i32 to index
          %get3A_731 = arith.constant 32 : index
          %get3A_732 = tpu.vector_load %arg9[%get3A_730, %get3A_731] {strides = array<i32>} : memref<128x128xf32, #tpu.memory_space<vmem>>, vector<1x16xf32>,
          %get3A_733 = vector.shape_cast %get3A_732 : vector<1x16xf32> to vector<16xf32>
          %mul3A_734 = arith.mulf %get3A_733, %broadcast_in_dim3A_705 : vector<16xf32>
          %swap3A_735 = arith.index_cast %add3A_709 : i32 to index
          %swap3A_736 = arith.constant 32 : index
          %swap3A_737 = tpu.vector_load %arg9[%swap3A_735, %swap3A_736] {strides = array<i32>} : memref<128x128xf32, #tpu.memory_space<vmem>>, vector<1x16xf32>,
          %swap3A_738 = vector.shape_cast %swap3A_737 : vector<1x16xf32> to vector<16xf32>
          %swap3A_739 = vector.shape_cast %mul3A_734 : vector<16xf32> to vector<1x16xf32>
          tpu.vector_store %arg9[%swap3A_735, %swap3A_736], %swap3A_739 {strides = array<i32>} : memref<128x128xf32, #tpu.memory_space<vmem>>, vector<1x16xf32>,
          %get3A_740 = arith.index_cast %add3A_709 : i32 to index
          %get3A_741 = arith.constant 48 : index
          %get3A_742 = tpu.vector_load %arg9[%get3A_740, %get3A_741] {strides = array<i32>} : memref<128x128xf32, #tpu.memory_space<vmem>>, vector<1x16xf32>,
          %get3A_743 = vector.shape_cast %get3A_742 : vector<1x16xf32> to vector<16xf32>
          %mul3A_744 = arith.mulf %get3A_743, %broadcast_in_dim3A_705 : vector<16xf32>
          %swap3A_745 = arith.index_cast %add3A_709 : i32 to index
          %swap3A_746 = arith.constant 48 : index
          %swap3A_747 = tpu.vector_load %arg9[%swap3A_745, %swap3A_746] {strides = array<i32>} : memref<128x128xf32, #tpu.memory_space<vmem>>, vector<1x16xf32>,
          %swap3A_748 = vector.shape_cast %swap3A_747 : vector<1x16xf32> to vector<16xf32>
          %swap3A_749 = vector.shape_cast %mul3A_744 : vector<16xf32> to vector<1x16xf32>
          tpu.vector_store %arg9[%swap3A_745, %swap3A_746], %swap3A_749 {strides = array<i32>} : memref<128x128xf32, #tpu.memory_space<vmem>>, vector<1x16xf32>,
          %get3A_750 = arith.index_cast %add3A_709 : i32 to index
          %get3A_751 = arith.constant 64 : index
          %get3A_752 = tpu.vector_load %arg9[%get3A_750, %get3A_751] {strides = array<i32>} : memref<128x128xf32, #tpu.memory_space<vmem>>, vector<1x16xf32>,
          %get3A_753 = vector.shape_cast %get3A_752 : vector<1x16xf32> to vector<16xf32>
          %mul3A_754 = arith.mulf %get3A_753, %broadcast_in_dim3A_705 : vector<16xf32>
          %swap3A_755 = arith.index_cast %add3A_709 : i32 to index
          %swap3A_756 = arith.constant 64 : index
          %swap3A_757 = tpu.vector_load %arg9[%swap3A_755, %swap3A_756] {strides = array<i32>} : memref<128x128xf32, #tpu.memory_space<vmem>>, vector<1x16xf32>,
          %swap3A_758 = vector.shape_cast %swap3A_757 : vector<1x16xf32> to vector<16xf32>
          %swap3A_759 = vector.shape_cast %mul3A_754 : vector<16xf32> to vector<1x16xf32>
          tpu.vector_store %arg9[%swap3A_755, %swap3A_756], %swap3A_759 {strides = array<i32>} : memref<128x128xf32, #tpu.memory_space<vmem>>, vector<1x16xf32>,
          %get3A_760 = arith.index_cast %add3A_709 : i32 to index
          %get3A_761 = arith.constant 80 : index
          %get3A_762 = tpu.vector_load %arg9[%get3A_760, %get3A_761] {strides = array<i32>} : memref<128x128xf32, #tpu.memory_space<vmem>>, vector<1x16xf32>,
          %get3A_763 = vector.shape_cast %get3A_762 : vector<1x16xf32> to vector<16xf32>
          %mul3A_764 = arith.mulf %get3A_763, %broadcast_in_dim3A_705 : vector<16xf32>
          %swap3A_765 = arith.index_cast %add3A_709 : i32 to index
          %swap3A_766 = arith.constant 80 : index
          %swap3A_767 = tpu.vector_load %arg9[%swap3A_765, %swap3A_766] {strides = array<i32>} : memref<128x128xf32, #tpu.memory_space<vmem>>, vector<1x16xf32>,
          %swap3A_768 = vector.shape_cast %swap3A_767 : vector<1x16xf32> to vector<16xf32>
          %swap3A_769 = vector.shape_cast %mul3A_764 : vector<16xf32> to vector<1x16xf32>
          tpu.vector_store %arg9[%swap3A_765, %swap3A_766], %swap3A_769 {strides = array<i32>} : memref<128x128xf32, #tpu.memory_space<vmem>>, vector<1x16xf32>,
          %get3A_770 = arith.index_cast %add3A_709 : i32 to index
          %get3A_771 = arith.constant 96 : index
          %get3A_772 = tpu.vector_load %arg9[%get3A_770, %get3A_771] {strides = array<i32>} : memref<128x128xf32, #tpu.memory_space<vmem>>, vector<1x16xf32>,
          %get3A_773 = vector.shape_cast %get3A_772 : vector<1x16xf32> to vector<16xf32>
          %mul3A_774 = arith.mulf %get3A_773, %broadcast_in_dim3A_705 : vector<16xf32>
          %swap3A_775 = arith.index_cast %add3A_709 : i32 to index
          %swap3A_776 = arith.constant 96 : index
          %swap3A_777 = tpu.vector_load %arg9[%swap3A_775, %swap3A_776] {strides = array<i32>} : memref<128x128xf32, #tpu.memory_space<vmem>>, vector<1x16xf32>,
          %swap3A_778 = vector.shape_cast %swap3A_777 : vector<1x16xf32> to vector<16xf32>
          %swap3A_779 = vector.shape_cast %mul3A_774 : vector<16xf32> to vector<1x16xf32>
          tpu.vector_store %arg9[%swap3A_775, %swap3A_776], %swap3A_779 {strides = array<i32>} : memref<128x128xf32, #tpu.memory_space<vmem>>, vector<1x16xf32>,
          %get3A_780 = arith.index_cast %add3A_709 : i32 to index
          %get3A_781 = arith.constant 112 : index
          %get3A_782 = tpu.vector_load %arg9[%get3A_780, %get3A_781] {strides = array<i32>} : memref<128x128xf32, #tpu.memory_space<vmem>>, vector<1x16xf32>,
          %get3A_783 = vector.shape_cast %get3A_782 : vector<1x16xf32> to vector<16xf32>
          %mul3A_784 = arith.mulf %get3A_783, %broadcast_in_dim3A_705 : vector<16xf32>
          %swap3A_785 = arith.index_cast %add3A_709 : i32 to index
          %swap3A_786 = arith.constant 112 : index
          %swap3A_787 = tpu.vector_load %arg9[%swap3A_785, %swap3A_786] {strides = array<i32>} : memref<128x128xf32, #tpu.memory_space<vmem>>, vector<1x16xf32>,
          %swap3A_788 = vector.shape_cast %swap3A_787 : vector<1x16xf32> to vector<16xf32>
          %swap3A_789 = vector.shape_cast %mul3A_784 : vector<16xf32> to vector<1x16xf32>
          tpu.vector_store %arg9[%swap3A_785, %swap3A_786], %swap3A_789 {strides = array<i32>} : memref<128x128xf32, #tpu.memory_space<vmem>>, vector<1x16xf32>,
          %slice3A_790 = vector.extract_strided_slice %get3A_97 {offsets = [8], sizes = [1], strides = [1]} : vector<16xf32> to vector<1xf32>
          %squeeze3A_791 = vector.extract %slice3A_790[0] : f32 from vector<1xf32>
          %broadcast_in_dim3A_792 = vector.broadcast %squeeze3A_791 : f32 to vector<16xf32>
          %mul3A_793 = arith.constant 16 : i32
          %mul3A_794 = arith.muli %scan3A_93, %mul3A_793 : i32
          %add3A_795 = arith.constant 8 : i32
          %add3A_796 = arith.addi %mul3A_794, %add3A_795 : i32
          %get3A_797 = arith.index_cast %add3A_796 : i32 to index
          %get3A_798 = arith.constant 0 : index
          %get3A_799 = tpu.vector_load %arg9[%get3A_797, %get3A_798] {strides = array<i32>} : memref<128x128xf32, #tpu.memory_space<vmem>>, vector<1x16xf32>,
          %get3A_800 = vector.shape_cast %get3A_799 : vector<1x16xf32> to vector<16xf32>
          %mul3A_801 = arith.mulf %get3A_800, %broadcast_in_dim3A_792 : vector<16xf32>
          %swap3A_802 = arith.index_cast %add3A_796 : i32 to index
          %swap3A_803 = arith.constant 0 : index
          %swap3A_804 = tpu.vector_load %arg9[%swap3A_802, %swap3A_803] {strides = array<i32>} : memref<128x128xf32, #tpu.memory_space<vmem>>, vector<1x16xf32>,
          %swap3A_805 = vector.shape_cast %swap3A_804 : vector<1x16xf32> to vector<16xf32>
          %swap3A_806 = vector.shape_cast %mul3A_801 : vector<16xf32> to vector<1x16xf32>
          tpu.vector_store %arg9[%swap3A_802, %swap3A_803], %swap3A_806 {strides = array<i32>} : memref<128x128xf32, #tpu.memory_space<vmem>>, vector<1x16xf32>,
          %get3A_807 = arith.index_cast %add3A_796 : i32 to index
          %get3A_808 = arith.constant 16 : index
          %get3A_809 = tpu.vector_load %arg9[%get3A_807, %get3A_808] {strides = array<i32>} : memref<128x128xf32, #tpu.memory_space<vmem>>, vector<1x16xf32>,
          %get3A_810 = vector.shape_cast %get3A_809 : vector<1x16xf32> to vector<16xf32>
          %mul3A_811 = arith.mulf %get3A_810, %broadcast_in_dim3A_792 : vector<16xf32>
          %swap3A_812 = arith.index_cast %add3A_796 : i32 to index
          %swap3A_813 = arith.constant 16 : index
          %swap3A_814 = tpu.vector_load %arg9[%swap3A_812, %swap3A_813] {strides = array<i32>} : memref<128x128xf32, #tpu.memory_space<vmem>>, vector<1x16xf32>,
          %swap3A_815 = vector.shape_cast %swap3A_814 : vector<1x16xf32> to vector<16xf32>
          %swap3A_816 = vector.shape_cast %mul3A_811 : vector<16xf32> to vector<1x16xf32>
          tpu.vector_store %arg9[%swap3A_812, %swap3A_813], %swap3A_816 {strides = array<i32>} : memref<128x128xf32, #tpu.memory_space<vmem>>, vector<1x16xf32>,
          %get3A_817 = arith.index_cast %add3A_796 : i32 to index
          %get3A_818 = arith.constant 32 : index
          %get3A_819 = tpu.vector_load %arg9[%get3A_817, %get3A_818] {strides = array<i32>} : memref<128x128xf32, #tpu.memory_space<vmem>>, vector<1x16xf32>,
          %get3A_820 = vector.shape_cast %get3A_819 : vector<1x16xf32> to vector<16xf32>
          %mul3A_821 = arith.mulf %get3A_820, %broadcast_in_dim3A_792 : vector<16xf32>
          %swap3A_822 = arith.index_cast %add3A_796 : i32 to index
          %swap3A_823 = arith.constant 32 : index
          %swap3A_824 = tpu.vector_load %arg9[%swap3A_822, %swap3A_823] {strides = array<i32>} : memref<128x128xf32, #tpu.memory_space<vmem>>, vector<1x16xf32>,
          %swap3A_825 = vector.shape_cast %swap3A_824 : vector<1x16xf32> to vector<16xf32>
          %swap3A_826 = vector.shape_cast %mul3A_821 : vector<16xf32> to vector<1x16xf32>
          tpu.vector_store %arg9[%swap3A_822, %swap3A_823], %swap3A_826 {strides = array<i32>} : memref<128x128xf32, #tpu.memory_space<vmem>>, vector<1x16xf32>,
          %get3A_827 = arith.index_cast %add3A_796 : i32 to index
          %get3A_828 = arith.constant 48 : index
          %get3A_829 = tpu.vector_load %arg9[%get3A_827, %get3A_828] {strides = array<i32>} : memref<128x128xf32, #tpu.memory_space<vmem>>, vector<1x16xf32>,
          %get3A_830 = vector.shape_cast %get3A_829 : vector<1x16xf32> to vector<16xf32>
          %mul3A_831 = arith.mulf %get3A_830, %broadcast_in_dim3A_792 : vector<16xf32>
          %swap3A_832 = arith.index_cast %add3A_796 : i32 to index
          %swap3A_833 = arith.constant 48 : index
          %swap3A_834 = tpu.vector_load %arg9[%swap3A_832, %swap3A_833] {strides = array<i32>} : memref<128x128xf32, #tpu.memory_space<vmem>>, vector<1x16xf32>,
          %swap3A_835 = vector.shape_cast %swap3A_834 : vector<1x16xf32> to vector<16xf32>
          %swap3A_836 = vector.shape_cast %mul3A_831 : vector<16xf32> to vector<1x16xf32>
          tpu.vector_store %arg9[%swap3A_832, %swap3A_833], %swap3A_836 {strides = array<i32>} : memref<128x128xf32, #tpu.memory_space<vmem>>, vector<1x16xf32>,
          %get3A_837 = arith.index_cast %add3A_796 : i32 to index
          %get3A_838 = arith.constant 64 : index
          %get3A_839 = tpu.vector_load %arg9[%get3A_837, %get3A_838] {strides = array<i32>} : memref<128x128xf32, #tpu.memory_space<vmem>>, vector<1x16xf32>,
          %get3A_840 = vector.shape_cast %get3A_839 : vector<1x16xf32> to vector<16xf32>
          %mul3A_841 = arith.mulf %get3A_840, %broadcast_in_dim3A_792 : vector<16xf32>
          %swap3A_842 = arith.index_cast %add3A_796 : i32 to index
          %swap3A_843 = arith.constant 64 : index
          %swap3A_844 = tpu.vector_load %arg9[%swap3A_842, %swap3A_843] {strides = array<i32>} : memref<128x128xf32, #tpu.memory_space<vmem>>, vector<1x16xf32>,
          %swap3A_845 = vector.shape_cast %swap3A_844 : vector<1x16xf32> to vector<16xf32>
          %swap3A_846 = vector.shape_cast %mul3A_841 : vector<16xf32> to vector<1x16xf32>
          tpu.vector_store %arg9[%swap3A_842, %swap3A_843], %swap3A_846 {strides = array<i32>} : memref<128x128xf32, #tpu.memory_space<vmem>>, vector<1x16xf32>,
          %get3A_847 = arith.index_cast %add3A_796 : i32 to index
          %get3A_848 = arith.constant 80 : index
          %get3A_849 = tpu.vector_load %arg9[%get3A_847, %get3A_848] {strides = array<i32>} : memref<128x128xf32, #tpu.memory_space<vmem>>, vector<1x16xf32>,
          %get3A_850 = vector.shape_cast %get3A_849 : vector<1x16xf32> to vector<16xf32>
          %mul3A_851 = arith.mulf %get3A_850, %broadcast_in_dim3A_792 : vector<16xf32>
          %swap3A_852 = arith.index_cast %add3A_796 : i32 to index
          %swap3A_853 = arith.constant 80 : index
          %swap3A_854 = tpu.vector_load %arg9[%swap3A_852, %swap3A_853] {strides = array<i32>} : memref<128x128xf32, #tpu.memory_space<vmem>>, vector<1x16xf32>,
          %swap3A_855 = vector.shape_cast %swap3A_854 : vector<1x16xf32> to vector<16xf32>
          %swap3A_856 = vector.shape_cast %mul3A_851 : vector<16xf32> to vector<1x16xf32>
          tpu.vector_store %arg9[%swap3A_852, %swap3A_853], %swap3A_856 {strides = array<i32>} : memref<128x128xf32, #tpu.memory_space<vmem>>, vector<1x16xf32>,
          %get3A_857 = arith.index_cast %add3A_796 : i32 to index
          %get3A_858 = arith.constant 96 : index
          %get3A_859 = tpu.vector_load %arg9[%get3A_857, %get3A_858] {strides = array<i32>} : memref<128x128xf32, #tpu.memory_space<vmem>>, vector<1x16xf32>,
          %get3A_860 = vector.shape_cast %get3A_859 : vector<1x16xf32> to vector<16xf32>
          %mul3A_861 = arith.mulf %get3A_860, %broadcast_in_dim3A_792 : vector<16xf32>
          %swap3A_862 = arith.index_cast %add3A_796 : i32 to index
          %swap3A_863 = arith.constant 96 : index
          %swap3A_864 = tpu.vector_load %arg9[%swap3A_862, %swap3A_863] {strides = array<i32>} : memref<128x128xf32, #tpu.memory_space<vmem>>, vector<1x16xf32>,
          %swap3A_865 = vector.shape_cast %swap3A_864 : vector<1x16xf32> to vector<16xf32>
          %swap3A_866 = vector.shape_cast %mul3A_861 : vector<16xf32> to vector<1x16xf32>
          tpu.vector_store %arg9[%swap3A_862, %swap3A_863], %swap3A_866 {strides = array<i32>} : memref<128x128xf32, #tpu.memory_space<vmem>>, vector<1x16xf32>,
          %get3A_867 = arith.index_cast %add3A_796 : i32 to index
          %get3A_868 = arith.constant 112 : index
          %get3A_869 = tpu.vector_load %arg9[%get3A_867, %get3A_868] {strides = array<i32>} : memref<128x128xf32, #tpu.memory_space<vmem>>, vector<1x16xf32>,
          %get3A_870 = vector.shape_cast %get3A_869 : vector<1x16xf32> to vector<16xf32>
          %mul3A_871 = arith.mulf %get3A_870, %broadcast_in_dim3A_792 : vector<16xf32>
          %swap3A_872 = arith.index_cast %add3A_796 : i32 to index
          %swap3A_873 = arith.constant 112 : index
          %swap3A_874 = tpu.vector_load %arg9[%swap3A_872, %swap3A_873] {strides = array<i32>} : memref<128x128xf32, #tpu.memory_space<vmem>>, vector<1x16xf32>,
          %swap3A_875 = vector.shape_cast %swap3A_874 : vector<1x16xf32> to vector<16xf32>
          %swap3A_876 = vector.shape_cast %mul3A_871 : vector<16xf32> to vector<1x16xf32>
          tpu.vector_store %arg9[%swap3A_872, %swap3A_873], %swap3A_876 {strides = array<i32>} : memref<128x128xf32, #tpu.memory_space<vmem>>, vector<1x16xf32>,
          %slice3A_877 = vector.extract_strided_slice %get3A_97 {offsets = [9], sizes = [1], strides = [1]} : vector<16xf32> to vector<1xf32>
          %squeeze3A_878 = vector.extract %slice3A_877[0] : f32 from vector<1xf32>
          %broadcast_in_dim3A_879 = vector.broadcast %squeeze3A_878 : f32 to vector<16xf32>
          %mul3A_880 = arith.constant 16 : i32
          %mul3A_881 = arith.muli %scan3A_93, %mul3A_880 : i32
          %add3A_882 = arith.constant 9 : i32
          %add3A_883 = arith.addi %mul3A_881, %add3A_882 : i32
          %get3A_884 = arith.index_cast %add3A_883 : i32 to index
          %get3A_885 = arith.constant 0 : index
          %get3A_886 = tpu.vector_load %arg9[%get3A_884, %get3A_885] {strides = array<i32>} : memref<128x128xf32, #tpu.memory_space<vmem>>, vector<1x16xf32>,
          %get3A_887 = vector.shape_cast %get3A_886 : vector<1x16xf32> to vector<16xf32>
          %mul3A_888 = arith.mulf %get3A_887, %broadcast_in_dim3A_879 : vector<16xf32>
          %swap3A_889 = arith.index_cast %add3A_883 : i32 to index
          %swap3A_890 = arith.constant 0 : index
          %swap3A_891 = tpu.vector_load %arg9[%swap3A_889, %swap3A_890] {strides = array<i32>} : memref<128x128xf32, #tpu.memory_space<vmem>>, vector<1x16xf32>,
          %swap3A_892 = vector.shape_cast %swap3A_891 : vector<1x16xf32> to vector<16xf32>
          %swap3A_893 = vector.shape_cast %mul3A_888 : vector<16xf32> to vector<1x16xf32>
          tpu.vector_store %arg9[%swap3A_889, %swap3A_890], %swap3A_893 {strides = array<i32>} : memref<128x128xf32, #tpu.memory_space<vmem>>, vector<1x16xf32>,
          %get3A_894 = arith.index_cast %add3A_883 : i32 to index
          %get3A_895 = arith.constant 16 : index
          %get3A_896 = tpu.vector_load %arg9[%get3A_894, %get3A_895] {strides = array<i32>} : memref<128x128xf32, #tpu.memory_space<vmem>>, vector<1x16xf32>,
          %get3A_897 = vector.shape_cast %get3A_896 : vector<1x16xf32> to vector<16xf32>
          %mul3A_898 = arith.mulf %get3A_897, %broadcast_in_dim3A_879 : vector<16xf32>
          %swap3A_899 = arith.index_cast %add3A_883 : i32 to index
          %swap3A_900 = arith.constant 16 : index
          %swap3A_901 = tpu.vector_load %arg9[%swap3A_899, %swap3A_900] {strides = array<i32>} : memref<128x128xf32, #tpu.memory_space<vmem>>, vector<1x16xf32>,
          %swap3A_902 = vector.shape_cast %swap3A_901 : vector<1x16xf32> to vector<16xf32>
          %swap3A_903 = vector.shape_cast %mul3A_898 : vector<16xf32> to vector<1x16xf32>
          tpu.vector_store %arg9[%swap3A_899, %swap3A_900], %swap3A_903 {strides = array<i32>} : memref<128x128xf32, #tpu.memory_space<vmem>>, vector<1x16xf32>,
          %get3A_904 = arith.index_cast %add3A_883 : i32 to index
          %get3A_905 = arith.constant 32 : index
          %get3A_906 = tpu.vector_load %arg9[%get3A_904, %get3A_905] {strides = array<i32>} : memref<128x128xf32, #tpu.memory_space<vmem>>, vector<1x16xf32>,
          %get3A_907 = vector.shape_cast %get3A_906 : vector<1x16xf32> to vector<16xf32>
          %mul3A_908 = arith.mulf %get3A_907, %broadcast_in_dim3A_879 : vector<16xf32>
          %swap3A_909 = arith.index_cast %add3A_883 : i32 to index
          %swap3A_910 = arith.constant 32 : index
          %swap3A_911 = tpu.vector_load %arg9[%swap3A_909, %swap3A_910] {strides = array<i32>} : memref<128x128xf32, #tpu.memory_space<vmem>>, vector<1x16xf32>,
          %swap3A_912 = vector.shape_cast %swap3A_911 : vector<1x16xf32> to vector<16xf32>
          %swap3A_913 = vector.shape_cast %mul3A_908 : vector<16xf32> to vector<1x16xf32>
          tpu.vector_store %arg9[%swap3A_909, %swap3A_910], %swap3A_913 {strides = array<i32>} : memref<128x128xf32, #tpu.memory_space<vmem>>, vector<1x16xf32>,
          %get3A_914 = arith.index_cast %add3A_883 : i32 to index
          %get3A_915 = arith.constant 48 : index
          %get3A_916 = tpu.vector_load %arg9[%get3A_914, %get3A_915] {strides = array<i32>} : memref<128x128xf32, #tpu.memory_space<vmem>>, vector<1x16xf32>,
          %get3A_917 = vector.shape_cast %get3A_916 : vector<1x16xf32> to vector<16xf32>
          %mul3A_918 = arith.mulf %get3A_917, %broadcast_in_dim3A_879 : vector<16xf32>
          %swap3A_919 = arith.index_cast %add3A_883 : i32 to index
          %swap3A_920 = arith.constant 48 : index
          %swap3A_921 = tpu.vector_load %arg9[%swap3A_919, %swap3A_920] {strides = array<i32>} : memref<128x128xf32, #tpu.memory_space<vmem>>, vector<1x16xf32>,
          %swap3A_922 = vector.shape_cast %swap3A_921 : vector<1x16xf32> to vector<16xf32>
          %swap3A_923 = vector.shape_cast %mul3A_918 : vector<16xf32> to vector<1x16xf32>
          tpu.vector_store %arg9[%swap3A_919, %swap3A_920], %swap3A_923 {strides = array<i32>} : memref<128x128xf32, #tpu.memory_space<vmem>>, vector<1x16xf32>,
          %get3A_924 = arith.index_cast %add3A_883 : i32 to index
          %get3A_925 = arith.constant 64 : index
          %get3A_926 = tpu.vector_load %arg9[%get3A_924, %get3A_925] {strides = array<i32>} : memref<128x128xf32, #tpu.memory_space<vmem>>, vector<1x16xf32>,
          %get3A_927 = vector.shape_cast %get3A_926 : vector<1x16xf32> to vector<16xf32>
          %mul3A_928 = arith.mulf %get3A_927, %broadcast_in_dim3A_879 : vector<16xf32>
          %swap3A_929 = arith.index_cast %add3A_883 : i32 to index
          %swap3A_930 = arith.constant 64 : index
          %swap3A_931 = tpu.vector_load %arg9[%swap3A_929, %swap3A_930] {strides = array<i32>} : memref<128x128xf32, #tpu.memory_space<vmem>>, vector<1x16xf32>,
          %swap3A_932 = vector.shape_cast %swap3A_931 : vector<1x16xf32> to vector<16xf32>
          %swap3A_933 = vector.shape_cast %mul3A_928 : vector<16xf32> to vector<1x16xf32>
          tpu.vector_store %arg9[%swap3A_929, %swap3A_930], %swap3A_933 {strides = array<i32>} : memref<128x128xf32, #tpu.memory_space<vmem>>, vector<1x16xf32>,
          %get3A_934 = arith.index_cast %add3A_883 : i32 to index
          %get3A_935 = arith.constant 80 : index
          %get3A_936 = tpu.vector_load %arg9[%get3A_934, %get3A_935] {strides = array<i32>} : memref<128x128xf32, #tpu.memory_space<vmem>>, vector<1x16xf32>,
          %get3A_937 = vector.shape_cast %get3A_936 : vector<1x16xf32> to vector<16xf32>
          %mul3A_938 = arith.mulf %get3A_937, %broadcast_in_dim3A_879 : vector<16xf32>
          %swap3A_939 = arith.index_cast %add3A_883 : i32 to index
          %swap3A_940 = arith.constant 80 : index
          %swap3A_941 = tpu.vector_load %arg9[%swap3A_939, %swap3A_940] {strides = array<i32>} : memref<128x128xf32, #tpu.memory_space<vmem>>, vector<1x16xf32>,
          %swap3A_942 = vector.shape_cast %swap3A_941 : vector<1x16xf32> to vector<16xf32>
          %swap3A_943 = vector.shape_cast %mul3A_938 : vector<16xf32> to vector<1x16xf32>
          tpu.vector_store %arg9[%swap3A_939, %swap3A_940], %swap3A_943 {strides = array<i32>} : memref<128x128xf32, #tpu.memory_space<vmem>>, vector<1x16xf32>,
          %get3A_944 = arith.index_cast %add3A_883 : i32 to index
          %get3A_945 = arith.constant 96 : index
          %get3A_946 = tpu.vector_load %arg9[%get3A_944, %get3A_945] {strides = array<i32>} : memref<128x128xf32, #tpu.memory_space<vmem>>, vector<1x16xf32>,
          %get3A_947 = vector.shape_cast %get3A_946 : vector<1x16xf32> to vector<16xf32>
          %mul3A_948 = arith.mulf %get3A_947, %broadcast_in_dim3A_879 : vector<16xf32>
          %swap3A_949 = arith.index_cast %add3A_883 : i32 to index
          %swap3A_950 = arith.constant 96 : index
          %swap3A_951 = tpu.vector_load %arg9[%swap3A_949, %swap3A_950] {strides = array<i32>} : memref<128x128xf32, #tpu.memory_space<vmem>>, vector<1x16xf32>,
          %swap3A_952 = vector.shape_cast %swap3A_951 : vector<1x16xf32> to vector<16xf32>
          %swap3A_953 = vector.shape_cast %mul3A_948 : vector<16xf32> to vector<1x16xf32>
          tpu.vector_store %arg9[%swap3A_949, %swap3A_950], %swap3A_953 {strides = array<i32>} : memref<128x128xf32, #tpu.memory_space<vmem>>, vector<1x16xf32>,
          %get3A_954 = arith.index_cast %add3A_883 : i32 to index
          %get3A_955 = arith.constant 112 : index
          %get3A_956 = tpu.vector_load %arg9[%get3A_954, %get3A_955] {strides = array<i32>} : memref<128x128xf32, #tpu.memory_space<vmem>>, vector<1x16xf32>,
          %get3A_957 = vector.shape_cast %get3A_956 : vector<1x16xf32> to vector<16xf32>
          %mul3A_958 = arith.mulf %get3A_957, %broadcast_in_dim3A_879 : vector<16xf32>
          %swap3A_959 = arith.index_cast %add3A_883 : i32 to index
          %swap3A_960 = arith.constant 112 : index
          %swap3A_961 = tpu.vector_load %arg9[%swap3A_959, %swap3A_960] {strides = array<i32>} : memref<128x128xf32, #tpu.memory_space<vmem>>, vector<1x16xf32>,
          %swap3A_962 = vector.shape_cast %swap3A_961 : vector<1x16xf32> to vector<16xf32>
          %swap3A_963 = vector.shape_cast %mul3A_958 : vector<16xf32> to vector<1x16xf32>
          tpu.vector_store %arg9[%swap3A_959, %swap3A_960], %swap3A_963 {strides = array<i32>} : memref<128x128xf32, #tpu.memory_space<vmem>>, vector<1x16xf32>,
          %slice3A_964 = vector.extract_strided_slice %get3A_97 {offsets = [10], sizes = [1], strides = [1]} : vector<16xf32> to vector<1xf32>
          %squeeze3A_965 = vector.extract %slice3A_964[0] : f32 from vector<1xf32>
          %broadcast_in_dim3A_966 = vector.broadcast %squeeze3A_965 : f32 to vector<16xf32>
          %mul3A_967 = arith.constant 16 : i32
          %mul3A_968 = arith.muli %scan3A_93, %mul3A_967 : i32
          %add3A_969 = arith.constant 10 : i32
          %add3A_970 = arith.addi %mul3A_968, %add3A_969 : i32
          %get3A_971 = arith.index_cast %add3A_970 : i32 to index
          %get3A_972 = arith.constant 0 : index
          %get3A_973 = tpu.vector_load %arg9[%get3A_971, %get3A_972] {strides = array<i32>} : memref<128x128xf32, #tpu.memory_space<vmem>>, vector<1x16xf32>,
          %get3A_974 = vector.shape_cast %get3A_973 : vector<1x16xf32> to vector<16xf32>
          %mul3A_975 = arith.mulf %get3A_974, %broadcast_in_dim3A_966 : vector<16xf32>
          %swap3A_976 = arith.index_cast %add3A_970 : i32 to index
          %swap3A_977 = arith.constant 0 : index
          %swap3A_978 = tpu.vector_load %arg9[%swap3A_976, %swap3A_977] {strides = array<i32>} : memref<128x128xf32, #tpu.memory_space<vmem>>, vector<1x16xf32>,
          %swap3A_979 = vector.shape_cast %swap3A_978 : vector<1x16xf32> to vector<16xf32>
          %swap3A_980 = vector.shape_cast %mul3A_975 : vector<16xf32> to vector<1x16xf32>
          tpu.vector_store %arg9[%swap3A_976, %swap3A_977], %swap3A_980 {strides = array<i32>} : memref<128x128xf32, #tpu.memory_space<vmem>>, vector<1x16xf32>,
          %get3A_981 = arith.index_cast %add3A_970 : i32 to index
          %get3A_982 = arith.constant 16 : index
          %get3A_983 = tpu.vector_load %arg9[%get3A_981, %get3A_982] {strides = array<i32>} : memref<128x128xf32, #tpu.memory_space<vmem>>, vector<1x16xf32>,
          %get3A_984 = vector.shape_cast %get3A_983 : vector<1x16xf32> to vector<16xf32>
          %mul3A_985 = arith.mulf %get3A_984, %broadcast_in_dim3A_966 : vector<16xf32>
          %swap3A_986 = arith.index_cast %add3A_970 : i32 to index
          %swap3A_987 = arith.constant 16 : index
          %swap3A_988 = tpu.vector_load %arg9[%swap3A_986, %swap3A_987] {strides = array<i32>} : memref<128x128xf32, #tpu.memory_space<vmem>>, vector<1x16xf32>,
          %swap3A_989 = vector.shape_cast %swap3A_988 : vector<1x16xf32> to vector<16xf32>
          %swap3A_990 = vector.shape_cast %mul3A_985 : vector<16xf32> to vector<1x16xf32>
          tpu.vector_store %arg9[%swap3A_986, %swap3A_987], %swap3A_990 {strides = array<i32>} : memref<128x128xf32, #tpu.memory_space<vmem>>, vector<1x16xf32>,
          %get3A_991 = arith.index_cast %add3A_970 : i32 to index
          %get3A_992 = arith.constant 32 : index
          %get3A_993 = tpu.vector_load %arg9[%get3A_991, %get3A_992] {strides = array<i32>} : memref<128x128xf32, #tpu.memory_space<vmem>>, vector<1x16xf32>,
          %get3A_994 = vector.shape_cast %get3A_993 : vector<1x16xf32> to vector<16xf32>
          %mul3A_995 = arith.mulf %get3A_994, %broadcast_in_dim3A_966 : vector<16xf32>
          %swap3A_996 = arith.index_cast %add3A_970 : i32 to index
          %swap3A_997 = arith.constant 32 : index
          %swap3A_998 = tpu.vector_load %arg9[%swap3A_996, %swap3A_997] {strides = array<i32>} : memref<128x128xf32, #tpu.memory_space<vmem>>, vector<1x16xf32>,
          %swap3A_999 = vector.shape_cast %swap3A_998 : vector<1x16xf32> to vector<16xf32>
          %swap3A_1000 = vector.shape_cast %mul3A_995 : vector<16xf32> to vector<1x16xf32>
          tpu.vector_store %arg9[%swap3A_996, %swap3A_997], %swap3A_1000 {strides = array<i32>} : memref<128x128xf32, #tpu.memory_space<vmem>>, vector<1x16xf32>,
          %get3A_1001 = arith.index_cast %add3A_970 : i32 to index
          %get3A_1002 = arith.constant 48 : index
          %get3A_1003 = tpu.vector_load %arg9[%get3A_1001, %get3A_1002] {strides = array<i32>} : memref<128x128xf32, #tpu.memory_space<vmem>>, vector<1x16xf32>,
          %get3A_1004 = vector.shape_cast %get3A_1003 : vector<1x16xf32> to vector<16xf32>
          %mul3A_1005 = arith.mulf %get3A_1004, %broadcast_in_dim3A_966 : vector<16xf32>
          %swap3A_1006 = arith.index_cast %add3A_970 : i32 to index
          %swap3A_1007 = arith.constant 48 : index
          %swap3A_1008 = tpu.vector_load %arg9[%swap3A_1006, %swap3A_1007] {strides = array<i32>} : memref<128x128xf32, #tpu.memory_space<vmem>>, vector<1x16xf32>,
          %swap3A_1009 = vector.shape_cast %swap3A_1008 : vector<1x16xf32> to vector<16xf32>
          %swap3A_1010 = vector.shape_cast %mul3A_1005 : vector<16xf32> to vector<1x16xf32>
          tpu.vector_store %arg9[%swap3A_1006, %swap3A_1007], %swap3A_1010 {strides = array<i32>} : memref<128x128xf32, #tpu.memory_space<vmem>>, vector<1x16xf32>,
          %get3A_1011 = arith.index_cast %add3A_970 : i32 to index
          %get3A_1012 = arith.constant 64 : index
          %get3A_1013 = tpu.vector_load %arg9[%get3A_1011, %get3A_1012] {strides = array<i32>} : memref<128x128xf32, #tpu.memory_space<vmem>>, vector<1x16xf32>,
          %get3A_1014 = vector.shape_cast %get3A_1013 : vector<1x16xf32> to vector<16xf32>
          %mul3A_1015 = arith.mulf %get3A_1014, %broadcast_in_dim3A_966 : vector<16xf32>
          %swap3A_1016 = arith.index_cast %add3A_970 : i32 to index
          %swap3A_1017 = arith.constant 64 : index
          %swap3A_1018 = tpu.vector_load %arg9[%swap3A_1016, %swap3A_1017] {strides = array<i32>} : memref<128x128xf32, #tpu.memory_space<vmem>>, vector<1x16xf32>,
          %swap3A_1019 = vector.shape_cast %swap3A_1018 : vector<1x16xf32> to vector<16xf32>
          %swap3A_1020 = vector.shape_cast %mul3A_1015 : vector<16xf32> to vector<1x16xf32>
          tpu.vector_store %arg9[%swap3A_1016, %swap3A_1017], %swap3A_1020 {strides = array<i32>} : memref<128x128xf32, #tpu.memory_space<vmem>>, vector<1x16xf32>,
          %get3A_1021 = arith.index_cast %add3A_970 : i32 to index
          %get3A_1022 = arith.constant 80 : index
          %get3A_1023 = tpu.vector_load %arg9[%get3A_1021, %get3A_1022] {strides = array<i32>} : memref<128x128xf32, #tpu.memory_space<vmem>>, vector<1x16xf32>,
          %get3A_1024 = vector.shape_cast %get3A_1023 : vector<1x16xf32> to vector<16xf32>
          %mul3A_1025 = arith.mulf %get3A_1024, %broadcast_in_dim3A_966 : vector<16xf32>
          %swap3A_1026 = arith.index_cast %add3A_970 : i32 to index
          %swap3A_1027 = arith.constant 80 : index
          %swap3A_1028 = tpu.vector_load %arg9[%swap3A_1026, %swap3A_1027] {strides = array<i32>} : memref<128x128xf32, #tpu.memory_space<vmem>>, vector<1x16xf32>,
          %swap3A_1029 = vector.shape_cast %swap3A_1028 : vector<1x16xf32> to vector<16xf32>
          %swap3A_1030 = vector.shape_cast %mul3A_1025 : vector<16xf32> to vector<1x16xf32>
          tpu.vector_store %arg9[%swap3A_1026, %swap3A_1027], %swap3A_1030 {strides = array<i32>} : memref<128x128xf32, #tpu.memory_space<vmem>>, vector<1x16xf32>,
          %get3A_1031 = arith.index_cast %add3A_970 : i32 to index
          %get3A_1032 = arith.constant 96 : index
          %get3A_1033 = tpu.vector_load %arg9[%get3A_1031, %get3A_1032] {strides = array<i32>} : memref<128x128xf32, #tpu.memory_space<vmem>>, vector<1x16xf32>,
          %get3A_1034 = vector.shape_cast %get3A_1033 : vector<1x16xf32> to vector<16xf32>
          %mul3A_1035 = arith.mulf %get3A_1034, %broadcast_in_dim3A_966 : vector<16xf32>
          %swap3A_1036 = arith.index_cast %add3A_970 : i32 to index
          %swap3A_1037 = arith.constant 96 : index
          %swap3A_1038 = tpu.vector_load %arg9[%swap3A_1036, %swap3A_1037] {strides = array<i32>} : memref<128x128xf32, #tpu.memory_space<vmem>>, vector<1x16xf32>,
          %swap3A_1039 = vector.shape_cast %swap3A_1038 : vector<1x16xf32> to vector<16xf32>
          %swap3A_1040 = vector.shape_cast %mul3A_1035 : vector<16xf32> to vector<1x16xf32>
          tpu.vector_store %arg9[%swap3A_1036, %swap3A_1037], %swap3A_1040 {strides = array<i32>} : memref<128x128xf32, #tpu.memory_space<vmem>>, vector<1x16xf32>,
          %get3A_1041 = arith.index_cast %add3A_970 : i32 to index
          %get3A_1042 = arith.constant 112 : index
          %get3A_1043 = tpu.vector_load %arg9[%get3A_1041, %get3A_1042] {strides = array<i32>} : memref<128x128xf32, #tpu.memory_space<vmem>>, vector<1x16xf32>,
          %get3A_1044 = vector.shape_cast %get3A_1043 : vector<1x16xf32> to vector<16xf32>
          %mul3A_1045 = arith.mulf %get3A_1044, %broadcast_in_dim3A_966 : vector<16xf32>
          %swap3A_1046 = arith.index_cast %add3A_970 : i32 to index
          %swap3A_1047 = arith.constant 112 : index
          %swap3A_1048 = tpu.vector_load %arg9[%swap3A_1046, %swap3A_1047] {strides = array<i32>} : memref<128x128xf32, #tpu.memory_space<vmem>>, vector<1x16xf32>,
          %swap3A_1049 = vector.shape_cast %swap3A_1048 : vector<1x16xf32> to vector<16xf32>
          %swap3A_1050 = vector.shape_cast %mul3A_1045 : vector<16xf32> to vector<1x16xf32>
          tpu.vector_store %arg9[%swap3A_1046, %swap3A_1047], %swap3A_1050 {strides = array<i32>} : memref<128x128xf32, #tpu.memory_space<vmem>>, vector<1x16xf32>,
          %slice3A_1051 = vector.extract_strided_slice %get3A_97 {offsets = [11], sizes = [1], strides = [1]} : vector<16xf32> to vector<1xf32>
          %squeeze3A_1052 = vector.extract %slice3A_1051[0] : f32 from vector<1xf32>
          %broadcast_in_dim3A_1053 = vector.broadcast %squeeze3A_1052 : f32 to vector<16xf32>
          %mul3A_1054 = arith.constant 16 : i32
          %mul3A_1055 = arith.muli %scan3A_93, %mul3A_1054 : i32
          %add3A_1056 = arith.constant 11 : i32
          %add3A_1057 = arith.addi %mul3A_1055, %add3A_1056 : i32
          %get3A_1058 = arith.index_cast %add3A_1057 : i32 to index
          %get3A_1059 = arith.constant 0 : index
          %get3A_1060 = tpu.vector_load %arg9[%get3A_1058, %get3A_1059] {strides = array<i32>} : memref<128x128xf32, #tpu.memory_space<vmem>>, vector<1x16xf32>,
          %get3A_1061 = vector.shape_cast %get3A_1060 : vector<1x16xf32> to vector<16xf32>
          %mul3A_1062 = arith.mulf %get3A_1061, %broadcast_in_dim3A_1053 : vector<16xf32>
          %swap3A_1063 = arith.index_cast %add3A_1057 : i32 to index
          %swap3A_1064 = arith.constant 0 : index
          %swap3A_1065 = tpu.vector_load %arg9[%swap3A_1063, %swap3A_1064] {strides = array<i32>} : memref<128x128xf32, #tpu.memory_space<vmem>>, vector<1x16xf32>,
          %swap3A_1066 = vector.shape_cast %swap3A_1065 : vector<1x16xf32> to vector<16xf32>
          %swap3A_1067 = vector.shape_cast %mul3A_1062 : vector<16xf32> to vector<1x16xf32>
          tpu.vector_store %arg9[%swap3A_1063, %swap3A_1064], %swap3A_1067 {strides = array<i32>} : memref<128x128xf32, #tpu.memory_space<vmem>>, vector<1x16xf32>,
          %get3A_1068 = arith.index_cast %add3A_1057 : i32 to index
          %get3A_1069 = arith.constant 16 : index
          %get3A_1070 = tpu.vector_load %arg9[%get3A_1068, %get3A_1069] {strides = array<i32>} : memref<128x128xf32, #tpu.memory_space<vmem>>, vector<1x16xf32>,
          %get3A_1071 = vector.shape_cast %get3A_1070 : vector<1x16xf32> to vector<16xf32>
          %mul3A_1072 = arith.mulf %get3A_1071, %broadcast_in_dim3A_1053 : vector<16xf32>
          %swap3A_1073 = arith.index_cast %add3A_1057 : i32 to index
          %swap3A_1074 = arith.constant 16 : index
          %swap3A_1075 = tpu.vector_load %arg9[%swap3A_1073, %swap3A_1074] {strides = array<i32>} : memref<128x128xf32, #tpu.memory_space<vmem>>, vector<1x16xf32>,
          %swap3A_1076 = vector.shape_cast %swap3A_1075 : vector<1x16xf32> to vector<16xf32>
          %swap3A_1077 = vector.shape_cast %mul3A_1072 : vector<16xf32> to vector<1x16xf32>
          tpu.vector_store %arg9[%swap3A_1073, %swap3A_1074], %swap3A_1077 {strides = array<i32>} : memref<128x128xf32, #tpu.memory_space<vmem>>, vector<1x16xf32>,
          %get3A_1078 = arith.index_cast %add3A_1057 : i32 to index
          %get3A_1079 = arith.constant 32 : index
          %get3A_1080 = tpu.vector_load %arg9[%get3A_1078, %get3A_1079] {strides = array<i32>} : memref<128x128xf32, #tpu.memory_space<vmem>>, vector<1x16xf32>,
          %get3A_1081 = vector.shape_cast %get3A_1080 : vector<1x16xf32> to vector<16xf32>
          %mul3A_1082 = arith.mulf %get3A_1081, %broadcast_in_dim3A_1053 : vector<16xf32>
          %swap3A_1083 = arith.index_cast %add3A_1057 : i32 to index
          %swap3A_1084 = arith.constant 32 : index
          %swap3A_1085 = tpu.vector_load %arg9[%swap3A_1083, %swap3A_1084] {strides = array<i32>} : memref<128x128xf32, #tpu.memory_space<vmem>>, vector<1x16xf32>,
          %swap3A_1086 = vector.shape_cast %swap3A_1085 : vector<1x16xf32> to vector<16xf32>
          %swap3A_1087 = vector.shape_cast %mul3A_1082 : vector<16xf32> to vector<1x16xf32>
          tpu.vector_store %arg9[%swap3A_1083, %swap3A_1084], %swap3A_1087 {strides = array<i32>} : memref<128x128xf32, #tpu.memory_space<vmem>>, vector<1x16xf32>,
          %get3A_1088 = arith.index_cast %add3A_1057 : i32 to index
          %get3A_1089 = arith.constant 48 : index
          %get3A_1090 = tpu.vector_load %arg9[%get3A_1088, %get3A_1089] {strides = array<i32>} : memref<128x128xf32, #tpu.memory_space<vmem>>, vector<1x16xf32>,
          %get3A_1091 = vector.shape_cast %get3A_1090 : vector<1x16xf32> to vector<16xf32>
          %mul3A_1092 = arith.mulf %get3A_1091, %broadcast_in_dim3A_1053 : vector<16xf32>
          %swap3A_1093 = arith.index_cast %add3A_1057 : i32 to index
          %swap3A_1094 = arith.constant 48 : index
          %swap3A_1095 = tpu.vector_load %arg9[%swap3A_1093, %swap3A_1094] {strides = array<i32>} : memref<128x128xf32, #tpu.memory_space<vmem>>, vector<1x16xf32>,
          %swap3A_1096 = vector.shape_cast %swap3A_1095 : vector<1x16xf32> to vector<16xf32>
          %swap3A_1097 = vector.shape_cast %mul3A_1092 : vector<16xf32> to vector<1x16xf32>
          tpu.vector_store %arg9[%swap3A_1093, %swap3A_1094], %swap3A_1097 {strides = array<i32>} : memref<128x128xf32, #tpu.memory_space<vmem>>, vector<1x16xf32>,
          %get3A_1098 = arith.index_cast %add3A_1057 : i32 to index
          %get3A_1099 = arith.constant 64 : index
          %get3A_1100 = tpu.vector_load %arg9[%get3A_1098, %get3A_1099] {strides = array<i32>} : memref<128x128xf32, #tpu.memory_space<vmem>>, vector<1x16xf32>,
          %get3A_1101 = vector.shape_cast %get3A_1100 : vector<1x16xf32> to vector<16xf32>
          %mul3A_1102 = arith.mulf %get3A_1101, %broadcast_in_dim3A_1053 : vector<16xf32>
          %swap3A_1103 = arith.index_cast %add3A_1057 : i32 to index
          %swap3A_1104 = arith.constant 64 : index
          %swap3A_1105 = tpu.vector_load %arg9[%swap3A_1103, %swap3A_1104] {strides = array<i32>} : memref<128x128xf32, #tpu.memory_space<vmem>>, vector<1x16xf32>,
          %swap3A_1106 = vector.shape_cast %swap3A_1105 : vector<1x16xf32> to vector<16xf32>
          %swap3A_1107 = vector.shape_cast %mul3A_1102 : vector<16xf32> to vector<1x16xf32>
          tpu.vector_store %arg9[%swap3A_1103, %swap3A_1104], %swap3A_1107 {strides = array<i32>} : memref<128x128xf32, #tpu.memory_space<vmem>>, vector<1x16xf32>,
          %get3A_1108 = arith.index_cast %add3A_1057 : i32 to index
          %get3A_1109 = arith.constant 80 : index
          %get3A_1110 = tpu.vector_load %arg9[%get3A_1108, %get3A_1109] {strides = array<i32>} : memref<128x128xf32, #tpu.memory_space<vmem>>, vector<1x16xf32>,
          %get3A_1111 = vector.shape_cast %get3A_1110 : vector<1x16xf32> to vector<16xf32>
          %mul3A_1112 = arith.mulf %get3A_1111, %broadcast_in_dim3A_1053 : vector<16xf32>
          %swap3A_1113 = arith.index_cast %add3A_1057 : i32 to index
          %swap3A_1114 = arith.constant 80 : index
          %swap3A_1115 = tpu.vector_load %arg9[%swap3A_1113, %swap3A_1114] {strides = array<i32>} : memref<128x128xf32, #tpu.memory_space<vmem>>, vector<1x16xf32>,
          %swap3A_1116 = vector.shape_cast %swap3A_1115 : vector<1x16xf32> to vector<16xf32>
          %swap3A_1117 = vector.shape_cast %mul3A_1112 : vector<16xf32> to vector<1x16xf32>
          tpu.vector_store %arg9[%swap3A_1113, %swap3A_1114], %swap3A_1117 {strides = array<i32>} : memref<128x128xf32, #tpu.memory_space<vmem>>, vector<1x16xf32>,
          %get3A_1118 = arith.index_cast %add3A_1057 : i32 to index
          %get3A_1119 = arith.constant 96 : index
          %get3A_1120 = tpu.vector_load %arg9[%get3A_1118, %get3A_1119] {strides = array<i32>} : memref<128x128xf32, #tpu.memory_space<vmem>>, vector<1x16xf32>,
          %get3A_1121 = vector.shape_cast %get3A_1120 : vector<1x16xf32> to vector<16xf32>
          %mul3A_1122 = arith.mulf %get3A_1121, %broadcast_in_dim3A_1053 : vector<16xf32>
          %swap3A_1123 = arith.index_cast %add3A_1057 : i32 to index
          %swap3A_1124 = arith.constant 96 : index
          %swap3A_1125 = tpu.vector_load %arg9[%swap3A_1123, %swap3A_1124] {strides = array<i32>} : memref<128x128xf32, #tpu.memory_space<vmem>>, vector<1x16xf32>,
          %swap3A_1126 = vector.shape_cast %swap3A_1125 : vector<1x16xf32> to vector<16xf32>
          %swap3A_1127 = vector.shape_cast %mul3A_1122 : vector<16xf32> to vector<1x16xf32>
          tpu.vector_store %arg9[%swap3A_1123, %swap3A_1124], %swap3A_1127 {strides = array<i32>} : memref<128x128xf32, #tpu.memory_space<vmem>>, vector<1x16xf32>,
          %get3A_1128 = arith.index_cast %add3A_1057 : i32 to index
          %get3A_1129 = arith.constant 112 : index
          %get3A_1130 = tpu.vector_load %arg9[%get3A_1128, %get3A_1129] {strides = array<i32>} : memref<128x128xf32, #tpu.memory_space<vmem>>, vector<1x16xf32>,
          %get3A_1131 = vector.shape_cast %get3A_1130 : vector<1x16xf32> to vector<16xf32>
          %mul3A_1132 = arith.mulf %get3A_1131, %broadcast_in_dim3A_1053 : vector<16xf32>
          %swap3A_1133 = arith.index_cast %add3A_1057 : i32 to index
          %swap3A_1134 = arith.constant 112 : index
          %swap3A_1135 = tpu.vector_load %arg9[%swap3A_1133, %swap3A_1134] {strides = array<i32>} : memref<128x128xf32, #tpu.memory_space<vmem>>, vector<1x16xf32>,
          %swap3A_1136 = vector.shape_cast %swap3A_1135 : vector<1x16xf32> to vector<16xf32>
          %swap3A_1137 = vector.shape_cast %mul3A_1132 : vector<16xf32> to vector<1x16xf32>
          tpu.vector_store %arg9[%swap3A_1133, %swap3A_1134], %swap3A_1137 {strides = array<i32>} : memref<128x128xf32, #tpu.memory_space<vmem>>, vector<1x16xf32>,
          %slice3A_1138 = vector.extract_strided_slice %get3A_97 {offsets = [12], sizes = [1], strides = [1]} : vector<16xf32> to vector<1xf32>
          %squeeze3A_1139 = vector.extract %slice3A_1138[0] : f32 from vector<1xf32>
          %broadcast_in_dim3A_1140 = vector.broadcast %squeeze3A_1139 : f32 to vector<16xf32>
          %mul3A_1141 = arith.constant 16 : i32
          %mul3A_1142 = arith.muli %scan3A_93, %mul3A_1141 : i32
          %add3A_1143 = arith.constant 12 : i32
          %add3A_1144 = arith.addi %mul3A_1142, %add3A_1143 : i32
          %get3A_1145 = arith.index_cast %add3A_1144 : i32 to index
          %get3A_1146 = arith.constant 0 : index
          %get3A_1147 = tpu.vector_load %arg9[%get3A_1145, %get3A_1146] {strides = array<i32>} : memref<128x128xf32, #tpu.memory_space<vmem>>, vector<1x16xf32>,
          %get3A_1148 = vector.shape_cast %get3A_1147 : vector<1x16xf32> to vector<16xf32>
          %mul3A_1149 = arith.mulf %get3A_1148, %broadcast_in_dim3A_1140 : vector<16xf32>
          %swap3A_1150 = arith.index_cast %add3A_1144 : i32 to index
          %swap3A_1151 = arith.constant 0 : index
          %swap3A_1152 = tpu.vector_load %arg9[%swap3A_1150, %swap3A_1151] {strides = array<i32>} : memref<128x128xf32, #tpu.memory_space<vmem>>, vector<1x16xf32>,
          %swap3A_1153 = vector.shape_cast %swap3A_1152 : vector<1x16xf32> to vector<16xf32>
          %swap3A_1154 = vector.shape_cast %mul3A_1149 : vector<16xf32> to vector<1x16xf32>
          tpu.vector_store %arg9[%swap3A_1150, %swap3A_1151], %swap3A_1154 {strides = array<i32>} : memref<128x128xf32, #tpu.memory_space<vmem>>, vector<1x16xf32>,
          %get3A_1155 = arith.index_cast %add3A_1144 : i32 to index
          %get3A_1156 = arith.constant 16 : index
          %get3A_1157 = tpu.vector_load %arg9[%get3A_1155, %get3A_1156] {strides = array<i32>} : memref<128x128xf32, #tpu.memory_space<vmem>>, vector<1x16xf32>,
          %get3A_1158 = vector.shape_cast %get3A_1157 : vector<1x16xf32> to vector<16xf32>
          %mul3A_1159 = arith.mulf %get3A_1158, %broadcast_in_dim3A_1140 : vector<16xf32>
          %swap3A_1160 = arith.index_cast %add3A_1144 : i32 to index
          %swap3A_1161 = arith.constant 16 : index
          %swap3A_1162 = tpu.vector_load %arg9[%swap3A_1160, %swap3A_1161] {strides = array<i32>} : memref<128x128xf32, #tpu.memory_space<vmem>>, vector<1x16xf32>,
          %swap3A_1163 = vector.shape_cast %swap3A_1162 : vector<1x16xf32> to vector<16xf32>
          %swap3A_1164 = vector.shape_cast %mul3A_1159 : vector<16xf32> to vector<1x16xf32>
          tpu.vector_store %arg9[%swap3A_1160, %swap3A_1161], %swap3A_1164 {strides = array<i32>} : memref<128x128xf32, #tpu.memory_space<vmem>>, vector<1x16xf32>,
          %get3A_1165 = arith.index_cast %add3A_1144 : i32 to index
          %get3A_1166 = arith.constant 32 : index
          %get3A_1167 = tpu.vector_load %arg9[%get3A_1165, %get3A_1166] {strides = array<i32>} : memref<128x128xf32, #tpu.memory_space<vmem>>, vector<1x16xf32>,
          %get3A_1168 = vector.shape_cast %get3A_1167 : vector<1x16xf32> to vector<16xf32>
          %mul3A_1169 = arith.mulf %get3A_1168, %broadcast_in_dim3A_1140 : vector<16xf32>
          %swap3A_1170 = arith.index_cast %add3A_1144 : i32 to index
          %swap3A_1171 = arith.constant 32 : index
          %swap3A_1172 = tpu.vector_load %arg9[%swap3A_1170, %swap3A_1171] {strides = array<i32>} : memref<128x128xf32, #tpu.memory_space<vmem>>, vector<1x16xf32>,
          %swap3A_1173 = vector.shape_cast %swap3A_1172 : vector<1x16xf32> to vector<16xf32>
          %swap3A_1174 = vector.shape_cast %mul3A_1169 : vector<16xf32> to vector<1x16xf32>
          tpu.vector_store %arg9[%swap3A_1170, %swap3A_1171], %swap3A_1174 {strides = array<i32>} : memref<128x128xf32, #tpu.memory_space<vmem>>, vector<1x16xf32>,
          %get3A_1175 = arith.index_cast %add3A_1144 : i32 to index
          %get3A_1176 = arith.constant 48 : index
          %get3A_1177 = tpu.vector_load %arg9[%get3A_1175, %get3A_1176] {strides = array<i32>} : memref<128x128xf32, #tpu.memory_space<vmem>>, vector<1x16xf32>,
          %get3A_1178 = vector.shape_cast %get3A_1177 : vector<1x16xf32> to vector<16xf32>
          %mul3A_1179 = arith.mulf %get3A_1178, %broadcast_in_dim3A_1140 : vector<16xf32>
          %swap3A_1180 = arith.index_cast %add3A_1144 : i32 to index
          %swap3A_1181 = arith.constant 48 : index
          %swap3A_1182 = tpu.vector_load %arg9[%swap3A_1180, %swap3A_1181] {strides = array<i32>} : memref<128x128xf32, #tpu.memory_space<vmem>>, vector<1x16xf32>,
          %swap3A_1183 = vector.shape_cast %swap3A_1182 : vector<1x16xf32> to vector<16xf32>
          %swap3A_1184 = vector.shape_cast %mul3A_1179 : vector<16xf32> to vector<1x16xf32>
          tpu.vector_store %arg9[%swap3A_1180, %swap3A_1181], %swap3A_1184 {strides = array<i32>} : memref<128x128xf32, #tpu.memory_space<vmem>>, vector<1x16xf32>,
          %get3A_1185 = arith.index_cast %add3A_1144 : i32 to index
          %get3A_1186 = arith.constant 64 : index
          %get3A_1187 = tpu.vector_load %arg9[%get3A_1185, %get3A_1186] {strides = array<i32>} : memref<128x128xf32, #tpu.memory_space<vmem>>, vector<1x16xf32>,
          %get3A_1188 = vector.shape_cast %get3A_1187 : vector<1x16xf32> to vector<16xf32>
          %mul3A_1189 = arith.mulf %get3A_1188, %broadcast_in_dim3A_1140 : vector<16xf32>
          %swap3A_1190 = arith.index_cast %add3A_1144 : i32 to index
          %swap3A_1191 = arith.constant 64 : index
          %swap3A_1192 = tpu.vector_load %arg9[%swap3A_1190, %swap3A_1191] {strides = array<i32>} : memref<128x128xf32, #tpu.memory_space<vmem>>, vector<1x16xf32>,
          %swap3A_1193 = vector.shape_cast %swap3A_1192 : vector<1x16xf32> to vector<16xf32>
          %swap3A_1194 = vector.shape_cast %mul3A_1189 : vector<16xf32> to vector<1x16xf32>
          tpu.vector_store %arg9[%swap3A_1190, %swap3A_1191], %swap3A_1194 {strides = array<i32>} : memref<128x128xf32, #tpu.memory_space<vmem>>, vector<1x16xf32>,
          %get3A_1195 = arith.index_cast %add3A_1144 : i32 to index
          %get3A_1196 = arith.constant 80 : index
          %get3A_1197 = tpu.vector_load %arg9[%get3A_1195, %get3A_1196] {strides = array<i32>} : memref<128x128xf32, #tpu.memory_space<vmem>>, vector<1x16xf32>,
          %get3A_1198 = vector.shape_cast %get3A_1197 : vector<1x16xf32> to vector<16xf32>
          %mul3A_1199 = arith.mulf %get3A_1198, %broadcast_in_dim3A_1140 : vector<16xf32>
          %swap3A_1200 = arith.index_cast %add3A_1144 : i32 to index
          %swap3A_1201 = arith.constant 80 : index
          %swap3A_1202 = tpu.vector_load %arg9[%swap3A_1200, %swap3A_1201] {strides = array<i32>} : memref<128x128xf32, #tpu.memory_space<vmem>>, vector<1x16xf32>,
          %swap3A_1203 = vector.shape_cast %swap3A_1202 : vector<1x16xf32> to vector<16xf32>
          %swap3A_1204 = vector.shape_cast %mul3A_1199 : vector<16xf32> to vector<1x16xf32>
          tpu.vector_store %arg9[%swap3A_1200, %swap3A_1201], %swap3A_1204 {strides = array<i32>} : memref<128x128xf32, #tpu.memory_space<vmem>>, vector<1x16xf32>,
          %get3A_1205 = arith.index_cast %add3A_1144 : i32 to index
          %get3A_1206 = arith.constant 96 : index
          %get3A_1207 = tpu.vector_load %arg9[%get3A_1205, %get3A_1206] {strides = array<i32>} : memref<128x128xf32, #tpu.memory_space<vmem>>, vector<1x16xf32>,
          %get3A_1208 = vector.shape_cast %get3A_1207 : vector<1x16xf32> to vector<16xf32>
          %mul3A_1209 = arith.mulf %get3A_1208, %broadcast_in_dim3A_1140 : vector<16xf32>
          %swap3A_1210 = arith.index_cast %add3A_1144 : i32 to index
          %swap3A_1211 = arith.constant 96 : index
          %swap3A_1212 = tpu.vector_load %arg9[%swap3A_1210, %swap3A_1211] {strides = array<i32>} : memref<128x128xf32, #tpu.memory_space<vmem>>, vector<1x16xf32>,
          %swap3A_1213 = vector.shape_cast %swap3A_1212 : vector<1x16xf32> to vector<16xf32>
          %swap3A_1214 = vector.shape_cast %mul3A_1209 : vector<16xf32> to vector<1x16xf32>
          tpu.vector_store %arg9[%swap3A_1210, %swap3A_1211], %swap3A_1214 {strides = array<i32>} : memref<128x128xf32, #tpu.memory_space<vmem>>, vector<1x16xf32>,
          %get3A_1215 = arith.index_cast %add3A_1144 : i32 to index
          %get3A_1216 = arith.constant 112 : index
          %get3A_1217 = tpu.vector_load %arg9[%get3A_1215, %get3A_1216] {strides = array<i32>} : memref<128x128xf32, #tpu.memory_space<vmem>>, vector<1x16xf32>,
          %get3A_1218 = vector.shape_cast %get3A_1217 : vector<1x16xf32> to vector<16xf32>
          %mul3A_1219 = arith.mulf %get3A_1218, %broadcast_in_dim3A_1140 : vector<16xf32>
          %swap3A_1220 = arith.index_cast %add3A_1144 : i32 to index
          %swap3A_1221 = arith.constant 112 : index
          %swap3A_1222 = tpu.vector_load %arg9[%swap3A_1220, %swap3A_1221] {strides = array<i32>} : memref<128x128xf32, #tpu.memory_space<vmem>>, vector<1x16xf32>,
          %swap3A_1223 = vector.shape_cast %swap3A_1222 : vector<1x16xf32> to vector<16xf32>
          %swap3A_1224 = vector.shape_cast %mul3A_1219 : vector<16xf32> to vector<1x16xf32>
          tpu.vector_store %arg9[%swap3A_1220, %swap3A_1221], %swap3A_1224 {strides = array<i32>} : memref<128x128xf32, #tpu.memory_space<vmem>>, vector<1x16xf32>,
          %slice3A_1225 = vector.extract_strided_slice %get3A_97 {offsets = [13], sizes = [1], strides = [1]} : vector<16xf32> to vector<1xf32>
          %squeeze3A_1226 = vector.extract %slice3A_1225[0] : f32 from vector<1xf32>
          %broadcast_in_dim3A_1227 = vector.broadcast %squeeze3A_1226 : f32 to vector<16xf32>
          %mul3A_1228 = arith.constant 16 : i32
          %mul3A_1229 = arith.muli %scan3A_93, %mul3A_1228 : i32
          %add3A_1230 = arith.constant 13 : i32
          %add3A_1231 = arith.addi %mul3A_1229, %add3A_1230 : i32
          %get3A_1232 = arith.index_cast %add3A_1231 : i32 to index
          %get3A_1233 = arith.constant 0 : index
          %get3A_1234 = tpu.vector_load %arg9[%get3A_1232, %get3A_1233] {strides = array<i32>} : memref<128x128xf32, #tpu.memory_space<vmem>>, vector<1x16xf32>,
          %get3A_1235 = vector.shape_cast %get3A_1234 : vector<1x16xf32> to vector<16xf32>
          %mul3A_1236 = arith.mulf %get3A_1235, %broadcast_in_dim3A_1227 : vector<16xf32>
          %swap3A_1237 = arith.index_cast %add3A_1231 : i32 to index
          %swap3A_1238 = arith.constant 0 : index
          %swap3A_1239 = tpu.vector_load %arg9[%swap3A_1237, %swap3A_1238] {strides = array<i32>} : memref<128x128xf32, #tpu.memory_space<vmem>>, vector<1x16xf32>,
          %swap3A_1240 = vector.shape_cast %swap3A_1239 : vector<1x16xf32> to vector<16xf32>
          %swap3A_1241 = vector.shape_cast %mul3A_1236 : vector<16xf32> to vector<1x16xf32>
          tpu.vector_store %arg9[%swap3A_1237, %swap3A_1238], %swap3A_1241 {strides = array<i32>} : memref<128x128xf32, #tpu.memory_space<vmem>>, vector<1x16xf32>,
          %get3A_1242 = arith.index_cast %add3A_1231 : i32 to index
          %get3A_1243 = arith.constant 16 : index
          %get3A_1244 = tpu.vector_load %arg9[%get3A_1242, %get3A_1243] {strides = array<i32>} : memref<128x128xf32, #tpu.memory_space<vmem>>, vector<1x16xf32>,
          %get3A_1245 = vector.shape_cast %get3A_1244 : vector<1x16xf32> to vector<16xf32>
          %mul3A_1246 = arith.mulf %get3A_1245, %broadcast_in_dim3A_1227 : vector<16xf32>
          %swap3A_1247 = arith.index_cast %add3A_1231 : i32 to index
          %swap3A_1248 = arith.constant 16 : index
          %swap3A_1249 = tpu.vector_load %arg9[%swap3A_1247, %swap3A_1248] {strides = array<i32>} : memref<128x128xf32, #tpu.memory_space<vmem>>, vector<1x16xf32>,
          %swap3A_1250 = vector.shape_cast %swap3A_1249 : vector<1x16xf32> to vector<16xf32>
          %swap3A_1251 = vector.shape_cast %mul3A_1246 : vector<16xf32> to vector<1x16xf32>
          tpu.vector_store %arg9[%swap3A_1247, %swap3A_1248], %swap3A_1251 {strides = array<i32>} : memref<128x128xf32, #tpu.memory_space<vmem>>, vector<1x16xf32>,
          %get3A_1252 = arith.index_cast %add3A_1231 : i32 to index
          %get3A_1253 = arith.constant 32 : index
          %get3A_1254 = tpu.vector_load %arg9[%get3A_1252, %get3A_1253] {strides = array<i32>} : memref<128x128xf32, #tpu.memory_space<vmem>>, vector<1x16xf32>,
          %get3A_1255 = vector.shape_cast %get3A_1254 : vector<1x16xf32> to vector<16xf32>
          %mul3A_1256 = arith.mulf %get3A_1255, %broadcast_in_dim3A_1227 : vector<16xf32>
          %swap3A_1257 = arith.index_cast %add3A_1231 : i32 to index
          %swap3A_1258 = arith.constant 32 : index
          %swap3A_1259 = tpu.vector_load %arg9[%swap3A_1257, %swap3A_1258] {strides = array<i32>} : memref<128x128xf32, #tpu.memory_space<vmem>>, vector<1x16xf32>,
          %swap3A_1260 = vector.shape_cast %swap3A_1259 : vector<1x16xf32> to vector<16xf32>
          %swap3A_1261 = vector.shape_cast %mul3A_1256 : vector<16xf32> to vector<1x16xf32>
          tpu.vector_store %arg9[%swap3A_1257, %swap3A_1258], %swap3A_1261 {strides = array<i32>} : memref<128x128xf32, #tpu.memory_space<vmem>>, vector<1x16xf32>,
          %get3A_1262 = arith.index_cast %add3A_1231 : i32 to index
          %get3A_1263 = arith.constant 48 : index
          %get3A_1264 = tpu.vector_load %arg9[%get3A_1262, %get3A_1263] {strides = array<i32>} : memref<128x128xf32, #tpu.memory_space<vmem>>, vector<1x16xf32>,
          %get3A_1265 = vector.shape_cast %get3A_1264 : vector<1x16xf32> to vector<16xf32>
          %mul3A_1266 = arith.mulf %get3A_1265, %broadcast_in_dim3A_1227 : vector<16xf32>
          %swap3A_1267 = arith.index_cast %add3A_1231 : i32 to index
          %swap3A_1268 = arith.constant 48 : index
          %swap3A_1269 = tpu.vector_load %arg9[%swap3A_1267, %swap3A_1268] {strides = array<i32>} : memref<128x128xf32, #tpu.memory_space<vmem>>, vector<1x16xf32>,
          %swap3A_1270 = vector.shape_cast %swap3A_1269 : vector<1x16xf32> to vector<16xf32>
          %swap3A_1271 = vector.shape_cast %mul3A_1266 : vector<16xf32> to vector<1x16xf32>
          tpu.vector_store %arg9[%swap3A_1267, %swap3A_1268], %swap3A_1271 {strides = array<i32>} : memref<128x128xf32, #tpu.memory_space<vmem>>, vector<1x16xf32>,
          %get3A_1272 = arith.index_cast %add3A_1231 : i32 to index
          %get3A_1273 = arith.constant 64 : index
          %get3A_1274 = tpu.vector_load %arg9[%get3A_1272, %get3A_1273] {strides = array<i32>} : memref<128x128xf32, #tpu.memory_space<vmem>>, vector<1x16xf32>,
          %get3A_1275 = vector.shape_cast %get3A_1274 : vector<1x16xf32> to vector<16xf32>
          %mul3A_1276 = arith.mulf %get3A_1275, %broadcast_in_dim3A_1227 : vector<16xf32>
          %swap3A_1277 = arith.index_cast %add3A_1231 : i32 to index
          %swap3A_1278 = arith.constant 64 : index
          %swap3A_1279 = tpu.vector_load %arg9[%swap3A_1277, %swap3A_1278] {strides = array<i32>} : memref<128x128xf32, #tpu.memory_space<vmem>>, vector<1x16xf32>,
          %swap3A_1280 = vector.shape_cast %swap3A_1279 : vector<1x16xf32> to vector<16xf32>
          %swap3A_1281 = vector.shape_cast %mul3A_1276 : vector<16xf32> to vector<1x16xf32>
          tpu.vector_store %arg9[%swap3A_1277, %swap3A_1278], %swap3A_1281 {strides = array<i32>} : memref<128x128xf32, #tpu.memory_space<vmem>>, vector<1x16xf32>,
          %get3A_1282 = arith.index_cast %add3A_1231 : i32 to index
          %get3A_1283 = arith.constant 80 : index
          %get3A_1284 = tpu.vector_load %arg9[%get3A_1282, %get3A_1283] {strides = array<i32>} : memref<128x128xf32, #tpu.memory_space<vmem>>, vector<1x16xf32>,
          %get3A_1285 = vector.shape_cast %get3A_1284 : vector<1x16xf32> to vector<16xf32>
          %mul3A_1286 = arith.mulf %get3A_1285, %broadcast_in_dim3A_1227 : vector<16xf32>
          %swap3A_1287 = arith.index_cast %add3A_1231 : i32 to index
          %swap3A_1288 = arith.constant 80 : index
          %swap3A_1289 = tpu.vector_load %arg9[%swap3A_1287, %swap3A_1288] {strides = array<i32>} : memref<128x128xf32, #tpu.memory_space<vmem>>, vector<1x16xf32>,
          %swap3A_1290 = vector.shape_cast %swap3A_1289 : vector<1x16xf32> to vector<16xf32>
          %swap3A_1291 = vector.shape_cast %mul3A_1286 : vector<16xf32> to vector<1x16xf32>
          tpu.vector_store %arg9[%swap3A_1287, %swap3A_1288], %swap3A_1291 {strides = array<i32>} : memref<128x128xf32, #tpu.memory_space<vmem>>, vector<1x16xf32>,
          %get3A_1292 = arith.index_cast %add3A_1231 : i32 to index
          %get3A_1293 = arith.constant 96 : index
          %get3A_1294 = tpu.vector_load %arg9[%get3A_1292, %get3A_1293] {strides = array<i32>} : memref<128x128xf32, #tpu.memory_space<vmem>>, vector<1x16xf32>,
          %get3A_1295 = vector.shape_cast %get3A_1294 : vector<1x16xf32> to vector<16xf32>
          %mul3A_1296 = arith.mulf %get3A_1295, %broadcast_in_dim3A_1227 : vector<16xf32>
          %swap3A_1297 = arith.index_cast %add3A_1231 : i32 to index
          %swap3A_1298 = arith.constant 96 : index
          %swap3A_1299 = tpu.vector_load %arg9[%swap3A_1297, %swap3A_1298] {strides = array<i32>} : memref<128x128xf32, #tpu.memory_space<vmem>>, vector<1x16xf32>,
          %swap3A_1300 = vector.shape_cast %swap3A_1299 : vector<1x16xf32> to vector<16xf32>
          %swap3A_1301 = vector.shape_cast %mul3A_1296 : vector<16xf32> to vector<1x16xf32>
          tpu.vector_store %arg9[%swap3A_1297, %swap3A_1298], %swap3A_1301 {strides = array<i32>} : memref<128x128xf32, #tpu.memory_space<vmem>>, vector<1x16xf32>,
          %get3A_1302 = arith.index_cast %add3A_1231 : i32 to index
          %get3A_1303 = arith.constant 112 : index
          %get3A_1304 = tpu.vector_load %arg9[%get3A_1302, %get3A_1303] {strides = array<i32>} : memref<128x128xf32, #tpu.memory_space<vmem>>, vector<1x16xf32>,
          %get3A_1305 = vector.shape_cast %get3A_1304 : vector<1x16xf32> to vector<16xf32>
          %mul3A_1306 = arith.mulf %get3A_1305, %broadcast_in_dim3A_1227 : vector<16xf32>
          %swap3A_1307 = arith.index_cast %add3A_1231 : i32 to index
          %swap3A_1308 = arith.constant 112 : index
          %swap3A_1309 = tpu.vector_load %arg9[%swap3A_1307, %swap3A_1308] {strides = array<i32>} : memref<128x128xf32, #tpu.memory_space<vmem>>, vector<1x16xf32>,
          %swap3A_1310 = vector.shape_cast %swap3A_1309 : vector<1x16xf32> to vector<16xf32>
          %swap3A_1311 = vector.shape_cast %mul3A_1306 : vector<16xf32> to vector<1x16xf32>
          tpu.vector_store %arg9[%swap3A_1307, %swap3A_1308], %swap3A_1311 {strides = array<i32>} : memref<128x128xf32, #tpu.memory_space<vmem>>, vector<1x16xf32>,
          %slice3A_1312 = vector.extract_strided_slice %get3A_97 {offsets = [14], sizes = [1], strides = [1]} : vector<16xf32> to vector<1xf32>
          %squeeze3A_1313 = vector.extract %slice3A_1312[0] : f32 from vector<1xf32>
          %broadcast_in_dim3A_1314 = vector.broadcast %squeeze3A_1313 : f32 to vector<16xf32>
          %mul3A_1315 = arith.constant 16 : i32
          %mul3A_1316 = arith.muli %scan3A_93, %mul3A_1315 : i32
          %add3A_1317 = arith.constant 14 : i32
          %add3A_1318 = arith.addi %mul3A_1316, %add3A_1317 : i32
          %get3A_1319 = arith.index_cast %add3A_1318 : i32 to index
          %get3A_1320 = arith.constant 0 : index
          %get3A_1321 = tpu.vector_load %arg9[%get3A_1319, %get3A_1320] {strides = array<i32>} : memref<128x128xf32, #tpu.memory_space<vmem>>, vector<1x16xf32>,
          %get3A_1322 = vector.shape_cast %get3A_1321 : vector<1x16xf32> to vector<16xf32>
          %mul3A_1323 = arith.mulf %get3A_1322, %broadcast_in_dim3A_1314 : vector<16xf32>
          %swap3A_1324 = arith.index_cast %add3A_1318 : i32 to index
          %swap3A_1325 = arith.constant 0 : index
          %swap3A_1326 = tpu.vector_load %arg9[%swap3A_1324, %swap3A_1325] {strides = array<i32>} : memref<128x128xf32, #tpu.memory_space<vmem>>, vector<1x16xf32>,
          %swap3A_1327 = vector.shape_cast %swap3A_1326 : vector<1x16xf32> to vector<16xf32>
          %swap3A_1328 = vector.shape_cast %mul3A_1323 : vector<16xf32> to vector<1x16xf32>
          tpu.vector_store %arg9[%swap3A_1324, %swap3A_1325], %swap3A_1328 {strides = array<i32>} : memref<128x128xf32, #tpu.memory_space<vmem>>, vector<1x16xf32>,
          %get3A_1329 = arith.index_cast %add3A_1318 : i32 to index
          %get3A_1330 = arith.constant 16 : index
          %get3A_1331 = tpu.vector_load %arg9[%get3A_1329, %get3A_1330] {strides = array<i32>} : memref<128x128xf32, #tpu.memory_space<vmem>>, vector<1x16xf32>,
          %get3A_1332 = vector.shape_cast %get3A_1331 : vector<1x16xf32> to vector<16xf32>
          %mul3A_1333 = arith.mulf %get3A_1332, %broadcast_in_dim3A_1314 : vector<16xf32>
          %swap3A_1334 = arith.index_cast %add3A_1318 : i32 to index
          %swap3A_1335 = arith.constant 16 : index
          %swap3A_1336 = tpu.vector_load %arg9[%swap3A_1334, %swap3A_1335] {strides = array<i32>} : memref<128x128xf32, #tpu.memory_space<vmem>>, vector<1x16xf32>,
          %swap3A_1337 = vector.shape_cast %swap3A_1336 : vector<1x16xf32> to vector<16xf32>
          %swap3A_1338 = vector.shape_cast %mul3A_1333 : vector<16xf32> to vector<1x16xf32>
          tpu.vector_store %arg9[%swap3A_1334, %swap3A_1335], %swap3A_1338 {strides = array<i32>} : memref<128x128xf32, #tpu.memory_space<vmem>>, vector<1x16xf32>,
          %get3A_1339 = arith.index_cast %add3A_1318 : i32 to index
          %get3A_1340 = arith.constant 32 : index
          %get3A_1341 = tpu.vector_load %arg9[%get3A_1339, %get3A_1340] {strides = array<i32>} : memref<128x128xf32, #tpu.memory_space<vmem>>, vector<1x16xf32>,
          %get3A_1342 = vector.shape_cast %get3A_1341 : vector<1x16xf32> to vector<16xf32>
          %mul3A_1343 = arith.mulf %get3A_1342, %broadcast_in_dim3A_1314 : vector<16xf32>
          %swap3A_1344 = arith.index_cast %add3A_1318 : i32 to index
          %swap3A_1345 = arith.constant 32 : index
          %swap3A_1346 = tpu.vector_load %arg9[%swap3A_1344, %swap3A_1345] {strides = array<i32>} : memref<128x128xf32, #tpu.memory_space<vmem>>, vector<1x16xf32>,
          %swap3A_1347 = vector.shape_cast %swap3A_1346 : vector<1x16xf32> to vector<16xf32>
          %swap3A_1348 = vector.shape_cast %mul3A_1343 : vector<16xf32> to vector<1x16xf32>
          tpu.vector_store %arg9[%swap3A_1344, %swap3A_1345], %swap3A_1348 {strides = array<i32>} : memref<128x128xf32, #tpu.memory_space<vmem>>, vector<1x16xf32>,
          %get3A_1349 = arith.index_cast %add3A_1318 : i32 to index
          %get3A_1350 = arith.constant 48 : index
          %get3A_1351 = tpu.vector_load %arg9[%get3A_1349, %get3A_1350] {strides = array<i32>} : memref<128x128xf32, #tpu.memory_space<vmem>>, vector<1x16xf32>,
          %get3A_1352 = vector.shape_cast %get3A_1351 : vector<1x16xf32> to vector<16xf32>
          %mul3A_1353 = arith.mulf %get3A_1352, %broadcast_in_dim3A_1314 : vector<16xf32>
          %swap3A_1354 = arith.index_cast %add3A_1318 : i32 to index
          %swap3A_1355 = arith.constant 48 : index
          %swap3A_1356 = tpu.vector_load %arg9[%swap3A_1354, %swap3A_1355] {strides = array<i32>} : memref<128x128xf32, #tpu.memory_space<vmem>>, vector<1x16xf32>,
          %swap3A_1357 = vector.shape_cast %swap3A_1356 : vector<1x16xf32> to vector<16xf32>
          %swap3A_1358 = vector.shape_cast %mul3A_1353 : vector<16xf32> to vector<1x16xf32>
          tpu.vector_store %arg9[%swap3A_1354, %swap3A_1355], %swap3A_1358 {strides = array<i32>} : memref<128x128xf32, #tpu.memory_space<vmem>>, vector<1x16xf32>,
          %get3A_1359 = arith.index_cast %add3A_1318 : i32 to index
          %get3A_1360 = arith.constant 64 : index
          %get3A_1361 = tpu.vector_load %arg9[%get3A_1359, %get3A_1360] {strides = array<i32>} : memref<128x128xf32, #tpu.memory_space<vmem>>, vector<1x16xf32>,
          %get3A_1362 = vector.shape_cast %get3A_1361 : vector<1x16xf32> to vector<16xf32>
          %mul3A_1363 = arith.mulf %get3A_1362, %broadcast_in_dim3A_1314 : vector<16xf32>
          %swap3A_1364 = arith.index_cast %add3A_1318 : i32 to index
          %swap3A_1365 = arith.constant 64 : index
          %swap3A_1366 = tpu.vector_load %arg9[%swap3A_1364, %swap3A_1365] {strides = array<i32>} : memref<128x128xf32, #tpu.memory_space<vmem>>, vector<1x16xf32>,
          %swap3A_1367 = vector.shape_cast %swap3A_1366 : vector<1x16xf32> to vector<16xf32>
          %swap3A_1368 = vector.shape_cast %mul3A_1363 : vector<16xf32> to vector<1x16xf32>
          tpu.vector_store %arg9[%swap3A_1364, %swap3A_1365], %swap3A_1368 {strides = array<i32>} : memref<128x128xf32, #tpu.memory_space<vmem>>, vector<1x16xf32>,
          %get3A_1369 = arith.index_cast %add3A_1318 : i32 to index
          %get3A_1370 = arith.constant 80 : index
          %get3A_1371 = tpu.vector_load %arg9[%get3A_1369, %get3A_1370] {strides = array<i32>} : memref<128x128xf32, #tpu.memory_space<vmem>>, vector<1x16xf32>,
          %get3A_1372 = vector.shape_cast %get3A_1371 : vector<1x16xf32> to vector<16xf32>
          %mul3A_1373 = arith.mulf %get3A_1372, %broadcast_in_dim3A_1314 : vector<16xf32>
          %swap3A_1374 = arith.index_cast %add3A_1318 : i32 to index
          %swap3A_1375 = arith.constant 80 : index
          %swap3A_1376 = tpu.vector_load %arg9[%swap3A_1374, %swap3A_1375] {strides = array<i32>} : memref<128x128xf32, #tpu.memory_space<vmem>>, vector<1x16xf32>,
          %swap3A_1377 = vector.shape_cast %swap3A_1376 : vector<1x16xf32> to vector<16xf32>
          %swap3A_1378 = vector.shape_cast %mul3A_1373 : vector<16xf32> to vector<1x16xf32>
          tpu.vector_store %arg9[%swap3A_1374, %swap3A_1375], %swap3A_1378 {strides = array<i32>} : memref<128x128xf32, #tpu.memory_space<vmem>>, vector<1x16xf32>,
          %get3A_1379 = arith.index_cast %add3A_1318 : i32 to index
          %get3A_1380 = arith.constant 96 : index
          %get3A_1381 = tpu.vector_load %arg9[%get3A_1379, %get3A_1380] {strides = array<i32>} : memref<128x128xf32, #tpu.memory_space<vmem>>, vector<1x16xf32>,
          %get3A_1382 = vector.shape_cast %get3A_1381 : vector<1x16xf32> to vector<16xf32>
          %mul3A_1383 = arith.mulf %get3A_1382, %broadcast_in_dim3A_1314 : vector<16xf32>
          %swap3A_1384 = arith.index_cast %add3A_1318 : i32 to index
          %swap3A_1385 = arith.constant 96 : index
          %swap3A_1386 = tpu.vector_load %arg9[%swap3A_1384, %swap3A_1385] {strides = array<i32>} : memref<128x128xf32, #tpu.memory_space<vmem>>, vector<1x16xf32>,
          %swap3A_1387 = vector.shape_cast %swap3A_1386 : vector<1x16xf32> to vector<16xf32>
          %swap3A_1388 = vector.shape_cast %mul3A_1383 : vector<16xf32> to vector<1x16xf32>
          tpu.vector_store %arg9[%swap3A_1384, %swap3A_1385], %swap3A_1388 {strides = array<i32>} : memref<128x128xf32, #tpu.memory_space<vmem>>, vector<1x16xf32>,
          %get3A_1389 = arith.index_cast %add3A_1318 : i32 to index
          %get3A_1390 = arith.constant 112 : index
          %get3A_1391 = tpu.vector_load %arg9[%get3A_1389, %get3A_1390] {strides = array<i32>} : memref<128x128xf32, #tpu.memory_space<vmem>>, vector<1x16xf32>,
          %get3A_1392 = vector.shape_cast %get3A_1391 : vector<1x16xf32> to vector<16xf32>
          %mul3A_1393 = arith.mulf %get3A_1392, %broadcast_in_dim3A_1314 : vector<16xf32>
          %swap3A_1394 = arith.index_cast %add3A_1318 : i32 to index
          %swap3A_1395 = arith.constant 112 : index
          %swap3A_1396 = tpu.vector_load %arg9[%swap3A_1394, %swap3A_1395] {strides = array<i32>} : memref<128x128xf32, #tpu.memory_space<vmem>>, vector<1x16xf32>,
          %swap3A_1397 = vector.shape_cast %swap3A_1396 : vector<1x16xf32> to vector<16xf32>
          %swap3A_1398 = vector.shape_cast %mul3A_1393 : vector<16xf32> to vector<1x16xf32>
          tpu.vector_store %arg9[%swap3A_1394, %swap3A_1395], %swap3A_1398 {strides = array<i32>} : memref<128x128xf32, #tpu.memory_space<vmem>>, vector<1x16xf32>,
          %slice3A_1399 = vector.extract_strided_slice %get3A_97 {offsets = [15], sizes = [1], strides = [1]} : vector<16xf32> to vector<1xf32>
          %squeeze3A_1400 = vector.extract %slice3A_1399[0] : f32 from vector<1xf32>
          %broadcast_in_dim3A_1401 = vector.broadcast %squeeze3A_1400 : f32 to vector<16xf32>
          %mul3A_1402 = arith.constant 16 : i32
          %mul3A_1403 = arith.muli %scan3A_93, %mul3A_1402 : i32
          %add3A_1404 = arith.constant 15 : i32
          %add3A_1405 = arith.addi %mul3A_1403, %add3A_1404 : i32
          %get3A_1406 = arith.index_cast %add3A_1405 : i32 to index
          %get3A_1407 = arith.constant 0 : index
          %get3A_1408 = tpu.vector_load %arg9[%get3A_1406, %get3A_1407] {strides = array<i32>} : memref<128x128xf32, #tpu.memory_space<vmem>>, vector<1x16xf32>,
          %get3A_1409 = vector.shape_cast %get3A_1408 : vector<1x16xf32> to vector<16xf32>
          %mul3A_1410 = arith.mulf %get3A_1409, %broadcast_in_dim3A_1401 : vector<16xf32>
          %swap3A_1411 = arith.index_cast %add3A_1405 : i32 to index
          %swap3A_1412 = arith.constant 0 : index
          %swap3A_1413 = tpu.vector_load %arg9[%swap3A_1411, %swap3A_1412] {strides = array<i32>} : memref<128x128xf32, #tpu.memory_space<vmem>>, vector<1x16xf32>,
          %swap3A_1414 = vector.shape_cast %swap3A_1413 : vector<1x16xf32> to vector<16xf32>
          %swap3A_1415 = vector.shape_cast %mul3A_1410 : vector<16xf32> to vector<1x16xf32>
          tpu.vector_store %arg9[%swap3A_1411, %swap3A_1412], %swap3A_1415 {strides = array<i32>} : memref<128x128xf32, #tpu.memory_space<vmem>>, vector<1x16xf32>,
          %get3A_1416 = arith.index_cast %add3A_1405 : i32 to index
          %get3A_1417 = arith.constant 16 : index
          %get3A_1418 = tpu.vector_load %arg9[%get3A_1416, %get3A_1417] {strides = array<i32>} : memref<128x128xf32, #tpu.memory_space<vmem>>, vector<1x16xf32>,
          %get3A_1419 = vector.shape_cast %get3A_1418 : vector<1x16xf32> to vector<16xf32>
          %mul3A_1420 = arith.mulf %get3A_1419, %broadcast_in_dim3A_1401 : vector<16xf32>
          %swap3A_1421 = arith.index_cast %add3A_1405 : i32 to index
          %swap3A_1422 = arith.constant 16 : index
          %swap3A_1423 = tpu.vector_load %arg9[%swap3A_1421, %swap3A_1422] {strides = array<i32>} : memref<128x128xf32, #tpu.memory_space<vmem>>, vector<1x16xf32>,
          %swap3A_1424 = vector.shape_cast %swap3A_1423 : vector<1x16xf32> to vector<16xf32>
          %swap3A_1425 = vector.shape_cast %mul3A_1420 : vector<16xf32> to vector<1x16xf32>
          tpu.vector_store %arg9[%swap3A_1421, %swap3A_1422], %swap3A_1425 {strides = array<i32>} : memref<128x128xf32, #tpu.memory_space<vmem>>, vector<1x16xf32>,
          %get3A_1426 = arith.index_cast %add3A_1405 : i32 to index
          %get3A_1427 = arith.constant 32 : index
          %get3A_1428 = tpu.vector_load %arg9[%get3A_1426, %get3A_1427] {strides = array<i32>} : memref<128x128xf32, #tpu.memory_space<vmem>>, vector<1x16xf32>,
          %get3A_1429 = vector.shape_cast %get3A_1428 : vector<1x16xf32> to vector<16xf32>
          %mul3A_1430 = arith.mulf %get3A_1429, %broadcast_in_dim3A_1401 : vector<16xf32>
          %swap3A_1431 = arith.index_cast %add3A_1405 : i32 to index
          %swap3A_1432 = arith.constant 32 : index
          %swap3A_1433 = tpu.vector_load %arg9[%swap3A_1431, %swap3A_1432] {strides = array<i32>} : memref<128x128xf32, #tpu.memory_space<vmem>>, vector<1x16xf32>,
          %swap3A_1434 = vector.shape_cast %swap3A_1433 : vector<1x16xf32> to vector<16xf32>
          %swap3A_1435 = vector.shape_cast %mul3A_1430 : vector<16xf32> to vector<1x16xf32>
          tpu.vector_store %arg9[%swap3A_1431, %swap3A_1432], %swap3A_1435 {strides = array<i32>} : memref<128x128xf32, #tpu.memory_space<vmem>>, vector<1x16xf32>,
          %get3A_1436 = arith.index_cast %add3A_1405 : i32 to index
          %get3A_1437 = arith.constant 48 : index
          %get3A_1438 = tpu.vector_load %arg9[%get3A_1436, %get3A_1437] {strides = array<i32>} : memref<128x128xf32, #tpu.memory_space<vmem>>, vector<1x16xf32>,
          %get3A_1439 = vector.shape_cast %get3A_1438 : vector<1x16xf32> to vector<16xf32>
          %mul3A_1440 = arith.mulf %get3A_1439, %broadcast_in_dim3A_1401 : vector<16xf32>
          %swap3A_1441 = arith.index_cast %add3A_1405 : i32 to index
          %swap3A_1442 = arith.constant 48 : index
          %swap3A_1443 = tpu.vector_load %arg9[%swap3A_1441, %swap3A_1442] {strides = array<i32>} : memref<128x128xf32, #tpu.memory_space<vmem>>, vector<1x16xf32>,
          %swap3A_1444 = vector.shape_cast %swap3A_1443 : vector<1x16xf32> to vector<16xf32>
          %swap3A_1445 = vector.shape_cast %mul3A_1440 : vector<16xf32> to vector<1x16xf32>
          tpu.vector_store %arg9[%swap3A_1441, %swap3A_1442], %swap3A_1445 {strides = array<i32>} : memref<128x128xf32, #tpu.memory_space<vmem>>, vector<1x16xf32>,
          %get3A_1446 = arith.index_cast %add3A_1405 : i32 to index
          %get3A_1447 = arith.constant 64 : index
          %get3A_1448 = tpu.vector_load %arg9[%get3A_1446, %get3A_1447] {strides = array<i32>} : memref<128x128xf32, #tpu.memory_space<vmem>>, vector<1x16xf32>,
          %get3A_1449 = vector.shape_cast %get3A_1448 : vector<1x16xf32> to vector<16xf32>
          %mul3A_1450 = arith.mulf %get3A_1449, %broadcast_in_dim3A_1401 : vector<16xf32>
          %swap3A_1451 = arith.index_cast %add3A_1405 : i32 to index
          %swap3A_1452 = arith.constant 64 : index
          %swap3A_1453 = tpu.vector_load %arg9[%swap3A_1451, %swap3A_1452] {strides = array<i32>} : memref<128x128xf32, #tpu.memory_space<vmem>>, vector<1x16xf32>,
          %swap3A_1454 = vector.shape_cast %swap3A_1453 : vector<1x16xf32> to vector<16xf32>
          %swap3A_1455 = vector.shape_cast %mul3A_1450 : vector<16xf32> to vector<1x16xf32>
          tpu.vector_store %arg9[%swap3A_1451, %swap3A_1452], %swap3A_1455 {strides = array<i32>} : memref<128x128xf32, #tpu.memory_space<vmem>>, vector<1x16xf32>,
          %get3A_1456 = arith.index_cast %add3A_1405 : i32 to index
          %get3A_1457 = arith.constant 80 : index
          %get3A_1458 = tpu.vector_load %arg9[%get3A_1456, %get3A_1457] {strides = array<i32>} : memref<128x128xf32, #tpu.memory_space<vmem>>, vector<1x16xf32>,
          %get3A_1459 = vector.shape_cast %get3A_1458 : vector<1x16xf32> to vector<16xf32>
          %mul3A_1460 = arith.mulf %get3A_1459, %broadcast_in_dim3A_1401 : vector<16xf32>
          %swap3A_1461 = arith.index_cast %add3A_1405 : i32 to index
          %swap3A_1462 = arith.constant 80 : index
          %swap3A_1463 = tpu.vector_load %arg9[%swap3A_1461, %swap3A_1462] {strides = array<i32>} : memref<128x128xf32, #tpu.memory_space<vmem>>, vector<1x16xf32>,
          %swap3A_1464 = vector.shape_cast %swap3A_1463 : vector<1x16xf32> to vector<16xf32>
          %swap3A_1465 = vector.shape_cast %mul3A_1460 : vector<16xf32> to vector<1x16xf32>
          tpu.vector_store %arg9[%swap3A_1461, %swap3A_1462], %swap3A_1465 {strides = array<i32>} : memref<128x128xf32, #tpu.memory_space<vmem>>, vector<1x16xf32>,
          %get3A_1466 = arith.index_cast %add3A_1405 : i32 to index
          %get3A_1467 = arith.constant 96 : index
          %get3A_1468 = tpu.vector_load %arg9[%get3A_1466, %get3A_1467] {strides = array<i32>} : memref<128x128xf32, #tpu.memory_space<vmem>>, vector<1x16xf32>,
          %get3A_1469 = vector.shape_cast %get3A_1468 : vector<1x16xf32> to vector<16xf32>
          %mul3A_1470 = arith.mulf %get3A_1469, %broadcast_in_dim3A_1401 : vector<16xf32>
          %swap3A_1471 = arith.index_cast %add3A_1405 : i32 to index
          %swap3A_1472 = arith.constant 96 : index
          %swap3A_1473 = tpu.vector_load %arg9[%swap3A_1471, %swap3A_1472] {strides = array<i32>} : memref<128x128xf32, #tpu.memory_space<vmem>>, vector<1x16xf32>,
          %swap3A_1474 = vector.shape_cast %swap3A_1473 : vector<1x16xf32> to vector<16xf32>
          %swap3A_1475 = vector.shape_cast %mul3A_1470 : vector<16xf32> to vector<1x16xf32>
          tpu.vector_store %arg9[%swap3A_1471, %swap3A_1472], %swap3A_1475 {strides = array<i32>} : memref<128x128xf32, #tpu.memory_space<vmem>>, vector<1x16xf32>,
          %get3A_1476 = arith.index_cast %add3A_1405 : i32 to index
          %get3A_1477 = arith.constant 112 : index
          %get3A_1478 = tpu.vector_load %arg9[%get3A_1476, %get3A_1477] {strides = array<i32>} : memref<128x128xf32, #tpu.memory_space<vmem>>, vector<1x16xf32>,
          %get3A_1479 = vector.shape_cast %get3A_1478 : vector<1x16xf32> to vector<16xf32>
          %mul3A_1480 = arith.mulf %get3A_1479, %broadcast_in_dim3A_1401 : vector<16xf32>
          %swap3A_1481 = arith.index_cast %add3A_1405 : i32 to index
          %swap3A_1482 = arith.constant 112 : index
          %swap3A_1483 = tpu.vector_load %arg9[%swap3A_1481, %swap3A_1482] {strides = array<i32>} : memref<128x128xf32, #tpu.memory_space<vmem>>, vector<1x16xf32>,
          %swap3A_1484 = vector.shape_cast %swap3A_1483 : vector<1x16xf32> to vector<16xf32>
          %swap3A_1485 = vector.shape_cast %mul3A_1480 : vector<16xf32> to vector<1x16xf32>
          tpu.vector_store %arg9[%swap3A_1481, %swap3A_1482], %swap3A_1485 {strides = array<i32>} : memref<128x128xf32, #tpu.memory_space<vmem>>, vector<1x16xf32>,
        }
        %scan3A_92 = arith.constant 8 : i32
        "tpu.region"() ({
          %run_scoped3A_93 = tpu.sem_alloc : memref<!tpu.dma_semaphore, #tpu.memory_space<semaphore_mem>>
          %dma_start3A_94 = arith.constant 0 : i32
          %dma_start3A_95 = arith.constant 0 : i32
          %dma_start3A_96 = tpu.memref_slice %arg8[%dma_start3A_94, %dma_start3A_95] : memref<10000x128xf32, #tpu.memory_space<vmem_shared>> -> memref<10000x128xf32, #tpu.memory_space<vmem_shared>>
          tpu.enqueue_indirect_dma source(%arg9 : memref<128x128xf32, #tpu.memory_space<vmem>>) target(%dma_start3A_96 : memref<10000x128xf32, #tpu.memory_space<vmem_shared>>) offsets(%arg12 : memref<128xi32, #tpu.memory_space<vmem>>) semaphore(%run_scoped3A_93 : memref<!tpu.dma_semaphore, #tpu.memory_space<semaphore_mem>>) {add = true}
          %dma_wait3A_97 = arith.constant 0 : i32
          %dma_wait3A_98 = arith.constant 0 : i32
          %dma_wait3A_99 = tpu.memref_slice %arg8[%dma_wait3A_97, %dma_wait3A_98] : memref<10000x128xf32, #tpu.memory_space<vmem_shared>> -> memref<10000x128xf32, #tpu.memory_space<vmem_shared>>
          tpu.wait_indirect_dma semaphore(%run_scoped3A_93 : memref<!tpu.dma_semaphore, #tpu.memory_space<semaphore_mem>>) src(%arg9 : memref<128x128xf32, #tpu.memory_space<vmem>>) dst(%dma_wait3A_99 : memref<10000x128xf32, #tpu.memory_space<vmem_shared>>)
          tpu.yield
        }) : () -> ()
      } else {
      }
    }
    %scan3A_25 = arith.constant 79 : i32
    %barrier3A_26 = arith.constant 0 : index
    tpu.barrier barrier_id(%barrier3A_26)
    %mul3A_27 = arith.constant 624 : i32
    %mul3A_28 = arith.muli %arg1, %mul3A_27 : i32
    %mul3A_29 = arith.constant 624 : i32
    %mul3A_30 = arith.muli %arg1, %mul3A_29 : i32
    %run_scoped3A = arith.constant 0 : i32
    "tpu.region"() ({
      %run_scoped3A_73 = tpu.sem_alloc : memref<!tpu.dma_semaphore, #tpu.memory_space<semaphore_mem>>
      %dma_start3A = arith.constant 0 : i32
      %dma_start3A_74 = tpu.memref_slice %arg7[%run_scoped3A, %arg0, %mul3A_30, %dma_start3A] : memref<2x2x10000x128xf32, #tpu.memory_space<hbm>> -> memref<1x1x624x128xf32, #tpu.memory_space<hbm>>
      %dma_start3A_75 = tpu.memref_squeeze %dma_start3A_74 : memref<1x1x624x128xf32, #tpu.memory_space<hbm>> -> memref<624x128xf32, #tpu.memory_space<hbm>>
      %dma_start3A_76 = arith.constant 0 : i32
      %dma_start3A_77 = tpu.memref_slice %arg8[%mul3A_28, %dma_start3A_76] : memref<10000x128xf32, #tpu.memory_space<vmem_shared>> -> memref<624x128xf32, #tpu.memory_space<vmem_shared>>
      tpu.enqueue_dma source(%dma_start3A_77 : memref<624x128xf32, #tpu.memory_space<vmem_shared>>) target(%dma_start3A_75 : memref<624x128xf32, #tpu.memory_space<hbm>>) target_semaphore(%run_scoped3A_73 : memref<!tpu.dma_semaphore, #tpu.memory_space<semaphore_mem>>)
      %dma_wait3A = arith.constant 0 : i32
      %dma_wait3A_78 = tpu.memref_slice %arg7[%run_scoped3A, %arg0, %mul3A_30, %dma_wait3A] : memref<2x2x10000x128xf32, #tpu.memory_space<hbm>> -> memref<1x1x624x128xf32, #tpu.memory_space<hbm>>
      %dma_wait3A_79 = tpu.memref_squeeze %dma_wait3A_78 : memref<1x1x624x128xf32, #tpu.memory_space<hbm>> -> memref<624x128xf32, #tpu.memory_space<hbm>>
      %dma_wait3A_80 = arith.constant 0 : i32
      %dma_wait3A_81 = tpu.memref_slice %arg8[%mul3A_28, %dma_wait3A_80] : memref<10000x128xf32, #tpu.memory_space<vmem_shared>> -> memref<624x128xf32, #tpu.memory_space<vmem_shared>>
      tpu.wait_dma2 semaphore(%run_scoped3A_73 : memref<!tpu.dma_semaphore, #tpu.memory_space<semaphore_mem>>) src(%dma_wait3A_81 : memref<624x128xf32, #tpu.memory_space<vmem_shared>>) dst(%dma_wait3A_79 : memref<624x128xf32, #tpu.memory_space<hbm>>)
      tpu.yield
    }) : () -> ()
    %eq3A_31 = arith.constant 15 : i32
    %eq3A_32 = arith.cmpi eq, %arg1, %eq3A_31 : i32
    %convert_element_type3A_33 = arith.extui %eq3A_32 : i1 to i32
    %cond3A_34 = arith.constant 0 : i32
    %cond3A_35 = arith.cmpi ne, %convert_element_type3A_33, %cond3A_34 : i32
    scf.if %cond3A_35 {
      %run_scoped3A_73 = arith.constant 0 : i32
      "tpu.region"() ({
        %run_scoped3A_74 = tpu.sem_alloc : memref<!tpu.dma_semaphore, #tpu.memory_space<semaphore_mem>>
        %dma_start3A = arith.constant 9984 : i32
        %dma_start3A_75 = arith.constant 0 : i32
        %dma_start3A_76 = tpu.memref_slice %arg7[%run_scoped3A_73, %arg0, %dma_start3A, %dma_start3A_75] : memref<2x2x10000x128xf32, #tpu.memory_space<hbm>> -> memref<1x1x16x128xf32, #tpu.memory_space<hbm>>
        %dma_start3A_77 = tpu.memref_squeeze %dma_start3A_76 : memref<1x1x16x128xf32, #tpu.memory_space<hbm>> -> memref<16x128xf32, #tpu.memory_space<hbm>>
        %dma_start3A_78 = arith.constant 9984 : i32
        %dma_start3A_79 = arith.constant 0 : i32
        %dma_start3A_80 = tpu.memref_slice %arg8[%dma_start3A_78, %dma_start3A_79] : memref<10000x128xf32, #tpu.memory_space<vmem_shared>> -> memref<16x128xf32, #tpu.memory_space<vmem_shared>>
        tpu.enqueue_dma source(%dma_start3A_80 : memref<16x128xf32, #tpu.memory_space<vmem_shared>>) target(%dma_start3A_77 : memref<16x128xf32, #tpu.memory_space<hbm>>) target_semaphore(%run_scoped3A_74 : memref<!tpu.dma_semaphore, #tpu.memory_space<semaphore_mem>>)
        %dma_wait3A = arith.constant 9984 : i32
        %dma_wait3A_81 = arith.constant 0 : i32
        %dma_wait3A_82 = tpu.memref_slice %arg7[%run_scoped3A_73, %arg0, %dma_wait3A, %dma_wait3A_81] : memref<2x2x10000x128xf32, #tpu.memory_space<hbm>> -> memref<1x1x16x128xf32, #tpu.memory_space<hbm>>
        %dma_wait3A_83 = tpu.memref_squeeze %dma_wait3A_82 : memref<1x1x16x128xf32, #tpu.memory_space<hbm>> -> memref<16x128xf32, #tpu.memory_space<hbm>>
        %dma_wait3A_84 = arith.constant 9984 : i32
        %dma_wait3A_85 = arith.constant 0 : i32
        %dma_wait3A_86 = tpu.memref_slice %arg8[%dma_wait3A_84, %dma_wait3A_85] : memref<10000x128xf32, #tpu.memory_space<vmem_shared>> -> memref<16x128xf32, #tpu.memory_space<vmem_shared>>
        tpu.wait_dma2 semaphore(%run_scoped3A_74 : memref<!tpu.dma_semaphore, #tpu.memory_space<semaphore_mem>>) src(%dma_wait3A_86 : memref<16x128xf32, #tpu.memory_space<vmem_shared>>) dst(%dma_wait3A_83 : memref<16x128xf32, #tpu.memory_space<hbm>>)
        tpu.yield
      }) : () -> ()
    } else {
    }
    %barrier3A_36 = arith.constant 0 : index
    tpu.barrier barrier_id(%barrier3A_36)
    %mul3A_37 = arith.constant 624 : i32
    %mul3A_38 = arith.muli %arg1, %mul3A_37 : i32
    %add3A_39 = arith.constant 0 : i32
    %add3A_40 = arith.addi %mul3A_38, %add3A_39 : i32
    "tpu.region"() ({
      %run_scoped3A_73 = tpu.sem_alloc : memref<!tpu.dma_semaphore, #tpu.memory_space<semaphore_mem>>
      %dma_start3A = arith.constant 0 : i32
      %dma_start3A_74 = tpu.memref_slice %arg8[%add3A_40, %dma_start3A] : memref<10000x128xf32, #tpu.memory_space<vmem_shared>> -> memref<208x128xf32, #tpu.memory_space<vmem_shared>>
      %dma_start3A_75 = arith.constant 0 : i32
      %dma_start3A_76 = tpu.memref_slice %arg8[%add3A_40, %dma_start3A_75] : memref<10000x128xf32, #tpu.memory_space<vmem_shared>> -> memref<208x128xf32, #tpu.memory_space<vmem_shared>>
      tpu.enqueue_dma source(%arg13 : memref<208x128xf32, #tpu.memory_space<vmem>>) target(%dma_start3A_76 : memref<208x128xf32, #tpu.memory_space<vmem_shared>>) target_semaphore(%run_scoped3A_73 : memref<!tpu.dma_semaphore, #tpu.memory_space<semaphore_mem>>)
      %dma_wait3A = arith.constant 0 : i32
      %dma_wait3A_77 = tpu.memref_slice %arg8[%add3A_40, %dma_wait3A] : memref<10000x128xf32, #tpu.memory_space<vmem_shared>> -> memref<208x128xf32, #tpu.memory_space<vmem_shared>>
      %dma_wait3A_78 = arith.constant 0 : i32
      %dma_wait3A_79 = tpu.memref_slice %arg8[%add3A_40, %dma_wait3A_78] : memref<10000x128xf32, #tpu.memory_space<vmem_shared>> -> memref<208x128xf32, #tpu.memory_space<vmem_shared>>
      tpu.wait_dma2 semaphore(%run_scoped3A_73 : memref<!tpu.dma_semaphore, #tpu.memory_space<semaphore_mem>>) src(%arg13 : memref<208x128xf32, #tpu.memory_space<vmem>>) dst(%dma_wait3A_79 : memref<208x128xf32, #tpu.memory_space<vmem_shared>>)
      tpu.yield
    }) : () -> ()
    %mul3A_41 = arith.constant 624 : i32
    %mul3A_42 = arith.muli %arg1, %mul3A_41 : i32
    %add3A_43 = arith.constant 208 : i32
    %add3A_44 = arith.addi %mul3A_42, %add3A_43 : i32
    "tpu.region"() ({
      %run_scoped3A_73 = tpu.sem_alloc : memref<!tpu.dma_semaphore, #tpu.memory_space<semaphore_mem>>
      %dma_start3A = arith.constant 0 : i32
      %dma_start3A_74 = tpu.memref_slice %arg8[%add3A_44, %dma_start3A] : memref<10000x128xf32, #tpu.memory_space<vmem_shared>> -> memref<208x128xf32, #tpu.memory_space<vmem_shared>>
      %dma_start3A_75 = arith.constant 0 : i32
      %dma_start3A_76 = tpu.memref_slice %arg8[%add3A_44, %dma_start3A_75] : memref<10000x128xf32, #tpu.memory_space<vmem_shared>> -> memref<208x128xf32, #tpu.memory_space<vmem_shared>>
      tpu.enqueue_dma source(%arg13 : memref<208x128xf32, #tpu.memory_space<vmem>>) target(%dma_start3A_76 : memref<208x128xf32, #tpu.memory_space<vmem_shared>>) target_semaphore(%run_scoped3A_73 : memref<!tpu.dma_semaphore, #tpu.memory_space<semaphore_mem>>)
      %dma_wait3A = arith.constant 0 : i32
      %dma_wait3A_77 = tpu.memref_slice %arg8[%add3A_44, %dma_wait3A] : memref<10000x128xf32, #tpu.memory_space<vmem_shared>> -> memref<208x128xf32, #tpu.memory_space<vmem_shared>>
      %dma_wait3A_78 = arith.constant 0 : i32
      %dma_wait3A_79 = tpu.memref_slice %arg8[%add3A_44, %dma_wait3A_78] : memref<10000x128xf32, #tpu.memory_space<vmem_shared>> -> memref<208x128xf32, #tpu.memory_space<vmem_shared>>
      tpu.wait_dma2 semaphore(%run_scoped3A_73 : memref<!tpu.dma_semaphore, #tpu.memory_space<semaphore_mem>>) src(%arg13 : memref<208x128xf32, #tpu.memory_space<vmem>>) dst(%dma_wait3A_79 : memref<208x128xf32, #tpu.memory_space<vmem_shared>>)
      tpu.yield
    }) : () -> ()
    %mul3A_45 = arith.constant 624 : i32
    %mul3A_46 = arith.muli %arg1, %mul3A_45 : i32
    %add3A_47 = arith.constant 416 : i32
    %add3A_48 = arith.addi %mul3A_46, %add3A_47 : i32
    "tpu.region"() ({
      %run_scoped3A_73 = tpu.sem_alloc : memref<!tpu.dma_semaphore, #tpu.memory_space<semaphore_mem>>
      %dma_start3A = arith.constant 0 : i32
      %dma_start3A_74 = tpu.memref_slice %arg8[%add3A_48, %dma_start3A] : memref<10000x128xf32, #tpu.memory_space<vmem_shared>> -> memref<208x128xf32, #tpu.memory_space<vmem_shared>>
      %dma_start3A_75 = arith.constant 0 : i32
      %dma_start3A_76 = tpu.memref_slice %arg8[%add3A_48, %dma_start3A_75] : memref<10000x128xf32, #tpu.memory_space<vmem_shared>> -> memref<208x128xf32, #tpu.memory_space<vmem_shared>>
      tpu.enqueue_dma source(%arg13 : memref<208x128xf32, #tpu.memory_space<vmem>>) target(%dma_start3A_76 : memref<208x128xf32, #tpu.memory_space<vmem_shared>>) target_semaphore(%run_scoped3A_73 : memref<!tpu.dma_semaphore, #tpu.memory_space<semaphore_mem>>)
      %dma_wait3A = arith.constant 0 : i32
      %dma_wait3A_77 = tpu.memref_slice %arg8[%add3A_48, %dma_wait3A] : memref<10000x128xf32, #tpu.memory_space<vmem_shared>> -> memref<208x128xf32, #tpu.memory_space<vmem_shared>>
      %dma_wait3A_78 = arith.constant 0 : i32
      %dma_wait3A_79 = tpu.memref_slice %arg8[%add3A_48, %dma_wait3A_78] : memref<10000x128xf32, #tpu.memory_space<vmem_shared>> -> memref<208x128xf32, #tpu.memory_space<vmem_shared>>
      tpu.wait_dma2 semaphore(%run_scoped3A_73 : memref<!tpu.dma_semaphore, #tpu.memory_space<semaphore_mem>>) src(%arg13 : memref<208x128xf32, #tpu.memory_space<vmem>>) dst(%dma_wait3A_79 : memref<208x128xf32, #tpu.memory_space<vmem_shared>>)
      tpu.yield
    }) : () -> ()
    %eq3A_49 = arith.constant 15 : i32
    %eq3A_50 = arith.cmpi eq, %arg1, %eq3A_49 : i32
    %convert_element_type3A_51 = arith.extui %eq3A_50 : i1 to i32
    %cond3A_52 = arith.constant 0 : i32
    %cond3A_53 = arith.cmpi ne, %convert_element_type3A_51, %cond3A_52 : i32
    scf.if %cond3A_53 {
      "tpu.region"() ({
        %run_scoped3A_73 = tpu.sem_alloc : memref<!tpu.dma_semaphore, #tpu.memory_space<semaphore_mem>>
        %dma_start3A = arith.constant 0 : i32
        %dma_start3A_74 = arith.constant 0 : i32
        %dma_start3A_75 = tpu.memref_slice %arg13[%dma_start3A, %dma_start3A_74] : memref<208x128xf32, #tpu.memory_space<vmem>> -> memref<16x128xf32, #tpu.memory_space<vmem>>
        %dma_start3A_76 = arith.constant 9984 : i32
        %dma_start3A_77 = arith.constant 0 : i32
        %dma_start3A_78 = tpu.memref_slice %arg8[%dma_start3A_76, %dma_start3A_77] : memref<10000x128xf32, #tpu.memory_space<vmem_shared>> -> memref<16x128xf32, #tpu.memory_space<vmem_shared>>
        %dma_start3A_79 = arith.constant 9984 : i32
        %dma_start3A_80 = arith.constant 0 : i32
        %dma_start3A_81 = tpu.memref_slice %arg8[%dma_start3A_79, %dma_start3A_80] : memref<10000x128xf32, #tpu.memory_space<vmem_shared>> -> memref<16x128xf32, #tpu.memory_space<vmem_shared>>
        %dma_start3A_82 = arith.constant 0 : i32
        %dma_start3A_83 = arith.constant 0 : i32
        %dma_start3A_84 = tpu.memref_slice %arg13[%dma_start3A_82, %dma_start3A_83] : memref<208x128xf32, #tpu.memory_space<vmem>> -> memref<16x128xf32, #tpu.memory_space<vmem>>
        tpu.enqueue_dma source(%dma_start3A_84 : memref<16x128xf32, #tpu.memory_space<vmem>>) target(%dma_start3A_81 : memref<16x128xf32, #tpu.memory_space<vmem_shared>>) target_semaphore(%run_scoped3A_73 : memref<!tpu.dma_semaphore, #tpu.memory_space<semaphore_mem>>)
        %dma_wait3A = arith.constant 0 : i32
        %dma_wait3A_85 = arith.constant 0 : i32
        %dma_wait3A_86 = tpu.memref_slice %arg13[%dma_wait3A, %dma_wait3A_85] : memref<208x128xf32, #tpu.memory_space<vmem>> -> memref<16x128xf32, #tpu.memory_space<vmem>>
        %dma_wait3A_87 = arith.constant 9984 : i32
        %dma_wait3A_88 = arith.constant 0 : i32
        %dma_wait3A_89 = tpu.memref_slice %arg8[%dma_wait3A_87, %dma_wait3A_88] : memref<10000x128xf32, #tpu.memory_space<vmem_shared>> -> memref<16x128xf32, #tpu.memory_space<vmem_shared>>
        %dma_wait3A_90 = arith.constant 9984 : i32
        %dma_wait3A_91 = arith.constant 0 : i32
        %dma_wait3A_92 = tpu.memref_slice %arg8[%dma_wait3A_90, %dma_wait3A_91] : memref<10000x128xf32, #tpu.memory_space<vmem_shared>> -> memref<16x128xf32, #tpu.memory_space<vmem_shared>>
        %dma_wait3A_93 = arith.constant 0 : i32
        %dma_wait3A_94 = arith.constant 0 : i32
        %dma_wait3A_95 = tpu.memref_slice %arg13[%dma_wait3A_93, %dma_wait3A_94] : memref<208x128xf32, #tpu.memory_space<vmem>> -> memref<16x128xf32, #tpu.memory_space<vmem>>
        tpu.wait_dma2 semaphore(%run_scoped3A_73 : memref<!tpu.dma_semaphore, #tpu.memory_space<semaphore_mem>>) src(%dma_wait3A_95 : memref<16x128xf32, #tpu.memory_space<vmem>>) dst(%dma_wait3A_92 : memref<16x128xf32, #tpu.memory_space<vmem_shared>>)
        tpu.yield
      }) : () -> ()
    } else {
    }
    %barrier3A_54 = arith.constant 0 : index
    tpu.barrier barrier_id(%barrier3A_54)
    %scan3A_55 = arith.constant 0 : i32
    %scan3A_56 = arith.constant 0 : i32
    %scan3A_57 = arith.constant 79 : i32
    %scan3A_58 = arith.addi %scan3A_56, %scan3A_57 : i32
    %scan3A_59 = arith.constant 1 : i32
    scf.for %scan3A_73 = %scan3A_56 to %scan3A_58 step %scan3A_59  : i32 {
      %mul3A_74 = arith.constant 32 : i32
      %mul3A_75 = arith.muli %mul3A_74, %scan3A_73 : i32
      %add3A_76 = arith.addi %add3A, %mul3A_75 : i32
      %lt3A = arith.constant 2500 : i32
      %lt3A_77 = arith.cmpi slt, %add3A_76, %lt3A : i32
      %convert_element_type3A_78 = arith.extui %lt3A_77 : i1 to i32
      %cond3A_79 = arith.constant 0 : i32
      %cond3A_80 = arith.cmpi ne, %convert_element_type3A_78, %cond3A_79 : i32
      scf.if %cond3A_80 {
        %mul3A_81 = arith.constant 128 : i32
        %mul3A_82 = arith.muli %add3A_76, %mul3A_81 : i32
        "tpu.region"() ({
          %run_scoped3A_89 = tpu.sem_alloc : memref<!tpu.dma_semaphore, #tpu.memory_space<semaphore_mem>>
          %dma_start3A = tpu.memref_slice %arg4[%mul3A_82] : memref<320000xi32, #tpu.memory_space<hbm>> -> memref<128xi32, #tpu.memory_space<hbm>>
          %dma_start3A_90 = tpu.memref_slice %arg4[%mul3A_82] : memref<320000xi32, #tpu.memory_space<hbm>> -> memref<128xi32, #tpu.memory_space<hbm>>
          tpu.enqueue_dma source(%dma_start3A_90 : memref<128xi32, #tpu.memory_space<hbm>>) target(%arg12 : memref<128xi32, #tpu.memory_space<vmem>>) target_semaphore(%run_scoped3A_89 : memref<!tpu.dma_semaphore, #tpu.memory_space<semaphore_mem>>)
          %dma_wait3A = tpu.memref_slice %arg4[%mul3A_82] : memref<320000xi32, #tpu.memory_space<hbm>> -> memref<128xi32, #tpu.memory_space<hbm>>
          %dma_wait3A_91 = tpu.memref_slice %arg4[%mul3A_82] : memref<320000xi32, #tpu.memory_space<hbm>> -> memref<128xi32, #tpu.memory_space<hbm>>
          tpu.wait_dma2 semaphore(%run_scoped3A_89 : memref<!tpu.dma_semaphore, #tpu.memory_space<semaphore_mem>>) src(%dma_wait3A_91 : memref<128xi32, #tpu.memory_space<hbm>>) dst(%arg12 : memref<128xi32, #tpu.memory_space<vmem>>)
          tpu.yield
        }) : () -> ()
        "tpu.region"() ({
          %run_scoped3A_89 = tpu.sem_alloc : memref<!tpu.dma_semaphore, #tpu.memory_space<semaphore_mem>>
          %dma_start3A = tpu.memref_slice %arg6[%mul3A_82] : memref<320000xf32, #tpu.memory_space<hbm>> -> memref<128xf32, #tpu.memory_space<hbm>>
          %dma_start3A_90 = tpu.memref_slice %arg6[%mul3A_82] : memref<320000xf32, #tpu.memory_space<hbm>> -> memref<128xf32, #tpu.memory_space<hbm>>
          tpu.enqueue_dma source(%dma_start3A_90 : memref<128xf32, #tpu.memory_space<hbm>>) target(%arg10 : memref<128xf32, #tpu.memory_space<vmem>>) target_semaphore(%run_scoped3A_89 : memref<!tpu.dma_semaphore, #tpu.memory_space<semaphore_mem>>)
          %dma_wait3A = tpu.memref_slice %arg6[%mul3A_82] : memref<320000xf32, #tpu.memory_space<hbm>> -> memref<128xf32, #tpu.memory_space<hbm>>
          %dma_wait3A_91 = tpu.memref_slice %arg6[%mul3A_82] : memref<320000xf32, #tpu.memory_space<hbm>> -> memref<128xf32, #tpu.memory_space<hbm>>
          tpu.wait_dma2 semaphore(%run_scoped3A_89 : memref<!tpu.dma_semaphore, #tpu.memory_space<semaphore_mem>>) src(%dma_wait3A_91 : memref<128xf32, #tpu.memory_space<hbm>>) dst(%arg10 : memref<128xf32, #tpu.memory_space<vmem>>)
          tpu.yield
        }) : () -> ()
        "tpu.region"() ({
          %run_scoped3A_89 = tpu.sem_alloc : memref<!tpu.dma_semaphore, #tpu.memory_space<semaphore_mem>>
          %dma_start3A = arith.constant 0 : i32
          %dma_start3A_90 = tpu.memref_slice %arg5[%mul3A_82, %dma_start3A] : memref<320000x128xf32, #tpu.memory_space<hbm>> -> memref<128x128xf32, #tpu.memory_space<hbm>>
          %dma_start3A_91 = arith.constant 0 : i32
          %dma_start3A_92 = tpu.memref_slice %arg5[%mul3A_82, %dma_start3A_91] : memref<320000x128xf32, #tpu.memory_space<hbm>> -> memref<128x128xf32, #tpu.memory_space<hbm>>
          tpu.enqueue_dma source(%dma_start3A_92 : memref<128x128xf32, #tpu.memory_space<hbm>>) target(%arg9 : memref<128x128xf32, #tpu.memory_space<vmem>>) target_semaphore(%run_scoped3A_89 : memref<!tpu.dma_semaphore, #tpu.memory_space<semaphore_mem>>)
          %dma_wait3A = arith.constant 0 : i32
          %dma_wait3A_93 = tpu.memref_slice %arg5[%mul3A_82, %dma_wait3A] : memref<320000x128xf32, #tpu.memory_space<hbm>> -> memref<128x128xf32, #tpu.memory_space<hbm>>
          %dma_wait3A_94 = arith.constant 0 : i32
          %dma_wait3A_95 = tpu.memref_slice %arg5[%mul3A_82, %dma_wait3A_94] : memref<320000x128xf32, #tpu.memory_space<hbm>> -> memref<128x128xf32, #tpu.memory_space<hbm>>
          tpu.wait_dma2 semaphore(%run_scoped3A_89 : memref<!tpu.dma_semaphore, #tpu.memory_space<semaphore_mem>>) src(%dma_wait3A_95 : memref<128x128xf32, #tpu.memory_space<hbm>>) dst(%arg9 : memref<128x128xf32, #tpu.memory_space<vmem>>)
          tpu.yield
        }) : () -> ()
        %scan3A_83 = arith.constant 0 : i32
        %scan3A_84 = arith.constant 0 : i32
        %scan3A_85 = arith.constant 8 : i32
        %scan3A_86 = arith.addi %scan3A_84, %scan3A_85 : i32
        %scan3A_87 = arith.constant 1 : i32
        scf.for %scan3A_89 = %scan3A_84 to %scan3A_86 step %scan3A_87  : i32 {
          %mul3A_90 = arith.constant 16 : i32
          %mul3A_91 = arith.muli %scan3A_89, %mul3A_90 : i32
          %get3A = arith.index_cast %mul3A_91 : i32 to index
          %get3A_92 = tpu.vector_load %arg10[%get3A] {strides = array<i32>} : memref<128xf32, #tpu.memory_space<vmem>>, vector<16xf32>,
          %get3A_93 = vector.shape_cast %get3A_92 : vector<16xf32> to vector<16xf32>
          %slice3A = vector.extract_strided_slice %get3A_93 {offsets = [0], sizes = [1], strides = [1]} : vector<16xf32> to vector<1xf32>
          %squeeze3A = vector.extract %slice3A[0] : f32 from vector<1xf32>
          %broadcast_in_dim3A = vector.broadcast %squeeze3A : f32 to vector<16xf32>
          %mul3A_94 = arith.constant 16 : i32
          %mul3A_95 = arith.muli %scan3A_89, %mul3A_94 : i32
          %add3A_96 = arith.constant 0 : i32
          %add3A_97 = arith.addi %mul3A_95, %add3A_96 : i32
          %get3A_98 = arith.index_cast %add3A_97 : i32 to index
          %get3A_99 = arith.constant 0 : index
          %get3A_100 = tpu.vector_load %arg9[%get3A_98, %get3A_99] {strides = array<i32>} : memref<128x128xf32, #tpu.memory_space<vmem>>, vector<1x16xf32>,
          %get3A_101 = vector.shape_cast %get3A_100 : vector<1x16xf32> to vector<16xf32>
          %mul3A_102 = arith.mulf %get3A_101, %broadcast_in_dim3A : vector<16xf32>
          %swap3A = arith.index_cast %add3A_97 : i32 to index
          %swap3A_103 = arith.constant 0 : index
          %swap3A_104 = tpu.vector_load %arg9[%swap3A, %swap3A_103] {strides = array<i32>} : memref<128x128xf32, #tpu.memory_space<vmem>>, vector<1x16xf32>,
          %swap3A_105 = vector.shape_cast %swap3A_104 : vector<1x16xf32> to vector<16xf32>
          %swap3A_106 = vector.shape_cast %mul3A_102 : vector<16xf32> to vector<1x16xf32>
          tpu.vector_store %arg9[%swap3A, %swap3A_103], %swap3A_106 {strides = array<i32>} : memref<128x128xf32, #tpu.memory_space<vmem>>, vector<1x16xf32>,
          %get3A_107 = arith.index_cast %add3A_97 : i32 to index
          %get3A_108 = arith.constant 16 : index
          %get3A_109 = tpu.vector_load %arg9[%get3A_107, %get3A_108] {strides = array<i32>} : memref<128x128xf32, #tpu.memory_space<vmem>>, vector<1x16xf32>,
          %get3A_110 = vector.shape_cast %get3A_109 : vector<1x16xf32> to vector<16xf32>
          %mul3A_111 = arith.mulf %get3A_110, %broadcast_in_dim3A : vector<16xf32>
          %swap3A_112 = arith.index_cast %add3A_97 : i32 to index
          %swap3A_113 = arith.constant 16 : index
          %swap3A_114 = tpu.vector_load %arg9[%swap3A_112, %swap3A_113] {strides = array<i32>} : memref<128x128xf32, #tpu.memory_space<vmem>>, vector<1x16xf32>,
          %swap3A_115 = vector.shape_cast %swap3A_114 : vector<1x16xf32> to vector<16xf32>
          %swap3A_116 = vector.shape_cast %mul3A_111 : vector<16xf32> to vector<1x16xf32>
          tpu.vector_store %arg9[%swap3A_112, %swap3A_113], %swap3A_116 {strides = array<i32>} : memref<128x128xf32, #tpu.memory_space<vmem>>, vector<1x16xf32>,
          %get3A_117 = arith.index_cast %add3A_97 : i32 to index
          %get3A_118 = arith.constant 32 : index
          %get3A_119 = tpu.vector_load %arg9[%get3A_117, %get3A_118] {strides = array<i32>} : memref<128x128xf32, #tpu.memory_space<vmem>>, vector<1x16xf32>,
          %get3A_120 = vector.shape_cast %get3A_119 : vector<1x16xf32> to vector<16xf32>
          %mul3A_121 = arith.mulf %get3A_120, %broadcast_in_dim3A : vector<16xf32>
          %swap3A_122 = arith.index_cast %add3A_97 : i32 to index
          %swap3A_123 = arith.constant 32 : index
          %swap3A_124 = tpu.vector_load %arg9[%swap3A_122, %swap3A_123] {strides = array<i32>} : memref<128x128xf32, #tpu.memory_space<vmem>>, vector<1x16xf32>,
          %swap3A_125 = vector.shape_cast %swap3A_124 : vector<1x16xf32> to vector<16xf32>
          %swap3A_126 = vector.shape_cast %mul3A_121 : vector<16xf32> to vector<1x16xf32>
          tpu.vector_store %arg9[%swap3A_122, %swap3A_123], %swap3A_126 {strides = array<i32>} : memref<128x128xf32, #tpu.memory_space<vmem>>, vector<1x16xf32>,
          %get3A_127 = arith.index_cast %add3A_97 : i32 to index
          %get3A_128 = arith.constant 48 : index
          %get3A_129 = tpu.vector_load %arg9[%get3A_127, %get3A_128] {strides = array<i32>} : memref<128x128xf32, #tpu.memory_space<vmem>>, vector<1x16xf32>,
          %get3A_130 = vector.shape_cast %get3A_129 : vector<1x16xf32> to vector<16xf32>
          %mul3A_131 = arith.mulf %get3A_130, %broadcast_in_dim3A : vector<16xf32>
          %swap3A_132 = arith.index_cast %add3A_97 : i32 to index
          %swap3A_133 = arith.constant 48 : index
          %swap3A_134 = tpu.vector_load %arg9[%swap3A_132, %swap3A_133] {strides = array<i32>} : memref<128x128xf32, #tpu.memory_space<vmem>>, vector<1x16xf32>,
          %swap3A_135 = vector.shape_cast %swap3A_134 : vector<1x16xf32> to vector<16xf32>
          %swap3A_136 = vector.shape_cast %mul3A_131 : vector<16xf32> to vector<1x16xf32>
          tpu.vector_store %arg9[%swap3A_132, %swap3A_133], %swap3A_136 {strides = array<i32>} : memref<128x128xf32, #tpu.memory_space<vmem>>, vector<1x16xf32>,
          %get3A_137 = arith.index_cast %add3A_97 : i32 to index
          %get3A_138 = arith.constant 64 : index
          %get3A_139 = tpu.vector_load %arg9[%get3A_137, %get3A_138] {strides = array<i32>} : memref<128x128xf32, #tpu.memory_space<vmem>>, vector<1x16xf32>,
          %get3A_140 = vector.shape_cast %get3A_139 : vector<1x16xf32> to vector<16xf32>
          %mul3A_141 = arith.mulf %get3A_140, %broadcast_in_dim3A : vector<16xf32>
          %swap3A_142 = arith.index_cast %add3A_97 : i32 to index
          %swap3A_143 = arith.constant 64 : index
          %swap3A_144 = tpu.vector_load %arg9[%swap3A_142, %swap3A_143] {strides = array<i32>} : memref<128x128xf32, #tpu.memory_space<vmem>>, vector<1x16xf32>,
          %swap3A_145 = vector.shape_cast %swap3A_144 : vector<1x16xf32> to vector<16xf32>
          %swap3A_146 = vector.shape_cast %mul3A_141 : vector<16xf32> to vector<1x16xf32>
          tpu.vector_store %arg9[%swap3A_142, %swap3A_143], %swap3A_146 {strides = array<i32>} : memref<128x128xf32, #tpu.memory_space<vmem>>, vector<1x16xf32>,
          %get3A_147 = arith.index_cast %add3A_97 : i32 to index
          %get3A_148 = arith.constant 80 : index
          %get3A_149 = tpu.vector_load %arg9[%get3A_147, %get3A_148] {strides = array<i32>} : memref<128x128xf32, #tpu.memory_space<vmem>>, vector<1x16xf32>,
          %get3A_150 = vector.shape_cast %get3A_149 : vector<1x16xf32> to vector<16xf32>
          %mul3A_151 = arith.mulf %get3A_150, %broadcast_in_dim3A : vector<16xf32>
          %swap3A_152 = arith.index_cast %add3A_97 : i32 to index
          %swap3A_153 = arith.constant 80 : index
          %swap3A_154 = tpu.vector_load %arg9[%swap3A_152, %swap3A_153] {strides = array<i32>} : memref<128x128xf32, #tpu.memory_space<vmem>>, vector<1x16xf32>,
          %swap3A_155 = vector.shape_cast %swap3A_154 : vector<1x16xf32> to vector<16xf32>
          %swap3A_156 = vector.shape_cast %mul3A_151 : vector<16xf32> to vector<1x16xf32>
          tpu.vector_store %arg9[%swap3A_152, %swap3A_153], %swap3A_156 {strides = array<i32>} : memref<128x128xf32, #tpu.memory_space<vmem>>, vector<1x16xf32>,
          %get3A_157 = arith.index_cast %add3A_97 : i32 to index
          %get3A_158 = arith.constant 96 : index
          %get3A_159 = tpu.vector_load %arg9[%get3A_157, %get3A_158] {strides = array<i32>} : memref<128x128xf32, #tpu.memory_space<vmem>>, vector<1x16xf32>,
          %get3A_160 = vector.shape_cast %get3A_159 : vector<1x16xf32> to vector<16xf32>
          %mul3A_161 = arith.mulf %get3A_160, %broadcast_in_dim3A : vector<16xf32>
          %swap3A_162 = arith.index_cast %add3A_97 : i32 to index
          %swap3A_163 = arith.constant 96 : index
          %swap3A_164 = tpu.vector_load %arg9[%swap3A_162, %swap3A_163] {strides = array<i32>} : memref<128x128xf32, #tpu.memory_space<vmem>>, vector<1x16xf32>,
          %swap3A_165 = vector.shape_cast %swap3A_164 : vector<1x16xf32> to vector<16xf32>
          %swap3A_166 = vector.shape_cast %mul3A_161 : vector<16xf32> to vector<1x16xf32>
          tpu.vector_store %arg9[%swap3A_162, %swap3A_163], %swap3A_166 {strides = array<i32>} : memref<128x128xf32, #tpu.memory_space<vmem>>, vector<1x16xf32>,
          %get3A_167 = arith.index_cast %add3A_97 : i32 to index
          %get3A_168 = arith.constant 112 : index
          %get3A_169 = tpu.vector_load %arg9[%get3A_167, %get3A_168] {strides = array<i32>} : memref<128x128xf32, #tpu.memory_space<vmem>>, vector<1x16xf32>,
          %get3A_170 = vector.shape_cast %get3A_169 : vector<1x16xf32> to vector<16xf32>
          %mul3A_171 = arith.mulf %get3A_170, %broadcast_in_dim3A : vector<16xf32>
          %swap3A_172 = arith.index_cast %add3A_97 : i32 to index
          %swap3A_173 = arith.constant 112 : index
          %swap3A_174 = tpu.vector_load %arg9[%swap3A_172, %swap3A_173] {strides = array<i32>} : memref<128x128xf32, #tpu.memory_space<vmem>>, vector<1x16xf32>,
          %swap3A_175 = vector.shape_cast %swap3A_174 : vector<1x16xf32> to vector<16xf32>
          %swap3A_176 = vector.shape_cast %mul3A_171 : vector<16xf32> to vector<1x16xf32>
          tpu.vector_store %arg9[%swap3A_172, %swap3A_173], %swap3A_176 {strides = array<i32>} : memref<128x128xf32, #tpu.memory_space<vmem>>, vector<1x16xf32>,
          %slice3A_177 = vector.extract_strided_slice %get3A_93 {offsets = [1], sizes = [1], strides = [1]} : vector<16xf32> to vector<1xf32>
          %squeeze3A_178 = vector.extract %slice3A_177[0] : f32 from vector<1xf32>
          %broadcast_in_dim3A_179 = vector.broadcast %squeeze3A_178 : f32 to vector<16xf32>
          %mul3A_180 = arith.constant 16 : i32
          %mul3A_181 = arith.muli %scan3A_89, %mul3A_180 : i32
          %add3A_182 = arith.constant 1 : i32
          %add3A_183 = arith.addi %mul3A_181, %add3A_182 : i32
          %get3A_184 = arith.index_cast %add3A_183 : i32 to index
          %get3A_185 = arith.constant 0 : index
          %get3A_186 = tpu.vector_load %arg9[%get3A_184, %get3A_185] {strides = array<i32>} : memref<128x128xf32, #tpu.memory_space<vmem>>, vector<1x16xf32>,
          %get3A_187 = vector.shape_cast %get3A_186 : vector<1x16xf32> to vector<16xf32>
          %mul3A_188 = arith.mulf %get3A_187, %broadcast_in_dim3A_179 : vector<16xf32>
          %swap3A_189 = arith.index_cast %add3A_183 : i32 to index
          %swap3A_190 = arith.constant 0 : index
          %swap3A_191 = tpu.vector_load %arg9[%swap3A_189, %swap3A_190] {strides = array<i32>} : memref<128x128xf32, #tpu.memory_space<vmem>>, vector<1x16xf32>,
          %swap3A_192 = vector.shape_cast %swap3A_191 : vector<1x16xf32> to vector<16xf32>
          %swap3A_193 = vector.shape_cast %mul3A_188 : vector<16xf32> to vector<1x16xf32>
          tpu.vector_store %arg9[%swap3A_189, %swap3A_190], %swap3A_193 {strides = array<i32>} : memref<128x128xf32, #tpu.memory_space<vmem>>, vector<1x16xf32>,
          %get3A_194 = arith.index_cast %add3A_183 : i32 to index
          %get3A_195 = arith.constant 16 : index
          %get3A_196 = tpu.vector_load %arg9[%get3A_194, %get3A_195] {strides = array<i32>} : memref<128x128xf32, #tpu.memory_space<vmem>>, vector<1x16xf32>,
          %get3A_197 = vector.shape_cast %get3A_196 : vector<1x16xf32> to vector<16xf32>
          %mul3A_198 = arith.mulf %get3A_197, %broadcast_in_dim3A_179 : vector<16xf32>
          %swap3A_199 = arith.index_cast %add3A_183 : i32 to index
          %swap3A_200 = arith.constant 16 : index
          %swap3A_201 = tpu.vector_load %arg9[%swap3A_199, %swap3A_200] {strides = array<i32>} : memref<128x128xf32, #tpu.memory_space<vmem>>, vector<1x16xf32>,
          %swap3A_202 = vector.shape_cast %swap3A_201 : vector<1x16xf32> to vector<16xf32>
          %swap3A_203 = vector.shape_cast %mul3A_198 : vector<16xf32> to vector<1x16xf32>
          tpu.vector_store %arg9[%swap3A_199, %swap3A_200], %swap3A_203 {strides = array<i32>} : memref<128x128xf32, #tpu.memory_space<vmem>>, vector<1x16xf32>,
          %get3A_204 = arith.index_cast %add3A_183 : i32 to index
          %get3A_205 = arith.constant 32 : index
          %get3A_206 = tpu.vector_load %arg9[%get3A_204, %get3A_205] {strides = array<i32>} : memref<128x128xf32, #tpu.memory_space<vmem>>, vector<1x16xf32>,
          %get3A_207 = vector.shape_cast %get3A_206 : vector<1x16xf32> to vector<16xf32>
          %mul3A_208 = arith.mulf %get3A_207, %broadcast_in_dim3A_179 : vector<16xf32>
          %swap3A_209 = arith.index_cast %add3A_183 : i32 to index
          %swap3A_210 = arith.constant 32 : index
          %swap3A_211 = tpu.vector_load %arg9[%swap3A_209, %swap3A_210] {strides = array<i32>} : memref<128x128xf32, #tpu.memory_space<vmem>>, vector<1x16xf32>,
          %swap3A_212 = vector.shape_cast %swap3A_211 : vector<1x16xf32> to vector<16xf32>
          %swap3A_213 = vector.shape_cast %mul3A_208 : vector<16xf32> to vector<1x16xf32>
          tpu.vector_store %arg9[%swap3A_209, %swap3A_210], %swap3A_213 {strides = array<i32>} : memref<128x128xf32, #tpu.memory_space<vmem>>, vector<1x16xf32>,
          %get3A_214 = arith.index_cast %add3A_183 : i32 to index
          %get3A_215 = arith.constant 48 : index
          %get3A_216 = tpu.vector_load %arg9[%get3A_214, %get3A_215] {strides = array<i32>} : memref<128x128xf32, #tpu.memory_space<vmem>>, vector<1x16xf32>,
          %get3A_217 = vector.shape_cast %get3A_216 : vector<1x16xf32> to vector<16xf32>
          %mul3A_218 = arith.mulf %get3A_217, %broadcast_in_dim3A_179 : vector<16xf32>
          %swap3A_219 = arith.index_cast %add3A_183 : i32 to index
          %swap3A_220 = arith.constant 48 : index
          %swap3A_221 = tpu.vector_load %arg9[%swap3A_219, %swap3A_220] {strides = array<i32>} : memref<128x128xf32, #tpu.memory_space<vmem>>, vector<1x16xf32>,
          %swap3A_222 = vector.shape_cast %swap3A_221 : vector<1x16xf32> to vector<16xf32>
          %swap3A_223 = vector.shape_cast %mul3A_218 : vector<16xf32> to vector<1x16xf32>
          tpu.vector_store %arg9[%swap3A_219, %swap3A_220], %swap3A_223 {strides = array<i32>} : memref<128x128xf32, #tpu.memory_space<vmem>>, vector<1x16xf32>,
          %get3A_224 = arith.index_cast %add3A_183 : i32 to index
          %get3A_225 = arith.constant 64 : index
          %get3A_226 = tpu.vector_load %arg9[%get3A_224, %get3A_225] {strides = array<i32>} : memref<128x128xf32, #tpu.memory_space<vmem>>, vector<1x16xf32>,
          %get3A_227 = vector.shape_cast %get3A_226 : vector<1x16xf32> to vector<16xf32>
          %mul3A_228 = arith.mulf %get3A_227, %broadcast_in_dim3A_179 : vector<16xf32>
          %swap3A_229 = arith.index_cast %add3A_183 : i32 to index
          %swap3A_230 = arith.constant 64 : index
          %swap3A_231 = tpu.vector_load %arg9[%swap3A_229, %swap3A_230] {strides = array<i32>} : memref<128x128xf32, #tpu.memory_space<vmem>>, vector<1x16xf32>,
          %swap3A_232 = vector.shape_cast %swap3A_231 : vector<1x16xf32> to vector<16xf32>
          %swap3A_233 = vector.shape_cast %mul3A_228 : vector<16xf32> to vector<1x16xf32>
          tpu.vector_store %arg9[%swap3A_229, %swap3A_230], %swap3A_233 {strides = array<i32>} : memref<128x128xf32, #tpu.memory_space<vmem>>, vector<1x16xf32>,
          %get3A_234 = arith.index_cast %add3A_183 : i32 to index
          %get3A_235 = arith.constant 80 : index
          %get3A_236 = tpu.vector_load %arg9[%get3A_234, %get3A_235] {strides = array<i32>} : memref<128x128xf32, #tpu.memory_space<vmem>>, vector<1x16xf32>,
          %get3A_237 = vector.shape_cast %get3A_236 : vector<1x16xf32> to vector<16xf32>
          %mul3A_238 = arith.mulf %get3A_237, %broadcast_in_dim3A_179 : vector<16xf32>
          %swap3A_239 = arith.index_cast %add3A_183 : i32 to index
          %swap3A_240 = arith.constant 80 : index
          %swap3A_241 = tpu.vector_load %arg9[%swap3A_239, %swap3A_240] {strides = array<i32>} : memref<128x128xf32, #tpu.memory_space<vmem>>, vector<1x16xf32>,
          %swap3A_242 = vector.shape_cast %swap3A_241 : vector<1x16xf32> to vector<16xf32>
          %swap3A_243 = vector.shape_cast %mul3A_238 : vector<16xf32> to vector<1x16xf32>
          tpu.vector_store %arg9[%swap3A_239, %swap3A_240], %swap3A_243 {strides = array<i32>} : memref<128x128xf32, #tpu.memory_space<vmem>>, vector<1x16xf32>,
          %get3A_244 = arith.index_cast %add3A_183 : i32 to index
          %get3A_245 = arith.constant 96 : index
          %get3A_246 = tpu.vector_load %arg9[%get3A_244, %get3A_245] {strides = array<i32>} : memref<128x128xf32, #tpu.memory_space<vmem>>, vector<1x16xf32>,
          %get3A_247 = vector.shape_cast %get3A_246 : vector<1x16xf32> to vector<16xf32>
          %mul3A_248 = arith.mulf %get3A_247, %broadcast_in_dim3A_179 : vector<16xf32>
          %swap3A_249 = arith.index_cast %add3A_183 : i32 to index
          %swap3A_250 = arith.constant 96 : index
          %swap3A_251 = tpu.vector_load %arg9[%swap3A_249, %swap3A_250] {strides = array<i32>} : memref<128x128xf32, #tpu.memory_space<vmem>>, vector<1x16xf32>,
          %swap3A_252 = vector.shape_cast %swap3A_251 : vector<1x16xf32> to vector<16xf32>
          %swap3A_253 = vector.shape_cast %mul3A_248 : vector<16xf32> to vector<1x16xf32>
          tpu.vector_store %arg9[%swap3A_249, %swap3A_250], %swap3A_253 {strides = array<i32>} : memref<128x128xf32, #tpu.memory_space<vmem>>, vector<1x16xf32>,
          %get3A_254 = arith.index_cast %add3A_183 : i32 to index
          %get3A_255 = arith.constant 112 : index
          %get3A_256 = tpu.vector_load %arg9[%get3A_254, %get3A_255] {strides = array<i32>} : memref<128x128xf32, #tpu.memory_space<vmem>>, vector<1x16xf32>,
          %get3A_257 = vector.shape_cast %get3A_256 : vector<1x16xf32> to vector<16xf32>
          %mul3A_258 = arith.mulf %get3A_257, %broadcast_in_dim3A_179 : vector<16xf32>
          %swap3A_259 = arith.index_cast %add3A_183 : i32 to index
          %swap3A_260 = arith.constant 112 : index
          %swap3A_261 = tpu.vector_load %arg9[%swap3A_259, %swap3A_260] {strides = array<i32>} : memref<128x128xf32, #tpu.memory_space<vmem>>, vector<1x16xf32>,
          %swap3A_262 = vector.shape_cast %swap3A_261 : vector<1x16xf32> to vector<16xf32>
          %swap3A_263 = vector.shape_cast %mul3A_258 : vector<16xf32> to vector<1x16xf32>
          tpu.vector_store %arg9[%swap3A_259, %swap3A_260], %swap3A_263 {strides = array<i32>} : memref<128x128xf32, #tpu.memory_space<vmem>>, vector<1x16xf32>,
          %slice3A_264 = vector.extract_strided_slice %get3A_93 {offsets = [2], sizes = [1], strides = [1]} : vector<16xf32> to vector<1xf32>
          %squeeze3A_265 = vector.extract %slice3A_264[0] : f32 from vector<1xf32>
          %broadcast_in_dim3A_266 = vector.broadcast %squeeze3A_265 : f32 to vector<16xf32>
          %mul3A_267 = arith.constant 16 : i32
          %mul3A_268 = arith.muli %scan3A_89, %mul3A_267 : i32
          %add3A_269 = arith.constant 2 : i32
          %add3A_270 = arith.addi %mul3A_268, %add3A_269 : i32
          %get3A_271 = arith.index_cast %add3A_270 : i32 to index
          %get3A_272 = arith.constant 0 : index
          %get3A_273 = tpu.vector_load %arg9[%get3A_271, %get3A_272] {strides = array<i32>} : memref<128x128xf32, #tpu.memory_space<vmem>>, vector<1x16xf32>,
          %get3A_274 = vector.shape_cast %get3A_273 : vector<1x16xf32> to vector<16xf32>
          %mul3A_275 = arith.mulf %get3A_274, %broadcast_in_dim3A_266 : vector<16xf32>
          %swap3A_276 = arith.index_cast %add3A_270 : i32 to index
          %swap3A_277 = arith.constant 0 : index
          %swap3A_278 = tpu.vector_load %arg9[%swap3A_276, %swap3A_277] {strides = array<i32>} : memref<128x128xf32, #tpu.memory_space<vmem>>, vector<1x16xf32>,
          %swap3A_279 = vector.shape_cast %swap3A_278 : vector<1x16xf32> to vector<16xf32>
          %swap3A_280 = vector.shape_cast %mul3A_275 : vector<16xf32> to vector<1x16xf32>
          tpu.vector_store %arg9[%swap3A_276, %swap3A_277], %swap3A_280 {strides = array<i32>} : memref<128x128xf32, #tpu.memory_space<vmem>>, vector<1x16xf32>,
          %get3A_281 = arith.index_cast %add3A_270 : i32 to index
          %get3A_282 = arith.constant 16 : index
          %get3A_283 = tpu.vector_load %arg9[%get3A_281, %get3A_282] {strides = array<i32>} : memref<128x128xf32, #tpu.memory_space<vmem>>, vector<1x16xf32>,
          %get3A_284 = vector.shape_cast %get3A_283 : vector<1x16xf32> to vector<16xf32>
          %mul3A_285 = arith.mulf %get3A_284, %broadcast_in_dim3A_266 : vector<16xf32>
          %swap3A_286 = arith.index_cast %add3A_270 : i32 to index
          %swap3A_287 = arith.constant 16 : index
          %swap3A_288 = tpu.vector_load %arg9[%swap3A_286, %swap3A_287] {strides = array<i32>} : memref<128x128xf32, #tpu.memory_space<vmem>>, vector<1x16xf32>,
          %swap3A_289 = vector.shape_cast %swap3A_288 : vector<1x16xf32> to vector<16xf32>
          %swap3A_290 = vector.shape_cast %mul3A_285 : vector<16xf32> to vector<1x16xf32>
          tpu.vector_store %arg9[%swap3A_286, %swap3A_287], %swap3A_290 {strides = array<i32>} : memref<128x128xf32, #tpu.memory_space<vmem>>, vector<1x16xf32>,
          %get3A_291 = arith.index_cast %add3A_270 : i32 to index
          %get3A_292 = arith.constant 32 : index
          %get3A_293 = tpu.vector_load %arg9[%get3A_291, %get3A_292] {strides = array<i32>} : memref<128x128xf32, #tpu.memory_space<vmem>>, vector<1x16xf32>,
          %get3A_294 = vector.shape_cast %get3A_293 : vector<1x16xf32> to vector<16xf32>
          %mul3A_295 = arith.mulf %get3A_294, %broadcast_in_dim3A_266 : vector<16xf32>
          %swap3A_296 = arith.index_cast %add3A_270 : i32 to index
          %swap3A_297 = arith.constant 32 : index
          %swap3A_298 = tpu.vector_load %arg9[%swap3A_296, %swap3A_297] {strides = array<i32>} : memref<128x128xf32, #tpu.memory_space<vmem>>, vector<1x16xf32>,
          %swap3A_299 = vector.shape_cast %swap3A_298 : vector<1x16xf32> to vector<16xf32>
          %swap3A_300 = vector.shape_cast %mul3A_295 : vector<16xf32> to vector<1x16xf32>
          tpu.vector_store %arg9[%swap3A_296, %swap3A_297], %swap3A_300 {strides = array<i32>} : memref<128x128xf32, #tpu.memory_space<vmem>>, vector<1x16xf32>,
          %get3A_301 = arith.index_cast %add3A_270 : i32 to index
          %get3A_302 = arith.constant 48 : index
          %get3A_303 = tpu.vector_load %arg9[%get3A_301, %get3A_302] {strides = array<i32>} : memref<128x128xf32, #tpu.memory_space<vmem>>, vector<1x16xf32>,
          %get3A_304 = vector.shape_cast %get3A_303 : vector<1x16xf32> to vector<16xf32>
          %mul3A_305 = arith.mulf %get3A_304, %broadcast_in_dim3A_266 : vector<16xf32>
          %swap3A_306 = arith.index_cast %add3A_270 : i32 to index
          %swap3A_307 = arith.constant 48 : index
          %swap3A_308 = tpu.vector_load %arg9[%swap3A_306, %swap3A_307] {strides = array<i32>} : memref<128x128xf32, #tpu.memory_space<vmem>>, vector<1x16xf32>,
          %swap3A_309 = vector.shape_cast %swap3A_308 : vector<1x16xf32> to vector<16xf32>
          %swap3A_310 = vector.shape_cast %mul3A_305 : vector<16xf32> to vector<1x16xf32>
          tpu.vector_store %arg9[%swap3A_306, %swap3A_307], %swap3A_310 {strides = array<i32>} : memref<128x128xf32, #tpu.memory_space<vmem>>, vector<1x16xf32>,
          %get3A_311 = arith.index_cast %add3A_270 : i32 to index
          %get3A_312 = arith.constant 64 : index
          %get3A_313 = tpu.vector_load %arg9[%get3A_311, %get3A_312] {strides = array<i32>} : memref<128x128xf32, #tpu.memory_space<vmem>>, vector<1x16xf32>,
          %get3A_314 = vector.shape_cast %get3A_313 : vector<1x16xf32> to vector<16xf32>
          %mul3A_315 = arith.mulf %get3A_314, %broadcast_in_dim3A_266 : vector<16xf32>
          %swap3A_316 = arith.index_cast %add3A_270 : i32 to index
          %swap3A_317 = arith.constant 64 : index
          %swap3A_318 = tpu.vector_load %arg9[%swap3A_316, %swap3A_317] {strides = array<i32>} : memref<128x128xf32, #tpu.memory_space<vmem>>, vector<1x16xf32>,
          %swap3A_319 = vector.shape_cast %swap3A_318 : vector<1x16xf32> to vector<16xf32>
          %swap3A_320 = vector.shape_cast %mul3A_315 : vector<16xf32> to vector<1x16xf32>
          tpu.vector_store %arg9[%swap3A_316, %swap3A_317], %swap3A_320 {strides = array<i32>} : memref<128x128xf32, #tpu.memory_space<vmem>>, vector<1x16xf32>,
          %get3A_321 = arith.index_cast %add3A_270 : i32 to index
          %get3A_322 = arith.constant 80 : index
          %get3A_323 = tpu.vector_load %arg9[%get3A_321, %get3A_322] {strides = array<i32>} : memref<128x128xf32, #tpu.memory_space<vmem>>, vector<1x16xf32>,
          %get3A_324 = vector.shape_cast %get3A_323 : vector<1x16xf32> to vector<16xf32>
          %mul3A_325 = arith.mulf %get3A_324, %broadcast_in_dim3A_266 : vector<16xf32>
          %swap3A_326 = arith.index_cast %add3A_270 : i32 to index
          %swap3A_327 = arith.constant 80 : index
          %swap3A_328 = tpu.vector_load %arg9[%swap3A_326, %swap3A_327] {strides = array<i32>} : memref<128x128xf32, #tpu.memory_space<vmem>>, vector<1x16xf32>,
          %swap3A_329 = vector.shape_cast %swap3A_328 : vector<1x16xf32> to vector<16xf32>
          %swap3A_330 = vector.shape_cast %mul3A_325 : vector<16xf32> to vector<1x16xf32>
          tpu.vector_store %arg9[%swap3A_326, %swap3A_327], %swap3A_330 {strides = array<i32>} : memref<128x128xf32, #tpu.memory_space<vmem>>, vector<1x16xf32>,
          %get3A_331 = arith.index_cast %add3A_270 : i32 to index
          %get3A_332 = arith.constant 96 : index
          %get3A_333 = tpu.vector_load %arg9[%get3A_331, %get3A_332] {strides = array<i32>} : memref<128x128xf32, #tpu.memory_space<vmem>>, vector<1x16xf32>,
          %get3A_334 = vector.shape_cast %get3A_333 : vector<1x16xf32> to vector<16xf32>
          %mul3A_335 = arith.mulf %get3A_334, %broadcast_in_dim3A_266 : vector<16xf32>
          %swap3A_336 = arith.index_cast %add3A_270 : i32 to index
          %swap3A_337 = arith.constant 96 : index
          %swap3A_338 = tpu.vector_load %arg9[%swap3A_336, %swap3A_337] {strides = array<i32>} : memref<128x128xf32, #tpu.memory_space<vmem>>, vector<1x16xf32>,
          %swap3A_339 = vector.shape_cast %swap3A_338 : vector<1x16xf32> to vector<16xf32>
          %swap3A_340 = vector.shape_cast %mul3A_335 : vector<16xf32> to vector<1x16xf32>
          tpu.vector_store %arg9[%swap3A_336, %swap3A_337], %swap3A_340 {strides = array<i32>} : memref<128x128xf32, #tpu.memory_space<vmem>>, vector<1x16xf32>,
          %get3A_341 = arith.index_cast %add3A_270 : i32 to index
          %get3A_342 = arith.constant 112 : index
          %get3A_343 = tpu.vector_load %arg9[%get3A_341, %get3A_342] {strides = array<i32>} : memref<128x128xf32, #tpu.memory_space<vmem>>, vector<1x16xf32>,
          %get3A_344 = vector.shape_cast %get3A_343 : vector<1x16xf32> to vector<16xf32>
          %mul3A_345 = arith.mulf %get3A_344, %broadcast_in_dim3A_266 : vector<16xf32>
          %swap3A_346 = arith.index_cast %add3A_270 : i32 to index
          %swap3A_347 = arith.constant 112 : index
          %swap3A_348 = tpu.vector_load %arg9[%swap3A_346, %swap3A_347] {strides = array<i32>} : memref<128x128xf32, #tpu.memory_space<vmem>>, vector<1x16xf32>,
          %swap3A_349 = vector.shape_cast %swap3A_348 : vector<1x16xf32> to vector<16xf32>
          %swap3A_350 = vector.shape_cast %mul3A_345 : vector<16xf32> to vector<1x16xf32>
          tpu.vector_store %arg9[%swap3A_346, %swap3A_347], %swap3A_350 {strides = array<i32>} : memref<128x128xf32, #tpu.memory_space<vmem>>, vector<1x16xf32>,
          %slice3A_351 = vector.extract_strided_slice %get3A_93 {offsets = [3], sizes = [1], strides = [1]} : vector<16xf32> to vector<1xf32>
          %squeeze3A_352 = vector.extract %slice3A_351[0] : f32 from vector<1xf32>
          %broadcast_in_dim3A_353 = vector.broadcast %squeeze3A_352 : f32 to vector<16xf32>
          %mul3A_354 = arith.constant 16 : i32
          %mul3A_355 = arith.muli %scan3A_89, %mul3A_354 : i32
          %add3A_356 = arith.constant 3 : i32
          %add3A_357 = arith.addi %mul3A_355, %add3A_356 : i32
          %get3A_358 = arith.index_cast %add3A_357 : i32 to index
          %get3A_359 = arith.constant 0 : index
          %get3A_360 = tpu.vector_load %arg9[%get3A_358, %get3A_359] {strides = array<i32>} : memref<128x128xf32, #tpu.memory_space<vmem>>, vector<1x16xf32>,
          %get3A_361 = vector.shape_cast %get3A_360 : vector<1x16xf32> to vector<16xf32>
          %mul3A_362 = arith.mulf %get3A_361, %broadcast_in_dim3A_353 : vector<16xf32>
          %swap3A_363 = arith.index_cast %add3A_357 : i32 to index
          %swap3A_364 = arith.constant 0 : index
          %swap3A_365 = tpu.vector_load %arg9[%swap3A_363, %swap3A_364] {strides = array<i32>} : memref<128x128xf32, #tpu.memory_space<vmem>>, vector<1x16xf32>,
          %swap3A_366 = vector.shape_cast %swap3A_365 : vector<1x16xf32> to vector<16xf32>
          %swap3A_367 = vector.shape_cast %mul3A_362 : vector<16xf32> to vector<1x16xf32>
          tpu.vector_store %arg9[%swap3A_363, %swap3A_364], %swap3A_367 {strides = array<i32>} : memref<128x128xf32, #tpu.memory_space<vmem>>, vector<1x16xf32>,
          %get3A_368 = arith.index_cast %add3A_357 : i32 to index
          %get3A_369 = arith.constant 16 : index
          %get3A_370 = tpu.vector_load %arg9[%get3A_368, %get3A_369] {strides = array<i32>} : memref<128x128xf32, #tpu.memory_space<vmem>>, vector<1x16xf32>,
          %get3A_371 = vector.shape_cast %get3A_370 : vector<1x16xf32> to vector<16xf32>
          %mul3A_372 = arith.mulf %get3A_371, %broadcast_in_dim3A_353 : vector<16xf32>
          %swap3A_373 = arith.index_cast %add3A_357 : i32 to index
          %swap3A_374 = arith.constant 16 : index
          %swap3A_375 = tpu.vector_load %arg9[%swap3A_373, %swap3A_374] {strides = array<i32>} : memref<128x128xf32, #tpu.memory_space<vmem>>, vector<1x16xf32>,
          %swap3A_376 = vector.shape_cast %swap3A_375 : vector<1x16xf32> to vector<16xf32>
          %swap3A_377 = vector.shape_cast %mul3A_372 : vector<16xf32> to vector<1x16xf32>
          tpu.vector_store %arg9[%swap3A_373, %swap3A_374], %swap3A_377 {strides = array<i32>} : memref<128x128xf32, #tpu.memory_space<vmem>>, vector<1x16xf32>,
          %get3A_378 = arith.index_cast %add3A_357 : i32 to index
          %get3A_379 = arith.constant 32 : index
          %get3A_380 = tpu.vector_load %arg9[%get3A_378, %get3A_379] {strides = array<i32>} : memref<128x128xf32, #tpu.memory_space<vmem>>, vector<1x16xf32>,
          %get3A_381 = vector.shape_cast %get3A_380 : vector<1x16xf32> to vector<16xf32>
          %mul3A_382 = arith.mulf %get3A_381, %broadcast_in_dim3A_353 : vector<16xf32>
          %swap3A_383 = arith.index_cast %add3A_357 : i32 to index
          %swap3A_384 = arith.constant 32 : index
          %swap3A_385 = tpu.vector_load %arg9[%swap3A_383, %swap3A_384] {strides = array<i32>} : memref<128x128xf32, #tpu.memory_space<vmem>>, vector<1x16xf32>,
          %swap3A_386 = vector.shape_cast %swap3A_385 : vector<1x16xf32> to vector<16xf32>
          %swap3A_387 = vector.shape_cast %mul3A_382 : vector<16xf32> to vector<1x16xf32>
          tpu.vector_store %arg9[%swap3A_383, %swap3A_384], %swap3A_387 {strides = array<i32>} : memref<128x128xf32, #tpu.memory_space<vmem>>, vector<1x16xf32>,
          %get3A_388 = arith.index_cast %add3A_357 : i32 to index
          %get3A_389 = arith.constant 48 : index
          %get3A_390 = tpu.vector_load %arg9[%get3A_388, %get3A_389] {strides = array<i32>} : memref<128x128xf32, #tpu.memory_space<vmem>>, vector<1x16xf32>,
          %get3A_391 = vector.shape_cast %get3A_390 : vector<1x16xf32> to vector<16xf32>
          %mul3A_392 = arith.mulf %get3A_391, %broadcast_in_dim3A_353 : vector<16xf32>
          %swap3A_393 = arith.index_cast %add3A_357 : i32 to index
          %swap3A_394 = arith.constant 48 : index
          %swap3A_395 = tpu.vector_load %arg9[%swap3A_393, %swap3A_394] {strides = array<i32>} : memref<128x128xf32, #tpu.memory_space<vmem>>, vector<1x16xf32>,
          %swap3A_396 = vector.shape_cast %swap3A_395 : vector<1x16xf32> to vector<16xf32>
          %swap3A_397 = vector.shape_cast %mul3A_392 : vector<16xf32> to vector<1x16xf32>
          tpu.vector_store %arg9[%swap3A_393, %swap3A_394], %swap3A_397 {strides = array<i32>} : memref<128x128xf32, #tpu.memory_space<vmem>>, vector<1x16xf32>,
          %get3A_398 = arith.index_cast %add3A_357 : i32 to index
          %get3A_399 = arith.constant 64 : index
          %get3A_400 = tpu.vector_load %arg9[%get3A_398, %get3A_399] {strides = array<i32>} : memref<128x128xf32, #tpu.memory_space<vmem>>, vector<1x16xf32>,
          %get3A_401 = vector.shape_cast %get3A_400 : vector<1x16xf32> to vector<16xf32>
          %mul3A_402 = arith.mulf %get3A_401, %broadcast_in_dim3A_353 : vector<16xf32>
          %swap3A_403 = arith.index_cast %add3A_357 : i32 to index
          %swap3A_404 = arith.constant 64 : index
          %swap3A_405 = tpu.vector_load %arg9[%swap3A_403, %swap3A_404] {strides = array<i32>} : memref<128x128xf32, #tpu.memory_space<vmem>>, vector<1x16xf32>,
          %swap3A_406 = vector.shape_cast %swap3A_405 : vector<1x16xf32> to vector<16xf32>
          %swap3A_407 = vector.shape_cast %mul3A_402 : vector<16xf32> to vector<1x16xf32>
          tpu.vector_store %arg9[%swap3A_403, %swap3A_404], %swap3A_407 {strides = array<i32>} : memref<128x128xf32, #tpu.memory_space<vmem>>, vector<1x16xf32>,
          %get3A_408 = arith.index_cast %add3A_357 : i32 to index
          %get3A_409 = arith.constant 80 : index
          %get3A_410 = tpu.vector_load %arg9[%get3A_408, %get3A_409] {strides = array<i32>} : memref<128x128xf32, #tpu.memory_space<vmem>>, vector<1x16xf32>,
          %get3A_411 = vector.shape_cast %get3A_410 : vector<1x16xf32> to vector<16xf32>
          %mul3A_412 = arith.mulf %get3A_411, %broadcast_in_dim3A_353 : vector<16xf32>
          %swap3A_413 = arith.index_cast %add3A_357 : i32 to index
          %swap3A_414 = arith.constant 80 : index
          %swap3A_415 = tpu.vector_load %arg9[%swap3A_413, %swap3A_414] {strides = array<i32>} : memref<128x128xf32, #tpu.memory_space<vmem>>, vector<1x16xf32>,
          %swap3A_416 = vector.shape_cast %swap3A_415 : vector<1x16xf32> to vector<16xf32>
          %swap3A_417 = vector.shape_cast %mul3A_412 : vector<16xf32> to vector<1x16xf32>
          tpu.vector_store %arg9[%swap3A_413, %swap3A_414], %swap3A_417 {strides = array<i32>} : memref<128x128xf32, #tpu.memory_space<vmem>>, vector<1x16xf32>,
          %get3A_418 = arith.index_cast %add3A_357 : i32 to index
          %get3A_419 = arith.constant 96 : index
          %get3A_420 = tpu.vector_load %arg9[%get3A_418, %get3A_419] {strides = array<i32>} : memref<128x128xf32, #tpu.memory_space<vmem>>, vector<1x16xf32>,
          %get3A_421 = vector.shape_cast %get3A_420 : vector<1x16xf32> to vector<16xf32>
          %mul3A_422 = arith.mulf %get3A_421, %broadcast_in_dim3A_353 : vector<16xf32>
          %swap3A_423 = arith.index_cast %add3A_357 : i32 to index
          %swap3A_424 = arith.constant 96 : index
          %swap3A_425 = tpu.vector_load %arg9[%swap3A_423, %swap3A_424] {strides = array<i32>} : memref<128x128xf32, #tpu.memory_space<vmem>>, vector<1x16xf32>,
          %swap3A_426 = vector.shape_cast %swap3A_425 : vector<1x16xf32> to vector<16xf32>
          %swap3A_427 = vector.shape_cast %mul3A_422 : vector<16xf32> to vector<1x16xf32>
          tpu.vector_store %arg9[%swap3A_423, %swap3A_424], %swap3A_427 {strides = array<i32>} : memref<128x128xf32, #tpu.memory_space<vmem>>, vector<1x16xf32>,
          %get3A_428 = arith.index_cast %add3A_357 : i32 to index
          %get3A_429 = arith.constant 112 : index
          %get3A_430 = tpu.vector_load %arg9[%get3A_428, %get3A_429] {strides = array<i32>} : memref<128x128xf32, #tpu.memory_space<vmem>>, vector<1x16xf32>,
          %get3A_431 = vector.shape_cast %get3A_430 : vector<1x16xf32> to vector<16xf32>
          %mul3A_432 = arith.mulf %get3A_431, %broadcast_in_dim3A_353 : vector<16xf32>
          %swap3A_433 = arith.index_cast %add3A_357 : i32 to index
          %swap3A_434 = arith.constant 112 : index
          %swap3A_435 = tpu.vector_load %arg9[%swap3A_433, %swap3A_434] {strides = array<i32>} : memref<128x128xf32, #tpu.memory_space<vmem>>, vector<1x16xf32>,
          %swap3A_436 = vector.shape_cast %swap3A_435 : vector<1x16xf32> to vector<16xf32>
          %swap3A_437 = vector.shape_cast %mul3A_432 : vector<16xf32> to vector<1x16xf32>
          tpu.vector_store %arg9[%swap3A_433, %swap3A_434], %swap3A_437 {strides = array<i32>} : memref<128x128xf32, #tpu.memory_space<vmem>>, vector<1x16xf32>,
          %slice3A_438 = vector.extract_strided_slice %get3A_93 {offsets = [4], sizes = [1], strides = [1]} : vector<16xf32> to vector<1xf32>
          %squeeze3A_439 = vector.extract %slice3A_438[0] : f32 from vector<1xf32>
          %broadcast_in_dim3A_440 = vector.broadcast %squeeze3A_439 : f32 to vector<16xf32>
          %mul3A_441 = arith.constant 16 : i32
          %mul3A_442 = arith.muli %scan3A_89, %mul3A_441 : i32
          %add3A_443 = arith.constant 4 : i32
          %add3A_444 = arith.addi %mul3A_442, %add3A_443 : i32
          %get3A_445 = arith.index_cast %add3A_444 : i32 to index
          %get3A_446 = arith.constant 0 : index
          %get3A_447 = tpu.vector_load %arg9[%get3A_445, %get3A_446] {strides = array<i32>} : memref<128x128xf32, #tpu.memory_space<vmem>>, vector<1x16xf32>,
          %get3A_448 = vector.shape_cast %get3A_447 : vector<1x16xf32> to vector<16xf32>
          %mul3A_449 = arith.mulf %get3A_448, %broadcast_in_dim3A_440 : vector<16xf32>
          %swap3A_450 = arith.index_cast %add3A_444 : i32 to index
          %swap3A_451 = arith.constant 0 : index
          %swap3A_452 = tpu.vector_load %arg9[%swap3A_450, %swap3A_451] {strides = array<i32>} : memref<128x128xf32, #tpu.memory_space<vmem>>, vector<1x16xf32>,
          %swap3A_453 = vector.shape_cast %swap3A_452 : vector<1x16xf32> to vector<16xf32>
          %swap3A_454 = vector.shape_cast %mul3A_449 : vector<16xf32> to vector<1x16xf32>
          tpu.vector_store %arg9[%swap3A_450, %swap3A_451], %swap3A_454 {strides = array<i32>} : memref<128x128xf32, #tpu.memory_space<vmem>>, vector<1x16xf32>,
          %get3A_455 = arith.index_cast %add3A_444 : i32 to index
          %get3A_456 = arith.constant 16 : index
          %get3A_457 = tpu.vector_load %arg9[%get3A_455, %get3A_456] {strides = array<i32>} : memref<128x128xf32, #tpu.memory_space<vmem>>, vector<1x16xf32>,
          %get3A_458 = vector.shape_cast %get3A_457 : vector<1x16xf32> to vector<16xf32>
          %mul3A_459 = arith.mulf %get3A_458, %broadcast_in_dim3A_440 : vector<16xf32>
          %swap3A_460 = arith.index_cast %add3A_444 : i32 to index
          %swap3A_461 = arith.constant 16 : index
          %swap3A_462 = tpu.vector_load %arg9[%swap3A_460, %swap3A_461] {strides = array<i32>} : memref<128x128xf32, #tpu.memory_space<vmem>>, vector<1x16xf32>,
          %swap3A_463 = vector.shape_cast %swap3A_462 : vector<1x16xf32> to vector<16xf32>
          %swap3A_464 = vector.shape_cast %mul3A_459 : vector<16xf32> to vector<1x16xf32>
          tpu.vector_store %arg9[%swap3A_460, %swap3A_461], %swap3A_464 {strides = array<i32>} : memref<128x128xf32, #tpu.memory_space<vmem>>, vector<1x16xf32>,
          %get3A_465 = arith.index_cast %add3A_444 : i32 to index
          %get3A_466 = arith.constant 32 : index
          %get3A_467 = tpu.vector_load %arg9[%get3A_465, %get3A_466] {strides = array<i32>} : memref<128x128xf32, #tpu.memory_space<vmem>>, vector<1x16xf32>,
          %get3A_468 = vector.shape_cast %get3A_467 : vector<1x16xf32> to vector<16xf32>
          %mul3A_469 = arith.mulf %get3A_468, %broadcast_in_dim3A_440 : vector<16xf32>
          %swap3A_470 = arith.index_cast %add3A_444 : i32 to index
          %swap3A_471 = arith.constant 32 : index
          %swap3A_472 = tpu.vector_load %arg9[%swap3A_470, %swap3A_471] {strides = array<i32>} : memref<128x128xf32, #tpu.memory_space<vmem>>, vector<1x16xf32>,
          %swap3A_473 = vector.shape_cast %swap3A_472 : vector<1x16xf32> to vector<16xf32>
          %swap3A_474 = vector.shape_cast %mul3A_469 : vector<16xf32> to vector<1x16xf32>
          tpu.vector_store %arg9[%swap3A_470, %swap3A_471], %swap3A_474 {strides = array<i32>} : memref<128x128xf32, #tpu.memory_space<vmem>>, vector<1x16xf32>,
          %get3A_475 = arith.index_cast %add3A_444 : i32 to index
          %get3A_476 = arith.constant 48 : index
          %get3A_477 = tpu.vector_load %arg9[%get3A_475, %get3A_476] {strides = array<i32>} : memref<128x128xf32, #tpu.memory_space<vmem>>, vector<1x16xf32>,
          %get3A_478 = vector.shape_cast %get3A_477 : vector<1x16xf32> to vector<16xf32>
          %mul3A_479 = arith.mulf %get3A_478, %broadcast_in_dim3A_440 : vector<16xf32>
          %swap3A_480 = arith.index_cast %add3A_444 : i32 to index
          %swap3A_481 = arith.constant 48 : index
          %swap3A_482 = tpu.vector_load %arg9[%swap3A_480, %swap3A_481] {strides = array<i32>} : memref<128x128xf32, #tpu.memory_space<vmem>>, vector<1x16xf32>,
          %swap3A_483 = vector.shape_cast %swap3A_482 : vector<1x16xf32> to vector<16xf32>
          %swap3A_484 = vector.shape_cast %mul3A_479 : vector<16xf32> to vector<1x16xf32>
          tpu.vector_store %arg9[%swap3A_480, %swap3A_481], %swap3A_484 {strides = array<i32>} : memref<128x128xf32, #tpu.memory_space<vmem>>, vector<1x16xf32>,
          %get3A_485 = arith.index_cast %add3A_444 : i32 to index
          %get3A_486 = arith.constant 64 : index
          %get3A_487 = tpu.vector_load %arg9[%get3A_485, %get3A_486] {strides = array<i32>} : memref<128x128xf32, #tpu.memory_space<vmem>>, vector<1x16xf32>,
          %get3A_488 = vector.shape_cast %get3A_487 : vector<1x16xf32> to vector<16xf32>
          %mul3A_489 = arith.mulf %get3A_488, %broadcast_in_dim3A_440 : vector<16xf32>
          %swap3A_490 = arith.index_cast %add3A_444 : i32 to index
          %swap3A_491 = arith.constant 64 : index
          %swap3A_492 = tpu.vector_load %arg9[%swap3A_490, %swap3A_491] {strides = array<i32>} : memref<128x128xf32, #tpu.memory_space<vmem>>, vector<1x16xf32>,
          %swap3A_493 = vector.shape_cast %swap3A_492 : vector<1x16xf32> to vector<16xf32>
          %swap3A_494 = vector.shape_cast %mul3A_489 : vector<16xf32> to vector<1x16xf32>
          tpu.vector_store %arg9[%swap3A_490, %swap3A_491], %swap3A_494 {strides = array<i32>} : memref<128x128xf32, #tpu.memory_space<vmem>>, vector<1x16xf32>,
          %get3A_495 = arith.index_cast %add3A_444 : i32 to index
          %get3A_496 = arith.constant 80 : index
          %get3A_497 = tpu.vector_load %arg9[%get3A_495, %get3A_496] {strides = array<i32>} : memref<128x128xf32, #tpu.memory_space<vmem>>, vector<1x16xf32>,
          %get3A_498 = vector.shape_cast %get3A_497 : vector<1x16xf32> to vector<16xf32>
          %mul3A_499 = arith.mulf %get3A_498, %broadcast_in_dim3A_440 : vector<16xf32>
          %swap3A_500 = arith.index_cast %add3A_444 : i32 to index
          %swap3A_501 = arith.constant 80 : index
          %swap3A_502 = tpu.vector_load %arg9[%swap3A_500, %swap3A_501] {strides = array<i32>} : memref<128x128xf32, #tpu.memory_space<vmem>>, vector<1x16xf32>,
          %swap3A_503 = vector.shape_cast %swap3A_502 : vector<1x16xf32> to vector<16xf32>
          %swap3A_504 = vector.shape_cast %mul3A_499 : vector<16xf32> to vector<1x16xf32>
          tpu.vector_store %arg9[%swap3A_500, %swap3A_501], %swap3A_504 {strides = array<i32>} : memref<128x128xf32, #tpu.memory_space<vmem>>, vector<1x16xf32>,
          %get3A_505 = arith.index_cast %add3A_444 : i32 to index
          %get3A_506 = arith.constant 96 : index
          %get3A_507 = tpu.vector_load %arg9[%get3A_505, %get3A_506] {strides = array<i32>} : memref<128x128xf32, #tpu.memory_space<vmem>>, vector<1x16xf32>,
          %get3A_508 = vector.shape_cast %get3A_507 : vector<1x16xf32> to vector<16xf32>
          %mul3A_509 = arith.mulf %get3A_508, %broadcast_in_dim3A_440 : vector<16xf32>
          %swap3A_510 = arith.index_cast %add3A_444 : i32 to index
          %swap3A_511 = arith.constant 96 : index
          %swap3A_512 = tpu.vector_load %arg9[%swap3A_510, %swap3A_511] {strides = array<i32>} : memref<128x128xf32, #tpu.memory_space<vmem>>, vector<1x16xf32>,
          %swap3A_513 = vector.shape_cast %swap3A_512 : vector<1x16xf32> to vector<16xf32>
          %swap3A_514 = vector.shape_cast %mul3A_509 : vector<16xf32> to vector<1x16xf32>
          tpu.vector_store %arg9[%swap3A_510, %swap3A_511], %swap3A_514 {strides = array<i32>} : memref<128x128xf32, #tpu.memory_space<vmem>>, vector<1x16xf32>,
          %get3A_515 = arith.index_cast %add3A_444 : i32 to index
          %get3A_516 = arith.constant 112 : index
          %get3A_517 = tpu.vector_load %arg9[%get3A_515, %get3A_516] {strides = array<i32>} : memref<128x128xf32, #tpu.memory_space<vmem>>, vector<1x16xf32>,
          %get3A_518 = vector.shape_cast %get3A_517 : vector<1x16xf32> to vector<16xf32>
          %mul3A_519 = arith.mulf %get3A_518, %broadcast_in_dim3A_440 : vector<16xf32>
          %swap3A_520 = arith.index_cast %add3A_444 : i32 to index
          %swap3A_521 = arith.constant 112 : index
          %swap3A_522 = tpu.vector_load %arg9[%swap3A_520, %swap3A_521] {strides = array<i32>} : memref<128x128xf32, #tpu.memory_space<vmem>>, vector<1x16xf32>,
          %swap3A_523 = vector.shape_cast %swap3A_522 : vector<1x16xf32> to vector<16xf32>
          %swap3A_524 = vector.shape_cast %mul3A_519 : vector<16xf32> to vector<1x16xf32>
          tpu.vector_store %arg9[%swap3A_520, %swap3A_521], %swap3A_524 {strides = array<i32>} : memref<128x128xf32, #tpu.memory_space<vmem>>, vector<1x16xf32>,
          %slice3A_525 = vector.extract_strided_slice %get3A_93 {offsets = [5], sizes = [1], strides = [1]} : vector<16xf32> to vector<1xf32>
          %squeeze3A_526 = vector.extract %slice3A_525[0] : f32 from vector<1xf32>
          %broadcast_in_dim3A_527 = vector.broadcast %squeeze3A_526 : f32 to vector<16xf32>
          %mul3A_528 = arith.constant 16 : i32
          %mul3A_529 = arith.muli %scan3A_89, %mul3A_528 : i32
          %add3A_530 = arith.constant 5 : i32
          %add3A_531 = arith.addi %mul3A_529, %add3A_530 : i32
          %get3A_532 = arith.index_cast %add3A_531 : i32 to index
          %get3A_533 = arith.constant 0 : index
          %get3A_534 = tpu.vector_load %arg9[%get3A_532, %get3A_533] {strides = array<i32>} : memref<128x128xf32, #tpu.memory_space<vmem>>, vector<1x16xf32>,
          %get3A_535 = vector.shape_cast %get3A_534 : vector<1x16xf32> to vector<16xf32>
          %mul3A_536 = arith.mulf %get3A_535, %broadcast_in_dim3A_527 : vector<16xf32>
          %swap3A_537 = arith.index_cast %add3A_531 : i32 to index
          %swap3A_538 = arith.constant 0 : index
          %swap3A_539 = tpu.vector_load %arg9[%swap3A_537, %swap3A_538] {strides = array<i32>} : memref<128x128xf32, #tpu.memory_space<vmem>>, vector<1x16xf32>,
          %swap3A_540 = vector.shape_cast %swap3A_539 : vector<1x16xf32> to vector<16xf32>
          %swap3A_541 = vector.shape_cast %mul3A_536 : vector<16xf32> to vector<1x16xf32>
          tpu.vector_store %arg9[%swap3A_537, %swap3A_538], %swap3A_541 {strides = array<i32>} : memref<128x128xf32, #tpu.memory_space<vmem>>, vector<1x16xf32>,
          %get3A_542 = arith.index_cast %add3A_531 : i32 to index
          %get3A_543 = arith.constant 16 : index
          %get3A_544 = tpu.vector_load %arg9[%get3A_542, %get3A_543] {strides = array<i32>} : memref<128x128xf32, #tpu.memory_space<vmem>>, vector<1x16xf32>,
          %get3A_545 = vector.shape_cast %get3A_544 : vector<1x16xf32> to vector<16xf32>
          %mul3A_546 = arith.mulf %get3A_545, %broadcast_in_dim3A_527 : vector<16xf32>
          %swap3A_547 = arith.index_cast %add3A_531 : i32 to index
          %swap3A_548 = arith.constant 16 : index
          %swap3A_549 = tpu.vector_load %arg9[%swap3A_547, %swap3A_548] {strides = array<i32>} : memref<128x128xf32, #tpu.memory_space<vmem>>, vector<1x16xf32>,
          %swap3A_550 = vector.shape_cast %swap3A_549 : vector<1x16xf32> to vector<16xf32>
          %swap3A_551 = vector.shape_cast %mul3A_546 : vector<16xf32> to vector<1x16xf32>
          tpu.vector_store %arg9[%swap3A_547, %swap3A_548], %swap3A_551 {strides = array<i32>} : memref<128x128xf32, #tpu.memory_space<vmem>>, vector<1x16xf32>,
          %get3A_552 = arith.index_cast %add3A_531 : i32 to index
          %get3A_553 = arith.constant 32 : index
          %get3A_554 = tpu.vector_load %arg9[%get3A_552, %get3A_553] {strides = array<i32>} : memref<128x128xf32, #tpu.memory_space<vmem>>, vector<1x16xf32>,
          %get3A_555 = vector.shape_cast %get3A_554 : vector<1x16xf32> to vector<16xf32>
          %mul3A_556 = arith.mulf %get3A_555, %broadcast_in_dim3A_527 : vector<16xf32>
          %swap3A_557 = arith.index_cast %add3A_531 : i32 to index
          %swap3A_558 = arith.constant 32 : index
          %swap3A_559 = tpu.vector_load %arg9[%swap3A_557, %swap3A_558] {strides = array<i32>} : memref<128x128xf32, #tpu.memory_space<vmem>>, vector<1x16xf32>,
          %swap3A_560 = vector.shape_cast %swap3A_559 : vector<1x16xf32> to vector<16xf32>
          %swap3A_561 = vector.shape_cast %mul3A_556 : vector<16xf32> to vector<1x16xf32>
          tpu.vector_store %arg9[%swap3A_557, %swap3A_558], %swap3A_561 {strides = array<i32>} : memref<128x128xf32, #tpu.memory_space<vmem>>, vector<1x16xf32>,
          %get3A_562 = arith.index_cast %add3A_531 : i32 to index
          %get3A_563 = arith.constant 48 : index
          %get3A_564 = tpu.vector_load %arg9[%get3A_562, %get3A_563] {strides = array<i32>} : memref<128x128xf32, #tpu.memory_space<vmem>>, vector<1x16xf32>,
          %get3A_565 = vector.shape_cast %get3A_564 : vector<1x16xf32> to vector<16xf32>
          %mul3A_566 = arith.mulf %get3A_565, %broadcast_in_dim3A_527 : vector<16xf32>
          %swap3A_567 = arith.index_cast %add3A_531 : i32 to index
          %swap3A_568 = arith.constant 48 : index
          %swap3A_569 = tpu.vector_load %arg9[%swap3A_567, %swap3A_568] {strides = array<i32>} : memref<128x128xf32, #tpu.memory_space<vmem>>, vector<1x16xf32>,
          %swap3A_570 = vector.shape_cast %swap3A_569 : vector<1x16xf32> to vector<16xf32>
          %swap3A_571 = vector.shape_cast %mul3A_566 : vector<16xf32> to vector<1x16xf32>
          tpu.vector_store %arg9[%swap3A_567, %swap3A_568], %swap3A_571 {strides = array<i32>} : memref<128x128xf32, #tpu.memory_space<vmem>>, vector<1x16xf32>,
          %get3A_572 = arith.index_cast %add3A_531 : i32 to index
          %get3A_573 = arith.constant 64 : index
          %get3A_574 = tpu.vector_load %arg9[%get3A_572, %get3A_573] {strides = array<i32>} : memref<128x128xf32, #tpu.memory_space<vmem>>, vector<1x16xf32>,
          %get3A_575 = vector.shape_cast %get3A_574 : vector<1x16xf32> to vector<16xf32>
          %mul3A_576 = arith.mulf %get3A_575, %broadcast_in_dim3A_527 : vector<16xf32>
          %swap3A_577 = arith.index_cast %add3A_531 : i32 to index
          %swap3A_578 = arith.constant 64 : index
          %swap3A_579 = tpu.vector_load %arg9[%swap3A_577, %swap3A_578] {strides = array<i32>} : memref<128x128xf32, #tpu.memory_space<vmem>>, vector<1x16xf32>,
          %swap3A_580 = vector.shape_cast %swap3A_579 : vector<1x16xf32> to vector<16xf32>
          %swap3A_581 = vector.shape_cast %mul3A_576 : vector<16xf32> to vector<1x16xf32>
          tpu.vector_store %arg9[%swap3A_577, %swap3A_578], %swap3A_581 {strides = array<i32>} : memref<128x128xf32, #tpu.memory_space<vmem>>, vector<1x16xf32>,
          %get3A_582 = arith.index_cast %add3A_531 : i32 to index
          %get3A_583 = arith.constant 80 : index
          %get3A_584 = tpu.vector_load %arg9[%get3A_582, %get3A_583] {strides = array<i32>} : memref<128x128xf32, #tpu.memory_space<vmem>>, vector<1x16xf32>,
          %get3A_585 = vector.shape_cast %get3A_584 : vector<1x16xf32> to vector<16xf32>
          %mul3A_586 = arith.mulf %get3A_585, %broadcast_in_dim3A_527 : vector<16xf32>
          %swap3A_587 = arith.index_cast %add3A_531 : i32 to index
          %swap3A_588 = arith.constant 80 : index
          %swap3A_589 = tpu.vector_load %arg9[%swap3A_587, %swap3A_588] {strides = array<i32>} : memref<128x128xf32, #tpu.memory_space<vmem>>, vector<1x16xf32>,
          %swap3A_590 = vector.shape_cast %swap3A_589 : vector<1x16xf32> to vector<16xf32>
          %swap3A_591 = vector.shape_cast %mul3A_586 : vector<16xf32> to vector<1x16xf32>
          tpu.vector_store %arg9[%swap3A_587, %swap3A_588], %swap3A_591 {strides = array<i32>} : memref<128x128xf32, #tpu.memory_space<vmem>>, vector<1x16xf32>,
          %get3A_592 = arith.index_cast %add3A_531 : i32 to index
          %get3A_593 = arith.constant 96 : index
          %get3A_594 = tpu.vector_load %arg9[%get3A_592, %get3A_593] {strides = array<i32>} : memref<128x128xf32, #tpu.memory_space<vmem>>, vector<1x16xf32>,
          %get3A_595 = vector.shape_cast %get3A_594 : vector<1x16xf32> to vector<16xf32>
          %mul3A_596 = arith.mulf %get3A_595, %broadcast_in_dim3A_527 : vector<16xf32>
          %swap3A_597 = arith.index_cast %add3A_531 : i32 to index
          %swap3A_598 = arith.constant 96 : index
          %swap3A_599 = tpu.vector_load %arg9[%swap3A_597, %swap3A_598] {strides = array<i32>} : memref<128x128xf32, #tpu.memory_space<vmem>>, vector<1x16xf32>,
          %swap3A_600 = vector.shape_cast %swap3A_599 : vector<1x16xf32> to vector<16xf32>
          %swap3A_601 = vector.shape_cast %mul3A_596 : vector<16xf32> to vector<1x16xf32>
          tpu.vector_store %arg9[%swap3A_597, %swap3A_598], %swap3A_601 {strides = array<i32>} : memref<128x128xf32, #tpu.memory_space<vmem>>, vector<1x16xf32>,
          %get3A_602 = arith.index_cast %add3A_531 : i32 to index
          %get3A_603 = arith.constant 112 : index
          %get3A_604 = tpu.vector_load %arg9[%get3A_602, %get3A_603] {strides = array<i32>} : memref<128x128xf32, #tpu.memory_space<vmem>>, vector<1x16xf32>,
          %get3A_605 = vector.shape_cast %get3A_604 : vector<1x16xf32> to vector<16xf32>
          %mul3A_606 = arith.mulf %get3A_605, %broadcast_in_dim3A_527 : vector<16xf32>
          %swap3A_607 = arith.index_cast %add3A_531 : i32 to index
          %swap3A_608 = arith.constant 112 : index
          %swap3A_609 = tpu.vector_load %arg9[%swap3A_607, %swap3A_608] {strides = array<i32>} : memref<128x128xf32, #tpu.memory_space<vmem>>, vector<1x16xf32>,
          %swap3A_610 = vector.shape_cast %swap3A_609 : vector<1x16xf32> to vector<16xf32>
          %swap3A_611 = vector.shape_cast %mul3A_606 : vector<16xf32> to vector<1x16xf32>
          tpu.vector_store %arg9[%swap3A_607, %swap3A_608], %swap3A_611 {strides = array<i32>} : memref<128x128xf32, #tpu.memory_space<vmem>>, vector<1x16xf32>,
          %slice3A_612 = vector.extract_strided_slice %get3A_93 {offsets = [6], sizes = [1], strides = [1]} : vector<16xf32> to vector<1xf32>
          %squeeze3A_613 = vector.extract %slice3A_612[0] : f32 from vector<1xf32>
          %broadcast_in_dim3A_614 = vector.broadcast %squeeze3A_613 : f32 to vector<16xf32>
          %mul3A_615 = arith.constant 16 : i32
          %mul3A_616 = arith.muli %scan3A_89, %mul3A_615 : i32
          %add3A_617 = arith.constant 6 : i32
          %add3A_618 = arith.addi %mul3A_616, %add3A_617 : i32
          %get3A_619 = arith.index_cast %add3A_618 : i32 to index
          %get3A_620 = arith.constant 0 : index
          %get3A_621 = tpu.vector_load %arg9[%get3A_619, %get3A_620] {strides = array<i32>} : memref<128x128xf32, #tpu.memory_space<vmem>>, vector<1x16xf32>,
          %get3A_622 = vector.shape_cast %get3A_621 : vector<1x16xf32> to vector<16xf32>
          %mul3A_623 = arith.mulf %get3A_622, %broadcast_in_dim3A_614 : vector<16xf32>
          %swap3A_624 = arith.index_cast %add3A_618 : i32 to index
          %swap3A_625 = arith.constant 0 : index
          %swap3A_626 = tpu.vector_load %arg9[%swap3A_624, %swap3A_625] {strides = array<i32>} : memref<128x128xf32, #tpu.memory_space<vmem>>, vector<1x16xf32>,
          %swap3A_627 = vector.shape_cast %swap3A_626 : vector<1x16xf32> to vector<16xf32>
          %swap3A_628 = vector.shape_cast %mul3A_623 : vector<16xf32> to vector<1x16xf32>
          tpu.vector_store %arg9[%swap3A_624, %swap3A_625], %swap3A_628 {strides = array<i32>} : memref<128x128xf32, #tpu.memory_space<vmem>>, vector<1x16xf32>,
          %get3A_629 = arith.index_cast %add3A_618 : i32 to index
          %get3A_630 = arith.constant 16 : index
          %get3A_631 = tpu.vector_load %arg9[%get3A_629, %get3A_630] {strides = array<i32>} : memref<128x128xf32, #tpu.memory_space<vmem>>, vector<1x16xf32>,
          %get3A_632 = vector.shape_cast %get3A_631 : vector<1x16xf32> to vector<16xf32>
          %mul3A_633 = arith.mulf %get3A_632, %broadcast_in_dim3A_614 : vector<16xf32>
          %swap3A_634 = arith.index_cast %add3A_618 : i32 to index
          %swap3A_635 = arith.constant 16 : index
          %swap3A_636 = tpu.vector_load %arg9[%swap3A_634, %swap3A_635] {strides = array<i32>} : memref<128x128xf32, #tpu.memory_space<vmem>>, vector<1x16xf32>,
          %swap3A_637 = vector.shape_cast %swap3A_636 : vector<1x16xf32> to vector<16xf32>
          %swap3A_638 = vector.shape_cast %mul3A_633 : vector<16xf32> to vector<1x16xf32>
          tpu.vector_store %arg9[%swap3A_634, %swap3A_635], %swap3A_638 {strides = array<i32>} : memref<128x128xf32, #tpu.memory_space<vmem>>, vector<1x16xf32>,
          %get3A_639 = arith.index_cast %add3A_618 : i32 to index
          %get3A_640 = arith.constant 32 : index
          %get3A_641 = tpu.vector_load %arg9[%get3A_639, %get3A_640] {strides = array<i32>} : memref<128x128xf32, #tpu.memory_space<vmem>>, vector<1x16xf32>,
          %get3A_642 = vector.shape_cast %get3A_641 : vector<1x16xf32> to vector<16xf32>
          %mul3A_643 = arith.mulf %get3A_642, %broadcast_in_dim3A_614 : vector<16xf32>
          %swap3A_644 = arith.index_cast %add3A_618 : i32 to index
          %swap3A_645 = arith.constant 32 : index
          %swap3A_646 = tpu.vector_load %arg9[%swap3A_644, %swap3A_645] {strides = array<i32>} : memref<128x128xf32, #tpu.memory_space<vmem>>, vector<1x16xf32>,
          %swap3A_647 = vector.shape_cast %swap3A_646 : vector<1x16xf32> to vector<16xf32>
          %swap3A_648 = vector.shape_cast %mul3A_643 : vector<16xf32> to vector<1x16xf32>
          tpu.vector_store %arg9[%swap3A_644, %swap3A_645], %swap3A_648 {strides = array<i32>} : memref<128x128xf32, #tpu.memory_space<vmem>>, vector<1x16xf32>,
          %get3A_649 = arith.index_cast %add3A_618 : i32 to index
          %get3A_650 = arith.constant 48 : index
          %get3A_651 = tpu.vector_load %arg9[%get3A_649, %get3A_650] {strides = array<i32>} : memref<128x128xf32, #tpu.memory_space<vmem>>, vector<1x16xf32>,
          %get3A_652 = vector.shape_cast %get3A_651 : vector<1x16xf32> to vector<16xf32>
          %mul3A_653 = arith.mulf %get3A_652, %broadcast_in_dim3A_614 : vector<16xf32>
          %swap3A_654 = arith.index_cast %add3A_618 : i32 to index
          %swap3A_655 = arith.constant 48 : index
          %swap3A_656 = tpu.vector_load %arg9[%swap3A_654, %swap3A_655] {strides = array<i32>} : memref<128x128xf32, #tpu.memory_space<vmem>>, vector<1x16xf32>,
          %swap3A_657 = vector.shape_cast %swap3A_656 : vector<1x16xf32> to vector<16xf32>
          %swap3A_658 = vector.shape_cast %mul3A_653 : vector<16xf32> to vector<1x16xf32>
          tpu.vector_store %arg9[%swap3A_654, %swap3A_655], %swap3A_658 {strides = array<i32>} : memref<128x128xf32, #tpu.memory_space<vmem>>, vector<1x16xf32>,
          %get3A_659 = arith.index_cast %add3A_618 : i32 to index
          %get3A_660 = arith.constant 64 : index
          %get3A_661 = tpu.vector_load %arg9[%get3A_659, %get3A_660] {strides = array<i32>} : memref<128x128xf32, #tpu.memory_space<vmem>>, vector<1x16xf32>,
          %get3A_662 = vector.shape_cast %get3A_661 : vector<1x16xf32> to vector<16xf32>
          %mul3A_663 = arith.mulf %get3A_662, %broadcast_in_dim3A_614 : vector<16xf32>
          %swap3A_664 = arith.index_cast %add3A_618 : i32 to index
          %swap3A_665 = arith.constant 64 : index
          %swap3A_666 = tpu.vector_load %arg9[%swap3A_664, %swap3A_665] {strides = array<i32>} : memref<128x128xf32, #tpu.memory_space<vmem>>, vector<1x16xf32>,
          %swap3A_667 = vector.shape_cast %swap3A_666 : vector<1x16xf32> to vector<16xf32>
          %swap3A_668 = vector.shape_cast %mul3A_663 : vector<16xf32> to vector<1x16xf32>
          tpu.vector_store %arg9[%swap3A_664, %swap3A_665], %swap3A_668 {strides = array<i32>} : memref<128x128xf32, #tpu.memory_space<vmem>>, vector<1x16xf32>,
          %get3A_669 = arith.index_cast %add3A_618 : i32 to index
          %get3A_670 = arith.constant 80 : index
          %get3A_671 = tpu.vector_load %arg9[%get3A_669, %get3A_670] {strides = array<i32>} : memref<128x128xf32, #tpu.memory_space<vmem>>, vector<1x16xf32>,
          %get3A_672 = vector.shape_cast %get3A_671 : vector<1x16xf32> to vector<16xf32>
          %mul3A_673 = arith.mulf %get3A_672, %broadcast_in_dim3A_614 : vector<16xf32>
          %swap3A_674 = arith.index_cast %add3A_618 : i32 to index
          %swap3A_675 = arith.constant 80 : index
          %swap3A_676 = tpu.vector_load %arg9[%swap3A_674, %swap3A_675] {strides = array<i32>} : memref<128x128xf32, #tpu.memory_space<vmem>>, vector<1x16xf32>,
          %swap3A_677 = vector.shape_cast %swap3A_676 : vector<1x16xf32> to vector<16xf32>
          %swap3A_678 = vector.shape_cast %mul3A_673 : vector<16xf32> to vector<1x16xf32>
          tpu.vector_store %arg9[%swap3A_674, %swap3A_675], %swap3A_678 {strides = array<i32>} : memref<128x128xf32, #tpu.memory_space<vmem>>, vector<1x16xf32>,
          %get3A_679 = arith.index_cast %add3A_618 : i32 to index
          %get3A_680 = arith.constant 96 : index
          %get3A_681 = tpu.vector_load %arg9[%get3A_679, %get3A_680] {strides = array<i32>} : memref<128x128xf32, #tpu.memory_space<vmem>>, vector<1x16xf32>,
          %get3A_682 = vector.shape_cast %get3A_681 : vector<1x16xf32> to vector<16xf32>
          %mul3A_683 = arith.mulf %get3A_682, %broadcast_in_dim3A_614 : vector<16xf32>
          %swap3A_684 = arith.index_cast %add3A_618 : i32 to index
          %swap3A_685 = arith.constant 96 : index
          %swap3A_686 = tpu.vector_load %arg9[%swap3A_684, %swap3A_685] {strides = array<i32>} : memref<128x128xf32, #tpu.memory_space<vmem>>, vector<1x16xf32>,
          %swap3A_687 = vector.shape_cast %swap3A_686 : vector<1x16xf32> to vector<16xf32>
          %swap3A_688 = vector.shape_cast %mul3A_683 : vector<16xf32> to vector<1x16xf32>
          tpu.vector_store %arg9[%swap3A_684, %swap3A_685], %swap3A_688 {strides = array<i32>} : memref<128x128xf32, #tpu.memory_space<vmem>>, vector<1x16xf32>,
          %get3A_689 = arith.index_cast %add3A_618 : i32 to index
          %get3A_690 = arith.constant 112 : index
          %get3A_691 = tpu.vector_load %arg9[%get3A_689, %get3A_690] {strides = array<i32>} : memref<128x128xf32, #tpu.memory_space<vmem>>, vector<1x16xf32>,
          %get3A_692 = vector.shape_cast %get3A_691 : vector<1x16xf32> to vector<16xf32>
          %mul3A_693 = arith.mulf %get3A_692, %broadcast_in_dim3A_614 : vector<16xf32>
          %swap3A_694 = arith.index_cast %add3A_618 : i32 to index
          %swap3A_695 = arith.constant 112 : index
          %swap3A_696 = tpu.vector_load %arg9[%swap3A_694, %swap3A_695] {strides = array<i32>} : memref<128x128xf32, #tpu.memory_space<vmem>>, vector<1x16xf32>,
          %swap3A_697 = vector.shape_cast %swap3A_696 : vector<1x16xf32> to vector<16xf32>
          %swap3A_698 = vector.shape_cast %mul3A_693 : vector<16xf32> to vector<1x16xf32>
          tpu.vector_store %arg9[%swap3A_694, %swap3A_695], %swap3A_698 {strides = array<i32>} : memref<128x128xf32, #tpu.memory_space<vmem>>, vector<1x16xf32>,
          %slice3A_699 = vector.extract_strided_slice %get3A_93 {offsets = [7], sizes = [1], strides = [1]} : vector<16xf32> to vector<1xf32>
          %squeeze3A_700 = vector.extract %slice3A_699[0] : f32 from vector<1xf32>
          %broadcast_in_dim3A_701 = vector.broadcast %squeeze3A_700 : f32 to vector<16xf32>
          %mul3A_702 = arith.constant 16 : i32
          %mul3A_703 = arith.muli %scan3A_89, %mul3A_702 : i32
          %add3A_704 = arith.constant 7 : i32
          %add3A_705 = arith.addi %mul3A_703, %add3A_704 : i32
          %get3A_706 = arith.index_cast %add3A_705 : i32 to index
          %get3A_707 = arith.constant 0 : index
          %get3A_708 = tpu.vector_load %arg9[%get3A_706, %get3A_707] {strides = array<i32>} : memref<128x128xf32, #tpu.memory_space<vmem>>, vector<1x16xf32>,
          %get3A_709 = vector.shape_cast %get3A_708 : vector<1x16xf32> to vector<16xf32>
          %mul3A_710 = arith.mulf %get3A_709, %broadcast_in_dim3A_701 : vector<16xf32>
          %swap3A_711 = arith.index_cast %add3A_705 : i32 to index
          %swap3A_712 = arith.constant 0 : index
          %swap3A_713 = tpu.vector_load %arg9[%swap3A_711, %swap3A_712] {strides = array<i32>} : memref<128x128xf32, #tpu.memory_space<vmem>>, vector<1x16xf32>,
          %swap3A_714 = vector.shape_cast %swap3A_713 : vector<1x16xf32> to vector<16xf32>
          %swap3A_715 = vector.shape_cast %mul3A_710 : vector<16xf32> to vector<1x16xf32>
          tpu.vector_store %arg9[%swap3A_711, %swap3A_712], %swap3A_715 {strides = array<i32>} : memref<128x128xf32, #tpu.memory_space<vmem>>, vector<1x16xf32>,
          %get3A_716 = arith.index_cast %add3A_705 : i32 to index
          %get3A_717 = arith.constant 16 : index
          %get3A_718 = tpu.vector_load %arg9[%get3A_716, %get3A_717] {strides = array<i32>} : memref<128x128xf32, #tpu.memory_space<vmem>>, vector<1x16xf32>,
          %get3A_719 = vector.shape_cast %get3A_718 : vector<1x16xf32> to vector<16xf32>
          %mul3A_720 = arith.mulf %get3A_719, %broadcast_in_dim3A_701 : vector<16xf32>
          %swap3A_721 = arith.index_cast %add3A_705 : i32 to index
          %swap3A_722 = arith.constant 16 : index
          %swap3A_723 = tpu.vector_load %arg9[%swap3A_721, %swap3A_722] {strides = array<i32>} : memref<128x128xf32, #tpu.memory_space<vmem>>, vector<1x16xf32>,
          %swap3A_724 = vector.shape_cast %swap3A_723 : vector<1x16xf32> to vector<16xf32>
          %swap3A_725 = vector.shape_cast %mul3A_720 : vector<16xf32> to vector<1x16xf32>
          tpu.vector_store %arg9[%swap3A_721, %swap3A_722], %swap3A_725 {strides = array<i32>} : memref<128x128xf32, #tpu.memory_space<vmem>>, vector<1x16xf32>,
          %get3A_726 = arith.index_cast %add3A_705 : i32 to index
          %get3A_727 = arith.constant 32 : index
          %get3A_728 = tpu.vector_load %arg9[%get3A_726, %get3A_727] {strides = array<i32>} : memref<128x128xf32, #tpu.memory_space<vmem>>, vector<1x16xf32>,
          %get3A_729 = vector.shape_cast %get3A_728 : vector<1x16xf32> to vector<16xf32>
          %mul3A_730 = arith.mulf %get3A_729, %broadcast_in_dim3A_701 : vector<16xf32>
          %swap3A_731 = arith.index_cast %add3A_705 : i32 to index
          %swap3A_732 = arith.constant 32 : index
          %swap3A_733 = tpu.vector_load %arg9[%swap3A_731, %swap3A_732] {strides = array<i32>} : memref<128x128xf32, #tpu.memory_space<vmem>>, vector<1x16xf32>,
          %swap3A_734 = vector.shape_cast %swap3A_733 : vector<1x16xf32> to vector<16xf32>
          %swap3A_735 = vector.shape_cast %mul3A_730 : vector<16xf32> to vector<1x16xf32>
          tpu.vector_store %arg9[%swap3A_731, %swap3A_732], %swap3A_735 {strides = array<i32>} : memref<128x128xf32, #tpu.memory_space<vmem>>, vector<1x16xf32>,
          %get3A_736 = arith.index_cast %add3A_705 : i32 to index
          %get3A_737 = arith.constant 48 : index
          %get3A_738 = tpu.vector_load %arg9[%get3A_736, %get3A_737] {strides = array<i32>} : memref<128x128xf32, #tpu.memory_space<vmem>>, vector<1x16xf32>,
          %get3A_739 = vector.shape_cast %get3A_738 : vector<1x16xf32> to vector<16xf32>
          %mul3A_740 = arith.mulf %get3A_739, %broadcast_in_dim3A_701 : vector<16xf32>
          %swap3A_741 = arith.index_cast %add3A_705 : i32 to index
          %swap3A_742 = arith.constant 48 : index
          %swap3A_743 = tpu.vector_load %arg9[%swap3A_741, %swap3A_742] {strides = array<i32>} : memref<128x128xf32, #tpu.memory_space<vmem>>, vector<1x16xf32>,
          %swap3A_744 = vector.shape_cast %swap3A_743 : vector<1x16xf32> to vector<16xf32>
          %swap3A_745 = vector.shape_cast %mul3A_740 : vector<16xf32> to vector<1x16xf32>
          tpu.vector_store %arg9[%swap3A_741, %swap3A_742], %swap3A_745 {strides = array<i32>} : memref<128x128xf32, #tpu.memory_space<vmem>>, vector<1x16xf32>,
          %get3A_746 = arith.index_cast %add3A_705 : i32 to index
          %get3A_747 = arith.constant 64 : index
          %get3A_748 = tpu.vector_load %arg9[%get3A_746, %get3A_747] {strides = array<i32>} : memref<128x128xf32, #tpu.memory_space<vmem>>, vector<1x16xf32>,
          %get3A_749 = vector.shape_cast %get3A_748 : vector<1x16xf32> to vector<16xf32>
          %mul3A_750 = arith.mulf %get3A_749, %broadcast_in_dim3A_701 : vector<16xf32>
          %swap3A_751 = arith.index_cast %add3A_705 : i32 to index
          %swap3A_752 = arith.constant 64 : index
          %swap3A_753 = tpu.vector_load %arg9[%swap3A_751, %swap3A_752] {strides = array<i32>} : memref<128x128xf32, #tpu.memory_space<vmem>>, vector<1x16xf32>,
          %swap3A_754 = vector.shape_cast %swap3A_753 : vector<1x16xf32> to vector<16xf32>
          %swap3A_755 = vector.shape_cast %mul3A_750 : vector<16xf32> to vector<1x16xf32>
          tpu.vector_store %arg9[%swap3A_751, %swap3A_752], %swap3A_755 {strides = array<i32>} : memref<128x128xf32, #tpu.memory_space<vmem>>, vector<1x16xf32>,
          %get3A_756 = arith.index_cast %add3A_705 : i32 to index
          %get3A_757 = arith.constant 80 : index
          %get3A_758 = tpu.vector_load %arg9[%get3A_756, %get3A_757] {strides = array<i32>} : memref<128x128xf32, #tpu.memory_space<vmem>>, vector<1x16xf32>,
          %get3A_759 = vector.shape_cast %get3A_758 : vector<1x16xf32> to vector<16xf32>
          %mul3A_760 = arith.mulf %get3A_759, %broadcast_in_dim3A_701 : vector<16xf32>
          %swap3A_761 = arith.index_cast %add3A_705 : i32 to index
          %swap3A_762 = arith.constant 80 : index
          %swap3A_763 = tpu.vector_load %arg9[%swap3A_761, %swap3A_762] {strides = array<i32>} : memref<128x128xf32, #tpu.memory_space<vmem>>, vector<1x16xf32>,
          %swap3A_764 = vector.shape_cast %swap3A_763 : vector<1x16xf32> to vector<16xf32>
          %swap3A_765 = vector.shape_cast %mul3A_760 : vector<16xf32> to vector<1x16xf32>
          tpu.vector_store %arg9[%swap3A_761, %swap3A_762], %swap3A_765 {strides = array<i32>} : memref<128x128xf32, #tpu.memory_space<vmem>>, vector<1x16xf32>,
          %get3A_766 = arith.index_cast %add3A_705 : i32 to index
          %get3A_767 = arith.constant 96 : index
          %get3A_768 = tpu.vector_load %arg9[%get3A_766, %get3A_767] {strides = array<i32>} : memref<128x128xf32, #tpu.memory_space<vmem>>, vector<1x16xf32>,
          %get3A_769 = vector.shape_cast %get3A_768 : vector<1x16xf32> to vector<16xf32>
          %mul3A_770 = arith.mulf %get3A_769, %broadcast_in_dim3A_701 : vector<16xf32>
          %swap3A_771 = arith.index_cast %add3A_705 : i32 to index
          %swap3A_772 = arith.constant 96 : index
          %swap3A_773 = tpu.vector_load %arg9[%swap3A_771, %swap3A_772] {strides = array<i32>} : memref<128x128xf32, #tpu.memory_space<vmem>>, vector<1x16xf32>,
          %swap3A_774 = vector.shape_cast %swap3A_773 : vector<1x16xf32> to vector<16xf32>
          %swap3A_775 = vector.shape_cast %mul3A_770 : vector<16xf32> to vector<1x16xf32>
          tpu.vector_store %arg9[%swap3A_771, %swap3A_772], %swap3A_775 {strides = array<i32>} : memref<128x128xf32, #tpu.memory_space<vmem>>, vector<1x16xf32>,
          %get3A_776 = arith.index_cast %add3A_705 : i32 to index
          %get3A_777 = arith.constant 112 : index
          %get3A_778 = tpu.vector_load %arg9[%get3A_776, %get3A_777] {strides = array<i32>} : memref<128x128xf32, #tpu.memory_space<vmem>>, vector<1x16xf32>,
          %get3A_779 = vector.shape_cast %get3A_778 : vector<1x16xf32> to vector<16xf32>
          %mul3A_780 = arith.mulf %get3A_779, %broadcast_in_dim3A_701 : vector<16xf32>
          %swap3A_781 = arith.index_cast %add3A_705 : i32 to index
          %swap3A_782 = arith.constant 112 : index
          %swap3A_783 = tpu.vector_load %arg9[%swap3A_781, %swap3A_782] {strides = array<i32>} : memref<128x128xf32, #tpu.memory_space<vmem>>, vector<1x16xf32>,
          %swap3A_784 = vector.shape_cast %swap3A_783 : vector<1x16xf32> to vector<16xf32>
          %swap3A_785 = vector.shape_cast %mul3A_780 : vector<16xf32> to vector<1x16xf32>
          tpu.vector_store %arg9[%swap3A_781, %swap3A_782], %swap3A_785 {strides = array<i32>} : memref<128x128xf32, #tpu.memory_space<vmem>>, vector<1x16xf32>,
          %slice3A_786 = vector.extract_strided_slice %get3A_93 {offsets = [8], sizes = [1], strides = [1]} : vector<16xf32> to vector<1xf32>
          %squeeze3A_787 = vector.extract %slice3A_786[0] : f32 from vector<1xf32>
          %broadcast_in_dim3A_788 = vector.broadcast %squeeze3A_787 : f32 to vector<16xf32>
          %mul3A_789 = arith.constant 16 : i32
          %mul3A_790 = arith.muli %scan3A_89, %mul3A_789 : i32
          %add3A_791 = arith.constant 8 : i32
          %add3A_792 = arith.addi %mul3A_790, %add3A_791 : i32
          %get3A_793 = arith.index_cast %add3A_792 : i32 to index
          %get3A_794 = arith.constant 0 : index
          %get3A_795 = tpu.vector_load %arg9[%get3A_793, %get3A_794] {strides = array<i32>} : memref<128x128xf32, #tpu.memory_space<vmem>>, vector<1x16xf32>,
          %get3A_796 = vector.shape_cast %get3A_795 : vector<1x16xf32> to vector<16xf32>
          %mul3A_797 = arith.mulf %get3A_796, %broadcast_in_dim3A_788 : vector<16xf32>
          %swap3A_798 = arith.index_cast %add3A_792 : i32 to index
          %swap3A_799 = arith.constant 0 : index
          %swap3A_800 = tpu.vector_load %arg9[%swap3A_798, %swap3A_799] {strides = array<i32>} : memref<128x128xf32, #tpu.memory_space<vmem>>, vector<1x16xf32>,
          %swap3A_801 = vector.shape_cast %swap3A_800 : vector<1x16xf32> to vector<16xf32>
          %swap3A_802 = vector.shape_cast %mul3A_797 : vector<16xf32> to vector<1x16xf32>
          tpu.vector_store %arg9[%swap3A_798, %swap3A_799], %swap3A_802 {strides = array<i32>} : memref<128x128xf32, #tpu.memory_space<vmem>>, vector<1x16xf32>,
          %get3A_803 = arith.index_cast %add3A_792 : i32 to index
          %get3A_804 = arith.constant 16 : index
          %get3A_805 = tpu.vector_load %arg9[%get3A_803, %get3A_804] {strides = array<i32>} : memref<128x128xf32, #tpu.memory_space<vmem>>, vector<1x16xf32>,
          %get3A_806 = vector.shape_cast %get3A_805 : vector<1x16xf32> to vector<16xf32>
          %mul3A_807 = arith.mulf %get3A_806, %broadcast_in_dim3A_788 : vector<16xf32>
          %swap3A_808 = arith.index_cast %add3A_792 : i32 to index
          %swap3A_809 = arith.constant 16 : index
          %swap3A_810 = tpu.vector_load %arg9[%swap3A_808, %swap3A_809] {strides = array<i32>} : memref<128x128xf32, #tpu.memory_space<vmem>>, vector<1x16xf32>,
          %swap3A_811 = vector.shape_cast %swap3A_810 : vector<1x16xf32> to vector<16xf32>
          %swap3A_812 = vector.shape_cast %mul3A_807 : vector<16xf32> to vector<1x16xf32>
          tpu.vector_store %arg9[%swap3A_808, %swap3A_809], %swap3A_812 {strides = array<i32>} : memref<128x128xf32, #tpu.memory_space<vmem>>, vector<1x16xf32>,
          %get3A_813 = arith.index_cast %add3A_792 : i32 to index
          %get3A_814 = arith.constant 32 : index
          %get3A_815 = tpu.vector_load %arg9[%get3A_813, %get3A_814] {strides = array<i32>} : memref<128x128xf32, #tpu.memory_space<vmem>>, vector<1x16xf32>,
          %get3A_816 = vector.shape_cast %get3A_815 : vector<1x16xf32> to vector<16xf32>
          %mul3A_817 = arith.mulf %get3A_816, %broadcast_in_dim3A_788 : vector<16xf32>
          %swap3A_818 = arith.index_cast %add3A_792 : i32 to index
          %swap3A_819 = arith.constant 32 : index
          %swap3A_820 = tpu.vector_load %arg9[%swap3A_818, %swap3A_819] {strides = array<i32>} : memref<128x128xf32, #tpu.memory_space<vmem>>, vector<1x16xf32>,
          %swap3A_821 = vector.shape_cast %swap3A_820 : vector<1x16xf32> to vector<16xf32>
          %swap3A_822 = vector.shape_cast %mul3A_817 : vector<16xf32> to vector<1x16xf32>
          tpu.vector_store %arg9[%swap3A_818, %swap3A_819], %swap3A_822 {strides = array<i32>} : memref<128x128xf32, #tpu.memory_space<vmem>>, vector<1x16xf32>,
          %get3A_823 = arith.index_cast %add3A_792 : i32 to index
          %get3A_824 = arith.constant 48 : index
          %get3A_825 = tpu.vector_load %arg9[%get3A_823, %get3A_824] {strides = array<i32>} : memref<128x128xf32, #tpu.memory_space<vmem>>, vector<1x16xf32>,
          %get3A_826 = vector.shape_cast %get3A_825 : vector<1x16xf32> to vector<16xf32>
          %mul3A_827 = arith.mulf %get3A_826, %broadcast_in_dim3A_788 : vector<16xf32>
          %swap3A_828 = arith.index_cast %add3A_792 : i32 to index
          %swap3A_829 = arith.constant 48 : index
          %swap3A_830 = tpu.vector_load %arg9[%swap3A_828, %swap3A_829] {strides = array<i32>} : memref<128x128xf32, #tpu.memory_space<vmem>>, vector<1x16xf32>,
          %swap3A_831 = vector.shape_cast %swap3A_830 : vector<1x16xf32> to vector<16xf32>
          %swap3A_832 = vector.shape_cast %mul3A_827 : vector<16xf32> to vector<1x16xf32>
          tpu.vector_store %arg9[%swap3A_828, %swap3A_829], %swap3A_832 {strides = array<i32>} : memref<128x128xf32, #tpu.memory_space<vmem>>, vector<1x16xf32>,
          %get3A_833 = arith.index_cast %add3A_792 : i32 to index
          %get3A_834 = arith.constant 64 : index
          %get3A_835 = tpu.vector_load %arg9[%get3A_833, %get3A_834] {strides = array<i32>} : memref<128x128xf32, #tpu.memory_space<vmem>>, vector<1x16xf32>,
          %get3A_836 = vector.shape_cast %get3A_835 : vector<1x16xf32> to vector<16xf32>
          %mul3A_837 = arith.mulf %get3A_836, %broadcast_in_dim3A_788 : vector<16xf32>
          %swap3A_838 = arith.index_cast %add3A_792 : i32 to index
          %swap3A_839 = arith.constant 64 : index
          %swap3A_840 = tpu.vector_load %arg9[%swap3A_838, %swap3A_839] {strides = array<i32>} : memref<128x128xf32, #tpu.memory_space<vmem>>, vector<1x16xf32>,
          %swap3A_841 = vector.shape_cast %swap3A_840 : vector<1x16xf32> to vector<16xf32>
          %swap3A_842 = vector.shape_cast %mul3A_837 : vector<16xf32> to vector<1x16xf32>
          tpu.vector_store %arg9[%swap3A_838, %swap3A_839], %swap3A_842 {strides = array<i32>} : memref<128x128xf32, #tpu.memory_space<vmem>>, vector<1x16xf32>,
          %get3A_843 = arith.index_cast %add3A_792 : i32 to index
          %get3A_844 = arith.constant 80 : index
          %get3A_845 = tpu.vector_load %arg9[%get3A_843, %get3A_844] {strides = array<i32>} : memref<128x128xf32, #tpu.memory_space<vmem>>, vector<1x16xf32>,
          %get3A_846 = vector.shape_cast %get3A_845 : vector<1x16xf32> to vector<16xf32>
          %mul3A_847 = arith.mulf %get3A_846, %broadcast_in_dim3A_788 : vector<16xf32>
          %swap3A_848 = arith.index_cast %add3A_792 : i32 to index
          %swap3A_849 = arith.constant 80 : index
          %swap3A_850 = tpu.vector_load %arg9[%swap3A_848, %swap3A_849] {strides = array<i32>} : memref<128x128xf32, #tpu.memory_space<vmem>>, vector<1x16xf32>,
          %swap3A_851 = vector.shape_cast %swap3A_850 : vector<1x16xf32> to vector<16xf32>
          %swap3A_852 = vector.shape_cast %mul3A_847 : vector<16xf32> to vector<1x16xf32>
          tpu.vector_store %arg9[%swap3A_848, %swap3A_849], %swap3A_852 {strides = array<i32>} : memref<128x128xf32, #tpu.memory_space<vmem>>, vector<1x16xf32>,
          %get3A_853 = arith.index_cast %add3A_792 : i32 to index
          %get3A_854 = arith.constant 96 : index
          %get3A_855 = tpu.vector_load %arg9[%get3A_853, %get3A_854] {strides = array<i32>} : memref<128x128xf32, #tpu.memory_space<vmem>>, vector<1x16xf32>,
          %get3A_856 = vector.shape_cast %get3A_855 : vector<1x16xf32> to vector<16xf32>
          %mul3A_857 = arith.mulf %get3A_856, %broadcast_in_dim3A_788 : vector<16xf32>
          %swap3A_858 = arith.index_cast %add3A_792 : i32 to index
          %swap3A_859 = arith.constant 96 : index
          %swap3A_860 = tpu.vector_load %arg9[%swap3A_858, %swap3A_859] {strides = array<i32>} : memref<128x128xf32, #tpu.memory_space<vmem>>, vector<1x16xf32>,
          %swap3A_861 = vector.shape_cast %swap3A_860 : vector<1x16xf32> to vector<16xf32>
          %swap3A_862 = vector.shape_cast %mul3A_857 : vector<16xf32> to vector<1x16xf32>
          tpu.vector_store %arg9[%swap3A_858, %swap3A_859], %swap3A_862 {strides = array<i32>} : memref<128x128xf32, #tpu.memory_space<vmem>>, vector<1x16xf32>,
          %get3A_863 = arith.index_cast %add3A_792 : i32 to index
          %get3A_864 = arith.constant 112 : index
          %get3A_865 = tpu.vector_load %arg9[%get3A_863, %get3A_864] {strides = array<i32>} : memref<128x128xf32, #tpu.memory_space<vmem>>, vector<1x16xf32>,
          %get3A_866 = vector.shape_cast %get3A_865 : vector<1x16xf32> to vector<16xf32>
          %mul3A_867 = arith.mulf %get3A_866, %broadcast_in_dim3A_788 : vector<16xf32>
          %swap3A_868 = arith.index_cast %add3A_792 : i32 to index
          %swap3A_869 = arith.constant 112 : index
          %swap3A_870 = tpu.vector_load %arg9[%swap3A_868, %swap3A_869] {strides = array<i32>} : memref<128x128xf32, #tpu.memory_space<vmem>>, vector<1x16xf32>,
          %swap3A_871 = vector.shape_cast %swap3A_870 : vector<1x16xf32> to vector<16xf32>
          %swap3A_872 = vector.shape_cast %mul3A_867 : vector<16xf32> to vector<1x16xf32>
          tpu.vector_store %arg9[%swap3A_868, %swap3A_869], %swap3A_872 {strides = array<i32>} : memref<128x128xf32, #tpu.memory_space<vmem>>, vector<1x16xf32>,
          %slice3A_873 = vector.extract_strided_slice %get3A_93 {offsets = [9], sizes = [1], strides = [1]} : vector<16xf32> to vector<1xf32>
          %squeeze3A_874 = vector.extract %slice3A_873[0] : f32 from vector<1xf32>
          %broadcast_in_dim3A_875 = vector.broadcast %squeeze3A_874 : f32 to vector<16xf32>
          %mul3A_876 = arith.constant 16 : i32
          %mul3A_877 = arith.muli %scan3A_89, %mul3A_876 : i32
          %add3A_878 = arith.constant 9 : i32
          %add3A_879 = arith.addi %mul3A_877, %add3A_878 : i32
          %get3A_880 = arith.index_cast %add3A_879 : i32 to index
          %get3A_881 = arith.constant 0 : index
          %get3A_882 = tpu.vector_load %arg9[%get3A_880, %get3A_881] {strides = array<i32>} : memref<128x128xf32, #tpu.memory_space<vmem>>, vector<1x16xf32>,
          %get3A_883 = vector.shape_cast %get3A_882 : vector<1x16xf32> to vector<16xf32>
          %mul3A_884 = arith.mulf %get3A_883, %broadcast_in_dim3A_875 : vector<16xf32>
          %swap3A_885 = arith.index_cast %add3A_879 : i32 to index
          %swap3A_886 = arith.constant 0 : index
          %swap3A_887 = tpu.vector_load %arg9[%swap3A_885, %swap3A_886] {strides = array<i32>} : memref<128x128xf32, #tpu.memory_space<vmem>>, vector<1x16xf32>,
          %swap3A_888 = vector.shape_cast %swap3A_887 : vector<1x16xf32> to vector<16xf32>
          %swap3A_889 = vector.shape_cast %mul3A_884 : vector<16xf32> to vector<1x16xf32>
          tpu.vector_store %arg9[%swap3A_885, %swap3A_886], %swap3A_889 {strides = array<i32>} : memref<128x128xf32, #tpu.memory_space<vmem>>, vector<1x16xf32>,
          %get3A_890 = arith.index_cast %add3A_879 : i32 to index
          %get3A_891 = arith.constant 16 : index
          %get3A_892 = tpu.vector_load %arg9[%get3A_890, %get3A_891] {strides = array<i32>} : memref<128x128xf32, #tpu.memory_space<vmem>>, vector<1x16xf32>,
          %get3A_893 = vector.shape_cast %get3A_892 : vector<1x16xf32> to vector<16xf32>
          %mul3A_894 = arith.mulf %get3A_893, %broadcast_in_dim3A_875 : vector<16xf32>
          %swap3A_895 = arith.index_cast %add3A_879 : i32 to index
          %swap3A_896 = arith.constant 16 : index
          %swap3A_897 = tpu.vector_load %arg9[%swap3A_895, %swap3A_896] {strides = array<i32>} : memref<128x128xf32, #tpu.memory_space<vmem>>, vector<1x16xf32>,
          %swap3A_898 = vector.shape_cast %swap3A_897 : vector<1x16xf32> to vector<16xf32>
          %swap3A_899 = vector.shape_cast %mul3A_894 : vector<16xf32> to vector<1x16xf32>
          tpu.vector_store %arg9[%swap3A_895, %swap3A_896], %swap3A_899 {strides = array<i32>} : memref<128x128xf32, #tpu.memory_space<vmem>>, vector<1x16xf32>,
          %get3A_900 = arith.index_cast %add3A_879 : i32 to index
          %get3A_901 = arith.constant 32 : index
          %get3A_902 = tpu.vector_load %arg9[%get3A_900, %get3A_901] {strides = array<i32>} : memref<128x128xf32, #tpu.memory_space<vmem>>, vector<1x16xf32>,
          %get3A_903 = vector.shape_cast %get3A_902 : vector<1x16xf32> to vector<16xf32>
          %mul3A_904 = arith.mulf %get3A_903, %broadcast_in_dim3A_875 : vector<16xf32>
          %swap3A_905 = arith.index_cast %add3A_879 : i32 to index
          %swap3A_906 = arith.constant 32 : index
          %swap3A_907 = tpu.vector_load %arg9[%swap3A_905, %swap3A_906] {strides = array<i32>} : memref<128x128xf32, #tpu.memory_space<vmem>>, vector<1x16xf32>,
          %swap3A_908 = vector.shape_cast %swap3A_907 : vector<1x16xf32> to vector<16xf32>
          %swap3A_909 = vector.shape_cast %mul3A_904 : vector<16xf32> to vector<1x16xf32>
          tpu.vector_store %arg9[%swap3A_905, %swap3A_906], %swap3A_909 {strides = array<i32>} : memref<128x128xf32, #tpu.memory_space<vmem>>, vector<1x16xf32>,
          %get3A_910 = arith.index_cast %add3A_879 : i32 to index
          %get3A_911 = arith.constant 48 : index
          %get3A_912 = tpu.vector_load %arg9[%get3A_910, %get3A_911] {strides = array<i32>} : memref<128x128xf32, #tpu.memory_space<vmem>>, vector<1x16xf32>,
          %get3A_913 = vector.shape_cast %get3A_912 : vector<1x16xf32> to vector<16xf32>
          %mul3A_914 = arith.mulf %get3A_913, %broadcast_in_dim3A_875 : vector<16xf32>
          %swap3A_915 = arith.index_cast %add3A_879 : i32 to index
          %swap3A_916 = arith.constant 48 : index
          %swap3A_917 = tpu.vector_load %arg9[%swap3A_915, %swap3A_916] {strides = array<i32>} : memref<128x128xf32, #tpu.memory_space<vmem>>, vector<1x16xf32>,
          %swap3A_918 = vector.shape_cast %swap3A_917 : vector<1x16xf32> to vector<16xf32>
          %swap3A_919 = vector.shape_cast %mul3A_914 : vector<16xf32> to vector<1x16xf32>
          tpu.vector_store %arg9[%swap3A_915, %swap3A_916], %swap3A_919 {strides = array<i32>} : memref<128x128xf32, #tpu.memory_space<vmem>>, vector<1x16xf32>,
          %get3A_920 = arith.index_cast %add3A_879 : i32 to index
          %get3A_921 = arith.constant 64 : index
          %get3A_922 = tpu.vector_load %arg9[%get3A_920, %get3A_921] {strides = array<i32>} : memref<128x128xf32, #tpu.memory_space<vmem>>, vector<1x16xf32>,
          %get3A_923 = vector.shape_cast %get3A_922 : vector<1x16xf32> to vector<16xf32>
          %mul3A_924 = arith.mulf %get3A_923, %broadcast_in_dim3A_875 : vector<16xf32>
          %swap3A_925 = arith.index_cast %add3A_879 : i32 to index
          %swap3A_926 = arith.constant 64 : index
          %swap3A_927 = tpu.vector_load %arg9[%swap3A_925, %swap3A_926] {strides = array<i32>} : memref<128x128xf32, #tpu.memory_space<vmem>>, vector<1x16xf32>,
          %swap3A_928 = vector.shape_cast %swap3A_927 : vector<1x16xf32> to vector<16xf32>
          %swap3A_929 = vector.shape_cast %mul3A_924 : vector<16xf32> to vector<1x16xf32>
          tpu.vector_store %arg9[%swap3A_925, %swap3A_926], %swap3A_929 {strides = array<i32>} : memref<128x128xf32, #tpu.memory_space<vmem>>, vector<1x16xf32>,
          %get3A_930 = arith.index_cast %add3A_879 : i32 to index
          %get3A_931 = arith.constant 80 : index
          %get3A_932 = tpu.vector_load %arg9[%get3A_930, %get3A_931] {strides = array<i32>} : memref<128x128xf32, #tpu.memory_space<vmem>>, vector<1x16xf32>,
          %get3A_933 = vector.shape_cast %get3A_932 : vector<1x16xf32> to vector<16xf32>
          %mul3A_934 = arith.mulf %get3A_933, %broadcast_in_dim3A_875 : vector<16xf32>
          %swap3A_935 = arith.index_cast %add3A_879 : i32 to index
          %swap3A_936 = arith.constant 80 : index
          %swap3A_937 = tpu.vector_load %arg9[%swap3A_935, %swap3A_936] {strides = array<i32>} : memref<128x128xf32, #tpu.memory_space<vmem>>, vector<1x16xf32>,
          %swap3A_938 = vector.shape_cast %swap3A_937 : vector<1x16xf32> to vector<16xf32>
          %swap3A_939 = vector.shape_cast %mul3A_934 : vector<16xf32> to vector<1x16xf32>
          tpu.vector_store %arg9[%swap3A_935, %swap3A_936], %swap3A_939 {strides = array<i32>} : memref<128x128xf32, #tpu.memory_space<vmem>>, vector<1x16xf32>,
          %get3A_940 = arith.index_cast %add3A_879 : i32 to index
          %get3A_941 = arith.constant 96 : index
          %get3A_942 = tpu.vector_load %arg9[%get3A_940, %get3A_941] {strides = array<i32>} : memref<128x128xf32, #tpu.memory_space<vmem>>, vector<1x16xf32>,
          %get3A_943 = vector.shape_cast %get3A_942 : vector<1x16xf32> to vector<16xf32>
          %mul3A_944 = arith.mulf %get3A_943, %broadcast_in_dim3A_875 : vector<16xf32>
          %swap3A_945 = arith.index_cast %add3A_879 : i32 to index
          %swap3A_946 = arith.constant 96 : index
          %swap3A_947 = tpu.vector_load %arg9[%swap3A_945, %swap3A_946] {strides = array<i32>} : memref<128x128xf32, #tpu.memory_space<vmem>>, vector<1x16xf32>,
          %swap3A_948 = vector.shape_cast %swap3A_947 : vector<1x16xf32> to vector<16xf32>
          %swap3A_949 = vector.shape_cast %mul3A_944 : vector<16xf32> to vector<1x16xf32>
          tpu.vector_store %arg9[%swap3A_945, %swap3A_946], %swap3A_949 {strides = array<i32>} : memref<128x128xf32, #tpu.memory_space<vmem>>, vector<1x16xf32>,
          %get3A_950 = arith.index_cast %add3A_879 : i32 to index
          %get3A_951 = arith.constant 112 : index
          %get3A_952 = tpu.vector_load %arg9[%get3A_950, %get3A_951] {strides = array<i32>} : memref<128x128xf32, #tpu.memory_space<vmem>>, vector<1x16xf32>,
          %get3A_953 = vector.shape_cast %get3A_952 : vector<1x16xf32> to vector<16xf32>
          %mul3A_954 = arith.mulf %get3A_953, %broadcast_in_dim3A_875 : vector<16xf32>
          %swap3A_955 = arith.index_cast %add3A_879 : i32 to index
          %swap3A_956 = arith.constant 112 : index
          %swap3A_957 = tpu.vector_load %arg9[%swap3A_955, %swap3A_956] {strides = array<i32>} : memref<128x128xf32, #tpu.memory_space<vmem>>, vector<1x16xf32>,
          %swap3A_958 = vector.shape_cast %swap3A_957 : vector<1x16xf32> to vector<16xf32>
          %swap3A_959 = vector.shape_cast %mul3A_954 : vector<16xf32> to vector<1x16xf32>
          tpu.vector_store %arg9[%swap3A_955, %swap3A_956], %swap3A_959 {strides = array<i32>} : memref<128x128xf32, #tpu.memory_space<vmem>>, vector<1x16xf32>,
          %slice3A_960 = vector.extract_strided_slice %get3A_93 {offsets = [10], sizes = [1], strides = [1]} : vector<16xf32> to vector<1xf32>
          %squeeze3A_961 = vector.extract %slice3A_960[0] : f32 from vector<1xf32>
          %broadcast_in_dim3A_962 = vector.broadcast %squeeze3A_961 : f32 to vector<16xf32>
          %mul3A_963 = arith.constant 16 : i32
          %mul3A_964 = arith.muli %scan3A_89, %mul3A_963 : i32
          %add3A_965 = arith.constant 10 : i32
          %add3A_966 = arith.addi %mul3A_964, %add3A_965 : i32
          %get3A_967 = arith.index_cast %add3A_966 : i32 to index
          %get3A_968 = arith.constant 0 : index
          %get3A_969 = tpu.vector_load %arg9[%get3A_967, %get3A_968] {strides = array<i32>} : memref<128x128xf32, #tpu.memory_space<vmem>>, vector<1x16xf32>,
          %get3A_970 = vector.shape_cast %get3A_969 : vector<1x16xf32> to vector<16xf32>
          %mul3A_971 = arith.mulf %get3A_970, %broadcast_in_dim3A_962 : vector<16xf32>
          %swap3A_972 = arith.index_cast %add3A_966 : i32 to index
          %swap3A_973 = arith.constant 0 : index
          %swap3A_974 = tpu.vector_load %arg9[%swap3A_972, %swap3A_973] {strides = array<i32>} : memref<128x128xf32, #tpu.memory_space<vmem>>, vector<1x16xf32>,
          %swap3A_975 = vector.shape_cast %swap3A_974 : vector<1x16xf32> to vector<16xf32>
          %swap3A_976 = vector.shape_cast %mul3A_971 : vector<16xf32> to vector<1x16xf32>
          tpu.vector_store %arg9[%swap3A_972, %swap3A_973], %swap3A_976 {strides = array<i32>} : memref<128x128xf32, #tpu.memory_space<vmem>>, vector<1x16xf32>,
          %get3A_977 = arith.index_cast %add3A_966 : i32 to index
          %get3A_978 = arith.constant 16 : index
          %get3A_979 = tpu.vector_load %arg9[%get3A_977, %get3A_978] {strides = array<i32>} : memref<128x128xf32, #tpu.memory_space<vmem>>, vector<1x16xf32>,
          %get3A_980 = vector.shape_cast %get3A_979 : vector<1x16xf32> to vector<16xf32>
          %mul3A_981 = arith.mulf %get3A_980, %broadcast_in_dim3A_962 : vector<16xf32>
          %swap3A_982 = arith.index_cast %add3A_966 : i32 to index
          %swap3A_983 = arith.constant 16 : index
          %swap3A_984 = tpu.vector_load %arg9[%swap3A_982, %swap3A_983] {strides = array<i32>} : memref<128x128xf32, #tpu.memory_space<vmem>>, vector<1x16xf32>,
          %swap3A_985 = vector.shape_cast %swap3A_984 : vector<1x16xf32> to vector<16xf32>
          %swap3A_986 = vector.shape_cast %mul3A_981 : vector<16xf32> to vector<1x16xf32>
          tpu.vector_store %arg9[%swap3A_982, %swap3A_983], %swap3A_986 {strides = array<i32>} : memref<128x128xf32, #tpu.memory_space<vmem>>, vector<1x16xf32>,
          %get3A_987 = arith.index_cast %add3A_966 : i32 to index
          %get3A_988 = arith.constant 32 : index
          %get3A_989 = tpu.vector_load %arg9[%get3A_987, %get3A_988] {strides = array<i32>} : memref<128x128xf32, #tpu.memory_space<vmem>>, vector<1x16xf32>,
          %get3A_990 = vector.shape_cast %get3A_989 : vector<1x16xf32> to vector<16xf32>
          %mul3A_991 = arith.mulf %get3A_990, %broadcast_in_dim3A_962 : vector<16xf32>
          %swap3A_992 = arith.index_cast %add3A_966 : i32 to index
          %swap3A_993 = arith.constant 32 : index
          %swap3A_994 = tpu.vector_load %arg9[%swap3A_992, %swap3A_993] {strides = array<i32>} : memref<128x128xf32, #tpu.memory_space<vmem>>, vector<1x16xf32>,
          %swap3A_995 = vector.shape_cast %swap3A_994 : vector<1x16xf32> to vector<16xf32>
          %swap3A_996 = vector.shape_cast %mul3A_991 : vector<16xf32> to vector<1x16xf32>
          tpu.vector_store %arg9[%swap3A_992, %swap3A_993], %swap3A_996 {strides = array<i32>} : memref<128x128xf32, #tpu.memory_space<vmem>>, vector<1x16xf32>,
          %get3A_997 = arith.index_cast %add3A_966 : i32 to index
          %get3A_998 = arith.constant 48 : index
          %get3A_999 = tpu.vector_load %arg9[%get3A_997, %get3A_998] {strides = array<i32>} : memref<128x128xf32, #tpu.memory_space<vmem>>, vector<1x16xf32>,
          %get3A_1000 = vector.shape_cast %get3A_999 : vector<1x16xf32> to vector<16xf32>
          %mul3A_1001 = arith.mulf %get3A_1000, %broadcast_in_dim3A_962 : vector<16xf32>
          %swap3A_1002 = arith.index_cast %add3A_966 : i32 to index
          %swap3A_1003 = arith.constant 48 : index
          %swap3A_1004 = tpu.vector_load %arg9[%swap3A_1002, %swap3A_1003] {strides = array<i32>} : memref<128x128xf32, #tpu.memory_space<vmem>>, vector<1x16xf32>,
          %swap3A_1005 = vector.shape_cast %swap3A_1004 : vector<1x16xf32> to vector<16xf32>
          %swap3A_1006 = vector.shape_cast %mul3A_1001 : vector<16xf32> to vector<1x16xf32>
          tpu.vector_store %arg9[%swap3A_1002, %swap3A_1003], %swap3A_1006 {strides = array<i32>} : memref<128x128xf32, #tpu.memory_space<vmem>>, vector<1x16xf32>,
          %get3A_1007 = arith.index_cast %add3A_966 : i32 to index
          %get3A_1008 = arith.constant 64 : index
          %get3A_1009 = tpu.vector_load %arg9[%get3A_1007, %get3A_1008] {strides = array<i32>} : memref<128x128xf32, #tpu.memory_space<vmem>>, vector<1x16xf32>,
          %get3A_1010 = vector.shape_cast %get3A_1009 : vector<1x16xf32> to vector<16xf32>
          %mul3A_1011 = arith.mulf %get3A_1010, %broadcast_in_dim3A_962 : vector<16xf32>
          %swap3A_1012 = arith.index_cast %add3A_966 : i32 to index
          %swap3A_1013 = arith.constant 64 : index
          %swap3A_1014 = tpu.vector_load %arg9[%swap3A_1012, %swap3A_1013] {strides = array<i32>} : memref<128x128xf32, #tpu.memory_space<vmem>>, vector<1x16xf32>,
          %swap3A_1015 = vector.shape_cast %swap3A_1014 : vector<1x16xf32> to vector<16xf32>
          %swap3A_1016 = vector.shape_cast %mul3A_1011 : vector<16xf32> to vector<1x16xf32>
          tpu.vector_store %arg9[%swap3A_1012, %swap3A_1013], %swap3A_1016 {strides = array<i32>} : memref<128x128xf32, #tpu.memory_space<vmem>>, vector<1x16xf32>,
          %get3A_1017 = arith.index_cast %add3A_966 : i32 to index
          %get3A_1018 = arith.constant 80 : index
          %get3A_1019 = tpu.vector_load %arg9[%get3A_1017, %get3A_1018] {strides = array<i32>} : memref<128x128xf32, #tpu.memory_space<vmem>>, vector<1x16xf32>,
          %get3A_1020 = vector.shape_cast %get3A_1019 : vector<1x16xf32> to vector<16xf32>
          %mul3A_1021 = arith.mulf %get3A_1020, %broadcast_in_dim3A_962 : vector<16xf32>
          %swap3A_1022 = arith.index_cast %add3A_966 : i32 to index
          %swap3A_1023 = arith.constant 80 : index
          %swap3A_1024 = tpu.vector_load %arg9[%swap3A_1022, %swap3A_1023] {strides = array<i32>} : memref<128x128xf32, #tpu.memory_space<vmem>>, vector<1x16xf32>,
          %swap3A_1025 = vector.shape_cast %swap3A_1024 : vector<1x16xf32> to vector<16xf32>
          %swap3A_1026 = vector.shape_cast %mul3A_1021 : vector<16xf32> to vector<1x16xf32>
          tpu.vector_store %arg9[%swap3A_1022, %swap3A_1023], %swap3A_1026 {strides = array<i32>} : memref<128x128xf32, #tpu.memory_space<vmem>>, vector<1x16xf32>,
          %get3A_1027 = arith.index_cast %add3A_966 : i32 to index
          %get3A_1028 = arith.constant 96 : index
          %get3A_1029 = tpu.vector_load %arg9[%get3A_1027, %get3A_1028] {strides = array<i32>} : memref<128x128xf32, #tpu.memory_space<vmem>>, vector<1x16xf32>,
          %get3A_1030 = vector.shape_cast %get3A_1029 : vector<1x16xf32> to vector<16xf32>
          %mul3A_1031 = arith.mulf %get3A_1030, %broadcast_in_dim3A_962 : vector<16xf32>
          %swap3A_1032 = arith.index_cast %add3A_966 : i32 to index
          %swap3A_1033 = arith.constant 96 : index
          %swap3A_1034 = tpu.vector_load %arg9[%swap3A_1032, %swap3A_1033] {strides = array<i32>} : memref<128x128xf32, #tpu.memory_space<vmem>>, vector<1x16xf32>,
          %swap3A_1035 = vector.shape_cast %swap3A_1034 : vector<1x16xf32> to vector<16xf32>
          %swap3A_1036 = vector.shape_cast %mul3A_1031 : vector<16xf32> to vector<1x16xf32>
          tpu.vector_store %arg9[%swap3A_1032, %swap3A_1033], %swap3A_1036 {strides = array<i32>} : memref<128x128xf32, #tpu.memory_space<vmem>>, vector<1x16xf32>,
          %get3A_1037 = arith.index_cast %add3A_966 : i32 to index
          %get3A_1038 = arith.constant 112 : index
          %get3A_1039 = tpu.vector_load %arg9[%get3A_1037, %get3A_1038] {strides = array<i32>} : memref<128x128xf32, #tpu.memory_space<vmem>>, vector<1x16xf32>,
          %get3A_1040 = vector.shape_cast %get3A_1039 : vector<1x16xf32> to vector<16xf32>
          %mul3A_1041 = arith.mulf %get3A_1040, %broadcast_in_dim3A_962 : vector<16xf32>
          %swap3A_1042 = arith.index_cast %add3A_966 : i32 to index
          %swap3A_1043 = arith.constant 112 : index
          %swap3A_1044 = tpu.vector_load %arg9[%swap3A_1042, %swap3A_1043] {strides = array<i32>} : memref<128x128xf32, #tpu.memory_space<vmem>>, vector<1x16xf32>,
          %swap3A_1045 = vector.shape_cast %swap3A_1044 : vector<1x16xf32> to vector<16xf32>
          %swap3A_1046 = vector.shape_cast %mul3A_1041 : vector<16xf32> to vector<1x16xf32>
          tpu.vector_store %arg9[%swap3A_1042, %swap3A_1043], %swap3A_1046 {strides = array<i32>} : memref<128x128xf32, #tpu.memory_space<vmem>>, vector<1x16xf32>,
          %slice3A_1047 = vector.extract_strided_slice %get3A_93 {offsets = [11], sizes = [1], strides = [1]} : vector<16xf32> to vector<1xf32>
          %squeeze3A_1048 = vector.extract %slice3A_1047[0] : f32 from vector<1xf32>
          %broadcast_in_dim3A_1049 = vector.broadcast %squeeze3A_1048 : f32 to vector<16xf32>
          %mul3A_1050 = arith.constant 16 : i32
          %mul3A_1051 = arith.muli %scan3A_89, %mul3A_1050 : i32
          %add3A_1052 = arith.constant 11 : i32
          %add3A_1053 = arith.addi %mul3A_1051, %add3A_1052 : i32
          %get3A_1054 = arith.index_cast %add3A_1053 : i32 to index
          %get3A_1055 = arith.constant 0 : index
          %get3A_1056 = tpu.vector_load %arg9[%get3A_1054, %get3A_1055] {strides = array<i32>} : memref<128x128xf32, #tpu.memory_space<vmem>>, vector<1x16xf32>,
          %get3A_1057 = vector.shape_cast %get3A_1056 : vector<1x16xf32> to vector<16xf32>
          %mul3A_1058 = arith.mulf %get3A_1057, %broadcast_in_dim3A_1049 : vector<16xf32>
          %swap3A_1059 = arith.index_cast %add3A_1053 : i32 to index
          %swap3A_1060 = arith.constant 0 : index
          %swap3A_1061 = tpu.vector_load %arg9[%swap3A_1059, %swap3A_1060] {strides = array<i32>} : memref<128x128xf32, #tpu.memory_space<vmem>>, vector<1x16xf32>,
          %swap3A_1062 = vector.shape_cast %swap3A_1061 : vector<1x16xf32> to vector<16xf32>
          %swap3A_1063 = vector.shape_cast %mul3A_1058 : vector<16xf32> to vector<1x16xf32>
          tpu.vector_store %arg9[%swap3A_1059, %swap3A_1060], %swap3A_1063 {strides = array<i32>} : memref<128x128xf32, #tpu.memory_space<vmem>>, vector<1x16xf32>,
          %get3A_1064 = arith.index_cast %add3A_1053 : i32 to index
          %get3A_1065 = arith.constant 16 : index
          %get3A_1066 = tpu.vector_load %arg9[%get3A_1064, %get3A_1065] {strides = array<i32>} : memref<128x128xf32, #tpu.memory_space<vmem>>, vector<1x16xf32>,
          %get3A_1067 = vector.shape_cast %get3A_1066 : vector<1x16xf32> to vector<16xf32>
          %mul3A_1068 = arith.mulf %get3A_1067, %broadcast_in_dim3A_1049 : vector<16xf32>
          %swap3A_1069 = arith.index_cast %add3A_1053 : i32 to index
          %swap3A_1070 = arith.constant 16 : index
          %swap3A_1071 = tpu.vector_load %arg9[%swap3A_1069, %swap3A_1070] {strides = array<i32>} : memref<128x128xf32, #tpu.memory_space<vmem>>, vector<1x16xf32>,
          %swap3A_1072 = vector.shape_cast %swap3A_1071 : vector<1x16xf32> to vector<16xf32>
          %swap3A_1073 = vector.shape_cast %mul3A_1068 : vector<16xf32> to vector<1x16xf32>
          tpu.vector_store %arg9[%swap3A_1069, %swap3A_1070], %swap3A_1073 {strides = array<i32>} : memref<128x128xf32, #tpu.memory_space<vmem>>, vector<1x16xf32>,
          %get3A_1074 = arith.index_cast %add3A_1053 : i32 to index
          %get3A_1075 = arith.constant 32 : index
          %get3A_1076 = tpu.vector_load %arg9[%get3A_1074, %get3A_1075] {strides = array<i32>} : memref<128x128xf32, #tpu.memory_space<vmem>>, vector<1x16xf32>,
          %get3A_1077 = vector.shape_cast %get3A_1076 : vector<1x16xf32> to vector<16xf32>
          %mul3A_1078 = arith.mulf %get3A_1077, %broadcast_in_dim3A_1049 : vector<16xf32>
          %swap3A_1079 = arith.index_cast %add3A_1053 : i32 to index
          %swap3A_1080 = arith.constant 32 : index
          %swap3A_1081 = tpu.vector_load %arg9[%swap3A_1079, %swap3A_1080] {strides = array<i32>} : memref<128x128xf32, #tpu.memory_space<vmem>>, vector<1x16xf32>,
          %swap3A_1082 = vector.shape_cast %swap3A_1081 : vector<1x16xf32> to vector<16xf32>
          %swap3A_1083 = vector.shape_cast %mul3A_1078 : vector<16xf32> to vector<1x16xf32>
          tpu.vector_store %arg9[%swap3A_1079, %swap3A_1080], %swap3A_1083 {strides = array<i32>} : memref<128x128xf32, #tpu.memory_space<vmem>>, vector<1x16xf32>,
          %get3A_1084 = arith.index_cast %add3A_1053 : i32 to index
          %get3A_1085 = arith.constant 48 : index
          %get3A_1086 = tpu.vector_load %arg9[%get3A_1084, %get3A_1085] {strides = array<i32>} : memref<128x128xf32, #tpu.memory_space<vmem>>, vector<1x16xf32>,
          %get3A_1087 = vector.shape_cast %get3A_1086 : vector<1x16xf32> to vector<16xf32>
          %mul3A_1088 = arith.mulf %get3A_1087, %broadcast_in_dim3A_1049 : vector<16xf32>
          %swap3A_1089 = arith.index_cast %add3A_1053 : i32 to index
          %swap3A_1090 = arith.constant 48 : index
          %swap3A_1091 = tpu.vector_load %arg9[%swap3A_1089, %swap3A_1090] {strides = array<i32>} : memref<128x128xf32, #tpu.memory_space<vmem>>, vector<1x16xf32>,
          %swap3A_1092 = vector.shape_cast %swap3A_1091 : vector<1x16xf32> to vector<16xf32>
          %swap3A_1093 = vector.shape_cast %mul3A_1088 : vector<16xf32> to vector<1x16xf32>
          tpu.vector_store %arg9[%swap3A_1089, %swap3A_1090], %swap3A_1093 {strides = array<i32>} : memref<128x128xf32, #tpu.memory_space<vmem>>, vector<1x16xf32>,
          %get3A_1094 = arith.index_cast %add3A_1053 : i32 to index
          %get3A_1095 = arith.constant 64 : index
          %get3A_1096 = tpu.vector_load %arg9[%get3A_1094, %get3A_1095] {strides = array<i32>} : memref<128x128xf32, #tpu.memory_space<vmem>>, vector<1x16xf32>,
          %get3A_1097 = vector.shape_cast %get3A_1096 : vector<1x16xf32> to vector<16xf32>
          %mul3A_1098 = arith.mulf %get3A_1097, %broadcast_in_dim3A_1049 : vector<16xf32>
          %swap3A_1099 = arith.index_cast %add3A_1053 : i32 to index
          %swap3A_1100 = arith.constant 64 : index
          %swap3A_1101 = tpu.vector_load %arg9[%swap3A_1099, %swap3A_1100] {strides = array<i32>} : memref<128x128xf32, #tpu.memory_space<vmem>>, vector<1x16xf32>,
          %swap3A_1102 = vector.shape_cast %swap3A_1101 : vector<1x16xf32> to vector<16xf32>
          %swap3A_1103 = vector.shape_cast %mul3A_1098 : vector<16xf32> to vector<1x16xf32>
          tpu.vector_store %arg9[%swap3A_1099, %swap3A_1100], %swap3A_1103 {strides = array<i32>} : memref<128x128xf32, #tpu.memory_space<vmem>>, vector<1x16xf32>,
          %get3A_1104 = arith.index_cast %add3A_1053 : i32 to index
          %get3A_1105 = arith.constant 80 : index
          %get3A_1106 = tpu.vector_load %arg9[%get3A_1104, %get3A_1105] {strides = array<i32>} : memref<128x128xf32, #tpu.memory_space<vmem>>, vector<1x16xf32>,
          %get3A_1107 = vector.shape_cast %get3A_1106 : vector<1x16xf32> to vector<16xf32>
          %mul3A_1108 = arith.mulf %get3A_1107, %broadcast_in_dim3A_1049 : vector<16xf32>
          %swap3A_1109 = arith.index_cast %add3A_1053 : i32 to index
          %swap3A_1110 = arith.constant 80 : index
          %swap3A_1111 = tpu.vector_load %arg9[%swap3A_1109, %swap3A_1110] {strides = array<i32>} : memref<128x128xf32, #tpu.memory_space<vmem>>, vector<1x16xf32>,
          %swap3A_1112 = vector.shape_cast %swap3A_1111 : vector<1x16xf32> to vector<16xf32>
          %swap3A_1113 = vector.shape_cast %mul3A_1108 : vector<16xf32> to vector<1x16xf32>
          tpu.vector_store %arg9[%swap3A_1109, %swap3A_1110], %swap3A_1113 {strides = array<i32>} : memref<128x128xf32, #tpu.memory_space<vmem>>, vector<1x16xf32>,
          %get3A_1114 = arith.index_cast %add3A_1053 : i32 to index
          %get3A_1115 = arith.constant 96 : index
          %get3A_1116 = tpu.vector_load %arg9[%get3A_1114, %get3A_1115] {strides = array<i32>} : memref<128x128xf32, #tpu.memory_space<vmem>>, vector<1x16xf32>,
          %get3A_1117 = vector.shape_cast %get3A_1116 : vector<1x16xf32> to vector<16xf32>
          %mul3A_1118 = arith.mulf %get3A_1117, %broadcast_in_dim3A_1049 : vector<16xf32>
          %swap3A_1119 = arith.index_cast %add3A_1053 : i32 to index
          %swap3A_1120 = arith.constant 96 : index
          %swap3A_1121 = tpu.vector_load %arg9[%swap3A_1119, %swap3A_1120] {strides = array<i32>} : memref<128x128xf32, #tpu.memory_space<vmem>>, vector<1x16xf32>,
          %swap3A_1122 = vector.shape_cast %swap3A_1121 : vector<1x16xf32> to vector<16xf32>
          %swap3A_1123 = vector.shape_cast %mul3A_1118 : vector<16xf32> to vector<1x16xf32>
          tpu.vector_store %arg9[%swap3A_1119, %swap3A_1120], %swap3A_1123 {strides = array<i32>} : memref<128x128xf32, #tpu.memory_space<vmem>>, vector<1x16xf32>,
          %get3A_1124 = arith.index_cast %add3A_1053 : i32 to index
          %get3A_1125 = arith.constant 112 : index
          %get3A_1126 = tpu.vector_load %arg9[%get3A_1124, %get3A_1125] {strides = array<i32>} : memref<128x128xf32, #tpu.memory_space<vmem>>, vector<1x16xf32>,
          %get3A_1127 = vector.shape_cast %get3A_1126 : vector<1x16xf32> to vector<16xf32>
          %mul3A_1128 = arith.mulf %get3A_1127, %broadcast_in_dim3A_1049 : vector<16xf32>
          %swap3A_1129 = arith.index_cast %add3A_1053 : i32 to index
          %swap3A_1130 = arith.constant 112 : index
          %swap3A_1131 = tpu.vector_load %arg9[%swap3A_1129, %swap3A_1130] {strides = array<i32>} : memref<128x128xf32, #tpu.memory_space<vmem>>, vector<1x16xf32>,
          %swap3A_1132 = vector.shape_cast %swap3A_1131 : vector<1x16xf32> to vector<16xf32>
          %swap3A_1133 = vector.shape_cast %mul3A_1128 : vector<16xf32> to vector<1x16xf32>
          tpu.vector_store %arg9[%swap3A_1129, %swap3A_1130], %swap3A_1133 {strides = array<i32>} : memref<128x128xf32, #tpu.memory_space<vmem>>, vector<1x16xf32>,
          %slice3A_1134 = vector.extract_strided_slice %get3A_93 {offsets = [12], sizes = [1], strides = [1]} : vector<16xf32> to vector<1xf32>
          %squeeze3A_1135 = vector.extract %slice3A_1134[0] : f32 from vector<1xf32>
          %broadcast_in_dim3A_1136 = vector.broadcast %squeeze3A_1135 : f32 to vector<16xf32>
          %mul3A_1137 = arith.constant 16 : i32
          %mul3A_1138 = arith.muli %scan3A_89, %mul3A_1137 : i32
          %add3A_1139 = arith.constant 12 : i32
          %add3A_1140 = arith.addi %mul3A_1138, %add3A_1139 : i32
          %get3A_1141 = arith.index_cast %add3A_1140 : i32 to index
          %get3A_1142 = arith.constant 0 : index
          %get3A_1143 = tpu.vector_load %arg9[%get3A_1141, %get3A_1142] {strides = array<i32>} : memref<128x128xf32, #tpu.memory_space<vmem>>, vector<1x16xf32>,
          %get3A_1144 = vector.shape_cast %get3A_1143 : vector<1x16xf32> to vector<16xf32>
          %mul3A_1145 = arith.mulf %get3A_1144, %broadcast_in_dim3A_1136 : vector<16xf32>
          %swap3A_1146 = arith.index_cast %add3A_1140 : i32 to index
          %swap3A_1147 = arith.constant 0 : index
          %swap3A_1148 = tpu.vector_load %arg9[%swap3A_1146, %swap3A_1147] {strides = array<i32>} : memref<128x128xf32, #tpu.memory_space<vmem>>, vector<1x16xf32>,
          %swap3A_1149 = vector.shape_cast %swap3A_1148 : vector<1x16xf32> to vector<16xf32>
          %swap3A_1150 = vector.shape_cast %mul3A_1145 : vector<16xf32> to vector<1x16xf32>
          tpu.vector_store %arg9[%swap3A_1146, %swap3A_1147], %swap3A_1150 {strides = array<i32>} : memref<128x128xf32, #tpu.memory_space<vmem>>, vector<1x16xf32>,
          %get3A_1151 = arith.index_cast %add3A_1140 : i32 to index
          %get3A_1152 = arith.constant 16 : index
          %get3A_1153 = tpu.vector_load %arg9[%get3A_1151, %get3A_1152] {strides = array<i32>} : memref<128x128xf32, #tpu.memory_space<vmem>>, vector<1x16xf32>,
          %get3A_1154 = vector.shape_cast %get3A_1153 : vector<1x16xf32> to vector<16xf32>
          %mul3A_1155 = arith.mulf %get3A_1154, %broadcast_in_dim3A_1136 : vector<16xf32>
          %swap3A_1156 = arith.index_cast %add3A_1140 : i32 to index
          %swap3A_1157 = arith.constant 16 : index
          %swap3A_1158 = tpu.vector_load %arg9[%swap3A_1156, %swap3A_1157] {strides = array<i32>} : memref<128x128xf32, #tpu.memory_space<vmem>>, vector<1x16xf32>,
          %swap3A_1159 = vector.shape_cast %swap3A_1158 : vector<1x16xf32> to vector<16xf32>
          %swap3A_1160 = vector.shape_cast %mul3A_1155 : vector<16xf32> to vector<1x16xf32>
          tpu.vector_store %arg9[%swap3A_1156, %swap3A_1157], %swap3A_1160 {strides = array<i32>} : memref<128x128xf32, #tpu.memory_space<vmem>>, vector<1x16xf32>,
          %get3A_1161 = arith.index_cast %add3A_1140 : i32 to index
          %get3A_1162 = arith.constant 32 : index
          %get3A_1163 = tpu.vector_load %arg9[%get3A_1161, %get3A_1162] {strides = array<i32>} : memref<128x128xf32, #tpu.memory_space<vmem>>, vector<1x16xf32>,
          %get3A_1164 = vector.shape_cast %get3A_1163 : vector<1x16xf32> to vector<16xf32>
          %mul3A_1165 = arith.mulf %get3A_1164, %broadcast_in_dim3A_1136 : vector<16xf32>
          %swap3A_1166 = arith.index_cast %add3A_1140 : i32 to index
          %swap3A_1167 = arith.constant 32 : index
          %swap3A_1168 = tpu.vector_load %arg9[%swap3A_1166, %swap3A_1167] {strides = array<i32>} : memref<128x128xf32, #tpu.memory_space<vmem>>, vector<1x16xf32>,
          %swap3A_1169 = vector.shape_cast %swap3A_1168 : vector<1x16xf32> to vector<16xf32>
          %swap3A_1170 = vector.shape_cast %mul3A_1165 : vector<16xf32> to vector<1x16xf32>
          tpu.vector_store %arg9[%swap3A_1166, %swap3A_1167], %swap3A_1170 {strides = array<i32>} : memref<128x128xf32, #tpu.memory_space<vmem>>, vector<1x16xf32>,
          %get3A_1171 = arith.index_cast %add3A_1140 : i32 to index
          %get3A_1172 = arith.constant 48 : index
          %get3A_1173 = tpu.vector_load %arg9[%get3A_1171, %get3A_1172] {strides = array<i32>} : memref<128x128xf32, #tpu.memory_space<vmem>>, vector<1x16xf32>,
          %get3A_1174 = vector.shape_cast %get3A_1173 : vector<1x16xf32> to vector<16xf32>
          %mul3A_1175 = arith.mulf %get3A_1174, %broadcast_in_dim3A_1136 : vector<16xf32>
          %swap3A_1176 = arith.index_cast %add3A_1140 : i32 to index
          %swap3A_1177 = arith.constant 48 : index
          %swap3A_1178 = tpu.vector_load %arg9[%swap3A_1176, %swap3A_1177] {strides = array<i32>} : memref<128x128xf32, #tpu.memory_space<vmem>>, vector<1x16xf32>,
          %swap3A_1179 = vector.shape_cast %swap3A_1178 : vector<1x16xf32> to vector<16xf32>
          %swap3A_1180 = vector.shape_cast %mul3A_1175 : vector<16xf32> to vector<1x16xf32>
          tpu.vector_store %arg9[%swap3A_1176, %swap3A_1177], %swap3A_1180 {strides = array<i32>} : memref<128x128xf32, #tpu.memory_space<vmem>>, vector<1x16xf32>,
          %get3A_1181 = arith.index_cast %add3A_1140 : i32 to index
          %get3A_1182 = arith.constant 64 : index
          %get3A_1183 = tpu.vector_load %arg9[%get3A_1181, %get3A_1182] {strides = array<i32>} : memref<128x128xf32, #tpu.memory_space<vmem>>, vector<1x16xf32>,
          %get3A_1184 = vector.shape_cast %get3A_1183 : vector<1x16xf32> to vector<16xf32>
          %mul3A_1185 = arith.mulf %get3A_1184, %broadcast_in_dim3A_1136 : vector<16xf32>
          %swap3A_1186 = arith.index_cast %add3A_1140 : i32 to index
          %swap3A_1187 = arith.constant 64 : index
          %swap3A_1188 = tpu.vector_load %arg9[%swap3A_1186, %swap3A_1187] {strides = array<i32>} : memref<128x128xf32, #tpu.memory_space<vmem>>, vector<1x16xf32>,
          %swap3A_1189 = vector.shape_cast %swap3A_1188 : vector<1x16xf32> to vector<16xf32>
          %swap3A_1190 = vector.shape_cast %mul3A_1185 : vector<16xf32> to vector<1x16xf32>
          tpu.vector_store %arg9[%swap3A_1186, %swap3A_1187], %swap3A_1190 {strides = array<i32>} : memref<128x128xf32, #tpu.memory_space<vmem>>, vector<1x16xf32>,
          %get3A_1191 = arith.index_cast %add3A_1140 : i32 to index
          %get3A_1192 = arith.constant 80 : index
          %get3A_1193 = tpu.vector_load %arg9[%get3A_1191, %get3A_1192] {strides = array<i32>} : memref<128x128xf32, #tpu.memory_space<vmem>>, vector<1x16xf32>,
          %get3A_1194 = vector.shape_cast %get3A_1193 : vector<1x16xf32> to vector<16xf32>
          %mul3A_1195 = arith.mulf %get3A_1194, %broadcast_in_dim3A_1136 : vector<16xf32>
          %swap3A_1196 = arith.index_cast %add3A_1140 : i32 to index
          %swap3A_1197 = arith.constant 80 : index
          %swap3A_1198 = tpu.vector_load %arg9[%swap3A_1196, %swap3A_1197] {strides = array<i32>} : memref<128x128xf32, #tpu.memory_space<vmem>>, vector<1x16xf32>,
          %swap3A_1199 = vector.shape_cast %swap3A_1198 : vector<1x16xf32> to vector<16xf32>
          %swap3A_1200 = vector.shape_cast %mul3A_1195 : vector<16xf32> to vector<1x16xf32>
          tpu.vector_store %arg9[%swap3A_1196, %swap3A_1197], %swap3A_1200 {strides = array<i32>} : memref<128x128xf32, #tpu.memory_space<vmem>>, vector<1x16xf32>,
          %get3A_1201 = arith.index_cast %add3A_1140 : i32 to index
          %get3A_1202 = arith.constant 96 : index
          %get3A_1203 = tpu.vector_load %arg9[%get3A_1201, %get3A_1202] {strides = array<i32>} : memref<128x128xf32, #tpu.memory_space<vmem>>, vector<1x16xf32>,
          %get3A_1204 = vector.shape_cast %get3A_1203 : vector<1x16xf32> to vector<16xf32>
          %mul3A_1205 = arith.mulf %get3A_1204, %broadcast_in_dim3A_1136 : vector<16xf32>
          %swap3A_1206 = arith.index_cast %add3A_1140 : i32 to index
          %swap3A_1207 = arith.constant 96 : index
          %swap3A_1208 = tpu.vector_load %arg9[%swap3A_1206, %swap3A_1207] {strides = array<i32>} : memref<128x128xf32, #tpu.memory_space<vmem>>, vector<1x16xf32>,
          %swap3A_1209 = vector.shape_cast %swap3A_1208 : vector<1x16xf32> to vector<16xf32>
          %swap3A_1210 = vector.shape_cast %mul3A_1205 : vector<16xf32> to vector<1x16xf32>
          tpu.vector_store %arg9[%swap3A_1206, %swap3A_1207], %swap3A_1210 {strides = array<i32>} : memref<128x128xf32, #tpu.memory_space<vmem>>, vector<1x16xf32>,
          %get3A_1211 = arith.index_cast %add3A_1140 : i32 to index
          %get3A_1212 = arith.constant 112 : index
          %get3A_1213 = tpu.vector_load %arg9[%get3A_1211, %get3A_1212] {strides = array<i32>} : memref<128x128xf32, #tpu.memory_space<vmem>>, vector<1x16xf32>,
          %get3A_1214 = vector.shape_cast %get3A_1213 : vector<1x16xf32> to vector<16xf32>
          %mul3A_1215 = arith.mulf %get3A_1214, %broadcast_in_dim3A_1136 : vector<16xf32>
          %swap3A_1216 = arith.index_cast %add3A_1140 : i32 to index
          %swap3A_1217 = arith.constant 112 : index
          %swap3A_1218 = tpu.vector_load %arg9[%swap3A_1216, %swap3A_1217] {strides = array<i32>} : memref<128x128xf32, #tpu.memory_space<vmem>>, vector<1x16xf32>,
          %swap3A_1219 = vector.shape_cast %swap3A_1218 : vector<1x16xf32> to vector<16xf32>
          %swap3A_1220 = vector.shape_cast %mul3A_1215 : vector<16xf32> to vector<1x16xf32>
          tpu.vector_store %arg9[%swap3A_1216, %swap3A_1217], %swap3A_1220 {strides = array<i32>} : memref<128x128xf32, #tpu.memory_space<vmem>>, vector<1x16xf32>,
          %slice3A_1221 = vector.extract_strided_slice %get3A_93 {offsets = [13], sizes = [1], strides = [1]} : vector<16xf32> to vector<1xf32>
          %squeeze3A_1222 = vector.extract %slice3A_1221[0] : f32 from vector<1xf32>
          %broadcast_in_dim3A_1223 = vector.broadcast %squeeze3A_1222 : f32 to vector<16xf32>
          %mul3A_1224 = arith.constant 16 : i32
          %mul3A_1225 = arith.muli %scan3A_89, %mul3A_1224 : i32
          %add3A_1226 = arith.constant 13 : i32
          %add3A_1227 = arith.addi %mul3A_1225, %add3A_1226 : i32
          %get3A_1228 = arith.index_cast %add3A_1227 : i32 to index
          %get3A_1229 = arith.constant 0 : index
          %get3A_1230 = tpu.vector_load %arg9[%get3A_1228, %get3A_1229] {strides = array<i32>} : memref<128x128xf32, #tpu.memory_space<vmem>>, vector<1x16xf32>,
          %get3A_1231 = vector.shape_cast %get3A_1230 : vector<1x16xf32> to vector<16xf32>
          %mul3A_1232 = arith.mulf %get3A_1231, %broadcast_in_dim3A_1223 : vector<16xf32>
          %swap3A_1233 = arith.index_cast %add3A_1227 : i32 to index
          %swap3A_1234 = arith.constant 0 : index
          %swap3A_1235 = tpu.vector_load %arg9[%swap3A_1233, %swap3A_1234] {strides = array<i32>} : memref<128x128xf32, #tpu.memory_space<vmem>>, vector<1x16xf32>,
          %swap3A_1236 = vector.shape_cast %swap3A_1235 : vector<1x16xf32> to vector<16xf32>
          %swap3A_1237 = vector.shape_cast %mul3A_1232 : vector<16xf32> to vector<1x16xf32>
          tpu.vector_store %arg9[%swap3A_1233, %swap3A_1234], %swap3A_1237 {strides = array<i32>} : memref<128x128xf32, #tpu.memory_space<vmem>>, vector<1x16xf32>,
          %get3A_1238 = arith.index_cast %add3A_1227 : i32 to index
          %get3A_1239 = arith.constant 16 : index
          %get3A_1240 = tpu.vector_load %arg9[%get3A_1238, %get3A_1239] {strides = array<i32>} : memref<128x128xf32, #tpu.memory_space<vmem>>, vector<1x16xf32>,
          %get3A_1241 = vector.shape_cast %get3A_1240 : vector<1x16xf32> to vector<16xf32>
          %mul3A_1242 = arith.mulf %get3A_1241, %broadcast_in_dim3A_1223 : vector<16xf32>
          %swap3A_1243 = arith.index_cast %add3A_1227 : i32 to index
          %swap3A_1244 = arith.constant 16 : index
          %swap3A_1245 = tpu.vector_load %arg9[%swap3A_1243, %swap3A_1244] {strides = array<i32>} : memref<128x128xf32, #tpu.memory_space<vmem>>, vector<1x16xf32>,
          %swap3A_1246 = vector.shape_cast %swap3A_1245 : vector<1x16xf32> to vector<16xf32>
          %swap3A_1247 = vector.shape_cast %mul3A_1242 : vector<16xf32> to vector<1x16xf32>
          tpu.vector_store %arg9[%swap3A_1243, %swap3A_1244], %swap3A_1247 {strides = array<i32>} : memref<128x128xf32, #tpu.memory_space<vmem>>, vector<1x16xf32>,
          %get3A_1248 = arith.index_cast %add3A_1227 : i32 to index
          %get3A_1249 = arith.constant 32 : index
          %get3A_1250 = tpu.vector_load %arg9[%get3A_1248, %get3A_1249] {strides = array<i32>} : memref<128x128xf32, #tpu.memory_space<vmem>>, vector<1x16xf32>,
          %get3A_1251 = vector.shape_cast %get3A_1250 : vector<1x16xf32> to vector<16xf32>
          %mul3A_1252 = arith.mulf %get3A_1251, %broadcast_in_dim3A_1223 : vector<16xf32>
          %swap3A_1253 = arith.index_cast %add3A_1227 : i32 to index
          %swap3A_1254 = arith.constant 32 : index
          %swap3A_1255 = tpu.vector_load %arg9[%swap3A_1253, %swap3A_1254] {strides = array<i32>} : memref<128x128xf32, #tpu.memory_space<vmem>>, vector<1x16xf32>,
          %swap3A_1256 = vector.shape_cast %swap3A_1255 : vector<1x16xf32> to vector<16xf32>
          %swap3A_1257 = vector.shape_cast %mul3A_1252 : vector<16xf32> to vector<1x16xf32>
          tpu.vector_store %arg9[%swap3A_1253, %swap3A_1254], %swap3A_1257 {strides = array<i32>} : memref<128x128xf32, #tpu.memory_space<vmem>>, vector<1x16xf32>,
          %get3A_1258 = arith.index_cast %add3A_1227 : i32 to index
          %get3A_1259 = arith.constant 48 : index
          %get3A_1260 = tpu.vector_load %arg9[%get3A_1258, %get3A_1259] {strides = array<i32>} : memref<128x128xf32, #tpu.memory_space<vmem>>, vector<1x16xf32>,
          %get3A_1261 = vector.shape_cast %get3A_1260 : vector<1x16xf32> to vector<16xf32>
          %mul3A_1262 = arith.mulf %get3A_1261, %broadcast_in_dim3A_1223 : vector<16xf32>
          %swap3A_1263 = arith.index_cast %add3A_1227 : i32 to index
          %swap3A_1264 = arith.constant 48 : index
          %swap3A_1265 = tpu.vector_load %arg9[%swap3A_1263, %swap3A_1264] {strides = array<i32>} : memref<128x128xf32, #tpu.memory_space<vmem>>, vector<1x16xf32>,
          %swap3A_1266 = vector.shape_cast %swap3A_1265 : vector<1x16xf32> to vector<16xf32>
          %swap3A_1267 = vector.shape_cast %mul3A_1262 : vector<16xf32> to vector<1x16xf32>
          tpu.vector_store %arg9[%swap3A_1263, %swap3A_1264], %swap3A_1267 {strides = array<i32>} : memref<128x128xf32, #tpu.memory_space<vmem>>, vector<1x16xf32>,
          %get3A_1268 = arith.index_cast %add3A_1227 : i32 to index
          %get3A_1269 = arith.constant 64 : index
          %get3A_1270 = tpu.vector_load %arg9[%get3A_1268, %get3A_1269] {strides = array<i32>} : memref<128x128xf32, #tpu.memory_space<vmem>>, vector<1x16xf32>,
          %get3A_1271 = vector.shape_cast %get3A_1270 : vector<1x16xf32> to vector<16xf32>
          %mul3A_1272 = arith.mulf %get3A_1271, %broadcast_in_dim3A_1223 : vector<16xf32>
          %swap3A_1273 = arith.index_cast %add3A_1227 : i32 to index
          %swap3A_1274 = arith.constant 64 : index
          %swap3A_1275 = tpu.vector_load %arg9[%swap3A_1273, %swap3A_1274] {strides = array<i32>} : memref<128x128xf32, #tpu.memory_space<vmem>>, vector<1x16xf32>,
          %swap3A_1276 = vector.shape_cast %swap3A_1275 : vector<1x16xf32> to vector<16xf32>
          %swap3A_1277 = vector.shape_cast %mul3A_1272 : vector<16xf32> to vector<1x16xf32>
          tpu.vector_store %arg9[%swap3A_1273, %swap3A_1274], %swap3A_1277 {strides = array<i32>} : memref<128x128xf32, #tpu.memory_space<vmem>>, vector<1x16xf32>,
          %get3A_1278 = arith.index_cast %add3A_1227 : i32 to index
          %get3A_1279 = arith.constant 80 : index
          %get3A_1280 = tpu.vector_load %arg9[%get3A_1278, %get3A_1279] {strides = array<i32>} : memref<128x128xf32, #tpu.memory_space<vmem>>, vector<1x16xf32>,
          %get3A_1281 = vector.shape_cast %get3A_1280 : vector<1x16xf32> to vector<16xf32>
          %mul3A_1282 = arith.mulf %get3A_1281, %broadcast_in_dim3A_1223 : vector<16xf32>
          %swap3A_1283 = arith.index_cast %add3A_1227 : i32 to index
          %swap3A_1284 = arith.constant 80 : index
          %swap3A_1285 = tpu.vector_load %arg9[%swap3A_1283, %swap3A_1284] {strides = array<i32>} : memref<128x128xf32, #tpu.memory_space<vmem>>, vector<1x16xf32>,
          %swap3A_1286 = vector.shape_cast %swap3A_1285 : vector<1x16xf32> to vector<16xf32>
          %swap3A_1287 = vector.shape_cast %mul3A_1282 : vector<16xf32> to vector<1x16xf32>
          tpu.vector_store %arg9[%swap3A_1283, %swap3A_1284], %swap3A_1287 {strides = array<i32>} : memref<128x128xf32, #tpu.memory_space<vmem>>, vector<1x16xf32>,
          %get3A_1288 = arith.index_cast %add3A_1227 : i32 to index
          %get3A_1289 = arith.constant 96 : index
          %get3A_1290 = tpu.vector_load %arg9[%get3A_1288, %get3A_1289] {strides = array<i32>} : memref<128x128xf32, #tpu.memory_space<vmem>>, vector<1x16xf32>,
          %get3A_1291 = vector.shape_cast %get3A_1290 : vector<1x16xf32> to vector<16xf32>
          %mul3A_1292 = arith.mulf %get3A_1291, %broadcast_in_dim3A_1223 : vector<16xf32>
          %swap3A_1293 = arith.index_cast %add3A_1227 : i32 to index
          %swap3A_1294 = arith.constant 96 : index
          %swap3A_1295 = tpu.vector_load %arg9[%swap3A_1293, %swap3A_1294] {strides = array<i32>} : memref<128x128xf32, #tpu.memory_space<vmem>>, vector<1x16xf32>,
          %swap3A_1296 = vector.shape_cast %swap3A_1295 : vector<1x16xf32> to vector<16xf32>
          %swap3A_1297 = vector.shape_cast %mul3A_1292 : vector<16xf32> to vector<1x16xf32>
          tpu.vector_store %arg9[%swap3A_1293, %swap3A_1294], %swap3A_1297 {strides = array<i32>} : memref<128x128xf32, #tpu.memory_space<vmem>>, vector<1x16xf32>,
          %get3A_1298 = arith.index_cast %add3A_1227 : i32 to index
          %get3A_1299 = arith.constant 112 : index
          %get3A_1300 = tpu.vector_load %arg9[%get3A_1298, %get3A_1299] {strides = array<i32>} : memref<128x128xf32, #tpu.memory_space<vmem>>, vector<1x16xf32>,
          %get3A_1301 = vector.shape_cast %get3A_1300 : vector<1x16xf32> to vector<16xf32>
          %mul3A_1302 = arith.mulf %get3A_1301, %broadcast_in_dim3A_1223 : vector<16xf32>
          %swap3A_1303 = arith.index_cast %add3A_1227 : i32 to index
          %swap3A_1304 = arith.constant 112 : index
          %swap3A_1305 = tpu.vector_load %arg9[%swap3A_1303, %swap3A_1304] {strides = array<i32>} : memref<128x128xf32, #tpu.memory_space<vmem>>, vector<1x16xf32>,
          %swap3A_1306 = vector.shape_cast %swap3A_1305 : vector<1x16xf32> to vector<16xf32>
          %swap3A_1307 = vector.shape_cast %mul3A_1302 : vector<16xf32> to vector<1x16xf32>
          tpu.vector_store %arg9[%swap3A_1303, %swap3A_1304], %swap3A_1307 {strides = array<i32>} : memref<128x128xf32, #tpu.memory_space<vmem>>, vector<1x16xf32>,
          %slice3A_1308 = vector.extract_strided_slice %get3A_93 {offsets = [14], sizes = [1], strides = [1]} : vector<16xf32> to vector<1xf32>
          %squeeze3A_1309 = vector.extract %slice3A_1308[0] : f32 from vector<1xf32>
          %broadcast_in_dim3A_1310 = vector.broadcast %squeeze3A_1309 : f32 to vector<16xf32>
          %mul3A_1311 = arith.constant 16 : i32
          %mul3A_1312 = arith.muli %scan3A_89, %mul3A_1311 : i32
          %add3A_1313 = arith.constant 14 : i32
          %add3A_1314 = arith.addi %mul3A_1312, %add3A_1313 : i32
          %get3A_1315 = arith.index_cast %add3A_1314 : i32 to index
          %get3A_1316 = arith.constant 0 : index
          %get3A_1317 = tpu.vector_load %arg9[%get3A_1315, %get3A_1316] {strides = array<i32>} : memref<128x128xf32, #tpu.memory_space<vmem>>, vector<1x16xf32>,
          %get3A_1318 = vector.shape_cast %get3A_1317 : vector<1x16xf32> to vector<16xf32>
          %mul3A_1319 = arith.mulf %get3A_1318, %broadcast_in_dim3A_1310 : vector<16xf32>
          %swap3A_1320 = arith.index_cast %add3A_1314 : i32 to index
          %swap3A_1321 = arith.constant 0 : index
          %swap3A_1322 = tpu.vector_load %arg9[%swap3A_1320, %swap3A_1321] {strides = array<i32>} : memref<128x128xf32, #tpu.memory_space<vmem>>, vector<1x16xf32>,
          %swap3A_1323 = vector.shape_cast %swap3A_1322 : vector<1x16xf32> to vector<16xf32>
          %swap3A_1324 = vector.shape_cast %mul3A_1319 : vector<16xf32> to vector<1x16xf32>
          tpu.vector_store %arg9[%swap3A_1320, %swap3A_1321], %swap3A_1324 {strides = array<i32>} : memref<128x128xf32, #tpu.memory_space<vmem>>, vector<1x16xf32>,
          %get3A_1325 = arith.index_cast %add3A_1314 : i32 to index
          %get3A_1326 = arith.constant 16 : index
          %get3A_1327 = tpu.vector_load %arg9[%get3A_1325, %get3A_1326] {strides = array<i32>} : memref<128x128xf32, #tpu.memory_space<vmem>>, vector<1x16xf32>,
          %get3A_1328 = vector.shape_cast %get3A_1327 : vector<1x16xf32> to vector<16xf32>
          %mul3A_1329 = arith.mulf %get3A_1328, %broadcast_in_dim3A_1310 : vector<16xf32>
          %swap3A_1330 = arith.index_cast %add3A_1314 : i32 to index
          %swap3A_1331 = arith.constant 16 : index
          %swap3A_1332 = tpu.vector_load %arg9[%swap3A_1330, %swap3A_1331] {strides = array<i32>} : memref<128x128xf32, #tpu.memory_space<vmem>>, vector<1x16xf32>,
          %swap3A_1333 = vector.shape_cast %swap3A_1332 : vector<1x16xf32> to vector<16xf32>
          %swap3A_1334 = vector.shape_cast %mul3A_1329 : vector<16xf32> to vector<1x16xf32>
          tpu.vector_store %arg9[%swap3A_1330, %swap3A_1331], %swap3A_1334 {strides = array<i32>} : memref<128x128xf32, #tpu.memory_space<vmem>>, vector<1x16xf32>,
          %get3A_1335 = arith.index_cast %add3A_1314 : i32 to index
          %get3A_1336 = arith.constant 32 : index
          %get3A_1337 = tpu.vector_load %arg9[%get3A_1335, %get3A_1336] {strides = array<i32>} : memref<128x128xf32, #tpu.memory_space<vmem>>, vector<1x16xf32>,
          %get3A_1338 = vector.shape_cast %get3A_1337 : vector<1x16xf32> to vector<16xf32>
          %mul3A_1339 = arith.mulf %get3A_1338, %broadcast_in_dim3A_1310 : vector<16xf32>
          %swap3A_1340 = arith.index_cast %add3A_1314 : i32 to index
          %swap3A_1341 = arith.constant 32 : index
          %swap3A_1342 = tpu.vector_load %arg9[%swap3A_1340, %swap3A_1341] {strides = array<i32>} : memref<128x128xf32, #tpu.memory_space<vmem>>, vector<1x16xf32>,
          %swap3A_1343 = vector.shape_cast %swap3A_1342 : vector<1x16xf32> to vector<16xf32>
          %swap3A_1344 = vector.shape_cast %mul3A_1339 : vector<16xf32> to vector<1x16xf32>
          tpu.vector_store %arg9[%swap3A_1340, %swap3A_1341], %swap3A_1344 {strides = array<i32>} : memref<128x128xf32, #tpu.memory_space<vmem>>, vector<1x16xf32>,
          %get3A_1345 = arith.index_cast %add3A_1314 : i32 to index
          %get3A_1346 = arith.constant 48 : index
          %get3A_1347 = tpu.vector_load %arg9[%get3A_1345, %get3A_1346] {strides = array<i32>} : memref<128x128xf32, #tpu.memory_space<vmem>>, vector<1x16xf32>,
          %get3A_1348 = vector.shape_cast %get3A_1347 : vector<1x16xf32> to vector<16xf32>
          %mul3A_1349 = arith.mulf %get3A_1348, %broadcast_in_dim3A_1310 : vector<16xf32>
          %swap3A_1350 = arith.index_cast %add3A_1314 : i32 to index
          %swap3A_1351 = arith.constant 48 : index
          %swap3A_1352 = tpu.vector_load %arg9[%swap3A_1350, %swap3A_1351] {strides = array<i32>} : memref<128x128xf32, #tpu.memory_space<vmem>>, vector<1x16xf32>,
          %swap3A_1353 = vector.shape_cast %swap3A_1352 : vector<1x16xf32> to vector<16xf32>
          %swap3A_1354 = vector.shape_cast %mul3A_1349 : vector<16xf32> to vector<1x16xf32>
          tpu.vector_store %arg9[%swap3A_1350, %swap3A_1351], %swap3A_1354 {strides = array<i32>} : memref<128x128xf32, #tpu.memory_space<vmem>>, vector<1x16xf32>,
          %get3A_1355 = arith.index_cast %add3A_1314 : i32 to index
          %get3A_1356 = arith.constant 64 : index
          %get3A_1357 = tpu.vector_load %arg9[%get3A_1355, %get3A_1356] {strides = array<i32>} : memref<128x128xf32, #tpu.memory_space<vmem>>, vector<1x16xf32>,
          %get3A_1358 = vector.shape_cast %get3A_1357 : vector<1x16xf32> to vector<16xf32>
          %mul3A_1359 = arith.mulf %get3A_1358, %broadcast_in_dim3A_1310 : vector<16xf32>
          %swap3A_1360 = arith.index_cast %add3A_1314 : i32 to index
          %swap3A_1361 = arith.constant 64 : index
          %swap3A_1362 = tpu.vector_load %arg9[%swap3A_1360, %swap3A_1361] {strides = array<i32>} : memref<128x128xf32, #tpu.memory_space<vmem>>, vector<1x16xf32>,
          %swap3A_1363 = vector.shape_cast %swap3A_1362 : vector<1x16xf32> to vector<16xf32>
          %swap3A_1364 = vector.shape_cast %mul3A_1359 : vector<16xf32> to vector<1x16xf32>
          tpu.vector_store %arg9[%swap3A_1360, %swap3A_1361], %swap3A_1364 {strides = array<i32>} : memref<128x128xf32, #tpu.memory_space<vmem>>, vector<1x16xf32>,
          %get3A_1365 = arith.index_cast %add3A_1314 : i32 to index
          %get3A_1366 = arith.constant 80 : index
          %get3A_1367 = tpu.vector_load %arg9[%get3A_1365, %get3A_1366] {strides = array<i32>} : memref<128x128xf32, #tpu.memory_space<vmem>>, vector<1x16xf32>,
          %get3A_1368 = vector.shape_cast %get3A_1367 : vector<1x16xf32> to vector<16xf32>
          %mul3A_1369 = arith.mulf %get3A_1368, %broadcast_in_dim3A_1310 : vector<16xf32>
          %swap3A_1370 = arith.index_cast %add3A_1314 : i32 to index
          %swap3A_1371 = arith.constant 80 : index
          %swap3A_1372 = tpu.vector_load %arg9[%swap3A_1370, %swap3A_1371] {strides = array<i32>} : memref<128x128xf32, #tpu.memory_space<vmem>>, vector<1x16xf32>,
          %swap3A_1373 = vector.shape_cast %swap3A_1372 : vector<1x16xf32> to vector<16xf32>
          %swap3A_1374 = vector.shape_cast %mul3A_1369 : vector<16xf32> to vector<1x16xf32>
          tpu.vector_store %arg9[%swap3A_1370, %swap3A_1371], %swap3A_1374 {strides = array<i32>} : memref<128x128xf32, #tpu.memory_space<vmem>>, vector<1x16xf32>,
          %get3A_1375 = arith.index_cast %add3A_1314 : i32 to index
          %get3A_1376 = arith.constant 96 : index
          %get3A_1377 = tpu.vector_load %arg9[%get3A_1375, %get3A_1376] {strides = array<i32>} : memref<128x128xf32, #tpu.memory_space<vmem>>, vector<1x16xf32>,
          %get3A_1378 = vector.shape_cast %get3A_1377 : vector<1x16xf32> to vector<16xf32>
          %mul3A_1379 = arith.mulf %get3A_1378, %broadcast_in_dim3A_1310 : vector<16xf32>
          %swap3A_1380 = arith.index_cast %add3A_1314 : i32 to index
          %swap3A_1381 = arith.constant 96 : index
          %swap3A_1382 = tpu.vector_load %arg9[%swap3A_1380, %swap3A_1381] {strides = array<i32>} : memref<128x128xf32, #tpu.memory_space<vmem>>, vector<1x16xf32>,
          %swap3A_1383 = vector.shape_cast %swap3A_1382 : vector<1x16xf32> to vector<16xf32>
          %swap3A_1384 = vector.shape_cast %mul3A_1379 : vector<16xf32> to vector<1x16xf32>
          tpu.vector_store %arg9[%swap3A_1380, %swap3A_1381], %swap3A_1384 {strides = array<i32>} : memref<128x128xf32, #tpu.memory_space<vmem>>, vector<1x16xf32>,
          %get3A_1385 = arith.index_cast %add3A_1314 : i32 to index
          %get3A_1386 = arith.constant 112 : index
          %get3A_1387 = tpu.vector_load %arg9[%get3A_1385, %get3A_1386] {strides = array<i32>} : memref<128x128xf32, #tpu.memory_space<vmem>>, vector<1x16xf32>,
          %get3A_1388 = vector.shape_cast %get3A_1387 : vector<1x16xf32> to vector<16xf32>
          %mul3A_1389 = arith.mulf %get3A_1388, %broadcast_in_dim3A_1310 : vector<16xf32>
          %swap3A_1390 = arith.index_cast %add3A_1314 : i32 to index
          %swap3A_1391 = arith.constant 112 : index
          %swap3A_1392 = tpu.vector_load %arg9[%swap3A_1390, %swap3A_1391] {strides = array<i32>} : memref<128x128xf32, #tpu.memory_space<vmem>>, vector<1x16xf32>,
          %swap3A_1393 = vector.shape_cast %swap3A_1392 : vector<1x16xf32> to vector<16xf32>
          %swap3A_1394 = vector.shape_cast %mul3A_1389 : vector<16xf32> to vector<1x16xf32>
          tpu.vector_store %arg9[%swap3A_1390, %swap3A_1391], %swap3A_1394 {strides = array<i32>} : memref<128x128xf32, #tpu.memory_space<vmem>>, vector<1x16xf32>,
          %slice3A_1395 = vector.extract_strided_slice %get3A_93 {offsets = [15], sizes = [1], strides = [1]} : vector<16xf32> to vector<1xf32>
          %squeeze3A_1396 = vector.extract %slice3A_1395[0] : f32 from vector<1xf32>
          %broadcast_in_dim3A_1397 = vector.broadcast %squeeze3A_1396 : f32 to vector<16xf32>
          %mul3A_1398 = arith.constant 16 : i32
          %mul3A_1399 = arith.muli %scan3A_89, %mul3A_1398 : i32
          %add3A_1400 = arith.constant 15 : i32
          %add3A_1401 = arith.addi %mul3A_1399, %add3A_1400 : i32
          %get3A_1402 = arith.index_cast %add3A_1401 : i32 to index
          %get3A_1403 = arith.constant 0 : index
          %get3A_1404 = tpu.vector_load %arg9[%get3A_1402, %get3A_1403] {strides = array<i32>} : memref<128x128xf32, #tpu.memory_space<vmem>>, vector<1x16xf32>,
          %get3A_1405 = vector.shape_cast %get3A_1404 : vector<1x16xf32> to vector<16xf32>
          %mul3A_1406 = arith.mulf %get3A_1405, %broadcast_in_dim3A_1397 : vector<16xf32>
          %swap3A_1407 = arith.index_cast %add3A_1401 : i32 to index
          %swap3A_1408 = arith.constant 0 : index
          %swap3A_1409 = tpu.vector_load %arg9[%swap3A_1407, %swap3A_1408] {strides = array<i32>} : memref<128x128xf32, #tpu.memory_space<vmem>>, vector<1x16xf32>,
          %swap3A_1410 = vector.shape_cast %swap3A_1409 : vector<1x16xf32> to vector<16xf32>
          %swap3A_1411 = vector.shape_cast %mul3A_1406 : vector<16xf32> to vector<1x16xf32>
          tpu.vector_store %arg9[%swap3A_1407, %swap3A_1408], %swap3A_1411 {strides = array<i32>} : memref<128x128xf32, #tpu.memory_space<vmem>>, vector<1x16xf32>,
          %get3A_1412 = arith.index_cast %add3A_1401 : i32 to index
          %get3A_1413 = arith.constant 16 : index
          %get3A_1414 = tpu.vector_load %arg9[%get3A_1412, %get3A_1413] {strides = array<i32>} : memref<128x128xf32, #tpu.memory_space<vmem>>, vector<1x16xf32>,
          %get3A_1415 = vector.shape_cast %get3A_1414 : vector<1x16xf32> to vector<16xf32>
          %mul3A_1416 = arith.mulf %get3A_1415, %broadcast_in_dim3A_1397 : vector<16xf32>
          %swap3A_1417 = arith.index_cast %add3A_1401 : i32 to index
          %swap3A_1418 = arith.constant 16 : index
          %swap3A_1419 = tpu.vector_load %arg9[%swap3A_1417, %swap3A_1418] {strides = array<i32>} : memref<128x128xf32, #tpu.memory_space<vmem>>, vector<1x16xf32>,
          %swap3A_1420 = vector.shape_cast %swap3A_1419 : vector<1x16xf32> to vector<16xf32>
          %swap3A_1421 = vector.shape_cast %mul3A_1416 : vector<16xf32> to vector<1x16xf32>
          tpu.vector_store %arg9[%swap3A_1417, %swap3A_1418], %swap3A_1421 {strides = array<i32>} : memref<128x128xf32, #tpu.memory_space<vmem>>, vector<1x16xf32>,
          %get3A_1422 = arith.index_cast %add3A_1401 : i32 to index
          %get3A_1423 = arith.constant 32 : index
          %get3A_1424 = tpu.vector_load %arg9[%get3A_1422, %get3A_1423] {strides = array<i32>} : memref<128x128xf32, #tpu.memory_space<vmem>>, vector<1x16xf32>,
          %get3A_1425 = vector.shape_cast %get3A_1424 : vector<1x16xf32> to vector<16xf32>
          %mul3A_1426 = arith.mulf %get3A_1425, %broadcast_in_dim3A_1397 : vector<16xf32>
          %swap3A_1427 = arith.index_cast %add3A_1401 : i32 to index
          %swap3A_1428 = arith.constant 32 : index
          %swap3A_1429 = tpu.vector_load %arg9[%swap3A_1427, %swap3A_1428] {strides = array<i32>} : memref<128x128xf32, #tpu.memory_space<vmem>>, vector<1x16xf32>,
          %swap3A_1430 = vector.shape_cast %swap3A_1429 : vector<1x16xf32> to vector<16xf32>
          %swap3A_1431 = vector.shape_cast %mul3A_1426 : vector<16xf32> to vector<1x16xf32>
          tpu.vector_store %arg9[%swap3A_1427, %swap3A_1428], %swap3A_1431 {strides = array<i32>} : memref<128x128xf32, #tpu.memory_space<vmem>>, vector<1x16xf32>,
          %get3A_1432 = arith.index_cast %add3A_1401 : i32 to index
          %get3A_1433 = arith.constant 48 : index
          %get3A_1434 = tpu.vector_load %arg9[%get3A_1432, %get3A_1433] {strides = array<i32>} : memref<128x128xf32, #tpu.memory_space<vmem>>, vector<1x16xf32>,
          %get3A_1435 = vector.shape_cast %get3A_1434 : vector<1x16xf32> to vector<16xf32>
          %mul3A_1436 = arith.mulf %get3A_1435, %broadcast_in_dim3A_1397 : vector<16xf32>
          %swap3A_1437 = arith.index_cast %add3A_1401 : i32 to index
          %swap3A_1438 = arith.constant 48 : index
          %swap3A_1439 = tpu.vector_load %arg9[%swap3A_1437, %swap3A_1438] {strides = array<i32>} : memref<128x128xf32, #tpu.memory_space<vmem>>, vector<1x16xf32>,
          %swap3A_1440 = vector.shape_cast %swap3A_1439 : vector<1x16xf32> to vector<16xf32>
          %swap3A_1441 = vector.shape_cast %mul3A_1436 : vector<16xf32> to vector<1x16xf32>
          tpu.vector_store %arg9[%swap3A_1437, %swap3A_1438], %swap3A_1441 {strides = array<i32>} : memref<128x128xf32, #tpu.memory_space<vmem>>, vector<1x16xf32>,
          %get3A_1442 = arith.index_cast %add3A_1401 : i32 to index
          %get3A_1443 = arith.constant 64 : index
          %get3A_1444 = tpu.vector_load %arg9[%get3A_1442, %get3A_1443] {strides = array<i32>} : memref<128x128xf32, #tpu.memory_space<vmem>>, vector<1x16xf32>,
          %get3A_1445 = vector.shape_cast %get3A_1444 : vector<1x16xf32> to vector<16xf32>
          %mul3A_1446 = arith.mulf %get3A_1445, %broadcast_in_dim3A_1397 : vector<16xf32>
          %swap3A_1447 = arith.index_cast %add3A_1401 : i32 to index
          %swap3A_1448 = arith.constant 64 : index
          %swap3A_1449 = tpu.vector_load %arg9[%swap3A_1447, %swap3A_1448] {strides = array<i32>} : memref<128x128xf32, #tpu.memory_space<vmem>>, vector<1x16xf32>,
          %swap3A_1450 = vector.shape_cast %swap3A_1449 : vector<1x16xf32> to vector<16xf32>
          %swap3A_1451 = vector.shape_cast %mul3A_1446 : vector<16xf32> to vector<1x16xf32>
          tpu.vector_store %arg9[%swap3A_1447, %swap3A_1448], %swap3A_1451 {strides = array<i32>} : memref<128x128xf32, #tpu.memory_space<vmem>>, vector<1x16xf32>,
          %get3A_1452 = arith.index_cast %add3A_1401 : i32 to index
          %get3A_1453 = arith.constant 80 : index
          %get3A_1454 = tpu.vector_load %arg9[%get3A_1452, %get3A_1453] {strides = array<i32>} : memref<128x128xf32, #tpu.memory_space<vmem>>, vector<1x16xf32>,
          %get3A_1455 = vector.shape_cast %get3A_1454 : vector<1x16xf32> to vector<16xf32>
          %mul3A_1456 = arith.mulf %get3A_1455, %broadcast_in_dim3A_1397 : vector<16xf32>
          %swap3A_1457 = arith.index_cast %add3A_1401 : i32 to index
          %swap3A_1458 = arith.constant 80 : index
          %swap3A_1459 = tpu.vector_load %arg9[%swap3A_1457, %swap3A_1458] {strides = array<i32>} : memref<128x128xf32, #tpu.memory_space<vmem>>, vector<1x16xf32>,
          %swap3A_1460 = vector.shape_cast %swap3A_1459 : vector<1x16xf32> to vector<16xf32>
          %swap3A_1461 = vector.shape_cast %mul3A_1456 : vector<16xf32> to vector<1x16xf32>
          tpu.vector_store %arg9[%swap3A_1457, %swap3A_1458], %swap3A_1461 {strides = array<i32>} : memref<128x128xf32, #tpu.memory_space<vmem>>, vector<1x16xf32>,
          %get3A_1462 = arith.index_cast %add3A_1401 : i32 to index
          %get3A_1463 = arith.constant 96 : index
          %get3A_1464 = tpu.vector_load %arg9[%get3A_1462, %get3A_1463] {strides = array<i32>} : memref<128x128xf32, #tpu.memory_space<vmem>>, vector<1x16xf32>,
          %get3A_1465 = vector.shape_cast %get3A_1464 : vector<1x16xf32> to vector<16xf32>
          %mul3A_1466 = arith.mulf %get3A_1465, %broadcast_in_dim3A_1397 : vector<16xf32>
          %swap3A_1467 = arith.index_cast %add3A_1401 : i32 to index
          %swap3A_1468 = arith.constant 96 : index
          %swap3A_1469 = tpu.vector_load %arg9[%swap3A_1467, %swap3A_1468] {strides = array<i32>} : memref<128x128xf32, #tpu.memory_space<vmem>>, vector<1x16xf32>,
          %swap3A_1470 = vector.shape_cast %swap3A_1469 : vector<1x16xf32> to vector<16xf32>
          %swap3A_1471 = vector.shape_cast %mul3A_1466 : vector<16xf32> to vector<1x16xf32>
          tpu.vector_store %arg9[%swap3A_1467, %swap3A_1468], %swap3A_1471 {strides = array<i32>} : memref<128x128xf32, #tpu.memory_space<vmem>>, vector<1x16xf32>,
          %get3A_1472 = arith.index_cast %add3A_1401 : i32 to index
          %get3A_1473 = arith.constant 112 : index
          %get3A_1474 = tpu.vector_load %arg9[%get3A_1472, %get3A_1473] {strides = array<i32>} : memref<128x128xf32, #tpu.memory_space<vmem>>, vector<1x16xf32>,
          %get3A_1475 = vector.shape_cast %get3A_1474 : vector<1x16xf32> to vector<16xf32>
          %mul3A_1476 = arith.mulf %get3A_1475, %broadcast_in_dim3A_1397 : vector<16xf32>
          %swap3A_1477 = arith.index_cast %add3A_1401 : i32 to index
          %swap3A_1478 = arith.constant 112 : index
          %swap3A_1479 = tpu.vector_load %arg9[%swap3A_1477, %swap3A_1478] {strides = array<i32>} : memref<128x128xf32, #tpu.memory_space<vmem>>, vector<1x16xf32>,
          %swap3A_1480 = vector.shape_cast %swap3A_1479 : vector<1x16xf32> to vector<16xf32>
          %swap3A_1481 = vector.shape_cast %mul3A_1476 : vector<16xf32> to vector<1x16xf32>
          tpu.vector_store %arg9[%swap3A_1477, %swap3A_1478], %swap3A_1481 {strides = array<i32>} : memref<128x128xf32, #tpu.memory_space<vmem>>, vector<1x16xf32>,
        }
        %scan3A_88 = arith.constant 8 : i32
        "tpu.region"() ({
          %run_scoped3A_89 = tpu.sem_alloc : memref<!tpu.dma_semaphore, #tpu.memory_space<semaphore_mem>>
          %dma_start3A = arith.constant 0 : i32
          %dma_start3A_90 = arith.constant 0 : i32
          %dma_start3A_91 = tpu.memref_slice %arg8[%dma_start3A, %dma_start3A_90] : memref<10000x128xf32, #tpu.memory_space<vmem_shared>> -> memref<10000x128xf32, #tpu.memory_space<vmem_shared>>
          tpu.enqueue_indirect_dma source(%arg9 : memref<128x128xf32, #tpu.memory_space<vmem>>) target(%dma_start3A_91 : memref<10000x128xf32, #tpu.memory_space<vmem_shared>>) offsets(%arg12 : memref<128xi32, #tpu.memory_space<vmem>>) semaphore(%run_scoped3A_89 : memref<!tpu.dma_semaphore, #tpu.memory_space<semaphore_mem>>) {add = true}
          %dma_wait3A = arith.constant 0 : i32
          %dma_wait3A_92 = arith.constant 0 : i32
          %dma_wait3A_93 = tpu.memref_slice %arg8[%dma_wait3A, %dma_wait3A_92] : memref<10000x128xf32, #tpu.memory_space<vmem_shared>> -> memref<10000x128xf32, #tpu.memory_space<vmem_shared>>
          tpu.wait_indirect_dma semaphore(%run_scoped3A_89 : memref<!tpu.dma_semaphore, #tpu.memory_space<semaphore_mem>>) src(%arg9 : memref<128x128xf32, #tpu.memory_space<vmem>>) dst(%dma_wait3A_93 : memref<10000x128xf32, #tpu.memory_space<vmem_shared>>)
          tpu.yield
        }) : () -> ()
      } else {
      }
    }
    %scan3A_60 = arith.constant 79 : i32
    %barrier3A_61 = arith.constant 0 : index
    tpu.barrier barrier_id(%barrier3A_61)
    %mul3A_62 = arith.constant 624 : i32
    %mul3A_63 = arith.muli %arg1, %mul3A_62 : i32
    %mul3A_64 = arith.constant 624 : i32
    %mul3A_65 = arith.muli %arg1, %mul3A_64 : i32
    %run_scoped3A_66 = arith.constant 1 : i32
    "tpu.region"() ({
      %run_scoped3A_73 = tpu.sem_alloc : memref<!tpu.dma_semaphore, #tpu.memory_space<semaphore_mem>>
      %dma_start3A = arith.constant 0 : i32
      %dma_start3A_74 = tpu.memref_slice %arg7[%run_scoped3A_66, %arg0, %mul3A_65, %dma_start3A] : memref<2x2x10000x128xf32, #tpu.memory_space<hbm>> -> memref<1x1x624x128xf32, #tpu.memory_space<hbm>>
      %dma_start3A_75 = tpu.memref_squeeze %dma_start3A_74 : memref<1x1x624x128xf32, #tpu.memory_space<hbm>> -> memref<624x128xf32, #tpu.memory_space<hbm>>
      %dma_start3A_76 = arith.constant 0 : i32
      %dma_start3A_77 = tpu.memref_slice %arg8[%mul3A_63, %dma_start3A_76] : memref<10000x128xf32, #tpu.memory_space<vmem_shared>> -> memref<624x128xf32, #tpu.memory_space<vmem_shared>>
      tpu.enqueue_dma source(%dma_start3A_77 : memref<624x128xf32, #tpu.memory_space<vmem_shared>>) target(%dma_start3A_75 : memref<624x128xf32, #tpu.memory_space<hbm>>) target_semaphore(%run_scoped3A_73 : memref<!tpu.dma_semaphore, #tpu.memory_space<semaphore_mem>>)
      %dma_wait3A = arith.constant 0 : i32
      %dma_wait3A_78 = tpu.memref_slice %arg7[%run_scoped3A_66, %arg0, %mul3A_65, %dma_wait3A] : memref<2x2x10000x128xf32, #tpu.memory_space<hbm>> -> memref<1x1x624x128xf32, #tpu.memory_space<hbm>>
      %dma_wait3A_79 = tpu.memref_squeeze %dma_wait3A_78 : memref<1x1x624x128xf32, #tpu.memory_space<hbm>> -> memref<624x128xf32, #tpu.memory_space<hbm>>
      %dma_wait3A_80 = arith.constant 0 : i32
      %dma_wait3A_81 = tpu.memref_slice %arg8[%mul3A_63, %dma_wait3A_80] : memref<10000x128xf32, #tpu.memory_space<vmem_shared>> -> memref<624x128xf32, #tpu.memory_space<vmem_shared>>
      tpu.wait_dma2 semaphore(%run_scoped3A_73 : memref<!tpu.dma_semaphore, #tpu.memory_space<semaphore_mem>>) src(%dma_wait3A_81 : memref<624x128xf32, #tpu.memory_space<vmem_shared>>) dst(%dma_wait3A_79 : memref<624x128xf32, #tpu.memory_space<hbm>>)
      tpu.yield
    }) : () -> ()
    %eq3A_67 = arith.constant 15 : i32
    %eq3A_68 = arith.cmpi eq, %arg1, %eq3A_67 : i32
    %convert_element_type3A_69 = arith.extui %eq3A_68 : i1 to i32
    %cond3A_70 = arith.constant 0 : i32
    %cond3A_71 = arith.cmpi ne, %convert_element_type3A_69, %cond3A_70 : i32
    scf.if %cond3A_71 {
      %run_scoped3A_73 = arith.constant 1 : i32
      "tpu.region"() ({
        %run_scoped3A_74 = tpu.sem_alloc : memref<!tpu.dma_semaphore, #tpu.memory_space<semaphore_mem>>
        %dma_start3A = arith.constant 9984 : i32
        %dma_start3A_75 = arith.constant 0 : i32
        %dma_start3A_76 = tpu.memref_slice %arg7[%run_scoped3A_73, %arg0, %dma_start3A, %dma_start3A_75] : memref<2x2x10000x128xf32, #tpu.memory_space<hbm>> -> memref<1x1x16x128xf32, #tpu.memory_space<hbm>>
        %dma_start3A_77 = tpu.memref_squeeze %dma_start3A_76 : memref<1x1x16x128xf32, #tpu.memory_space<hbm>> -> memref<16x128xf32, #tpu.memory_space<hbm>>
        %dma_start3A_78 = arith.constant 9984 : i32
        %dma_start3A_79 = arith.constant 0 : i32
        %dma_start3A_80 = tpu.memref_slice %arg8[%dma_start3A_78, %dma_start3A_79] : memref<10000x128xf32, #tpu.memory_space<vmem_shared>> -> memref<16x128xf32, #tpu.memory_space<vmem_shared>>
        tpu.enqueue_dma source(%dma_start3A_80 : memref<16x128xf32, #tpu.memory_space<vmem_shared>>) target(%dma_start3A_77 : memref<16x128xf32, #tpu.memory_space<hbm>>) target_semaphore(%run_scoped3A_74 : memref<!tpu.dma_semaphore, #tpu.memory_space<semaphore_mem>>)
        %dma_wait3A = arith.constant 9984 : i32
        %dma_wait3A_81 = arith.constant 0 : i32
        %dma_wait3A_82 = tpu.memref_slice %arg7[%run_scoped3A_73, %arg0, %dma_wait3A, %dma_wait3A_81] : memref<2x2x10000x128xf32, #tpu.memory_space<hbm>> -> memref<1x1x16x128xf32, #tpu.memory_space<hbm>>
        %dma_wait3A_83 = tpu.memref_squeeze %dma_wait3A_82 : memref<1x1x16x128xf32, #tpu.memory_space<hbm>> -> memref<16x128xf32, #tpu.memory_space<hbm>>
        %dma_wait3A_84 = arith.constant 9984 : i32
        %dma_wait3A_85 = arith.constant 0 : i32
        %dma_wait3A_86 = tpu.memref_slice %arg8[%dma_wait3A_84, %dma_wait3A_85] : memref<10000x128xf32, #tpu.memory_space<vmem_shared>> -> memref<16x128xf32, #tpu.memory_space<vmem_shared>>
        tpu.wait_dma2 semaphore(%run_scoped3A_74 : memref<!tpu.dma_semaphore, #tpu.memory_space<semaphore_mem>>) src(%dma_wait3A_86 : memref<16x128xf32, #tpu.memory_space<vmem_shared>>) dst(%dma_wait3A_83 : memref<16x128xf32, #tpu.memory_space<hbm>>)
        tpu.yield
      }) : () -> ()
    } else {
    }
    %barrier3A_72 = arith.constant 0 : index
    tpu.barrier barrier_id(%barrier3A_72)
    return
  }
}

module attributes {stable_mosaic.version = 14 : i64} {
  func.func @_tc_body(%arg0: i32, %arg1: memref<2x2x1000x128xf32, #tpu.memory_space<vmem>>, %arg2: memref<128x256xf32, #tpu.memory_space<vmem>>, %arg3: memref<1000x128xf32, #tpu.memory_space<vmem>>) attributes {dimension_semantics = [#tpu.dimension_semantics<arbitrary>], iteration_bounds = array<i64: 10>, scalar_prefetch = 0 : i64, scratch_operands = 0 : i64, tpu.core_type = #tpu.core_type<tc>, window_params = [{transform_indices = @transform_0, window_bounds = array<i64: 2, 2, 1000, 128>}, {pipeline_mode = #tpu.pipeline_mode<synchronous>, transform_indices = @transform_1, window_bounds = array<i64: 128, 256>}, {transform_indices = @transform_2, window_bounds = array<i64: 1000, 128>}]} {
    %get3A = arith.constant 0 : index
    %get3A_0 = arith.constant 0 : index
    %get3A_1 = arith.constant 0 : index
    %get3A_2 = arith.constant 0 : index
    %get3A_3 = vector.load %arg1[%get3A, %get3A_0, %get3A_1, %get3A_2] : memref<2x2x1000x128xf32, #tpu.memory_space<vmem>>, vector<1x1x1000x128xf32>
    %get3A_4 = vector.shape_cast %get3A_3 : vector<1x1x1000x128xf32> to vector<1000x128xf32>
    %get3A_5 = arith.constant 0 : index
    %get3A_6 = arith.constant 1 : index
    %get3A_7 = arith.constant 0 : index
    %get3A_8 = arith.constant 0 : index
    %get3A_9 = vector.load %arg1[%get3A_5, %get3A_6, %get3A_7, %get3A_8] : memref<2x2x1000x128xf32, #tpu.memory_space<vmem>>, vector<1x1x1000x128xf32>
    %get3A_10 = vector.shape_cast %get3A_9 : vector<1x1x1000x128xf32> to vector<1000x128xf32>
    %add3A = arith.addf %get3A_4, %get3A_10 : vector<1000x128xf32>
    %get3A_11 = arith.constant 1 : index
    %get3A_12 = arith.constant 0 : index
    %get3A_13 = arith.constant 0 : index
    %get3A_14 = arith.constant 0 : index
    %get3A_15 = vector.load %arg1[%get3A_11, %get3A_12, %get3A_13, %get3A_14] : memref<2x2x1000x128xf32, #tpu.memory_space<vmem>>, vector<1x1x1000x128xf32>
    %get3A_16 = vector.shape_cast %get3A_15 : vector<1x1x1000x128xf32> to vector<1000x128xf32>
    %get3A_17 = arith.constant 1 : index
    %get3A_18 = arith.constant 1 : index
    %get3A_19 = arith.constant 0 : index
    %get3A_20 = arith.constant 0 : index
    %get3A_21 = vector.load %arg1[%get3A_17, %get3A_18, %get3A_19, %get3A_20] : memref<2x2x1000x128xf32, #tpu.memory_space<vmem>>, vector<1x1x1000x128xf32>
    %get3A_22 = vector.shape_cast %get3A_21 : vector<1x1x1000x128xf32> to vector<1000x128xf32>
    %add3A_23 = arith.addf %get3A_16, %get3A_22 : vector<1000x128xf32>
    %get3A_24 = arith.constant 0 : index
    %get3A_25 = arith.constant 0 : index
    %get3A_26 = vector.load %arg2[%get3A_24, %get3A_25] : memref<128x256xf32, #tpu.memory_space<vmem>>, vector<128x256xf32>
    %slice3A = vector.extract_strided_slice %get3A_26 {offsets = [0, 0], sizes = [128, 128], strides = [1, 1]} : vector<128x256xf32> to vector<128x128xf32>
    %dot_general3A = arith.constant dense<0.000000e+00> : vector<1000x128xf32>
    %dot_general3A_27 = tpu.matmul %add3A, %slice3A, %dot_general3A {dimension_numbers = #tpu.dot_dimension_numbers<[1], [1], [0], [0], [0, 0, 1, 0], [], []>, transpose_lhs_hint = false} : vector<1000x128xf32>, vector<128x128xf32>, vector<1000x128xf32> -> vector<1000x128xf32>
    %slice3A_28 = vector.extract_strided_slice %get3A_26 {offsets = [0, 128], sizes = [128, 128], strides = [1, 1]} : vector<128x256xf32> to vector<128x128xf32>
    %dot_general3A_29 = arith.constant dense<0.000000e+00> : vector<1000x128xf32>
    %dot_general3A_30 = tpu.matmul %add3A_23, %slice3A_28, %dot_general3A_29 {dimension_numbers = #tpu.dot_dimension_numbers<[1], [1], [0], [0], [0, 0, 1, 0], [], []>, transpose_lhs_hint = false} : vector<1000x128xf32>, vector<128x128xf32>, vector<1000x128xf32> -> vector<1000x128xf32>
    %add3A_31 = arith.addf %dot_general3A_27, %dot_general3A_30 : vector<1000x128xf32>
    %ge3A = arith.constant 0.000000e+00 : f32
    %ge3A_32 = vector.broadcast %ge3A : f32 to vector<1000x128xf32>
    %ge3A_33 = arith.cmpf oge, %add3A_31, %ge3A_32 : vector<1000x128xf32>
    %mul3A = arith.constant 0.229166672 : f32
    %mul3A_34 = vector.broadcast %mul3A : f32 to vector<1000x128xf32>
    %mul3A_35 = arith.mulf %add3A_31, %mul3A_34 : vector<1000x128xf32>
    %select_n3A = arith.select %ge3A_33, %add3A_31, %mul3A_35 : vector<1000x128xi1>, vector<1000x128xf32>
    %swap3A = arith.constant 0 : index
    %swap3A_36 = arith.constant 0 : index
    %swap3A_37 = vector.load %arg3[%swap3A, %swap3A_36] : memref<1000x128xf32, #tpu.memory_space<vmem>>, vector<1000x128xf32>
    tpu.vector_store %arg3[%swap3A, %swap3A_36], %select_n3A {strides = array<i32>} : memref<1000x128xf32, #tpu.memory_space<vmem>>, vector<1000x128xf32>,
    return
  }
  func.func @transform_0(%arg0: i32) -> (i32, i32, i32, i32) {
    %c0_i32 = arith.constant 0 : i32
    %c0_i32_0 = arith.constant 0 : i32
    %c0_i32_1 = arith.constant 0 : i32
    %c0_i32_2 = arith.constant 0 : i32
    return %c0_i32, %c0_i32_0, %arg0, %c0_i32_1 : i32, i32, i32, i32
  }
  func.func @transform_1(%arg0: i32) -> (i32, i32) {
    %c0_i32 = arith.constant 0 : i32
    %c0_i32_0 = arith.constant 0 : i32
    %c0_i32_1 = arith.constant 0 : i32
    return %c0_i32, %c0_i32_0 : i32, i32
  }
  func.func @transform_2(%arg0: i32) -> (i32, i32) {
    %c0_i32 = arith.constant 0 : i32
    %c0_i32_0 = arith.constant 0 : i32
    return %arg0, %c0_i32 : i32, i32
  }
}

</mosaic_0001>

<sc_bundles>
// kernel: kernel.4.cloned.1.call-start
scs
__scs_entry_jumppad:
0x0: {  	(pc) =	sbr.rel $0x88, $3  }
0x1: {  	(tag) =	ssettag $0x0;
	lr =	simm.s32 $0x1  }
0x2: {  	[smem:$0x3F9C] =	sst lr;
	_ =	strace $0xD0000000  }
0x3: {  	_ = 	snop  }
0x4: {  	_ = 	snop  }
0x5: {  	_ = 	snop  }
0x6: {  	_ = 	snop  }
0x7: {  	_ = 	snop  }
__scs_overlays_trampoline_lowered:
0x8: {  	[smem:$0x3FAB] =	sst s0  }
0x9: {  	[smem:$0x3FAC] =	sst s1  }
0xa: {  	[smem:$0x3FAD] =	sst s2  }
0xb: {  	[smem:$0x3FAE] =	sst s3  }
0xc: {  	[smem:$0x3FAF] =	sst s4  }
0xd: {  	[smem:$0x3FB0] =	sst s5  }
0xe: {  	[smem:$0x3FB1] =	sst s6  }
0xf: {  	[smem:$0x3FB2] =	sst s7  }
0x10: {  	[smem:$0x3FB3] =	sst s8  }
0x11: {  	[smem:$0x3FB4] =	sst s9;
	s0 =	simm.s32 @!p0 $0x0  }
0x12: {  	s1 =	sld [smem:$0x3F9A];
	s0 =	simm.s32 @p0 $0x1  }
0x13: {  	[smem:$0x3FB5] =	sst s0;
	s0 =	simm.s32 @!p1 $0x0  }
0x14: {  	s2 =	sld [smem:$0x3F99];
	s0 =	simm.s32 @p1 $0x1  }
0x15: {  	[smem:$0x3FB6] =	sst s0;
	s0 =	simm.s32 @!p2 $0x0  }
0x16: {  	s3 =	sld [smem:$0x3FDB];
	s0 =	simm.s32 @p2 $0x1  }
0x17: {  	s4 =	simm.s32 $0x1BF5;
	[smem:$0x3FB8] =	sst s0  }
0x18: {  	s0 =	sld [smem:$0x3F9B];
	_ =	swait.ge [sflag:s4], $0x0  }
0x19: {  	s7 =	sld [smem:$0x3F9C]  }
0x1a: {  	s8 =	sadd.s32 $0xFFFFE003, lr  }
0x1b: {  	s9 =	sadd.s32 $0xFFFFFEF7, lr;
	s5 =	simm.s32 $0xFFFFFFFF;
	p2 =	slt.u32 s8, $0xFFFFF086  }
0x1c: {  	p1 =	slt.u32 s9, $0xF7A;
	s5 =	simm.s32 @!p2 $0x0  }
0x1d: {  	s5 =	simm.s32 @p1 $0x1;
	p0 =	seq.s32 s7, s2  }
0x1e: {  	s7 =	smul.u32 @!p0 $0xF7A, s2;
	p2 =	seq.s32 @!p0 s5, $0x0  }
0x1f: {  	s9 =	smul.u32 $0xF7A, s1;
	s8 =	simm.s32 @!p0 $0x1BF5;
	p2 =	por !p2, p0  }
0x20: {  	[sflag:s8] =	ssyncset.s32 @!p0 $0xFFFFF086;
	s6 =	sadd.s32 @!p0 s3, s7;
	s7 =	simm.s32 @!p0 $0x108  }
0x21: {  	s3 =	sadd.s32 s3, s9;
	s6 =	sadd.s32 @!p0 $0x88, s6;
	s7 =	simm.s32 @p2 $0x1082  }
0x22: {  	[simem:s7], [sflag:s8] =	dma.local @!p0 [hbm:s6], $0xF7A  }
0x23: {  	s9 =	sor.u32 $0xD0000000, s2;
	s6 =	simm.s32 $0x108;
	_ =	swait.ge @!p0 [sflag:s8], $0x0  }
0x24: {  	s3 =	sadd.s32 $0x88, s3;
	s6 =	simm.s32 @!p1 $0x1082;
	[sflag:s4] =	ssyncset.s32 $0xFFFFF086  }
0x25: {  	[simem:s6], [sflag:s4] =	dma.local [hbm:s3], $0xF7A  }
0x26: {  	[smem:$0x3F9C] =	sst s1;
	(tag) =	ssettag s2;
	_ =	strace s9  }
0x27: {  	s1 =	sld [smem:$0x3FAC]  }
0x28: {  	s2 =	sld [smem:$0x3FAD]  }
0x29: {  	s4 =	sld [smem:$0x3FAF]  }
0x2a: {  	p0 =	seq.s32 s5, $0x0;
	s5 =	sld [smem:$0x3FB0]  }
0x2b: {  	s6 =	sld [smem:$0x3FB1]  }
0x2c: {  	s7 =	sld [smem:$0x3FB2]  }
0x2d: {  	s3 =	simm.s32 $0x108;
	s8 =	sld [smem:$0x3FB3]  }
0x2e: {  	s3 =	simm.s32 @!p0 $0x1082;
	s9 =	sld [smem:$0x3FB4]  }
0x2f: {  	lr =	sadd.s32 s0, s3;
	s0 =	sld [smem:$0x3FAB]  }
0x30: {  	s3 =	sld [smem:$0x3FAE]  }
0x31: {  	[smem:$0x3FB7] =	sst s10  }
0x32: {  	s10 =	sld [smem:$0x3FB5];
	_ =	sdelay $0x3  }
0x33: {  	p0 =	seq.s32 s10, $0x1;
	s10 =	sld [smem:$0x3FB7];
	_ =	sdelay $0x3  }
0x34: {  	[smem:$0x3FB7] =	sst s10  }
0x35: {  	s10 =	sld [smem:$0x3FB6];
	_ =	sdelay $0x3  }
0x36: {  	p1 =	seq.s32 s10, $0x1;
	s10 =	sld [smem:$0x3FB7];
	_ =	sdelay $0x3  }
0x37: {  	[smem:$0x3FB7] =	sst s10  }
0x38: {  	s10 =	sld [smem:$0x3FB8]  }
0x39: {  	_ = 	snop;
	(pc) =	sbr.ind lr, $3  }
0x3a: {  	_ = 	snop  }
0x3b: {  	_ = 	snop  }
0x3c: {  	p2 =	seq.s32 s10, $0x1;
	s10 =	sld [smem:$0x3FB7]  }
0x3d: {  	_ =	shalt  }
0x3e: {  	_ =	shalt  }
0x3f: {  	_ =	shalt  }
0x40: {  	_ =	shalt  }
0x41: {  	_ =	shalt  }
0x42: {  	_ =	shalt  }
0x43: {  	_ =	shalt  }
0x44: {  	_ =	shalt  }
0x45: {  	_ =	shalt  }
0x46: {  	_ =	shalt  }
0x47: {  	_ =	shalt  }
0x48: {  	_ =	shalt  }
0x49: {  	_ =	shalt  }
0x4a: {  	_ =	shalt  }
0x4b: {  	_ =	shalt  }
0x4c: {  	_ =	shalt  }
0x4d: {  	_ =	shalt  }
0x4e: {  	_ =	shalt  }
0x4f: {  	_ =	shalt  }
0x50: {  	_ =	shalt  }
0x51: {  	_ =	shalt  }
0x52: {  	_ =	shalt  }
0x53: {  	_ =	shalt  }
0x54: {  	_ =	shalt  }
0x55: {  	_ =	shalt  }
0x56: {  	_ =	shalt  }
0x57: {  	_ =	shalt  }
0x58: {  	_ =	shalt  }
0x59: {  	_ =	shalt  }
0x5a: {  	_ =	shalt  }
0x5b: {  	_ =	shalt  }
0x5c: {  	_ =	shalt  }
0x5d: {  	_ =	shalt  }
0x5e: {  	_ =	shalt  }
0x5f: {  	_ =	shalt  }
0x60: {  	_ =	shalt  }
0x61: {  	_ =	shalt  }
0x62: {  	_ =	shalt  }
0x63: {  	_ =	shalt  }
0x64: {  	_ =	shalt  }
0x65: {  	_ =	shalt  }
0x66: {  	_ =	shalt  }
0x67: {  	_ =	shalt  }
0x68: {  	_ =	shalt  }
0x69: {  	_ =	shalt  }
0x6a: {  	_ =	shalt  }
0x6b: {  	_ =	shalt  }
0x6c: {  	_ =	shalt  }
0x6d: {  	_ =	shalt  }
0x6e: {  	_ =	shalt  }
0x6f: {  	_ =	shalt  }
0x70: {  	_ =	shalt  }
0x71: {  	_ =	shalt  }
0x72: {  	_ =	shalt  }
0x73: {  	_ =	shalt  }
0x74: {  	_ =	shalt  }
0x75: {  	_ =	shalt  }
0x76: {  	_ =	shalt  }
0x77: {  	_ =	shalt  }
0x78: {  	_ =	shalt  }
0x79: {  	_ =	shalt  }
0x7a: {  	_ =	shalt  }
0x7b: {  	_ =	shalt  }
0x7c: {  	_ =	shalt  }
0x7d: {  	_ =	shalt  }
0x7e: {  	_ =	shalt  }
0x7f: {  	_ =	shalt  }
0x80: {  	_ =	shalt  }
0x81: {  	_ =	shalt  }
0x82: {  	_ =	shalt  }
0x83: {  	_ =	shalt  }
0x84: {  	_ =	shalt  }
0x85: {  	_ =	shalt  }
0x86: {  	_ =	shalt  }
0x87: {  	_ =	shalt  }
.Lfunc_end0:
.L_simem_size_0:
called_computation_lowered:
.L_overlay_start_0:
0x88: {  	s2 =	sld [smem:$0x3FD9]  }
0x89: {  	s3 =	sld [smem:$0x3FFE];
	_ =	sdelay $0x1  }
0x8a: {  	s1 =	srdreg.scid  }
0x8b: {  	s0 =	sand.u32 $0x1, s1  }
0x8c: {  	s17 =	sshll.u32 s0, $0xA;
	s2 =	sadd.s32 s3, s2  }
0x8d: {  	s2 =	sadd.s32 s2, s17  }
0x8e: {  	[smem:$0x3FC3] =	sst s2  }
0x8f: {  	_ = 	snop  }
0x90: {  	s2 =	sld [smem:$0x3FC9]  }
0x91: {  	s18 =	sld [smem:$0x3FC7]  }
0x92: {  	s4 =	sld [smem:$0x3FD0];
	(tm) =	ssettm $0x1  }
0x93: {  	s5 =	sld [smem:$0x3FFB];
	_ =	sdelay $0x3  }
0x94: {  	_ =	strace s5  }
0x95: {  	s5 =	sld [smem:$0x3FFC];
	_ =	sdelay $0x3  }
0x96: {  	_ =	strace s5  }
0x97: {  	s5 =	sld [smem:$0x3FFD];
	_ =	sdelay $0x3  }
0x98: {  	_ =	strace s5  }
0x99: {  	_ =	strace $0x8FFFFFFF  }
0x9a: {  	s19 =	sld [smem:$0x3FDB];
	_ =	sdelay $0x1  }
0x9b: {  	s6 =	simm.s32 $_scs_section_size  }
0x9c: {  	s7 =	simm.s32 $_size__tile_overlayer_lowered;
	s8 =	simm.s32 $_tile_overlayer_lowered  }
0x9d: {  	s22 =	simm.s32 $0x1BFF;
	s21 =	sshll.u32 s8, $0x1;
	s5 =	sadd.s32 s6, s19  }
0x9e: {  	s9 =	simm.s32 $0x0;
	s20 =	sshll.u32 s7, $0x1;
	s7 =	sadd.s32 s21, s5  }
0x9f: {  	[timem:s9], [sflag:s22] =	dma.local [hbm:s7], s20  }
0xa0: {  	_ =	swait.ge [sflag:s22], s20  }
0xa1: {  	s6 =	ssub.s32 $0x0, s20;
	[sflag:s22] =	ssyncset.done $0x0  }
0xa2: {  	[sflag:s22] =	ssyncadd.s32 s6;
	_ =	sdelay $0x1  }
0xa3: {  	s23 =	simm.s32 $0x1B8B  }
0xa4: {  	_ =	swait.ge [sflag:s23], $0x1  }
0xa5: {  	[sflag:s23] =	ssyncset.done $0x0  }
0xa6: {  	s25 =	simm.s32 $0x1B8E;
	s24 =	sld [smem:$0x3FFE];
	[sflag:s23] =	ssyncadd.s32 $0xFFFFFFFF  }
0xa7: {  	s26 =	simm.s32 $execute0_lowered;
	[smem:$0x3FD2] =	sst s25  }
0xa8: {  	s7 =	sshll.u32 s26, $0x1;
	_ =	strace $0x80000046;
	[dreg:$0x1] =	wrdreg $0xFFFFFFFF  }
0xa9: {  	s28 =	simm.s32 $_size_execute0_lowered;
	s5 =	sadd.s32 s5, s7;
	[dreg:$0x0] =	wrdreg $0x0  }
0xaa: {  	s7 =	sshll.u32 s28, $0x1;
	[dreg:$0x2] =	wrdreg s5  }
0xab: {  	[dreg:$0x3] =	wrdreg s7  }
0xac: {  	[dreg:$0x4] =	wrdreg $0xC0  }
0xad: {  	_ =	task [dreg:s9], $0x5FFFF  }
0xae: {  	[dreg:$0x1] =	wrdreg $0xFFFFFFFF  }
0xaf: {  	[dreg:$0x0] =	wrdreg $0x60  }
0xb0: {  	[dreg:$0x2] =	wrdreg s2  }
0xb1: {  	[dreg:$0x3] =	wrdreg s24  }
0xb2: {  	[dreg:$0x4] =	wrdreg s4  }
0xb3: {  	[dreg:$0x5] =	wrdreg s18  }
0xb4: {  	[dreg:$0x6] =	wrdreg $0x0  }
0xb5: {  	[dreg:$0x7] =	wrdreg $0x9  }
0xb6: {  	_ =	task.clear_ibuf [dreg:s9], $0x8FFFF;
	_ =	strace $0x90000046  }
0xb7: {  	s29 =	simm.s32 $0x9;
	_ =	strace $0x80000048  }
0xb8: {  	_ =	swait.ge [sflag:s29], $0x1  }
0xb9: {  	[sflag:s29] =	ssyncadd.s32 $0xFFFFFFFF  }
0xba: {  	_ =	strace $0x90000048  }
0xbb: {  	_ =	sfence  }
0xbc: {  	s30 =	sld [smem:$0x0];
	_ =	sdelay $0x2  }
0xbd: {  	s31 =	sshll.u32 s1, $0xD;
	s1 =	sshrl.u32 s1, $0x2  }
0xbe: {  	s3 =	sand.u32 $0x4000, s31;
	s1 =	sadd.s32 s1, s30  }
0xbf: {  	s0 =	sor.u32 s3, s0;
	s1 =	sshll.u32 s1, $0x11  }
0xc0: {  	s0 =	sor.u32 s1, s0  }
0xc1: {  	s0 =	sadd.s32 $0x8F2B, s0  }
0xc2: {  	[sflag:s0] =	ssyncadd.remote.s32 $0x1  }
0xc3: {  	_ =	sfence.sel $0xFFFF  }
0xc4: {  	[dreg:$0x0] =	wrdreg $0xFFFFFFFF;
	(pc) =	sbr.abs _section_cstart, $3  }
0xc5: {  	[dreg:$0x1] =	wrdreg $0xFFFFFFFF  }
0xc6: {  	_ =	task.clear_ibuf [dreg:s9], $0x2FFFF;
	_ =	strace $0x9FFFFFFF  }
0xc7: {  	(tm) =	ssettm $0x7FFFFFFF  }
tec
execute0_lowered:
.L_overlay_start_1:
0x0: {  	(tag) =	ssettag $0x1  }
0x1: {  	s1 =	rddreg [dreg:$0x0]  }
0x2: {  	s2 =	rddreg [dreg:$0x1]  }
0x3: {  	s3 =	rddreg [dreg:$0x2]  }
0x4: {  	s4 =	rddreg [dreg:$0x3]  }
0x5: {  	s5 =	rddreg [dreg:$0x4];
	s7 =	simm.s32 $0x0;
	s0 =	srdreg.scid  }
0x6: {  	s16 =	stileid.u32;
	s19 =	simm.s32 $0x17A00;
	s20 =	simm.s32 $0x2  }
0x7: {  	s21 =	simm.s32 $0x17980;
	s22 =	simm.s32 $0x3;
	s23 =	simm.s32 $0x17880  }
0x8: {  	s24 =	simm.s32 $0x17900;
	s28 =	simm.s32 $0x1;
	[smem:$0x7FF] =	sst s7  }
0x9: {  	s0 =	sand.u32 $0x1, s0;
	s6 =	smul.u32 $0x4E000, s16;
	s8 =	sadd.s32 $0x9E00, s2  }
0xa: {  	s14 =	sadd.s32 $0x13C00, s2;
	s11 =	smul.u32 $0x13800, s16;
	s25 =	sshll.u32 s16, $0x1  }
0xb: {  	p0 =	sne.s32 s16, $0xF;
	_ =	strace $0x80000047;
	s9 =	ssub.s32 $0x2, s0  }
0xc: {  	s12 =	smul.u32 $0x138800, s0;
	s10 =	sshrl.u32 s9, $0x1;
	s6 =	sshrl.u32 s6, $0x2  }
0xd: {  	s15 =	ssub.s32 s9, s10;
	s9 =	sor.u32 s0, s25;
	s10 =	sadd.s32 s6, s5  }
0xe: {  	s26 =	sadd.s32 s11, s12;
	s29 =	sshrl.u32 s12, $0x3;
	s25 =	simm.s32 $0x80  }
.Ltmp0:
0xf: {  	s11 =	sadd.s32 $0x6800, s10;
	s30 =	sadd.s32 s14, s29;
	(pc) =	sbr.rel .LBB2_1-.Ltmp0, $4  }
0x10: {  	s0 =	sshrl.u32 s26, $0x3;
	s12 =	sadd.s32 $0xD000, s10;
	s6 =	sadd.s32 $0x27000, s30  }
0x11: {  	s13 =	sadd.s32 s14, s0;
	s0 =	sadd.s32 $0x75200, s30;
	[dreg:$0x6] =	wrdreg s6  }
0x12: {  	s18 =	smax.u32 s15, $0x1;
	s31 =	sadd.s32 $0x4E200, s13;
	[dreg:$0x8] =	wrdreg s0  }
0x13: {  	v0 =	vimm.f32 $0.0e+00;
	s26 =	simm.s32 $0x13880;
	s14 =	sadd.s32 $0x138000, s5;
	[dreg:$0x7] =	wrdreg s31  }
.LBB2_15:
0x14: {  	[bflag:$0x0] =	sbarrier.arrive $0xFFFF  }
0x15: {  	s0 =	rddreg [dreg:$0x7]  }
0x16: {  	[hbm:s0], [sflag:s29] =	dma.local [spmem:s30], $0x2700  }
0x17: {  	_ =	swait.ge [sflag:s20], $0x2700  }
0x18: {  	[sflag:s20] =	ssyncset.done $0x0  }
0x19: {  	s7 =	sadd.s32 $0x1, s7;
	s0 =	rddreg [dreg:$0x8];
	[sflag:s20] =	ssyncadd.s32 $0xFFFFD900  }
0x1a: {  	[hbm:s0], [sflag:s29] =	dma.local @!p0 [spmem:s31], $0x100  }
0x1b: {  	p1 =	sne.s32 s7, s18;
	s0 =	simm.s32 @!p0 $0x2  }
.Ltmp1:
0x1c: {  	_ =	swait.ge @!p0 [sflag:s0], $0x100;
	(pc) =	sbr.rel @!p1 .LBB2_16-.Ltmp1, $3  }
0x1d: {  	[sflag:s0] =	ssyncset.done @!p0 $0x0  }
0x1e: {  	[sflag:s0] =	ssyncadd.s32 @!p0 $0xFFFFFF00  }
0x1f: {  	[bflag:$0x0] =	sbarrier.arrive $0xFFFF;
	_ =	sdelay $0x1  }
.LBB2_1:
0x20: {  	s0 =	simm.s32 $0x0;
	s6 =	simm.s32 $0x200  }
.LBB2_2:
0x21: {  	p1 =	sne.s32 s6, $0x19E00;
	[tilespmem:s0+$0x17A70] =	vst v0  }
0x22: {  	[tilespmem:s0+$0x17A00] =	vst v0  }
0x23: {  	[tilespmem:s0+$0x17A10] =	vst v0  }
.Ltmp2:
0x24: {  	[tilespmem:s0+$0x17A20] =	vst v0;
	(pc) =	sbr.rel @p1 .LBB2_2-.Ltmp2, $4  }
0x25: {  	[tilespmem:s0+$0x17A30] =	vst v0  }
0x26: {  	[tilespmem:s0+$0x17A40] =	vst v0  }
0x27: {  	[tilespmem:s0+$0x17A50] =	vst v0  }
0x28: {  	[tilespmem:s0+$0x17A60] =	vst v0;
	s0 =	sshra.s32 s6, $0x2;
	s6 =	sadd.s32 $0x200, s6  }
0x29: {  	[tilespmem:s0+$0x17A70] =	vst v0  }
0x2a: {  	[tilespmem:s0+$0x17A00] =	vst v0  }
0x2b: {  	[tilespmem:s0+$0x17A10] =	vst v0  }
0x2c: {  	[tilespmem:s0+$0x17A20] =	vst v0  }
0x2d: {  	[tilespmem:s0+$0x17A30] =	vst v0  }
0x2e: {  	[tilespmem:s0+$0x17A40] =	vst v0  }
0x2f: {  	[tilespmem:s0+$0x17A50] =	vst v0  }
0x30: {  	[tilespmem:s0+$0x17A60] =	vst v0  }
0x31: {  	[spmem:s10] =	stream.linear.scatter [tilespmem:s19], [sflag:$0x2], $0x6800, $0x38;
	[tilespmem:$0x1E200] =	vst v63  }
0x32: {  	_ =	swait.ge [sflag:s20], $0x6800  }
0x33: {  	[sflag:s20] =	ssyncset.done $0x0  }
0x34: {  	[sflag:s20] =	ssyncadd.s32 $0xFFFF9800  }
0x35: {  	[spmem:s11] =	stream.linear.scatter [tilespmem:s19], [sflag:$0x2], $0x6800, $0x38;
	[tilespmem:$0x1E200] =	vst v63  }
0x36: {  	_ =	swait.ge [sflag:s20], $0x6800  }
0x37: {  	[sflag:s20] =	ssyncset.done $0x0  }
0x38: {  	[sflag:s20] =	ssyncadd.s32 $0xFFFF9800  }
0x39: {  	[spmem:s12] =	stream.linear.scatter [tilespmem:s19], [sflag:$0x2], $0x6800, $0x38;
	[tilespmem:$0x1E200] =	vst v63  }
0x3a: {  	_ =	swait.ge [sflag:s20], $0x6800  }
0x3b: {  	[sflag:s20] =	ssyncset.done $0x0  }
0x3c: {  	s0 =	simm.s32 @!p0 $0x17A00;
	[sflag:s20] =	ssyncadd.s32 $0xFFFF9800  }
0x3d: {  	[spmem:s14] =	stream.linear.scatter @!p0 [tilespmem:s0], [sflag:$0x2], $0x800, $0x38;
	[tilespmem:$0x1E200] =	vst v63  }
0x3e: {  	s0 =	simm.s32 @!p0 $0x2  }
.Ltmp3:
0x3f: {  	_ =	swait.ge @!p0 [sflag:s0], $0x800;
	(pc) =	sbr.rel .LBB2_4-.Ltmp3, $4  }
0x40: {  	[sflag:s0] =	ssyncset.done @!p0 $0x0  }
0x41: {  	[sflag:s0] =	ssyncadd.s32 @!p0 $0xFFFFF800  }
0x42: {  	[bflag:$0x0] =	sbarrier.arrive $0xFFFF  }
0x43: {  	s29 =	simm.s32 $0x0  }
.LBB2_8:
0x44: {  	s29 =	sadd.s32 $0x1, s29  }
0x45: {  	p1 =	sne.s32 s29, $0x4F  }
.Ltmp4:
0x46: {  	_ = 	snop;
	(pc) =	sbr.rel @!p1 .LBB2_9-.Ltmp4, $1  }
0x47: {  	_ =	sdelay $0x3  }
.LBB2_4:
0x48: {  	s0 =	sshll.u32 s29, $0x5  }
0x49: {  	s0 =	sor.u32 s9, s0  }
0x4a: {  	p1 =	sgt.u32 s0, $0x9C3  }
.Ltmp5:
0x4b: {  	_ = 	snop;
	(pc) =	sbr.rel @p1 .LBB2_8-.Ltmp5, $1  }
0x4c: {  	_ =	sdelay $0x3  }
0x4d: {  	s6 =	sshll.u32 s0, $0x4  }
0x4e: {  	s0 =	simm.s32 $0x0;
	s15 =	sadd.s32 s3, s6  }
0x4f: {  	[tilespmem:s21], [sflag:$0x3] =	stream.linear.gather [hbm4b:s15+s0], $0x80, $0x38;
	[tilespmem:$0x1E200] =	vst v63  }
0x50: {  	_ =	swait.ge [sflag:s22], $0x80  }
0x51: {  	[sflag:s22] =	ssyncset.done $0x0  }
0x52: {  	s31 =	sadd.s32 s8, s6;
	[sflag:s22] =	ssyncadd.s32 $0xFFFFFF80  }
0x53: {  	[tilespmem:s23], [sflag:$0x3] =	stream.linear.gather [hbm4b:s31+s0], $0x80, $0x38;
	[tilespmem:$0x1E200] =	vst v63  }
0x54: {  	_ =	swait.ge [sflag:s22], $0x80  }
0x55: {  	[sflag:s22] =	ssyncset.done $0x0  }
0x56: {  	s6 =	sadd.s32 s2, s6;
	[sflag:s22] =	ssyncadd.s32 $0xFFFFFF80  }
0x57: {  	[tilespmem:s24], [sflag:$0x3] =	stream.linear.gather [hbm4b:s6+s0], $0x80, $0x38;
	[tilespmem:$0x1E200] =	vst v63  }
0x58: {  	_ =	swait.ge [sflag:s22], $0x80  }
0x59: {  	[sflag:s22] =	ssyncset.done $0x0  }
0x5a: {  	[sflag:s22] =	ssyncadd.s32 $0xFFFFFF80  }
0x5b: {  	[tilespmem:s26], [sflag:$0x1] =	stream.indirect.gather [hbm4b:s1+s25], $0x80, s24, s25, $0xb8;
	[tilespmem:$0x1E200] =	vst v63  }
0x5c: {  	_ =	swait.ge [sflag:s28], $0x4000  }
0x5d: {  	[sflag:s28] =	ssyncset.done $0x0  }
0x5e: {  	[sflag:s28] =	ssyncadd.s32 $0xFFFFC000  }
.LBB2_6:
0x5f: {  	s6 =	sshll.u32 s0, $0x4  }
0x60: {  	s6 =	sand.u32 $0x3FFFFFF0, s6  }
0x61: {  	s31 =	sshll.u32 s0, $0xB;
	v1 =	vld [tilespmem:s6+$0x17880]  }
0x62: {  	s6 =	sand.u32 $0x3FFFF800, s31  }
0x63: {  	v2 =	vld [tilespmem:s6+$0x13880]  }
0x64: {  	v3 =	vld [tilespmem:s6+$0x13890]  }
0x65: {  	v4 =	vld [tilespmem:s6+$0x138A0]  }
0x66: {  	v6 =	vld [tilespmem:s6+$0x138B0];
	v5 =	vbroadcast v1, $0x0  }
0x67: {  	v7 =	vld [tilespmem:s6+$0x138C0]  }
0x68: {  	v8 =	vld [tilespmem:s6+$0x138D0];
	v2 =	vmul.f32 v5, v2  }
0x69: {  	v9 =	vld [tilespmem:s6+$0x138E0];
	v3 =	vmul.f32 v3, v5  }
0x6a: {  	v34 =	vld [tilespmem:s6+$0x138F0];
	[tilespmem:s6+$0x13880] =	vst v2;
	v2 =	vmul.f32 v4, v5  }
0x6b: {  	v35 =	vld [tilespmem:s6+$0x13900];
	[tilespmem:s6+$0x13890] =	vst v3;
	v3 =	vmul.f32 v6, v5  }
0x6c: {  	v36 =	vld [tilespmem:s6+$0x13910];
	[tilespmem:s6+$0x138A0] =	vst v2;
	v2 =	vmul.f32 v7, v5  }
0x6d: {  	v37 =	vld [tilespmem:s6+$0x13920];
	[tilespmem:s6+$0x138B0] =	vst v3;
	v3 =	vmul.f32 v8, v5  }
0x6e: {  	v10 =	vld [tilespmem:s6+$0x13930];
	v38 =	vbroadcast v1, $0x1;
	[tilespmem:s6+$0x138C0] =	vst v2;
	v2 =	vmul.f32 v9, v5  }
0x6f: {  	v39 =	vld [tilespmem:s6+$0x13940];
	[tilespmem:s6+$0x138D0] =	vst v3;
	v3 =	vmul.f32 v34, v5  }
0x70: {  	v40 =	vld [tilespmem:s6+$0x13950];
	[tilespmem:s6+$0x138E0] =	vst v2;
	v2 =	vmul.f32 v35, v38  }
0x71: {  	v41 =	vld [tilespmem:s6+$0x13960];
	[tilespmem:s6+$0x138F0] =	vst v3;
	v3 =	vmul.f32 v36, v38  }
0x72: {  	v42 =	vld [tilespmem:s6+$0x13970];
	[tilespmem:s6+$0x13900] =	vst v2;
	v2 =	vmul.f32 v37, v38  }
0x73: {  	v43 =	vld [tilespmem:s6+$0x13980];
	[tilespmem:s6+$0x13910] =	vst v3;
	v3 =	vmul.f32 v10, v38  }
0x74: {  	v44 =	vld [tilespmem:s6+$0x13990];
	[tilespmem:s6+$0x13920] =	vst v2;
	v2 =	vmul.f32 v39, v38  }
0x75: {  	v45 =	vld [tilespmem:s6+$0x139A0];
	[tilespmem:s6+$0x13930] =	vst v3;
	v3 =	vmul.f32 v40, v38  }
0x76: {  	v47 =	vld [tilespmem:s6+$0x139B0];
	v46 =	vbroadcast v1, $0x2;
	[tilespmem:s6+$0x13940] =	vst v2;
	v2 =	vmul.f32 v41, v38  }
0x77: {  	v48 =	vld [tilespmem:s6+$0x139C0];
	[tilespmem:s6+$0x13950] =	vst v3;
	v3 =	vmul.f32 v42, v38  }
0x78: {  	v49 =	vld [tilespmem:s6+$0x139D0];
	[tilespmem:s6+$0x13960] =	vst v2;
	v2 =	vmul.f32 v43, v46  }
0x79: {  	v50 =	vld [tilespmem:s6+$0x139E0];
	[tilespmem:s6+$0x13970] =	vst v3;
	v3 =	vmul.f32 v44, v46  }
0x7a: {  	v51 =	vld [tilespmem:s6+$0x139F0];
	[tilespmem:s6+$0x13980] =	vst v2;
	v2 =	vmul.f32 v45, v46  }
0x7b: {  	v52 =	vld [tilespmem:s6+$0x13A00];
	[tilespmem:s6+$0x13990] =	vst v3;
	v3 =	vmul.f32 v47, v46  }
0x7c: {  	v53 =	vld [tilespmem:s6+$0x13A10];
	[tilespmem:s6+$0x139A0] =	vst v2;
	v2 =	vmul.f32 v48, v46  }
0x7d: {  	v54 =	vld [tilespmem:s6+$0x13A20];
	[tilespmem:s6+$0x139B0] =	vst v3;
	v3 =	vmul.f32 v49, v46  }
0x7e: {  	v56 =	vld [tilespmem:s6+$0x13A30];
	v55 =	vbroadcast v1, $0x3;
	[tilespmem:s6+$0x139C0] =	vst v2;
	v2 =	vmul.f32 v50, v46  }
0x7f: {  	v57 =	vld [tilespmem:s6+$0x13A40];
	[tilespmem:s6+$0x139D0] =	vst v3;
	v3 =	vmul.f32 v51, v46  }
0x80: {  	v58 =	vld [tilespmem:s6+$0x13A50];
	[tilespmem:s6+$0x139E0] =	vst v2;
	v2 =	vmul.f32 v52, v55  }
0x81: {  	v59 =	vld [tilespmem:s6+$0x13A60];
	[tilespmem:s6+$0x139F0] =	vst v3;
	v3 =	vmul.f32 v53, v55  }
0x82: {  	v60 =	vld [tilespmem:s6+$0x13A70];
	[tilespmem:s6+$0x13A00] =	vst v2;
	v2 =	vmul.f32 v54, v55  }
0x83: {  	v61 =	vld [tilespmem:s6+$0x13A80];
	[tilespmem:s6+$0x13A10] =	vst v3;
	v3 =	vmul.f32 v56, v55  }
0x84: {  	v62 =	vld [tilespmem:s6+$0x13A90];
	[tilespmem:s6+$0x13A20] =	vst v2;
	v2 =	vmul.f32 v57, v55  }
0x85: {  	v63 =	vld [tilespmem:s6+$0x13AA0];
	[tilespmem:s6+$0x13A30] =	vst v3;
	v3 =	vmul.f32 v58, v55  }
0x86: {  	v13 =	vld [tilespmem:s6+$0x13AB0];
	v12 =	vbroadcast v1, $0x4;
	[tilespmem:s6+$0x13A40] =	vst v2;
	v2 =	vmul.f32 v59, v55  }
0x87: {  	v14 =	vld [tilespmem:s6+$0x13AC0];
	[tilespmem:s6+$0x13A50] =	vst v3;
	v3 =	vmul.f32 v60, v55  }
0x88: {  	v15 =	vld [tilespmem:s6+$0x13AD0];
	[tilespmem:s6+$0x13A60] =	vst v2;
	v2 =	vmul.f32 v61, v12  }
0x89: {  	v16 =	vld [tilespmem:s6+$0x13AE0];
	[tilespmem:s6+$0x13A70] =	vst v3;
	v3 =	vmul.f32 v62, v12  }
0x8a: {  	v17 =	vld [tilespmem:s6+$0x13AF0];
	[tilespmem:s6+$0x13A80] =	vst v2;
	v2 =	vmul.f32 v63, v12  }
0x8b: {  	v18 =	vld [tilespmem:s6+$0x13B00];
	[tilespmem:s6+$0x13A90] =	vst v3;
	v3 =	vmul.f32 v13, v12  }
0x8c: {  	v19 =	vld [tilespmem:s6+$0x13B10];
	[tilespmem:s6+$0x13AA0] =	vst v2;
	v2 =	vmul.f32 v14, v12  }
0x8d: {  	v20 =	vld [tilespmem:s6+$0x13B20];
	[tilespmem:s6+$0x13AB0] =	vst v3;
	v3 =	vmul.f32 v15, v12  }
0x8e: {  	v22 =	vld [tilespmem:s6+$0x13B30];
	v21 =	vbroadcast v1, $0x5;
	[tilespmem:s6+$0x13AC0] =	vst v2;
	v2 =	vmul.f32 v16, v12  }
0x8f: {  	v23 =	vld [tilespmem:s6+$0x13B40];
	[tilespmem:s6+$0x13AD0] =	vst v3;
	v3 =	vmul.f32 v17, v12  }
0x90: {  	v24 =	vld [tilespmem:s6+$0x13B50];
	[tilespmem:s6+$0x13AE0] =	vst v2;
	v2 =	vmul.f32 v18, v21  }
0x91: {  	v25 =	vld [tilespmem:s6+$0x13B60];
	[tilespmem:s6+$0x13AF0] =	vst v3;
	v3 =	vmul.f32 v19, v21  }
0x92: {  	v26 =	vld [tilespmem:s6+$0x13B70];
	[tilespmem:s6+$0x13B00] =	vst v2;
	v2 =	vmul.f32 v20, v21  }
0x93: {  	v27 =	vld [tilespmem:s6+$0x13B80];
	[tilespmem:s6+$0x13B10] =	vst v3;
	v3 =	vmul.f32 v22, v21  }
0x94: {  	v28 =	vld [tilespmem:s6+$0x13B90];
	[tilespmem:s6+$0x13B20] =	vst v2;
	v2 =	vmul.f32 v23, v21  }
0x95: {  	v29 =	vld [tilespmem:s6+$0x13BA0];
	[tilespmem:s6+$0x13B30] =	vst v3;
	v3 =	vmul.f32 v24, v21  }
0x96: {  	v31 =	vld [tilespmem:s6+$0x13BB0];
	v30 =	vbroadcast v1, $0x6;
	[tilespmem:s6+$0x13B40] =	vst v2;
	v2 =	vmul.f32 v25, v21  }
0x97: {  	v32 =	vld [tilespmem:s6+$0x13BC0];
	[tilespmem:s6+$0x13B50] =	vst v3;
	v3 =	vmul.f32 v26, v21  }
0x98: {  	v33 =	vld [tilespmem:s6+$0x13BD0];
	[tilespmem:s6+$0x13B60] =	vst v2;
	v2 =	vmul.f32 v27, v30  }
0x99: {  	v34 =	vld [tilespmem:s6+$0x13BE0];
	[tilespmem:s6+$0x13B70] =	vst v3;
	v3 =	vmul.f32 v28, v30  }
0x9a: {  	v35 =	vld [tilespmem:s6+$0x13BF0];
	[tilespmem:s6+$0x13B80] =	vst v2;
	v2 =	vmul.f32 v29, v30  }
0x9b: {  	v36 =	vld [tilespmem:s6+$0x13C00];
	[tilespmem:s6+$0x13B90] =	vst v3;
	v3 =	vmul.f32 v31, v30  }
0x9c: {  	v37 =	vld [tilespmem:s6+$0x13C10];
	[tilespmem:s6+$0x13BA0] =	vst v2;
	v2 =	vmul.f32 v32, v30  }
0x9d: {  	v38 =	vld [tilespmem:s6+$0x13C20];
	[tilespmem:s6+$0x13BB0] =	vst v3;
	v3 =	vmul.f32 v33, v30  }
0x9e: {  	v39 =	vbroadcast v1, $0x7;
	v40 =	vld [tilespmem:s6+$0x13C30];
	[tilespmem:s6+$0x13BC0] =	vst v2;
	v2 =	vmul.f32 v34, v30  }
0x9f: {  	v41 =	vld [tilespmem:s6+$0x13C40];
	[tilespmem:s6+$0x13BD0] =	vst v3;
	v3 =	vmul.f32 v35, v30  }
0xa0: {  	v42 =	vld [tilespmem:s6+$0x13C50];
	[tilespmem:s6+$0x13BE0] =	vst v2;
	v2 =	vmul.f32 v36, v39  }
0xa1: {  	v43 =	vld [tilespmem:s6+$0x13C60];
	[tilespmem:s6+$0x13BF0] =	vst v3;
	v3 =	vmul.f32 v37, v39  }
0xa2: {  	v44 =	vld [tilespmem:s6+$0x13C70];
	[tilespmem:s6+$0x13C00] =	vst v2;
	v2 =	vmul.f32 v38, v39  }
0xa3: {  	v45 =	vld [tilespmem:s6+$0x13C80];
	[tilespmem:s6+$0x13C10] =	vst v3;
	v3 =	vmul.f32 v40, v39  }
0xa4: {  	v46 =	vld [tilespmem:s6+$0x13C90];
	[tilespmem:s6+$0x13C20] =	vst v2;
	v2 =	vmul.f32 v41, v39  }
0xa5: {  	v47 =	vld [tilespmem:s6+$0x13CA0];
	[tilespmem:s6+$0x13C30] =	vst v3;
	v3 =	vmul.f32 v42, v39  }
0xa6: {  	v48 =	vbroadcast v1, $0x8;
	v49 =	vld [tilespmem:s6+$0x13CB0];
	[tilespmem:s6+$0x13C40] =	vst v2;
	v2 =	vmul.f32 v43, v39  }
0xa7: {  	v50 =	vld [tilespmem:s6+$0x13CC0];
	[tilespmem:s6+$0x13C50] =	vst v3;
	v3 =	vmul.f32 v44, v39  }
0xa8: {  	v51 =	vld [tilespmem:s6+$0x13CD0];
	[tilespmem:s6+$0x13C60] =	vst v2;
	v2 =	vmul.f32 v45, v48  }
0xa9: {  	v52 =	vld [tilespmem:s6+$0x13CE0];
	[tilespmem:s6+$0x13C70] =	vst v3;
	v3 =	vmul.f32 v46, v48  }
0xaa: {  	v53 =	vld [tilespmem:s6+$0x13CF0];
	[tilespmem:s6+$0x13C80] =	vst v2;
	v2 =	vmul.f32 v47, v48  }
0xab: {  	v54 =	vld [tilespmem:s6+$0x13D00];
	[tilespmem:s6+$0x13C90] =	vst v3;
	v3 =	vmul.f32 v49, v48  }
0xac: {  	v55 =	vld [tilespmem:s6+$0x13D10];
	[tilespmem:s6+$0x13CA0] =	vst v2;
	v2 =	vmul.f32 v50, v48  }
0xad: {  	v56 =	vld [tilespmem:s6+$0x13D20];
	[tilespmem:s6+$0x13CB0] =	vst v3;
	v3 =	vmul.f32 v51, v48  }
0xae: {  	v57 =	vbroadcast v1, $0x9;
	v58 =	vld [tilespmem:s6+$0x13D30];
	[tilespmem:s6+$0x13CC0] =	vst v2;
	v2 =	vmul.f32 v52, v48  }
0xaf: {  	v59 =	vld [tilespmem:s6+$0x13D40];
	[tilespmem:s6+$0x13CD0] =	vst v3;
	v3 =	vmul.f32 v53, v48  }
0xb0: {  	v60 =	vld [tilespmem:s6+$0x13D50];
	[tilespmem:s6+$0x13CE0] =	vst v2;
	v2 =	vmul.f32 v54, v57  }
0xb1: {  	v61 =	vld [tilespmem:s6+$0x13D60];
	[tilespmem:s6+$0x13CF0] =	vst v3;
	v3 =	vmul.f32 v55, v57  }
0xb2: {  	v62 =	vld [tilespmem:s6+$0x13D70];
	[tilespmem:s6+$0x13D00] =	vst v2;
	v2 =	vmul.f32 v56, v57  }
0xb3: {  	v63 =	vld [tilespmem:s6+$0x13D80];
	[tilespmem:s6+$0x13D10] =	vst v3;
	v3 =	vmul.f32 v58, v57  }
0xb4: {  	v12 =	vld [tilespmem:s6+$0x13D90];
	[tilespmem:s6+$0x13D20] =	vst v2;
	v2 =	vmul.f32 v59, v57  }
0xb5: {  	v13 =	vld [tilespmem:s6+$0x13DA0];
	[tilespmem:s6+$0x13D30] =	vst v3;
	v3 =	vmul.f32 v60, v57  }
0xb6: {  	v14 =	vbroadcast v1, $0xA;
	v15 =	vld [tilespmem:s6+$0x13DB0];
	[tilespmem:s6+$0x13D40] =	vst v2;
	v2 =	vmul.f32 v61, v57  }
0xb7: {  	v16 =	vld [tilespmem:s6+$0x13DC0];
	[tilespmem:s6+$0x13D50] =	vst v3;
	v3 =	vmul.f32 v62, v57  }
0xb8: {  	v17 =	vld [tilespmem:s6+$0x13DD0];
	[tilespmem:s6+$0x13D60] =	vst v2;
	v2 =	vmul.f32 v63, v14  }
0xb9: {  	v18 =	vld [tilespmem:s6+$0x13DE0];
	[tilespmem:s6+$0x13D70] =	vst v3;
	v3 =	vmul.f32 v12, v14  }
0xba: {  	v19 =	vld [tilespmem:s6+$0x13DF0];
	[tilespmem:s6+$0x13D80] =	vst v2;
	v2 =	vmul.f32 v13, v14  }
0xbb: {  	v20 =	vld [tilespmem:s6+$0x13E00];
	[tilespmem:s6+$0x13D90] =	vst v3;
	v3 =	vmul.f32 v15, v14  }
0xbc: {  	v21 =	vld [tilespmem:s6+$0x13E10];
	[tilespmem:s6+$0x13DA0] =	vst v2;
	v2 =	vmul.f32 v16, v14  }
0xbd: {  	v22 =	vld [tilespmem:s6+$0x13E20];
	[tilespmem:s6+$0x13DB0] =	vst v3;
	v3 =	vmul.f32 v17, v14  }
0xbe: {  	v23 =	vbroadcast v1, $0xB;
	v24 =	vld [tilespmem:s6+$0x13E30];
	[tilespmem:s6+$0x13DC0] =	vst v2;
	v2 =	vmul.f32 v18, v14  }
0xbf: {  	v25 =	vld [tilespmem:s6+$0x13E40];
	[tilespmem:s6+$0x13DD0] =	vst v3;
	v3 =	vmul.f32 v19, v14  }
0xc0: {  	v26 =	vld [tilespmem:s6+$0x13E50];
	[tilespmem:s6+$0x13DE0] =	vst v2;
	v2 =	vmul.f32 v20, v23  }
0xc1: {  	v27 =	vld [tilespmem:s6+$0x13E60];
	[tilespmem:s6+$0x13DF0] =	vst v3;
	v3 =	vmul.f32 v21, v23  }
0xc2: {  	v28 =	vld [tilespmem:s6+$0x13E70];
	[tilespmem:s6+$0x13E00] =	vst v2;
	v2 =	vmul.f32 v22, v23  }
0xc3: {  	v29 =	vld [tilespmem:s6+$0x13E80];
	[tilespmem:s6+$0x13E10] =	vst v3;
	v3 =	vmul.f32 v24, v23  }
0xc4: {  	v30 =	vld [tilespmem:s6+$0x13E90];
	[tilespmem:s6+$0x13E20] =	vst v2;
	v2 =	vmul.f32 v25, v23  }
0xc5: {  	v31 =	vld [tilespmem:s6+$0x13EA0];
	[tilespmem:s6+$0x13E30] =	vst v3;
	v3 =	vmul.f32 v26, v23  }
0xc6: {  	v32 =	vbroadcast v1, $0xC;
	v33 =	vld [tilespmem:s6+$0x13EB0];
	[tilespmem:s6+$0x13E40] =	vst v2;
	v2 =	vmul.f32 v27, v23  }
0xc7: {  	v34 =	vld [tilespmem:s6+$0x13EC0];
	[tilespmem:s6+$0x13E50] =	vst v3;
	v3 =	vmul.f32 v28, v23  }
0xc8: {  	v35 =	vld [tilespmem:s6+$0x13ED0];
	[tilespmem:s6+$0x13E60] =	vst v2;
	v2 =	vmul.f32 v29, v32  }
0xc9: {  	v36 =	vld [tilespmem:s6+$0x13EE0];
	[tilespmem:s6+$0x13E70] =	vst v3;
	v3 =	vmul.f32 v30, v32  }
0xca: {  	v37 =	vld [tilespmem:s6+$0x13EF0];
	[tilespmem:s6+$0x13E80] =	vst v2;
	v2 =	vmul.f32 v31, v32  }
0xcb: {  	v38 =	vld [tilespmem:s6+$0x13F00];
	[tilespmem:s6+$0x13E90] =	vst v3;
	v3 =	vmul.f32 v33, v32  }
0xcc: {  	v39 =	vld [tilespmem:s6+$0x13F10];
	[tilespmem:s6+$0x13EA0] =	vst v2;
	v2 =	vmul.f32 v34, v32  }
0xcd: {  	v40 =	vld [tilespmem:s6+$0x13F20];
	[tilespmem:s6+$0x13EB0] =	vst v3;
	v3 =	vmul.f32 v35, v32  }
0xce: {  	v41 =	vbroadcast v1, $0xD;
	v42 =	vld [tilespmem:s6+$0x13F30];
	[tilespmem:s6+$0x13EC0] =	vst v2;
	v2 =	vmul.f32 v36, v32  }
0xcf: {  	v43 =	vld [tilespmem:s6+$0x13F40];
	[tilespmem:s6+$0x13ED0] =	vst v3;
	v3 =	vmul.f32 v37, v32  }
0xd0: {  	v44 =	vld [tilespmem:s6+$0x13F50];
	[tilespmem:s6+$0x13EE0] =	vst v2;
	v2 =	vmul.f32 v38, v41  }
0xd1: {  	v45 =	vld [tilespmem:s6+$0x13F60];
	[tilespmem:s6+$0x13EF0] =	vst v3;
	v3 =	vmul.f32 v39, v41  }
0xd2: {  	v46 =	vld [tilespmem:s6+$0x13F70];
	[tilespmem:s6+$0x13F00] =	vst v2;
	v2 =	vmul.f32 v40, v41  }
0xd3: {  	v47 =	vld [tilespmem:s6+$0x13F80];
	[tilespmem:s6+$0x13F10] =	vst v3;
	v3 =	vmul.f32 v42, v41  }
0xd4: {  	v48 =	vld [tilespmem:s6+$0x13F90];
	[tilespmem:s6+$0x13F20] =	vst v2;
	v2 =	vmul.f32 v43, v41  }
0xd5: {  	v49 =	vld [tilespmem:s6+$0x13FA0];
	[tilespmem:s6+$0x13F30] =	vst v3;
	v3 =	vmul.f32 v44, v41  }
0xd6: {  	v50 =	vbroadcast v1, $0xE;
	v51 =	vld [tilespmem:s6+$0x13FB0];
	[tilespmem:s6+$0x13F40] =	vst v2;
	v2 =	vmul.f32 v45, v41  }
0xd7: {  	v52 =	vld [tilespmem:s6+$0x13FC0];
	[tilespmem:s6+$0x13F50] =	vst v3;
	v3 =	vmul.f32 v46, v41  }
0xd8: {  	v53 =	vld [tilespmem:s6+$0x13FD0];
	[tilespmem:s6+$0x13F60] =	vst v2;
	v2 =	vmul.f32 v47, v50  }
0xd9: {  	v54 =	vld [tilespmem:s6+$0x13FE0];
	[tilespmem:s6+$0x13F70] =	vst v3;
	v3 =	vmul.f32 v48, v50  }
0xda: {  	v55 =	vld [tilespmem:s6+$0x13FF0];
	[tilespmem:s6+$0x13F80] =	vst v2;
	v2 =	vmul.f32 v49, v50  }
0xdb: {  	v56 =	vld [tilespmem:s6+$0x14000];
	[tilespmem:s6+$0x13F90] =	vst v3;
	v3 =	vmul.f32 v51, v50  }
0xdc: {  	v57 =	vld [tilespmem:s6+$0x14010];
	[tilespmem:s6+$0x13FA0] =	vst v2;
	v2 =	vmul.f32 v52, v50  }
0xdd: {  	v58 =	vld [tilespmem:s6+$0x14020];
	[tilespmem:s6+$0x13FB0] =	vst v3;
	v3 =	vmul.f32 v53, v50  }
0xde: {  	v1 =	vbroadcast v1, $0xF;
	v59 =	vld [tilespmem:s6+$0x14030];
	[tilespmem:s6+$0x13FC0] =	vst v2;
	v2 =	vmul.f32 v54, v50  }
0xdf: {  	v60 =	vld [tilespmem:s6+$0x14040];
	[tilespmem:s6+$0x13FD0] =	vst v3;
	v3 =	vmul.f32 v55, v50  }
0xe0: {  	v61 =	vld [tilespmem:s6+$0x14050];
	[tilespmem:s6+$0x13FE0] =	vst v2;
	v2 =	vmul.f32 v56, v1  }
0xe1: {  	v62 =	vld [tilespmem:s6+$0x14060];
	[tilespmem:s6+$0x13FF0] =	vst v3;
	v3 =	vmul.f32 v57, v1  }
0xe2: {  	v63 =	vld [tilespmem:s6+$0x14070];
	[tilespmem:s6+$0x14000] =	vst v2;
	v2 =	vmul.f32 v58, v1  }
0xe3: {  	[tilespmem:s6+$0x14010] =	vst v3;
	v3 =	vmul.f32 v59, v1  }
0xe4: {  	p1 =	sne.s32 s0, $0x7;
	[tilespmem:s6+$0x14020] =	vst v2;
	v2 =	vmul.f32 v60, v1  }
.Ltmp6:
0xe5: {  	[tilespmem:s6+$0x14030] =	vst v3;
	v3 =	vmul.f32 v61, v1;
	(pc) =	sbr.rel @p1 .LBB2_6-.Ltmp6, $4  }
0xe6: {  	[tilespmem:s6+$0x14040] =	vst v2;
	v2 =	vmul.f32 v62, v1  }
0xe7: {  	[tilespmem:s6+$0x14050] =	vst v3;
	v1 =	vmul.f32 v63, v1  }
0xe8: {  	[tilespmem:s6+$0x14060] =	vst v2  }
0xe9: {  	s0 =	sadd.s32 $0x1, s0;
	[tilespmem:s6+$0x14070] =	vst v1  }
.Ltmp7:
0xea: {  	(pc) =	sbr.rel .LBB2_8-.Ltmp7, $4  }
0xeb: {  	[spmem:s5] =	stream.indirect.scatter.add.f32 [tilespmem:s26], [sflag:$0x2], $0x80, s21, s25, $0xb8;
	[tilespmem:$0x1E200] =	vst v63  }
0xec: {  	_ =	swait.ge [sflag:s20], $0x4000  }
0xed: {  	[sflag:s20] =	ssyncset.done $0x0  }
0xee: {  	[sflag:s20] =	ssyncadd.s32 $0xFFFFC000  }
.LBB2_9:
0xef: {  	s0 =	stileid.u32  }
0xf0: {  	s0 =	sshll.u32 s0, $0x6  }
0xf1: {  	[bflag:$0x0] =	sbarrier.arrive $0xFFFF;
	s30 =	sshrl.u32 s10, $0x3;
	s29 =	sor.u32 $0x1C02, s0  }
0xf2: {  	[hbm:s13], [sflag:s29] =	dma.local [spmem:s30], $0x2700  }
0xf3: {  	_ =	swait.ge [sflag:s20], $0x2700  }
0xf4: {  	[sflag:s20] =	ssyncset.done $0x0  }
0xf5: {  	s31 =	sshrl.u32 @!p0 s14, $0x3;
	s0 =	rddreg [dreg:$0x6];
	[sflag:s20] =	ssyncadd.s32 $0xFFFFD900  }
0xf6: {  	[hbm:s0], [sflag:s29] =	dma.local @!p0 [spmem:s31], $0x100  }
0xf7: {  	s0 =	simm.s32 @!p0 $0x2  }
0xf8: {  	_ =	swait.ge @!p0 [sflag:s0], $0x100  }
0xf9: {  	[sflag:s0] =	ssyncset.done @!p0 $0x0  }
0xfa: {  	[sflag:s0] =	ssyncadd.s32 @!p0 $0xFFFFFF00  }
0xfb: {  	[bflag:$0x0] =	sbarrier.arrive $0xFFFF  }
0xfc: {  	[spmem:s10] =	stream.linear.scatter [tilespmem:s19], [sflag:$0x2], $0x6800, $0x38;
	[tilespmem:$0x1E200] =	vst v63  }
0xfd: {  	_ =	swait.ge [sflag:s20], $0x6800  }
0xfe: {  	[sflag:s20] =	ssyncset.done $0x0  }
0xff: {  	[sflag:s20] =	ssyncadd.s32 $0xFFFF9800  }
0x100: {  	[spmem:s11] =	stream.linear.scatter [tilespmem:s19], [sflag:$0x2], $0x6800, $0x38;
	[tilespmem:$0x1E200] =	vst v63  }
0x101: {  	_ =	swait.ge [sflag:s20], $0x6800  }
0x102: {  	[sflag:s20] =	ssyncset.done $0x0  }
0x103: {  	[sflag:s20] =	ssyncadd.s32 $0xFFFF9800  }
0x104: {  	[spmem:s12] =	stream.linear.scatter [tilespmem:s19], [sflag:$0x2], $0x6800, $0x38;
	[tilespmem:$0x1E200] =	vst v63  }
0x105: {  	_ =	swait.ge [sflag:s20], $0x6800  }
0x106: {  	[sflag:s20] =	ssyncset.done $0x0  }
0x107: {  	s6 =	simm.s32 @!p0 $0x17A00;
	[sflag:s20] =	ssyncadd.s32 $0xFFFF9800  }
0x108: {  	[spmem:s14] =	stream.linear.scatter @!p0 [tilespmem:s6], [sflag:$0x2], $0x800, $0x38;
	[tilespmem:$0x1E200] =	vst v63  }
.Ltmp8:
0x109: {  	_ =	swait.ge @!p0 [sflag:s0], $0x800;
	(pc) =	sbr.rel .LBB2_10-.Ltmp8, $4  }
0x10a: {  	[sflag:s0] =	ssyncset.done @!p0 $0x0  }
0x10b: {  	[sflag:s0] =	ssyncadd.s32 @!p0 $0xFFFFF800  }
0x10c: {  	[bflag:$0x0] =	sbarrier.arrive $0xFFFF  }
0x10d: {  	s0 =	simm.s32 $0x0  }
.LBB2_14:
0x10e: {  	s0 =	sadd.s32 $0x1, s0  }
0x10f: {  	p1 =	sne.s32 s0, $0x4F  }
.Ltmp9:
0x110: {  	_ = 	snop;
	(pc) =	sbr.rel @!p1 .LBB2_15-.Ltmp9, $1  }
0x111: {  	_ =	sdelay $0x3  }
.LBB2_10:
0x112: {  	s6 =	sshll.u32 s0, $0x5  }
0x113: {  	s15 =	sor.u32 s9, s6  }
0x114: {  	p1 =	sgt.u32 s15, $0x9C3  }
.Ltmp10:
0x115: {  	_ = 	snop;
	(pc) =	sbr.rel @p1 .LBB2_14-.Ltmp10, $1  }
0x116: {  	_ =	sdelay $0x3  }
0x117: {  	s16 =	sshll.u32 s15, $0x4  }
0x118: {  	s6 =	simm.s32 $0x0;
	s17 =	sadd.s32 s3, s16  }
0x119: {  	[tilespmem:s21], [sflag:$0x3] =	stream.linear.gather [hbm4b:s17+s6], $0x80, $0x38;
	[tilespmem:$0x1E200] =	vst v63  }
0x11a: {  	_ =	swait.ge [sflag:s22], $0x80  }
0x11b: {  	[sflag:s22] =	ssyncset.done $0x0  }
0x11c: {  	s16 =	sadd.s32 s8, s16;
	[sflag:s22] =	ssyncadd.s32 $0xFFFFFF80  }
0x11d: {  	[tilespmem:s23], [sflag:$0x3] =	stream.linear.gather [hbm4b:s16+s6], $0x80, $0x38;
	[tilespmem:$0x1E200] =	vst v63  }
0x11e: {  	_ =	swait.ge [sflag:s22], $0x80  }
0x11f: {  	s17 =	sshll.u32 s15, $0xB;
	[sflag:s22] =	ssyncset.done $0x0  }
0x120: {  	s15 =	sadd.s32 s4, s17;
	[sflag:s22] =	ssyncadd.s32 $0xFFFFFF80  }
0x121: {  	[tilespmem:s26], [sflag:$0x3] =	stream.linear.gather [hbm4b:s15+s6], $0x4000, $0x38;
	[tilespmem:$0x1E200] =	vst v63  }
0x122: {  	_ =	swait.ge [sflag:s22], $0x4000  }
0x123: {  	[sflag:s22] =	ssyncset.done $0x0  }
0x124: {  	[sflag:s22] =	ssyncadd.s32 $0xFFFFC000  }
.LBB2_12:
0x125: {  	s15 =	sshll.u32 s6, $0x4  }
0x126: {  	s15 =	sand.u32 $0x3FFFFFF0, s15  }
0x127: {  	s17 =	sshll.u32 s6, $0xB;
	v1 =	vld [tilespmem:s15+$0x17880]  }
0x128: {  	s15 =	sand.u32 $0x3FFFF800, s17  }
0x129: {  	v2 =	vld [tilespmem:s15+$0x13880]  }
0x12a: {  	v3 =	vld [tilespmem:s15+$0x13890]  }
0x12b: {  	v4 =	vld [tilespmem:s15+$0x138A0]  }
0x12c: {  	v6 =	vld [tilespmem:s15+$0x138B0];
	v5 =	vbroadcast v1, $0x0  }
0x12d: {  	v7 =	vld [tilespmem:s15+$0x138C0]  }
0x12e: {  	v8 =	vld [tilespmem:s15+$0x138D0];
	v2 =	vmul.f32 v5, v2  }
0x12f: {  	v9 =	vld [tilespmem:s15+$0x138E0];
	v3 =	vmul.f32 v3, v5  }
0x130: {  	v34 =	vld [tilespmem:s15+$0x138F0];
	[tilespmem:s15+$0x13880] =	vst v2;
	v2 =	vmul.f32 v4, v5  }
0x131: {  	v35 =	vld [tilespmem:s15+$0x13900];
	[tilespmem:s15+$0x13890] =	vst v3;
	v3 =	vmul.f32 v6, v5  }
0x132: {  	v36 =	vld [tilespmem:s15+$0x13910];
	[tilespmem:s15+$0x138A0] =	vst v2;
	v2 =	vmul.f32 v7, v5  }
0x133: {  	v37 =	vld [tilespmem:s15+$0x13920];
	[tilespmem:s15+$0x138B0] =	vst v3;
	v3 =	vmul.f32 v8, v5  }
0x134: {  	v10 =	vld [tilespmem:s15+$0x13930];
	v38 =	vbroadcast v1, $0x1;
	[tilespmem:s15+$0x138C0] =	vst v2;
	v2 =	vmul.f32 v9, v5  }
0x135: {  	v39 =	vld [tilespmem:s15+$0x13940];
	[tilespmem:s15+$0x138D0] =	vst v3;
	v3 =	vmul.f32 v34, v5  }
0x136: {  	v40 =	vld [tilespmem:s15+$0x13950];
	[tilespmem:s15+$0x138E0] =	vst v2;
	v2 =	vmul.f32 v35, v38  }
0x137: {  	v41 =	vld [tilespmem:s15+$0x13960];
	[tilespmem:s15+$0x138F0] =	vst v3;
	v3 =	vmul.f32 v36, v38  }
0x138: {  	v42 =	vld [tilespmem:s15+$0x13970];
	[tilespmem:s15+$0x13900] =	vst v2;
	v2 =	vmul.f32 v37, v38  }
0x139: {  	v43 =	vld [tilespmem:s15+$0x13980];
	[tilespmem:s15+$0x13910] =	vst v3;
	v3 =	vmul.f32 v10, v38  }
0x13a: {  	v44 =	vld [tilespmem:s15+$0x13990];
	[tilespmem:s15+$0x13920] =	vst v2;
	v2 =	vmul.f32 v39, v38  }
0x13b: {  	v45 =	vld [tilespmem:s15+$0x139A0];
	[tilespmem:s15+$0x13930] =	vst v3;
	v3 =	vmul.f32 v40, v38  }
0x13c: {  	v47 =	vld [tilespmem:s15+$0x139B0];
	v46 =	vbroadcast v1, $0x2;
	[tilespmem:s15+$0x13940] =	vst v2;
	v2 =	vmul.f32 v41, v38  }
0x13d: {  	v48 =	vld [tilespmem:s15+$0x139C0];
	[tilespmem:s15+$0x13950] =	vst v3;
	v3 =	vmul.f32 v42, v38  }
0x13e: {  	v49 =	vld [tilespmem:s15+$0x139D0];
	[tilespmem:s15+$0x13960] =	vst v2;
	v2 =	vmul.f32 v43, v46  }
0x13f: {  	v50 =	vld [tilespmem:s15+$0x139E0];
	[tilespmem:s15+$0x13970] =	vst v3;
	v3 =	vmul.f32 v44, v46  }
0x140: {  	v51 =	vld [tilespmem:s15+$0x139F0];
	[tilespmem:s15+$0x13980] =	vst v2;
	v2 =	vmul.f32 v45, v46  }
0x141: {  	v52 =	vld [tilespmem:s15+$0x13A00];
	[tilespmem:s15+$0x13990] =	vst v3;
	v3 =	vmul.f32 v47, v46  }
0x142: {  	v53 =	vld [tilespmem:s15+$0x13A10];
	[tilespmem:s15+$0x139A0] =	vst v2;
	v2 =	vmul.f32 v48, v46  }
0x143: {  	v54 =	vld [tilespmem:s15+$0x13A20];
	[tilespmem:s15+$0x139B0] =	vst v3;
	v3 =	vmul.f32 v49, v46  }
0x144: {  	v56 =	vld [tilespmem:s15+$0x13A30];
	v55 =	vbroadcast v1, $0x3;
	[tilespmem:s15+$0x139C0] =	vst v2;
	v2 =	vmul.f32 v50, v46  }
0x145: {  	v57 =	vld [tilespmem:s15+$0x13A40];
	[tilespmem:s15+$0x139D0] =	vst v3;
	v3 =	vmul.f32 v51, v46  }
0x146: {  	v58 =	vld [tilespmem:s15+$0x13A50];
	[tilespmem:s15+$0x139E0] =	vst v2;
	v2 =	vmul.f32 v52, v55  }
0x147: {  	v59 =	vld [tilespmem:s15+$0x13A60];
	[tilespmem:s15+$0x139F0] =	vst v3;
	v3 =	vmul.f32 v53, v55  }
0x148: {  	v60 =	vld [tilespmem:s15+$0x13A70];
	[tilespmem:s15+$0x13A00] =	vst v2;
	v2 =	vmul.f32 v54, v55  }
0x149: {  	v61 =	vld [tilespmem:s15+$0x13A80];
	[tilespmem:s15+$0x13A10] =	vst v3;
	v3 =	vmul.f32 v56, v55  }
0x14a: {  	v62 =	vld [tilespmem:s15+$0x13A90];
	[tilespmem:s15+$0x13A20] =	vst v2;
	v2 =	vmul.f32 v57, v55  }
0x14b: {  	v63 =	vld [tilespmem:s15+$0x13AA0];
	[tilespmem:s15+$0x13A30] =	vst v3;
	v3 =	vmul.f32 v58, v55  }
0x14c: {  	v13 =	vld [tilespmem:s15+$0x13AB0];
	v12 =	vbroadcast v1, $0x4;
	[tilespmem:s15+$0x13A40] =	vst v2;
	v2 =	vmul.f32 v59, v55  }
0x14d: {  	v14 =	vld [tilespmem:s15+$0x13AC0];
	[tilespmem:s15+$0x13A50] =	vst v3;
	v3 =	vmul.f32 v60, v55  }
0x14e: {  	v15 =	vld [tilespmem:s15+$0x13AD0];
	[tilespmem:s15+$0x13A60] =	vst v2;
	v2 =	vmul.f32 v61, v12  }
0x14f: {  	v16 =	vld [tilespmem:s15+$0x13AE0];
	[tilespmem:s15+$0x13A70] =	vst v3;
	v3 =	vmul.f32 v62, v12  }
0x150: {  	v17 =	vld [tilespmem:s15+$0x13AF0];
	[tilespmem:s15+$0x13A80] =	vst v2;
	v2 =	vmul.f32 v63, v12  }
0x151: {  	v18 =	vld [tilespmem:s15+$0x13B00];
	[tilespmem:s15+$0x13A90] =	vst v3;
	v3 =	vmul.f32 v13, v12  }
0x152: {  	v19 =	vld [tilespmem:s15+$0x13B10];
	[tilespmem:s15+$0x13AA0] =	vst v2;
	v2 =	vmul.f32 v14, v12  }
0x153: {  	v20 =	vld [tilespmem:s15+$0x13B20];
	[tilespmem:s15+$0x13AB0] =	vst v3;
	v3 =	vmul.f32 v15, v12  }
0x154: {  	v22 =	vld [tilespmem:s15+$0x13B30];
	v21 =	vbroadcast v1, $0x5;
	[tilespmem:s15+$0x13AC0] =	vst v2;
	v2 =	vmul.f32 v16, v12  }
0x155: {  	v23 =	vld [tilespmem:s15+$0x13B40];
	[tilespmem:s15+$0x13AD0] =	vst v3;
	v3 =	vmul.f32 v17, v12  }
0x156: {  	v24 =	vld [tilespmem:s15+$0x13B50];
	[tilespmem:s15+$0x13AE0] =	vst v2;
	v2 =	vmul.f32 v18, v21  }
0x157: {  	v25 =	vld [tilespmem:s15+$0x13B60];
	[tilespmem:s15+$0x13AF0] =	vst v3;
	v3 =	vmul.f32 v19, v21  }
0x158: {  	v26 =	vld [tilespmem:s15+$0x13B70];
	[tilespmem:s15+$0x13B00] =	vst v2;
	v2 =	vmul.f32 v20, v21  }
0x159: {  	v27 =	vld [tilespmem:s15+$0x13B80];
	[tilespmem:s15+$0x13B10] =	vst v3;
	v3 =	vmul.f32 v22, v21  }
0x15a: {  	v28 =	vld [tilespmem:s15+$0x13B90];
	[tilespmem:s15+$0x13B20] =	vst v2;
	v2 =	vmul.f32 v23, v21  }
0x15b: {  	v29 =	vld [tilespmem:s15+$0x13BA0];
	[tilespmem:s15+$0x13B30] =	vst v3;
	v3 =	vmul.f32 v24, v21  }
0x15c: {  	v31 =	vld [tilespmem:s15+$0x13BB0];
	v30 =	vbroadcast v1, $0x6;
	[tilespmem:s15+$0x13B40] =	vst v2;
	v2 =	vmul.f32 v25, v21  }
0x15d: {  	v32 =	vld [tilespmem:s15+$0x13BC0];
	[tilespmem:s15+$0x13B50] =	vst v3;
	v3 =	vmul.f32 v26, v21  }
0x15e: {  	v33 =	vld [tilespmem:s15+$0x13BD0];
	[tilespmem:s15+$0x13B60] =	vst v2;
	v2 =	vmul.f32 v27, v30  }
0x15f: {  	v34 =	vld [tilespmem:s15+$0x13BE0];
	[tilespmem:s15+$0x13B70] =	vst v3;
	v3 =	vmul.f32 v28, v30  }
0x160: {  	v35 =	vld [tilespmem:s15+$0x13BF0];
	[tilespmem:s15+$0x13B80] =	vst v2;
	v2 =	vmul.f32 v29, v30  }
0x161: {  	v36 =	vld [tilespmem:s15+$0x13C00];
	[tilespmem:s15+$0x13B90] =	vst v3;
	v3 =	vmul.f32 v31, v30  }
0x162: {  	v37 =	vld [tilespmem:s15+$0x13C10];
	[tilespmem:s15+$0x13BA0] =	vst v2;
	v2 =	vmul.f32 v32, v30  }
0x163: {  	v38 =	vld [tilespmem:s15+$0x13C20];
	[tilespmem:s15+$0x13BB0] =	vst v3;
	v3 =	vmul.f32 v33, v30  }
0x164: {  	v39 =	vbroadcast v1, $0x7;
	v40 =	vld [tilespmem:s15+$0x13C30];
	[tilespmem:s15+$0x13BC0] =	vst v2;
	v2 =	vmul.f32 v34, v30  }
0x165: {  	v41 =	vld [tilespmem:s15+$0x13C40];
	[tilespmem:s15+$0x13BD0] =	vst v3;
	v3 =	vmul.f32 v35, v30  }
0x166: {  	v42 =	vld [tilespmem:s15+$0x13C50];
	[tilespmem:s15+$0x13BE0] =	vst v2;
	v2 =	vmul.f32 v36, v39  }
0x167: {  	v43 =	vld [tilespmem:s15+$0x13C60];
	[tilespmem:s15+$0x13BF0] =	vst v3;
	v3 =	vmul.f32 v37, v39  }
0x168: {  	v44 =	vld [tilespmem:s15+$0x13C70];
	[tilespmem:s15+$0x13C00] =	vst v2;
	v2 =	vmul.f32 v38, v39  }
0x169: {  	v45 =	vld [tilespmem:s15+$0x13C80];
	[tilespmem:s15+$0x13C10] =	vst v3;
	v3 =	vmul.f32 v40, v39  }
0x16a: {  	v46 =	vld [tilespmem:s15+$0x13C90];
	[tilespmem:s15+$0x13C20] =	vst v2;
	v2 =	vmul.f32 v41, v39  }
0x16b: {  	v47 =	vld [tilespmem:s15+$0x13CA0];
	[tilespmem:s15+$0x13C30] =	vst v3;
	v3 =	vmul.f32 v42, v39  }
0x16c: {  	v48 =	vbroadcast v1, $0x8;
	v49 =	vld [tilespmem:s15+$0x13CB0];
	[tilespmem:s15+$0x13C40] =	vst v2;
	v2 =	vmul.f32 v43, v39  }
0x16d: {  	v50 =	vld [tilespmem:s15+$0x13CC0];
	[tilespmem:s15+$0x13C50] =	vst v3;
	v3 =	vmul.f32 v44, v39  }
0x16e: {  	v51 =	vld [tilespmem:s15+$0x13CD0];
	[tilespmem:s15+$0x13C60] =	vst v2;
	v2 =	vmul.f32 v45, v48  }
0x16f: {  	v52 =	vld [tilespmem:s15+$0x13CE0];
	[tilespmem:s15+$0x13C70] =	vst v3;
	v3 =	vmul.f32 v46, v48  }
0x170: {  	v53 =	vld [tilespmem:s15+$0x13CF0];
	[tilespmem:s15+$0x13C80] =	vst v2;
	v2 =	vmul.f32 v47, v48  }
0x171: {  	v54 =	vld [tilespmem:s15+$0x13D00];
	[tilespmem:s15+$0x13C90] =	vst v3;
	v3 =	vmul.f32 v49, v48  }
0x172: {  	v55 =	vld [tilespmem:s15+$0x13D10];
	[tilespmem:s15+$0x13CA0] =	vst v2;
	v2 =	vmul.f32 v50, v48  }
0x173: {  	v56 =	vld [tilespmem:s15+$0x13D20];
	[tilespmem:s15+$0x13CB0] =	vst v3;
	v3 =	vmul.f32 v51, v48  }
0x174: {  	v57 =	vbroadcast v1, $0x9;
	v58 =	vld [tilespmem:s15+$0x13D30];
	[tilespmem:s15+$0x13CC0] =	vst v2;
	v2 =	vmul.f32 v52, v48  }
0x175: {  	v59 =	vld [tilespmem:s15+$0x13D40];
	[tilespmem:s15+$0x13CD0] =	vst v3;
	v3 =	vmul.f32 v53, v48  }
0x176: {  	v60 =	vld [tilespmem:s15+$0x13D50];
	[tilespmem:s15+$0x13CE0] =	vst v2;
	v2 =	vmul.f32 v54, v57  }
0x177: {  	v61 =	vld [tilespmem:s15+$0x13D60];
	[tilespmem:s15+$0x13CF0] =	vst v3;
	v3 =	vmul.f32 v55, v57  }
0x178: {  	v62 =	vld [tilespmem:s15+$0x13D70];
	[tilespmem:s15+$0x13D00] =	vst v2;
	v2 =	vmul.f32 v56, v57  }
0x179: {  	v63 =	vld [tilespmem:s15+$0x13D80];
	[tilespmem:s15+$0x13D10] =	vst v3;
	v3 =	vmul.f32 v58, v57  }
0x17a: {  	v12 =	vld [tilespmem:s15+$0x13D90];
	[tilespmem:s15+$0x13D20] =	vst v2;
	v2 =	vmul.f32 v59, v57  }
0x17b: {  	v13 =	vld [tilespmem:s15+$0x13DA0];
	[tilespmem:s15+$0x13D30] =	vst v3;
	v3 =	vmul.f32 v60, v57  }
0x17c: {  	v14 =	vbroadcast v1, $0xA;
	v15 =	vld [tilespmem:s15+$0x13DB0];
	[tilespmem:s15+$0x13D40] =	vst v2;
	v2 =	vmul.f32 v61, v57  }
0x17d: {  	v16 =	vld [tilespmem:s15+$0x13DC0];
	[tilespmem:s15+$0x13D50] =	vst v3;
	v3 =	vmul.f32 v62, v57  }
0x17e: {  	v17 =	vld [tilespmem:s15+$0x13DD0];
	[tilespmem:s15+$0x13D60] =	vst v2;
	v2 =	vmul.f32 v63, v14  }
0x17f: {  	v18 =	vld [tilespmem:s15+$0x13DE0];
	[tilespmem:s15+$0x13D70] =	vst v3;
	v3 =	vmul.f32 v12, v14  }
0x180: {  	v19 =	vld [tilespmem:s15+$0x13DF0];
	[tilespmem:s15+$0x13D80] =	vst v2;
	v2 =	vmul.f32 v13, v14  }
0x181: {  	v20 =	vld [tilespmem:s15+$0x13E00];
	[tilespmem:s15+$0x13D90] =	vst v3;
	v3 =	vmul.f32 v15, v14  }
0x182: {  	v21 =	vld [tilespmem:s15+$0x13E10];
	[tilespmem:s15+$0x13DA0] =	vst v2;
	v2 =	vmul.f32 v16, v14  }
0x183: {  	v22 =	vld [tilespmem:s15+$0x13E20];
	[tilespmem:s15+$0x13DB0] =	vst v3;
	v3 =	vmul.f32 v17, v14  }
0x184: {  	v23 =	vbroadcast v1, $0xB;
	v24 =	vld [tilespmem:s15+$0x13E30];
	[tilespmem:s15+$0x13DC0] =	vst v2;
	v2 =	vmul.f32 v18, v14  }
0x185: {  	v25 =	vld [tilespmem:s15+$0x13E40];
	[tilespmem:s15+$0x13DD0] =	vst v3;
	v3 =	vmul.f32 v19, v14  }
0x186: {  	v26 =	vld [tilespmem:s15+$0x13E50];
	[tilespmem:s15+$0x13DE0] =	vst v2;
	v2 =	vmul.f32 v20, v23  }
0x187: {  	v27 =	vld [tilespmem:s15+$0x13E60];
	[tilespmem:s15+$0x13DF0] =	vst v3;
	v3 =	vmul.f32 v21, v23  }
0x188: {  	v28 =	vld [tilespmem:s15+$0x13E70];
	[tilespmem:s15+$0x13E00] =	vst v2;
	v2 =	vmul.f32 v22, v23  }
0x189: {  	v29 =	vld [tilespmem:s15+$0x13E80];
	[tilespmem:s15+$0x13E10] =	vst v3;
	v3 =	vmul.f32 v24, v23  }
0x18a: {  	v30 =	vld [tilespmem:s15+$0x13E90];
	[tilespmem:s15+$0x13E20] =	vst v2;
	v2 =	vmul.f32 v25, v23  }
0x18b: {  	v31 =	vld [tilespmem:s15+$0x13EA0];
	[tilespmem:s15+$0x13E30] =	vst v3;
	v3 =	vmul.f32 v26, v23  }
0x18c: {  	v32 =	vbroadcast v1, $0xC;
	v33 =	vld [tilespmem:s15+$0x13EB0];
	[tilespmem:s15+$0x13E40] =	vst v2;
	v2 =	vmul.f32 v27, v23  }
0x18d: {  	v34 =	vld [tilespmem:s15+$0x13EC0];
	[tilespmem:s15+$0x13E50] =	vst v3;
	v3 =	vmul.f32 v28, v23  }
0x18e: {  	v35 =	vld [tilespmem:s15+$0x13ED0];
	[tilespmem:s15+$0x13E60] =	vst v2;
	v2 =	vmul.f32 v29, v32  }
0x18f: {  	v36 =	vld [tilespmem:s15+$0x13EE0];
	[tilespmem:s15+$0x13E70] =	vst v3;
	v3 =	vmul.f32 v30, v32  }
0x190: {  	v37 =	vld [tilespmem:s15+$0x13EF0];
	[tilespmem:s15+$0x13E80] =	vst v2;
	v2 =	vmul.f32 v31, v32  }
0x191: {  	v38 =	vld [tilespmem:s15+$0x13F00];
	[tilespmem:s15+$0x13E90] =	vst v3;
	v3 =	vmul.f32 v33, v32  }
0x192: {  	v39 =	vld [tilespmem:s15+$0x13F10];
	[tilespmem:s15+$0x13EA0] =	vst v2;
	v2 =	vmul.f32 v34, v32  }
0x193: {  	v40 =	vld [tilespmem:s15+$0x13F20];
	[tilespmem:s15+$0x13EB0] =	vst v3;
	v3 =	vmul.f32 v35, v32  }
0x194: {  	v41 =	vbroadcast v1, $0xD;
	v42 =	vld [tilespmem:s15+$0x13F30];
	[tilespmem:s15+$0x13EC0] =	vst v2;
	v2 =	vmul.f32 v36, v32  }
0x195: {  	v43 =	vld [tilespmem:s15+$0x13F40];
	[tilespmem:s15+$0x13ED0] =	vst v3;
	v3 =	vmul.f32 v37, v32  }
0x196: {  	v44 =	vld [tilespmem:s15+$0x13F50];
	[tilespmem:s15+$0x13EE0] =	vst v2;
	v2 =	vmul.f32 v38, v41  }
0x197: {  	v45 =	vld [tilespmem:s15+$0x13F60];
	[tilespmem:s15+$0x13EF0] =	vst v3;
	v3 =	vmul.f32 v39, v41  }
0x198: {  	v46 =	vld [tilespmem:s15+$0x13F70];
	[tilespmem:s15+$0x13F00] =	vst v2;
	v2 =	vmul.f32 v40, v41  }
0x199: {  	v47 =	vld [tilespmem:s15+$0x13F80];
	[tilespmem:s15+$0x13F10] =	vst v3;
	v3 =	vmul.f32 v42, v41  }
0x19a: {  	v48 =	vld [tilespmem:s15+$0x13F90];
	[tilespmem:s15+$0x13F20] =	vst v2;
	v2 =	vmul.f32 v43, v41  }
0x19b: {  	v49 =	vld [tilespmem:s15+$0x13FA0];
	[tilespmem:s15+$0x13F30] =	vst v3;
	v3 =	vmul.f32 v44, v41  }
0x19c: {  	v50 =	vbroadcast v1, $0xE;
	v51 =	vld [tilespmem:s15+$0x13FB0];
	[tilespmem:s15+$0x13F40] =	vst v2;
	v2 =	vmul.f32 v45, v41  }
0x19d: {  	v52 =	vld [tilespmem:s15+$0x13FC0];
	[tilespmem:s15+$0x13F50] =	vst v3;
	v3 =	vmul.f32 v46, v41  }
0x19e: {  	v53 =	vld [tilespmem:s15+$0x13FD0];
	[tilespmem:s15+$0x13F60] =	vst v2;
	v2 =	vmul.f32 v47, v50  }
0x19f: {  	v54 =	vld [tilespmem:s15+$0x13FE0];
	[tilespmem:s15+$0x13F70] =	vst v3;
	v3 =	vmul.f32 v48, v50  }
0x1a0: {  	v55 =	vld [tilespmem:s15+$0x13FF0];
	[tilespmem:s15+$0x13F80] =	vst v2;
	v2 =	vmul.f32 v49, v50  }
0x1a1: {  	v56 =	vld [tilespmem:s15+$0x14000];
	[tilespmem:s15+$0x13F90] =	vst v3;
	v3 =	vmul.f32 v51, v50  }
0x1a2: {  	v57 =	vld [tilespmem:s15+$0x14010];
	[tilespmem:s15+$0x13FA0] =	vst v2;
	v2 =	vmul.f32 v52, v50  }
0x1a3: {  	v58 =	vld [tilespmem:s15+$0x14020];
	[tilespmem:s15+$0x13FB0] =	vst v3;
	v3 =	vmul.f32 v53, v50  }
0x1a4: {  	v1 =	vbroadcast v1, $0xF;
	v59 =	vld [tilespmem:s15+$0x14030];
	[tilespmem:s15+$0x13FC0] =	vst v2;
	v2 =	vmul.f32 v54, v50  }
0x1a5: {  	v60 =	vld [tilespmem:s15+$0x14040];
	[tilespmem:s15+$0x13FD0] =	vst v3;
	v3 =	vmul.f32 v55, v50  }
0x1a6: {  	v61 =	vld [tilespmem:s15+$0x14050];
	[tilespmem:s15+$0x13FE0] =	vst v2;
	v2 =	vmul.f32 v56, v1  }
0x1a7: {  	v62 =	vld [tilespmem:s15+$0x14060];
	[tilespmem:s15+$0x13FF0] =	vst v3;
	v3 =	vmul.f32 v57, v1  }
0x1a8: {  	v63 =	vld [tilespmem:s15+$0x14070];
	[tilespmem:s15+$0x14000] =	vst v2;
	v2 =	vmul.f32 v58, v1  }
0x1a9: {  	[tilespmem:s15+$0x14010] =	vst v3;
	v3 =	vmul.f32 v59, v1  }
0x1aa: {  	p1 =	sne.s32 s6, $0x7;
	[tilespmem:s15+$0x14020] =	vst v2;
	v2 =	vmul.f32 v60, v1  }
.Ltmp11:
0x1ab: {  	[tilespmem:s15+$0x14030] =	vst v3;
	v3 =	vmul.f32 v61, v1;
	(pc) =	sbr.rel @p1 .LBB2_12-.Ltmp11, $4  }
0x1ac: {  	[tilespmem:s15+$0x14040] =	vst v2;
	v2 =	vmul.f32 v62, v1  }
0x1ad: {  	[tilespmem:s15+$0x14050] =	vst v3;
	v1 =	vmul.f32 v63, v1  }
0x1ae: {  	[tilespmem:s15+$0x14060] =	vst v2  }
0x1af: {  	s6 =	sadd.s32 $0x1, s6;
	[tilespmem:s15+$0x14070] =	vst v1  }
.Ltmp12:
0x1b0: {  	(pc) =	sbr.rel .LBB2_14-.Ltmp12, $4  }
0x1b1: {  	[spmem:s5] =	stream.indirect.scatter.add.f32 [tilespmem:s26], [sflag:$0x2], $0x80, s21, s25, $0xb8;
	[tilespmem:$0x1E200] =	vst v63  }
0x1b2: {  	_ =	swait.ge [sflag:s20], $0x4000  }
0x1b3: {  	[sflag:s20] =	ssyncset.done $0x0  }
0x1b4: {  	[sflag:s20] =	ssyncadd.s32 $0xFFFFC000  }
.LBB2_16:
0x1b5: {  	_ =	sfence.sel $0x180000  }
0x1b6: {  	[bflag:$0x0] =	sbarrier.arrive $0xFFFF  }
0x1b7: {  	_ =	strace $0x90000047  }
0x1b8: {  	s0 =	stileid.u32;
	[bflag:$0x2] =	sbarrier.arrive $0xFFFF  }
0x1b9: {  	p0 =	sne.s32 s0, $0x0;
	s0 =	rddreg [dreg:$0x5]  }
0x1ba: {  	s0 =	sadd.s32 @!p0 $0x100000, s0  }
0x1bb: {  	[sflag:s0] =	ssyncadd.tile.s32 @!p0 $0x1;
	_ =	shalt  }
.Lfunc_end2:
_tile_overlayer_lowered:
.L_overlay_start_2:
0x1bc: {  	(tag) =	ssettag $0x2  }
0x1bd: {  	s0 =	rddreg [dreg:$0x0];
	s2 =	stileid.u32  }
0x1be: {  	s1 =	rddreg [dreg:$0x1];
	p0 =	sne.s32 s2, $0x0  }
0x1bf: {  	s3 =	rddreg [dreg:$0x2];
	[bflag:$0x3] =	sbarrier.arrive $0xFFFF;
	s2 =	simm.s32 @!p0 $0x1C02  }
0x1c0: {  	[timem:s3], [sflag:s2] =	dma.local @!p0 [hbm:s0], s1  }
0x1c1: {  	s0 =	simm.s32 @!p0 $0x2  }
0x1c2: {  	_ =	swait.ge @!p0 [sflag:s0], s1  }
0x1c3: {  	s1 =	ssub.s32 @!p0 $0x0, s1;
	[sflag:s0] =	ssyncset.done @!p0 $0x0  }
0x1c4: {  	[sflag:s0] =	ssyncadd.s32 @!p0 s1  }
0x1c5: {  	[bflag:$0x3] =	sbarrier.arrive $0xFFFF  }
0x1c6: {  	_ =	shalt  }

</sc_bundles>
